<compile_context>
chip_gen: v7x
topology: tpu7x:2x2x1
jax: 0.10.2.dev20260603
libtpu: 0.0.44.dev20260713+nightly
codegen_flags: <defaults>
</compile_context>

<pallas_src>
import dataclasses
import functools

import jax
import jax.numpy as jnp
from jax import lax
from jax.experimental import pallas as pl
from jax.experimental.pallas import tpu as pltpu
from jax.experimental.pallas import tpu_sc as plsc

NUM_LAYERS = 3
C = 64
NBUF = 4
NC = 2
NS = 16
NW = NC * NS


def _spmm_sc(n, d, nchunks):
    np_ = ((n + NS * C - 1) // (NS * C)) * (NS * C)
    rows_per_tile = np_ // NS
    nzcopies = (rows_per_tile + C - 1) // C
    assert rows_per_tile % nzcopies == 0
    assert nchunks % NBUF == 0 and nchunks >= 2 * NBUF
    zslice = rows_per_tile // nzcopies
    mesh = plsc.VectorSubcoreMesh(core_axis_name="c", subcore_axis_name="s")
    cp = pltpu.CompilerParams()
    if "needs_layout_passes" in pltpu.CompilerParams.__dataclass_fields__:
        cp = dataclasses.replace(cp, needs_layout_passes=False)

    @functools.partial(
        pl.kernel,
        out_type=jax.ShapeDtypeStruct((NC, np_, d), jnp.float32),
        mesh=mesh,
        compiler_params=cp,
        scratch_types=(
            [pltpu.VMEM_SHARED((np_, d), jnp.float32)]
            + [pltpu.VMEM((C, d), jnp.float32)] * NBUF
            + [pltpu.VMEM((C,), jnp.int32)] * NBUF
            + [pltpu.VMEM((C,), jnp.int32)] * NBUF
            + [pltpu.VMEM((C,), jnp.float32)] * NBUF
            + [pltpu.SemaphoreType.DMA] * (3 * NBUF)
        ),
    )
    def spmm(x_hbm, src_hbm, dst_hbm, w_hbm, out_hbm, acc_sh, *scr):
        rows = scr[0:NBUF]
        srcb = scr[NBUF:2 * NBUF]
        dstb = scr[2 * NBUF:3 * NBUF]
        wb = scr[3 * NBUF:4 * NBUF]
        gsem = scr[4 * NBUF:5 * NBUF]
        ssem = scr[5 * NBUF:6 * NBUF]
        msem = scr[6 * NBUF:7 * NBUF]

        core = lax.axis_index("c")
        sub = lax.axis_index("s")
        wid = core * NS + sub

        @pl.loop(0, zslice)
        def _(i):
            for j in range(d // 16):
                rows[0][i, pl.ds(j * 16, 16)] = jnp.zeros((16,), jnp.float32)

        row0 = sub * rows_per_tile
        for r in range(nzcopies):
            pltpu.sync_copy(rows[0].at[pl.ds(0, zslice)],
                            acc_sh.at[pl.ds(row0 + r * zslice, zslice)])
        plsc.subcore_barrier()

        def meta_start(b, k):
            pltpu.async_copy(src_hbm.at[wid, k], srcb[b], msem[b])
            pltpu.async_copy(dst_hbm.at[wid, k], dstb[b], msem[b])
            pltpu.async_copy(w_hbm.at[wid, k], wb[b], msem[b])

        def meta_wait(b, k):
            pltpu.make_async_copy(src_hbm.at[wid, k], srcb[b], msem[b]).wait()
            pltpu.make_async_copy(dst_hbm.at[wid, k], dstb[b], msem[b]).wait()
            pltpu.make_async_copy(w_hbm.at[wid, k], wb[b], msem[b]).wait()

        def g_start(b):
            pltpu.async_copy(x_hbm.at[srcb[b]], rows[b], gsem[b])

        def g_wait(b):
            pltpu.make_async_copy(x_hbm.at[srcb[b]], rows[b], gsem[b]).wait()

        def s_start(b):
            pltpu.async_copy(rows[b], acc_sh.at[dstb[b]], ssem[b], add=True)

        def s_wait(b):
            pltpu.make_async_copy(rows[b], acc_sh.at[dstb[b]],
                                  ssem[b]).wait()

        def mult(b):
            rb, wvb = rows[b], wb[b]

            @pl.loop(0, C)
            def _(i):
                wspl = plsc.load_gather(wvb, [jnp.broadcast_to(i, (16,))])
                for j in range(d // 16):
                    sl = pl.ds(j * 16, 16)
                    rb[i, sl] = rb[i, sl] * wspl

        for k0 in (0, 1):
            meta_start(k0, k0)
        for k0 in (0, 1):
            meta_wait(k0, k0)
            g_start(k0)

        @pl.loop(0, nchunks, step=NBUF)
        def _(ci):
            for b in range(NBUF):
                k = ci + b
                bp = (b + 2) % NBUF
                g_wait(b)

                @pl.when(k >= 2)
                def _():
                    s_wait(bp)

                @pl.when(k + 2 < nchunks)
                def _():
                    meta_start(bp, k + 2)

                mult(b)

                @pl.when(k + 2 < nchunks)
                def _():
                    meta_wait(bp, k + 2)
                    g_start(bp)

                s_start(b)

        s_wait((nchunks - 2) % NBUF)
        s_wait((nchunks - 1) % NBUF)
        plsc.subcore_barrier()

        pltpu.sync_copy(acc_sh.at[pl.ds(row0, rows_per_tile)],
                        out_hbm.at[core, pl.ds(row0, rows_per_tile)])

    return spmm


def _combine(p0, p1, x, s, scale, block):
    n, d = x.shape

    def body(p0_ref, p1_ref, x_ref, s_ref, ox_ref, os_ref):
        xn = p0_ref[...] + p1_ref[...] + x_ref[...]
        ox_ref[...] = xn
        os_ref[...] = (s_ref[...] + xn) * scale

    grid = (n // block,)
    spec = pl.BlockSpec((block, d), lambda i: (i, 0))
    return pl.pallas_call(
        body,
        grid=grid,
        in_specs=[spec, spec, spec, spec],
        out_specs=[spec, spec],
        out_shape=[jax.ShapeDtypeStruct((n, d), jnp.float32)] * 2,
    )(p0, p1, x, s)


def kernel(pois_embs, edge_index, edge_weight):
    n, d = pois_embs.shape
    e = edge_weight.shape[0]
    q = NW * NBUF * C
    e_pad = ((e + q - 1) // q) * q
    pad = e_pad - e
    nchunks = e_pad // (NW * C)

    dst = jnp.pad(edge_index[0], (0, pad)).reshape(NW, nchunks, C)
    src = jnp.pad(edge_index[1], (0, pad)).reshape(NW, nchunks, C)
    w = jnp.pad(edge_weight, (0, pad)).reshape(NW, nchunks, C)

    spmm = _spmm_sc(n, d, nchunks)

    x = pois_embs
    s = pois_embs
    for layer in range(NUM_LAYERS):
        part = spmm(x, src, dst, w)
        scale = (1.0 / (NUM_LAYERS + 1)) if layer == NUM_LAYERS - 1 else 1.0
        x, s = _combine(part[0][:n], part[1][:n], x, s, scale, block=1000)
    return s

# --- scband reference (transcript-rebuilt; emitter-appended) ---
"""Pipeline reference for scband-geo-conv-network-7430293422643 (READ-ONLY COPY).

The authoritative reference and input builder live on the scoring server;
editing this copy changes nothing except your own understanding.
"""

import jax, jax.numpy as jnp
import numpy as np

N = 10000
E = 320000
D = 128
NUM_LAYERS = 3


def setup_inputs(seed: int = 0) -> dict:
    key = jax.random.key(seed)
    k1, k2, k3 = jax.random.split(key, 3)
    pois_embs = jax.random.normal(k1, (N, D), dtype=jnp.float32)
    edge_index = jax.random.randint(k2, (2, E), 0, N, dtype=jnp.int32)
    edge_weight = jax.random.uniform(k3, (E,), dtype=jnp.float32)
    return {"pois_embs": pois_embs, "edge_index": edge_index, "edge_weight": edge_weight}


def reference(pois_embs, edge_index, edge_weight):
    # geo_graph is a sparse [N, N] adjacency in COO form:
    # row (dst) = edge_index[0], col (src) = edge_index[1], values = edge_weight.
    # torch.sparse.mm(geo_graph, x) == scatter-add of edge_weight * x[src] into dst rows.
    dst = edge_index[0]
    src = edge_index[1]
    final_pois_embs = [pois_embs]
    x = pois_embs
    for _ in range(NUM_LAYERS):
        msgs = edge_weight[:, None] * jnp.take(x, src, axis=0)
        spmm = jax.ops.segment_sum(msgs, dst, num_segments=N)
        x = spmm + final_pois_embs[-1]
        final_pois_embs.append(x)
    output_pois_embs = jnp.mean(jnp.stack(final_pois_embs), axis=0)
    return output_pois_embs

if __name__ == "__main__":
    import jax
    _d = setup_inputs()
    print(jax.jit(kernel)(*tuple(_d.values())))

</pallas_src>

<mosaic_0001>
#map = affine_map<(d0, d1) -> (0, 0)>
#map1 = affine_map<(d0, d1) -> (0, 0, 0)>
module attributes {stable_mosaic.version = 14 : i64} {
  func.func @spmm(%arg0: i32, %arg1: i32, %arg2: memref<10000x128xf32, #tpu.memory_space<hbm>>, %arg3: memref<32x160x64xi32, #tpu.memory_space<hbm>>, %arg4: memref<32x160x64xi32, #tpu.memory_space<hbm>>, %arg5: memref<32x160x64xf32, #tpu.memory_space<hbm>>, %arg6: memref<2x10240x128xf32, #tpu.memory_space<hbm>>, %arg7: memref<10240x128xf32, #tpu.memory_space<vmem_shared>>, %arg8: memref<64x128xf32, #tpu.memory_space<vmem>>, %arg9: memref<64x128xf32, #tpu.memory_space<vmem>>, %arg10: memref<64x128xf32, #tpu.memory_space<vmem>>, %arg11: memref<64x128xf32, #tpu.memory_space<vmem>>, %arg12: memref<64xi32, #tpu.memory_space<vmem>>, %arg13: memref<64xi32, #tpu.memory_space<vmem>>, %arg14: memref<64xi32, #tpu.memory_space<vmem>>, %arg15: memref<64xi32, #tpu.memory_space<vmem>>, %arg16: memref<64xi32, #tpu.memory_space<vmem>>, %arg17: memref<64xi32, #tpu.memory_space<vmem>>, %arg18: memref<64xi32, #tpu.memory_space<vmem>>, %arg19: memref<64xi32, #tpu.memory_space<vmem>>, %arg20: memref<64xf32, #tpu.memory_space<vmem>>, %arg21: memref<64xf32, #tpu.memory_space<vmem>>, %arg22: memref<64xf32, #tpu.memory_space<vmem>>, %arg23: memref<64xf32, #tpu.memory_space<vmem>>, %arg24: memref<!tpu.dma_semaphore, #tpu.memory_space<semaphore_mem>>, %arg25: memref<!tpu.dma_semaphore, #tpu.memory_space<semaphore_mem>>, %arg26: memref<!tpu.dma_semaphore, #tpu.memory_space<semaphore_mem>>, %arg27: memref<!tpu.dma_semaphore, #tpu.memory_space<semaphore_mem>>, %arg28: memref<!tpu.dma_semaphore, #tpu.memory_space<semaphore_mem>>, %arg29: memref<!tpu.dma_semaphore, #tpu.memory_space<semaphore_mem>>, %arg30: memref<!tpu.dma_semaphore, #tpu.memory_space<semaphore_mem>>, %arg31: memref<!tpu.dma_semaphore, #tpu.memory_space<semaphore_mem>>, %arg32: memref<!tpu.dma_semaphore, #tpu.memory_space<semaphore_mem>>, %arg33: memref<!tpu.dma_semaphore, #tpu.memory_space<semaphore_mem>>, %arg34: memref<!tpu.dma_semaphore, #tpu.memory_space<semaphore_mem>>, %arg35: memref<!tpu.dma_semaphore, #tpu.memory_space<semaphore_mem>>) attributes {dimension_semantics = [#tpu.dimension_semantics<core_parallel>, #tpu.dimension_semantics<subcore_parallel>], iteration_bounds = array<i64: 2, 16>, scalar_prefetch = 0 : i64, scratch_operands = 29 : i64, tpu.core_type = #tpu.core_type<sc_vector_subcore>, window_params = [{transform_indices = #map}, {transform_indices = #map1}, {transform_indices = #map1}, {transform_indices = #map1}, {transform_indices = #map1}]} {
    %mul3A = arith.constant 16 : i32
    %mul3A_0 = arith.muli %arg0, %mul3A : i32
    %add3A = arith.addi %mul3A_0, %arg1 : i32
    %scan3A = arith.constant 0 : i32
    %scan3A_1 = arith.constant 64 : i32
    %scan3A_2 = arith.addi %scan3A, %scan3A_1 : i32
    %scan3A_3 = arith.constant 1 : i32
    scf.for %scan3A_127 = %scan3A to %scan3A_2 step %scan3A_3  : i32 {
      %mul3A_128 = arith.constant 1 : i32
      %mul3A_129 = arith.muli %scan3A_127, %mul3A_128 : i32
      %add3A_130 = arith.constant 0 : i32
      %add3A_131 = arith.addi %add3A_130, %mul3A_129 : i32
      %broadcast_in_dim3A = arith.constant 0.000000e+00 : f32
      %broadcast_in_dim3A_132 = vector.broadcast %broadcast_in_dim3A : f32 to vector<16xf32>
      %swap3A = arith.index_cast %add3A_131 : i32 to index
      %swap3A_133 = arith.constant 0 : index
      %swap3A_134 = tpu.vector_load %arg8[%swap3A, %swap3A_133] {strides = array<i32>} : memref<64x128xf32, #tpu.memory_space<vmem>>, vector<16xf32>,
      tpu.vector_store %arg8[%swap3A, %swap3A_133], %broadcast_in_dim3A_132 {strides = array<i32>} : memref<64x128xf32, #tpu.memory_space<vmem>>, vector<16xf32>,
      %broadcast_in_dim3A_135 = arith.constant 0.000000e+00 : f32
      %broadcast_in_dim3A_136 = vector.broadcast %broadcast_in_dim3A_135 : f32 to vector<16xf32>
      %swap3A_137 = arith.index_cast %add3A_131 : i32 to index
      %swap3A_138 = arith.constant 16 : index
      %swap3A_139 = tpu.vector_load %arg8[%swap3A_137, %swap3A_138] {strides = array<i32>} : memref<64x128xf32, #tpu.memory_space<vmem>>, vector<16xf32>,
      tpu.vector_store %arg8[%swap3A_137, %swap3A_138], %broadcast_in_dim3A_136 {strides = array<i32>} : memref<64x128xf32, #tpu.memory_space<vmem>>, vector<16xf32>,
      %broadcast_in_dim3A_140 = arith.constant 0.000000e+00 : f32
      %broadcast_in_dim3A_141 = vector.broadcast %broadcast_in_dim3A_140 : f32 to vector<16xf32>
      %swap3A_142 = arith.index_cast %add3A_131 : i32 to index
      %swap3A_143 = arith.constant 32 : index
      %swap3A_144 = tpu.vector_load %arg8[%swap3A_142, %swap3A_143] {strides = array<i32>} : memref<64x128xf32, #tpu.memory_space<vmem>>, vector<16xf32>,
      tpu.vector_store %arg8[%swap3A_142, %swap3A_143], %broadcast_in_dim3A_141 {strides = array<i32>} : memref<64x128xf32, #tpu.memory_space<vmem>>, vector<16xf32>,
      %broadcast_in_dim3A_145 = arith.constant 0.000000e+00 : f32
      %broadcast_in_dim3A_146 = vector.broadcast %broadcast_in_dim3A_145 : f32 to vector<16xf32>
      %swap3A_147 = arith.index_cast %add3A_131 : i32 to index
      %swap3A_148 = arith.constant 48 : index
      %swap3A_149 = tpu.vector_load %arg8[%swap3A_147, %swap3A_148] {strides = array<i32>} : memref<64x128xf32, #tpu.memory_space<vmem>>, vector<16xf32>,
      tpu.vector_store %arg8[%swap3A_147, %swap3A_148], %broadcast_in_dim3A_146 {strides = array<i32>} : memref<64x128xf32, #tpu.memory_space<vmem>>, vector<16xf32>,
      %broadcast_in_dim3A_150 = arith.constant 0.000000e+00 : f32
      %broadcast_in_dim3A_151 = vector.broadcast %broadcast_in_dim3A_150 : f32 to vector<16xf32>
      %swap3A_152 = arith.index_cast %add3A_131 : i32 to index
      %swap3A_153 = arith.constant 64 : index
      %swap3A_154 = tpu.vector_load %arg8[%swap3A_152, %swap3A_153] {strides = array<i32>} : memref<64x128xf32, #tpu.memory_space<vmem>>, vector<16xf32>,
      tpu.vector_store %arg8[%swap3A_152, %swap3A_153], %broadcast_in_dim3A_151 {strides = array<i32>} : memref<64x128xf32, #tpu.memory_space<vmem>>, vector<16xf32>,
      %broadcast_in_dim3A_155 = arith.constant 0.000000e+00 : f32
      %broadcast_in_dim3A_156 = vector.broadcast %broadcast_in_dim3A_155 : f32 to vector<16xf32>
      %swap3A_157 = arith.index_cast %add3A_131 : i32 to index
      %swap3A_158 = arith.constant 80 : index
      %swap3A_159 = tpu.vector_load %arg8[%swap3A_157, %swap3A_158] {strides = array<i32>} : memref<64x128xf32, #tpu.memory_space<vmem>>, vector<16xf32>,
      tpu.vector_store %arg8[%swap3A_157, %swap3A_158], %broadcast_in_dim3A_156 {strides = array<i32>} : memref<64x128xf32, #tpu.memory_space<vmem>>, vector<16xf32>,
      %broadcast_in_dim3A_160 = arith.constant 0.000000e+00 : f32
      %broadcast_in_dim3A_161 = vector.broadcast %broadcast_in_dim3A_160 : f32 to vector<16xf32>
      %swap3A_162 = arith.index_cast %add3A_131 : i32 to index
      %swap3A_163 = arith.constant 96 : index
      %swap3A_164 = tpu.vector_load %arg8[%swap3A_162, %swap3A_163] {strides = array<i32>} : memref<64x128xf32, #tpu.memory_space<vmem>>, vector<16xf32>,
      tpu.vector_store %arg8[%swap3A_162, %swap3A_163], %broadcast_in_dim3A_161 {strides = array<i32>} : memref<64x128xf32, #tpu.memory_space<vmem>>, vector<16xf32>,
      %broadcast_in_dim3A_165 = arith.constant 0.000000e+00 : f32
      %broadcast_in_dim3A_166 = vector.broadcast %broadcast_in_dim3A_165 : f32 to vector<16xf32>
      %swap3A_167 = arith.index_cast %add3A_131 : i32 to index
      %swap3A_168 = arith.constant 112 : index
      %swap3A_169 = tpu.vector_load %arg8[%swap3A_167, %swap3A_168] {strides = array<i32>} : memref<64x128xf32, #tpu.memory_space<vmem>>, vector<16xf32>,
      tpu.vector_store %arg8[%swap3A_167, %swap3A_168], %broadcast_in_dim3A_166 {strides = array<i32>} : memref<64x128xf32, #tpu.memory_space<vmem>>, vector<16xf32>,
    }
    %scan3A_4 = arith.constant 64 : i32
    %mul3A_5 = arith.constant 640 : i32
    %mul3A_6 = arith.muli %arg1, %mul3A_5 : i32
    %add3A_7 = arith.constant 0 : i32
    %add3A_8 = arith.addi %mul3A_6, %add3A_7 : i32
    "tpu.region"() ({
      %run_scoped3A = tpu.sem_alloc : memref<!tpu.dma_semaphore, #tpu.memory_space<semaphore_mem>>
      %dma_start3A_127 = arith.constant 0 : i32
      %dma_start3A_128 = arith.constant 0 : i32
      %dma_start3A_129 = tpu.memref_slice %arg8[%dma_start3A_127, %dma_start3A_128] : memref<64x128xf32, #tpu.memory_space<vmem>> -> memref<64x128xf32, #tpu.memory_space<vmem>>
      %dma_start3A_130 = arith.constant 0 : i32
      %dma_start3A_131 = tpu.memref_slice %arg7[%add3A_8, %dma_start3A_130] : memref<10240x128xf32, #tpu.memory_space<vmem_shared>> -> memref<64x128xf32, #tpu.memory_space<vmem_shared>>
      %dma_start3A_132 = arith.constant 0 : i32
      %dma_start3A_133 = tpu.memref_slice %arg7[%add3A_8, %dma_start3A_132] : memref<10240x128xf32, #tpu.memory_space<vmem_shared>> -> memref<64x128xf32, #tpu.memory_space<vmem_shared>>
      %dma_start3A_134 = arith.constant 0 : i32
      %dma_start3A_135 = arith.constant 0 : i32
      %dma_start3A_136 = tpu.memref_slice %arg8[%dma_start3A_134, %dma_start3A_135] : memref<64x128xf32, #tpu.memory_space<vmem>> -> memref<64x128xf32, #tpu.memory_space<vmem>>
      tpu.enqueue_dma source(%dma_start3A_136 : memref<64x128xf32, #tpu.memory_space<vmem>>) target(%dma_start3A_133 : memref<64x128xf32, #tpu.memory_space<vmem_shared>>) target_semaphore(%run_scoped3A : memref<!tpu.dma_semaphore, #tpu.memory_space<semaphore_mem>>)
      %dma_wait3A_137 = arith.constant 0 : i32
      %dma_wait3A_138 = arith.constant 0 : i32
      %dma_wait3A_139 = tpu.memref_slice %arg8[%dma_wait3A_137, %dma_wait3A_138] : memref<64x128xf32, #tpu.memory_space<vmem>> -> memref<64x128xf32, #tpu.memory_space<vmem>>
      %dma_wait3A_140 = arith.constant 0 : i32
      %dma_wait3A_141 = tpu.memref_slice %arg7[%add3A_8, %dma_wait3A_140] : memref<10240x128xf32, #tpu.memory_space<vmem_shared>> -> memref<64x128xf32, #tpu.memory_space<vmem_shared>>
      %dma_wait3A_142 = arith.constant 0 : i32
      %dma_wait3A_143 = tpu.memref_slice %arg7[%add3A_8, %dma_wait3A_142] : memref<10240x128xf32, #tpu.memory_space<vmem_shared>> -> memref<64x128xf32, #tpu.memory_space<vmem_shared>>
      %dma_wait3A_144 = arith.constant 0 : i32
      %dma_wait3A_145 = arith.constant 0 : i32
      %dma_wait3A_146 = tpu.memref_slice %arg8[%dma_wait3A_144, %dma_wait3A_145] : memref<64x128xf32, #tpu.memory_space<vmem>> -> memref<64x128xf32, #tpu.memory_space<vmem>>
      tpu.wait_dma2 semaphore(%run_scoped3A : memref<!tpu.dma_semaphore, #tpu.memory_space<semaphore_mem>>) src(%dma_wait3A_146 : memref<64x128xf32, #tpu.memory_space<vmem>>) dst(%dma_wait3A_143 : memref<64x128xf32, #tpu.memory_space<vmem_shared>>)
      tpu.yield
    }) : () -> ()
    %add3A_9 = arith.constant 64 : i32
    %add3A_10 = arith.addi %mul3A_6, %add3A_9 : i32
    "tpu.region"() ({
      %run_scoped3A = tpu.sem_alloc : memref<!tpu.dma_semaphore, #tpu.memory_space<semaphore_mem>>
      %dma_start3A_127 = arith.constant 0 : i32
      %dma_start3A_128 = arith.constant 0 : i32
      %dma_start3A_129 = tpu.memref_slice %arg8[%dma_start3A_127, %dma_start3A_128] : memref<64x128xf32, #tpu.memory_space<vmem>> -> memref<64x128xf32, #tpu.memory_space<vmem>>
      %dma_start3A_130 = arith.constant 0 : i32
      %dma_start3A_131 = tpu.memref_slice %arg7[%add3A_10, %dma_start3A_130] : memref<10240x128xf32, #tpu.memory_space<vmem_shared>> -> memref<64x128xf32, #tpu.memory_space<vmem_shared>>
      %dma_start3A_132 = arith.constant 0 : i32
      %dma_start3A_133 = tpu.memref_slice %arg7[%add3A_10, %dma_start3A_132] : memref<10240x128xf32, #tpu.memory_space<vmem_shared>> -> memref<64x128xf32, #tpu.memory_space<vmem_shared>>
      %dma_start3A_134 = arith.constant 0 : i32
      %dma_start3A_135 = arith.constant 0 : i32
      %dma_start3A_136 = tpu.memref_slice %arg8[%dma_start3A_134, %dma_start3A_135] : memref<64x128xf32, #tpu.memory_space<vmem>> -> memref<64x128xf32, #tpu.memory_space<vmem>>
      tpu.enqueue_dma source(%dma_start3A_136 : memref<64x128xf32, #tpu.memory_space<vmem>>) target(%dma_start3A_133 : memref<64x128xf32, #tpu.memory_space<vmem_shared>>) target_semaphore(%run_scoped3A : memref<!tpu.dma_semaphore, #tpu.memory_space<semaphore_mem>>)
      %dma_wait3A_137 = arith.constant 0 : i32
      %dma_wait3A_138 = arith.constant 0 : i32
      %dma_wait3A_139 = tpu.memref_slice %arg8[%dma_wait3A_137, %dma_wait3A_138] : memref<64x128xf32, #tpu.memory_space<vmem>> -> memref<64x128xf32, #tpu.memory_space<vmem>>
      %dma_wait3A_140 = arith.constant 0 : i32
      %dma_wait3A_141 = tpu.memref_slice %arg7[%add3A_10, %dma_wait3A_140] : memref<10240x128xf32, #tpu.memory_space<vmem_shared>> -> memref<64x128xf32, #tpu.memory_space<vmem_shared>>
      %dma_wait3A_142 = arith.constant 0 : i32
      %dma_wait3A_143 = tpu.memref_slice %arg7[%add3A_10, %dma_wait3A_142] : memref<10240x128xf32, #tpu.memory_space<vmem_shared>> -> memref<64x128xf32, #tpu.memory_space<vmem_shared>>
      %dma_wait3A_144 = arith.constant 0 : i32
      %dma_wait3A_145 = arith.constant 0 : i32
      %dma_wait3A_146 = tpu.memref_slice %arg8[%dma_wait3A_144, %dma_wait3A_145] : memref<64x128xf32, #tpu.memory_space<vmem>> -> memref<64x128xf32, #tpu.memory_space<vmem>>
      tpu.wait_dma2 semaphore(%run_scoped3A : memref<!tpu.dma_semaphore, #tpu.memory_space<semaphore_mem>>) src(%dma_wait3A_146 : memref<64x128xf32, #tpu.memory_space<vmem>>) dst(%dma_wait3A_143 : memref<64x128xf32, #tpu.memory_space<vmem_shared>>)
      tpu.yield
    }) : () -> ()
    %add3A_11 = arith.constant 128 : i32
    %add3A_12 = arith.addi %mul3A_6, %add3A_11 : i32
    "tpu.region"() ({
      %run_scoped3A = tpu.sem_alloc : memref<!tpu.dma_semaphore, #tpu.memory_space<semaphore_mem>>
      %dma_start3A_127 = arith.constant 0 : i32
      %dma_start3A_128 = arith.constant 0 : i32
      %dma_start3A_129 = tpu.memref_slice %arg8[%dma_start3A_127, %dma_start3A_128] : memref<64x128xf32, #tpu.memory_space<vmem>> -> memref<64x128xf32, #tpu.memory_space<vmem>>
      %dma_start3A_130 = arith.constant 0 : i32
      %dma_start3A_131 = tpu.memref_slice %arg7[%add3A_12, %dma_start3A_130] : memref<10240x128xf32, #tpu.memory_space<vmem_shared>> -> memref<64x128xf32, #tpu.memory_space<vmem_shared>>
      %dma_start3A_132 = arith.constant 0 : i32
      %dma_start3A_133 = tpu.memref_slice %arg7[%add3A_12, %dma_start3A_132] : memref<10240x128xf32, #tpu.memory_space<vmem_shared>> -> memref<64x128xf32, #tpu.memory_space<vmem_shared>>
      %dma_start3A_134 = arith.constant 0 : i32
      %dma_start3A_135 = arith.constant 0 : i32
      %dma_start3A_136 = tpu.memref_slice %arg8[%dma_start3A_134, %dma_start3A_135] : memref<64x128xf32, #tpu.memory_space<vmem>> -> memref<64x128xf32, #tpu.memory_space<vmem>>
      tpu.enqueue_dma source(%dma_start3A_136 : memref<64x128xf32, #tpu.memory_space<vmem>>) target(%dma_start3A_133 : memref<64x128xf32, #tpu.memory_space<vmem_shared>>) target_semaphore(%run_scoped3A : memref<!tpu.dma_semaphore, #tpu.memory_space<semaphore_mem>>)
      %dma_wait3A_137 = arith.constant 0 : i32
      %dma_wait3A_138 = arith.constant 0 : i32
      %dma_wait3A_139 = tpu.memref_slice %arg8[%dma_wait3A_137, %dma_wait3A_138] : memref<64x128xf32, #tpu.memory_space<vmem>> -> memref<64x128xf32, #tpu.memory_space<vmem>>
      %dma_wait3A_140 = arith.constant 0 : i32
      %dma_wait3A_141 = tpu.memref_slice %arg7[%add3A_12, %dma_wait3A_140] : memref<10240x128xf32, #tpu.memory_space<vmem_shared>> -> memref<64x128xf32, #tpu.memory_space<vmem_shared>>
      %dma_wait3A_142 = arith.constant 0 : i32
      %dma_wait3A_143 = tpu.memref_slice %arg7[%add3A_12, %dma_wait3A_142] : memref<10240x128xf32, #tpu.memory_space<vmem_shared>> -> memref<64x128xf32, #tpu.memory_space<vmem_shared>>
      %dma_wait3A_144 = arith.constant 0 : i32
      %dma_wait3A_145 = arith.constant 0 : i32
      %dma_wait3A_146 = tpu.memref_slice %arg8[%dma_wait3A_144, %dma_wait3A_145] : memref<64x128xf32, #tpu.memory_space<vmem>> -> memref<64x128xf32, #tpu.memory_space<vmem>>
      tpu.wait_dma2 semaphore(%run_scoped3A : memref<!tpu.dma_semaphore, #tpu.memory_space<semaphore_mem>>) src(%dma_wait3A_146 : memref<64x128xf32, #tpu.memory_space<vmem>>) dst(%dma_wait3A_143 : memref<64x128xf32, #tpu.memory_space<vmem_shared>>)
      tpu.yield
    }) : () -> ()
    %add3A_13 = arith.constant 192 : i32
    %add3A_14 = arith.addi %mul3A_6, %add3A_13 : i32
    "tpu.region"() ({
      %run_scoped3A = tpu.sem_alloc : memref<!tpu.dma_semaphore, #tpu.memory_space<semaphore_mem>>
      %dma_start3A_127 = arith.constant 0 : i32
      %dma_start3A_128 = arith.constant 0 : i32
      %dma_start3A_129 = tpu.memref_slice %arg8[%dma_start3A_127, %dma_start3A_128] : memref<64x128xf32, #tpu.memory_space<vmem>> -> memref<64x128xf32, #tpu.memory_space<vmem>>
      %dma_start3A_130 = arith.constant 0 : i32
      %dma_start3A_131 = tpu.memref_slice %arg7[%add3A_14, %dma_start3A_130] : memref<10240x128xf32, #tpu.memory_space<vmem_shared>> -> memref<64x128xf32, #tpu.memory_space<vmem_shared>>
      %dma_start3A_132 = arith.constant 0 : i32
      %dma_start3A_133 = tpu.memref_slice %arg7[%add3A_14, %dma_start3A_132] : memref<10240x128xf32, #tpu.memory_space<vmem_shared>> -> memref<64x128xf32, #tpu.memory_space<vmem_shared>>
      %dma_start3A_134 = arith.constant 0 : i32
      %dma_start3A_135 = arith.constant 0 : i32
      %dma_start3A_136 = tpu.memref_slice %arg8[%dma_start3A_134, %dma_start3A_135] : memref<64x128xf32, #tpu.memory_space<vmem>> -> memref<64x128xf32, #tpu.memory_space<vmem>>
      tpu.enqueue_dma source(%dma_start3A_136 : memref<64x128xf32, #tpu.memory_space<vmem>>) target(%dma_start3A_133 : memref<64x128xf32, #tpu.memory_space<vmem_shared>>) target_semaphore(%run_scoped3A : memref<!tpu.dma_semaphore, #tpu.memory_space<semaphore_mem>>)
      %dma_wait3A_137 = arith.constant 0 : i32
      %dma_wait3A_138 = arith.constant 0 : i32
      %dma_wait3A_139 = tpu.memref_slice %arg8[%dma_wait3A_137, %dma_wait3A_138] : memref<64x128xf32, #tpu.memory_space<vmem>> -> memref<64x128xf32, #tpu.memory_space<vmem>>
      %dma_wait3A_140 = arith.constant 0 : i32
      %dma_wait3A_141 = tpu.memref_slice %arg7[%add3A_14, %dma_wait3A_140] : memref<10240x128xf32, #tpu.memory_space<vmem_shared>> -> memref<64x128xf32, #tpu.memory_space<vmem_shared>>
      %dma_wait3A_142 = arith.constant 0 : i32
      %dma_wait3A_143 = tpu.memref_slice %arg7[%add3A_14, %dma_wait3A_142] : memref<10240x128xf32, #tpu.memory_space<vmem_shared>> -> memref<64x128xf32, #tpu.memory_space<vmem_shared>>
      %dma_wait3A_144 = arith.constant 0 : i32
      %dma_wait3A_145 = arith.constant 0 : i32
      %dma_wait3A_146 = tpu.memref_slice %arg8[%dma_wait3A_144, %dma_wait3A_145] : memref<64x128xf32, #tpu.memory_space<vmem>> -> memref<64x128xf32, #tpu.memory_space<vmem>>
      tpu.wait_dma2 semaphore(%run_scoped3A : memref<!tpu.dma_semaphore, #tpu.memory_space<semaphore_mem>>) src(%dma_wait3A_146 : memref<64x128xf32, #tpu.memory_space<vmem>>) dst(%dma_wait3A_143 : memref<64x128xf32, #tpu.memory_space<vmem_shared>>)
      tpu.yield
    }) : () -> ()
    %add3A_15 = arith.constant 256 : i32
    %add3A_16 = arith.addi %mul3A_6, %add3A_15 : i32
    "tpu.region"() ({
      %run_scoped3A = tpu.sem_alloc : memref<!tpu.dma_semaphore, #tpu.memory_space<semaphore_mem>>
      %dma_start3A_127 = arith.constant 0 : i32
      %dma_start3A_128 = arith.constant 0 : i32
      %dma_start3A_129 = tpu.memref_slice %arg8[%dma_start3A_127, %dma_start3A_128] : memref<64x128xf32, #tpu.memory_space<vmem>> -> memref<64x128xf32, #tpu.memory_space<vmem>>
      %dma_start3A_130 = arith.constant 0 : i32
      %dma_start3A_131 = tpu.memref_slice %arg7[%add3A_16, %dma_start3A_130] : memref<10240x128xf32, #tpu.memory_space<vmem_shared>> -> memref<64x128xf32, #tpu.memory_space<vmem_shared>>
      %dma_start3A_132 = arith.constant 0 : i32
      %dma_start3A_133 = tpu.memref_slice %arg7[%add3A_16, %dma_start3A_132] : memref<10240x128xf32, #tpu.memory_space<vmem_shared>> -> memref<64x128xf32, #tpu.memory_space<vmem_shared>>
      %dma_start3A_134 = arith.constant 0 : i32
      %dma_start3A_135 = arith.constant 0 : i32
      %dma_start3A_136 = tpu.memref_slice %arg8[%dma_start3A_134, %dma_start3A_135] : memref<64x128xf32, #tpu.memory_space<vmem>> -> memref<64x128xf32, #tpu.memory_space<vmem>>
      tpu.enqueue_dma source(%dma_start3A_136 : memref<64x128xf32, #tpu.memory_space<vmem>>) target(%dma_start3A_133 : memref<64x128xf32, #tpu.memory_space<vmem_shared>>) target_semaphore(%run_scoped3A : memref<!tpu.dma_semaphore, #tpu.memory_space<semaphore_mem>>)
      %dma_wait3A_137 = arith.constant 0 : i32
      %dma_wait3A_138 = arith.constant 0 : i32
      %dma_wait3A_139 = tpu.memref_slice %arg8[%dma_wait3A_137, %dma_wait3A_138] : memref<64x128xf32, #tpu.memory_space<vmem>> -> memref<64x128xf32, #tpu.memory_space<vmem>>
      %dma_wait3A_140 = arith.constant 0 : i32
      %dma_wait3A_141 = tpu.memref_slice %arg7[%add3A_16, %dma_wait3A_140] : memref<10240x128xf32, #tpu.memory_space<vmem_shared>> -> memref<64x128xf32, #tpu.memory_space<vmem_shared>>
      %dma_wait3A_142 = arith.constant 0 : i32
      %dma_wait3A_143 = tpu.memref_slice %arg7[%add3A_16, %dma_wait3A_142] : memref<10240x128xf32, #tpu.memory_space<vmem_shared>> -> memref<64x128xf32, #tpu.memory_space<vmem_shared>>
      %dma_wait3A_144 = arith.constant 0 : i32
      %dma_wait3A_145 = arith.constant 0 : i32
      %dma_wait3A_146 = tpu.memref_slice %arg8[%dma_wait3A_144, %dma_wait3A_145] : memref<64x128xf32, #tpu.memory_space<vmem>> -> memref<64x128xf32, #tpu.memory_space<vmem>>
      tpu.wait_dma2 semaphore(%run_scoped3A : memref<!tpu.dma_semaphore, #tpu.memory_space<semaphore_mem>>) src(%dma_wait3A_146 : memref<64x128xf32, #tpu.memory_space<vmem>>) dst(%dma_wait3A_143 : memref<64x128xf32, #tpu.memory_space<vmem_shared>>)
      tpu.yield
    }) : () -> ()
    %add3A_17 = arith.constant 320 : i32
    %add3A_18 = arith.addi %mul3A_6, %add3A_17 : i32
    "tpu.region"() ({
      %run_scoped3A = tpu.sem_alloc : memref<!tpu.dma_semaphore, #tpu.memory_space<semaphore_mem>>
      %dma_start3A_127 = arith.constant 0 : i32
      %dma_start3A_128 = arith.constant 0 : i32
      %dma_start3A_129 = tpu.memref_slice %arg8[%dma_start3A_127, %dma_start3A_128] : memref<64x128xf32, #tpu.memory_space<vmem>> -> memref<64x128xf32, #tpu.memory_space<vmem>>
      %dma_start3A_130 = arith.constant 0 : i32
      %dma_start3A_131 = tpu.memref_slice %arg7[%add3A_18, %dma_start3A_130] : memref<10240x128xf32, #tpu.memory_space<vmem_shared>> -> memref<64x128xf32, #tpu.memory_space<vmem_shared>>
      %dma_start3A_132 = arith.constant 0 : i32
      %dma_start3A_133 = tpu.memref_slice %arg7[%add3A_18, %dma_start3A_132] : memref<10240x128xf32, #tpu.memory_space<vmem_shared>> -> memref<64x128xf32, #tpu.memory_space<vmem_shared>>
      %dma_start3A_134 = arith.constant 0 : i32
      %dma_start3A_135 = arith.constant 0 : i32
      %dma_start3A_136 = tpu.memref_slice %arg8[%dma_start3A_134, %dma_start3A_135] : memref<64x128xf32, #tpu.memory_space<vmem>> -> memref<64x128xf32, #tpu.memory_space<vmem>>
      tpu.enqueue_dma source(%dma_start3A_136 : memref<64x128xf32, #tpu.memory_space<vmem>>) target(%dma_start3A_133 : memref<64x128xf32, #tpu.memory_space<vmem_shared>>) target_semaphore(%run_scoped3A : memref<!tpu.dma_semaphore, #tpu.memory_space<semaphore_mem>>)
      %dma_wait3A_137 = arith.constant 0 : i32
      %dma_wait3A_138 = arith.constant 0 : i32
      %dma_wait3A_139 = tpu.memref_slice %arg8[%dma_wait3A_137, %dma_wait3A_138] : memref<64x128xf32, #tpu.memory_space<vmem>> -> memref<64x128xf32, #tpu.memory_space<vmem>>
      %dma_wait3A_140 = arith.constant 0 : i32
      %dma_wait3A_141 = tpu.memref_slice %arg7[%add3A_18, %dma_wait3A_140] : memref<10240x128xf32, #tpu.memory_space<vmem_shared>> -> memref<64x128xf32, #tpu.memory_space<vmem_shared>>
      %dma_wait3A_142 = arith.constant 0 : i32
      %dma_wait3A_143 = tpu.memref_slice %arg7[%add3A_18, %dma_wait3A_142] : memref<10240x128xf32, #tpu.memory_space<vmem_shared>> -> memref<64x128xf32, #tpu.memory_space<vmem_shared>>
      %dma_wait3A_144 = arith.constant 0 : i32
      %dma_wait3A_145 = arith.constant 0 : i32
      %dma_wait3A_146 = tpu.memref_slice %arg8[%dma_wait3A_144, %dma_wait3A_145] : memref<64x128xf32, #tpu.memory_space<vmem>> -> memref<64x128xf32, #tpu.memory_space<vmem>>
      tpu.wait_dma2 semaphore(%run_scoped3A : memref<!tpu.dma_semaphore, #tpu.memory_space<semaphore_mem>>) src(%dma_wait3A_146 : memref<64x128xf32, #tpu.memory_space<vmem>>) dst(%dma_wait3A_143 : memref<64x128xf32, #tpu.memory_space<vmem_shared>>)
      tpu.yield
    }) : () -> ()
    %add3A_19 = arith.constant 384 : i32
    %add3A_20 = arith.addi %mul3A_6, %add3A_19 : i32
    "tpu.region"() ({
      %run_scoped3A = tpu.sem_alloc : memref<!tpu.dma_semaphore, #tpu.memory_space<semaphore_mem>>
      %dma_start3A_127 = arith.constant 0 : i32
      %dma_start3A_128 = arith.constant 0 : i32
      %dma_start3A_129 = tpu.memref_slice %arg8[%dma_start3A_127, %dma_start3A_128] : memref<64x128xf32, #tpu.memory_space<vmem>> -> memref<64x128xf32, #tpu.memory_space<vmem>>
      %dma_start3A_130 = arith.constant 0 : i32
      %dma_start3A_131 = tpu.memref_slice %arg7[%add3A_20, %dma_start3A_130] : memref<10240x128xf32, #tpu.memory_space<vmem_shared>> -> memref<64x128xf32, #tpu.memory_space<vmem_shared>>
      %dma_start3A_132 = arith.constant 0 : i32
      %dma_start3A_133 = tpu.memref_slice %arg7[%add3A_20, %dma_start3A_132] : memref<10240x128xf32, #tpu.memory_space<vmem_shared>> -> memref<64x128xf32, #tpu.memory_space<vmem_shared>>
      %dma_start3A_134 = arith.constant 0 : i32
      %dma_start3A_135 = arith.constant 0 : i32
      %dma_start3A_136 = tpu.memref_slice %arg8[%dma_start3A_134, %dma_start3A_135] : memref<64x128xf32, #tpu.memory_space<vmem>> -> memref<64x128xf32, #tpu.memory_space<vmem>>
      tpu.enqueue_dma source(%dma_start3A_136 : memref<64x128xf32, #tpu.memory_space<vmem>>) target(%dma_start3A_133 : memref<64x128xf32, #tpu.memory_space<vmem_shared>>) target_semaphore(%run_scoped3A : memref<!tpu.dma_semaphore, #tpu.memory_space<semaphore_mem>>)
      %dma_wait3A_137 = arith.constant 0 : i32
      %dma_wait3A_138 = arith.constant 0 : i32
      %dma_wait3A_139 = tpu.memref_slice %arg8[%dma_wait3A_137, %dma_wait3A_138] : memref<64x128xf32, #tpu.memory_space<vmem>> -> memref<64x128xf32, #tpu.memory_space<vmem>>
      %dma_wait3A_140 = arith.constant 0 : i32
      %dma_wait3A_141 = tpu.memref_slice %arg7[%add3A_20, %dma_wait3A_140] : memref<10240x128xf32, #tpu.memory_space<vmem_shared>> -> memref<64x128xf32, #tpu.memory_space<vmem_shared>>
      %dma_wait3A_142 = arith.constant 0 : i32
      %dma_wait3A_143 = tpu.memref_slice %arg7[%add3A_20, %dma_wait3A_142] : memref<10240x128xf32, #tpu.memory_space<vmem_shared>> -> memref<64x128xf32, #tpu.memory_space<vmem_shared>>
      %dma_wait3A_144 = arith.constant 0 : i32
      %dma_wait3A_145 = arith.constant 0 : i32
      %dma_wait3A_146 = tpu.memref_slice %arg8[%dma_wait3A_144, %dma_wait3A_145] : memref<64x128xf32, #tpu.memory_space<vmem>> -> memref<64x128xf32, #tpu.memory_space<vmem>>
      tpu.wait_dma2 semaphore(%run_scoped3A : memref<!tpu.dma_semaphore, #tpu.memory_space<semaphore_mem>>) src(%dma_wait3A_146 : memref<64x128xf32, #tpu.memory_space<vmem>>) dst(%dma_wait3A_143 : memref<64x128xf32, #tpu.memory_space<vmem_shared>>)
      tpu.yield
    }) : () -> ()
    %add3A_21 = arith.constant 448 : i32
    %add3A_22 = arith.addi %mul3A_6, %add3A_21 : i32
    "tpu.region"() ({
      %run_scoped3A = tpu.sem_alloc : memref<!tpu.dma_semaphore, #tpu.memory_space<semaphore_mem>>
      %dma_start3A_127 = arith.constant 0 : i32
      %dma_start3A_128 = arith.constant 0 : i32
      %dma_start3A_129 = tpu.memref_slice %arg8[%dma_start3A_127, %dma_start3A_128] : memref<64x128xf32, #tpu.memory_space<vmem>> -> memref<64x128xf32, #tpu.memory_space<vmem>>
      %dma_start3A_130 = arith.constant 0 : i32
      %dma_start3A_131 = tpu.memref_slice %arg7[%add3A_22, %dma_start3A_130] : memref<10240x128xf32, #tpu.memory_space<vmem_shared>> -> memref<64x128xf32, #tpu.memory_space<vmem_shared>>
      %dma_start3A_132 = arith.constant 0 : i32
      %dma_start3A_133 = tpu.memref_slice %arg7[%add3A_22, %dma_start3A_132] : memref<10240x128xf32, #tpu.memory_space<vmem_shared>> -> memref<64x128xf32, #tpu.memory_space<vmem_shared>>
      %dma_start3A_134 = arith.constant 0 : i32
      %dma_start3A_135 = arith.constant 0 : i32
      %dma_start3A_136 = tpu.memref_slice %arg8[%dma_start3A_134, %dma_start3A_135] : memref<64x128xf32, #tpu.memory_space<vmem>> -> memref<64x128xf32, #tpu.memory_space<vmem>>
      tpu.enqueue_dma source(%dma_start3A_136 : memref<64x128xf32, #tpu.memory_space<vmem>>) target(%dma_start3A_133 : memref<64x128xf32, #tpu.memory_space<vmem_shared>>) target_semaphore(%run_scoped3A : memref<!tpu.dma_semaphore, #tpu.memory_space<semaphore_mem>>)
      %dma_wait3A_137 = arith.constant 0 : i32
      %dma_wait3A_138 = arith.constant 0 : i32
      %dma_wait3A_139 = tpu.memref_slice %arg8[%dma_wait3A_137, %dma_wait3A_138] : memref<64x128xf32, #tpu.memory_space<vmem>> -> memref<64x128xf32, #tpu.memory_space<vmem>>
      %dma_wait3A_140 = arith.constant 0 : i32
      %dma_wait3A_141 = tpu.memref_slice %arg7[%add3A_22, %dma_wait3A_140] : memref<10240x128xf32, #tpu.memory_space<vmem_shared>> -> memref<64x128xf32, #tpu.memory_space<vmem_shared>>
      %dma_wait3A_142 = arith.constant 0 : i32
      %dma_wait3A_143 = tpu.memref_slice %arg7[%add3A_22, %dma_wait3A_142] : memref<10240x128xf32, #tpu.memory_space<vmem_shared>> -> memref<64x128xf32, #tpu.memory_space<vmem_shared>>
      %dma_wait3A_144 = arith.constant 0 : i32
      %dma_wait3A_145 = arith.constant 0 : i32
      %dma_wait3A_146 = tpu.memref_slice %arg8[%dma_wait3A_144, %dma_wait3A_145] : memref<64x128xf32, #tpu.memory_space<vmem>> -> memref<64x128xf32, #tpu.memory_space<vmem>>
      tpu.wait_dma2 semaphore(%run_scoped3A : memref<!tpu.dma_semaphore, #tpu.memory_space<semaphore_mem>>) src(%dma_wait3A_146 : memref<64x128xf32, #tpu.memory_space<vmem>>) dst(%dma_wait3A_143 : memref<64x128xf32, #tpu.memory_space<vmem_shared>>)
      tpu.yield
    }) : () -> ()
    %add3A_23 = arith.constant 512 : i32
    %add3A_24 = arith.addi %mul3A_6, %add3A_23 : i32
    "tpu.region"() ({
      %run_scoped3A = tpu.sem_alloc : memref<!tpu.dma_semaphore, #tpu.memory_space<semaphore_mem>>
      %dma_start3A_127 = arith.constant 0 : i32
      %dma_start3A_128 = arith.constant 0 : i32
      %dma_start3A_129 = tpu.memref_slice %arg8[%dma_start3A_127, %dma_start3A_128] : memref<64x128xf32, #tpu.memory_space<vmem>> -> memref<64x128xf32, #tpu.memory_space<vmem>>
      %dma_start3A_130 = arith.constant 0 : i32
      %dma_start3A_131 = tpu.memref_slice %arg7[%add3A_24, %dma_start3A_130] : memref<10240x128xf32, #tpu.memory_space<vmem_shared>> -> memref<64x128xf32, #tpu.memory_space<vmem_shared>>
      %dma_start3A_132 = arith.constant 0 : i32
      %dma_start3A_133 = tpu.memref_slice %arg7[%add3A_24, %dma_start3A_132] : memref<10240x128xf32, #tpu.memory_space<vmem_shared>> -> memref<64x128xf32, #tpu.memory_space<vmem_shared>>
      %dma_start3A_134 = arith.constant 0 : i32
      %dma_start3A_135 = arith.constant 0 : i32
      %dma_start3A_136 = tpu.memref_slice %arg8[%dma_start3A_134, %dma_start3A_135] : memref<64x128xf32, #tpu.memory_space<vmem>> -> memref<64x128xf32, #tpu.memory_space<vmem>>
      tpu.enqueue_dma source(%dma_start3A_136 : memref<64x128xf32, #tpu.memory_space<vmem>>) target(%dma_start3A_133 : memref<64x128xf32, #tpu.memory_space<vmem_shared>>) target_semaphore(%run_scoped3A : memref<!tpu.dma_semaphore, #tpu.memory_space<semaphore_mem>>)
      %dma_wait3A_137 = arith.constant 0 : i32
      %dma_wait3A_138 = arith.constant 0 : i32
      %dma_wait3A_139 = tpu.memref_slice %arg8[%dma_wait3A_137, %dma_wait3A_138] : memref<64x128xf32, #tpu.memory_space<vmem>> -> memref<64x128xf32, #tpu.memory_space<vmem>>
      %dma_wait3A_140 = arith.constant 0 : i32
      %dma_wait3A_141 = tpu.memref_slice %arg7[%add3A_24, %dma_wait3A_140] : memref<10240x128xf32, #tpu.memory_space<vmem_shared>> -> memref<64x128xf32, #tpu.memory_space<vmem_shared>>
      %dma_wait3A_142 = arith.constant 0 : i32
      %dma_wait3A_143 = tpu.memref_slice %arg7[%add3A_24, %dma_wait3A_142] : memref<10240x128xf32, #tpu.memory_space<vmem_shared>> -> memref<64x128xf32, #tpu.memory_space<vmem_shared>>
      %dma_wait3A_144 = arith.constant 0 : i32
      %dma_wait3A_145 = arith.constant 0 : i32
      %dma_wait3A_146 = tpu.memref_slice %arg8[%dma_wait3A_144, %dma_wait3A_145] : memref<64x128xf32, #tpu.memory_space<vmem>> -> memref<64x128xf32, #tpu.memory_space<vmem>>
      tpu.wait_dma2 semaphore(%run_scoped3A : memref<!tpu.dma_semaphore, #tpu.memory_space<semaphore_mem>>) src(%dma_wait3A_146 : memref<64x128xf32, #tpu.memory_space<vmem>>) dst(%dma_wait3A_143 : memref<64x128xf32, #tpu.memory_space<vmem_shared>>)
      tpu.yield
    }) : () -> ()
    %add3A_25 = arith.constant 576 : i32
    %add3A_26 = arith.addi %mul3A_6, %add3A_25 : i32
    "tpu.region"() ({
      %run_scoped3A = tpu.sem_alloc : memref<!tpu.dma_semaphore, #tpu.memory_space<semaphore_mem>>
      %dma_start3A_127 = arith.constant 0 : i32
      %dma_start3A_128 = arith.constant 0 : i32
      %dma_start3A_129 = tpu.memref_slice %arg8[%dma_start3A_127, %dma_start3A_128] : memref<64x128xf32, #tpu.memory_space<vmem>> -> memref<64x128xf32, #tpu.memory_space<vmem>>
      %dma_start3A_130 = arith.constant 0 : i32
      %dma_start3A_131 = tpu.memref_slice %arg7[%add3A_26, %dma_start3A_130] : memref<10240x128xf32, #tpu.memory_space<vmem_shared>> -> memref<64x128xf32, #tpu.memory_space<vmem_shared>>
      %dma_start3A_132 = arith.constant 0 : i32
      %dma_start3A_133 = tpu.memref_slice %arg7[%add3A_26, %dma_start3A_132] : memref<10240x128xf32, #tpu.memory_space<vmem_shared>> -> memref<64x128xf32, #tpu.memory_space<vmem_shared>>
      %dma_start3A_134 = arith.constant 0 : i32
      %dma_start3A_135 = arith.constant 0 : i32
      %dma_start3A_136 = tpu.memref_slice %arg8[%dma_start3A_134, %dma_start3A_135] : memref<64x128xf32, #tpu.memory_space<vmem>> -> memref<64x128xf32, #tpu.memory_space<vmem>>
      tpu.enqueue_dma source(%dma_start3A_136 : memref<64x128xf32, #tpu.memory_space<vmem>>) target(%dma_start3A_133 : memref<64x128xf32, #tpu.memory_space<vmem_shared>>) target_semaphore(%run_scoped3A : memref<!tpu.dma_semaphore, #tpu.memory_space<semaphore_mem>>)
      %dma_wait3A_137 = arith.constant 0 : i32
      %dma_wait3A_138 = arith.constant 0 : i32
      %dma_wait3A_139 = tpu.memref_slice %arg8[%dma_wait3A_137, %dma_wait3A_138] : memref<64x128xf32, #tpu.memory_space<vmem>> -> memref<64x128xf32, #tpu.memory_space<vmem>>
      %dma_wait3A_140 = arith.constant 0 : i32
      %dma_wait3A_141 = tpu.memref_slice %arg7[%add3A_26, %dma_wait3A_140] : memref<10240x128xf32, #tpu.memory_space<vmem_shared>> -> memref<64x128xf32, #tpu.memory_space<vmem_shared>>
      %dma_wait3A_142 = arith.constant 0 : i32
      %dma_wait3A_143 = tpu.memref_slice %arg7[%add3A_26, %dma_wait3A_142] : memref<10240x128xf32, #tpu.memory_space<vmem_shared>> -> memref<64x128xf32, #tpu.memory_space<vmem_shared>>
      %dma_wait3A_144 = arith.constant 0 : i32
      %dma_wait3A_145 = arith.constant 0 : i32
      %dma_wait3A_146 = tpu.memref_slice %arg8[%dma_wait3A_144, %dma_wait3A_145] : memref<64x128xf32, #tpu.memory_space<vmem>> -> memref<64x128xf32, #tpu.memory_space<vmem>>
      tpu.wait_dma2 semaphore(%run_scoped3A : memref<!tpu.dma_semaphore, #tpu.memory_space<semaphore_mem>>) src(%dma_wait3A_146 : memref<64x128xf32, #tpu.memory_space<vmem>>) dst(%dma_wait3A_143 : memref<64x128xf32, #tpu.memory_space<vmem_shared>>)
      tpu.yield
    }) : () -> ()
    %barrier3A = arith.constant 0 : index
    tpu.barrier barrier_id(%barrier3A)
    %dma_start3A = arith.constant 0 : i32
    %dma_start3A_27 = arith.constant 0 : i32
    %dma_start3A_28 = tpu.memref_slice %arg3[%add3A, %dma_start3A, %dma_start3A_27] : memref<32x160x64xi32, #tpu.memory_space<hbm>> -> memref<1x1x64xi32, #tpu.memory_space<hbm>>
    %dma_start3A_29 = tpu.memref_squeeze %dma_start3A_28 : memref<1x1x64xi32, #tpu.memory_space<hbm>> -> memref<64xi32, #tpu.memory_space<hbm>>
    %dma_start3A_30 = arith.constant 0 : i32
    %dma_start3A_31 = tpu.memref_slice %arg3[%add3A, %dma_start3A, %dma_start3A_30] : memref<32x160x64xi32, #tpu.memory_space<hbm>> -> memref<1x1x64xi32, #tpu.memory_space<hbm>>
    %dma_start3A_32 = tpu.memref_squeeze %dma_start3A_31 : memref<1x1x64xi32, #tpu.memory_space<hbm>> -> memref<64xi32, #tpu.memory_space<hbm>>
    tpu.enqueue_dma source(%dma_start3A_32 : memref<64xi32, #tpu.memory_space<hbm>>) target(%arg12 : memref<64xi32, #tpu.memory_space<vmem>>) target_semaphore(%arg32 : memref<!tpu.dma_semaphore, #tpu.memory_space<semaphore_mem>>)
    %dma_start3A_33 = arith.constant 0 : i32
    %dma_start3A_34 = arith.constant 0 : i32
    %dma_start3A_35 = tpu.memref_slice %arg4[%add3A, %dma_start3A_33, %dma_start3A_34] : memref<32x160x64xi32, #tpu.memory_space<hbm>> -> memref<1x1x64xi32, #tpu.memory_space<hbm>>
    %dma_start3A_36 = tpu.memref_squeeze %dma_start3A_35 : memref<1x1x64xi32, #tpu.memory_space<hbm>> -> memref<64xi32, #tpu.memory_space<hbm>>
    %dma_start3A_37 = arith.constant 0 : i32
    %dma_start3A_38 = tpu.memref_slice %arg4[%add3A, %dma_start3A_33, %dma_start3A_37] : memref<32x160x64xi32, #tpu.memory_space<hbm>> -> memref<1x1x64xi32, #tpu.memory_space<hbm>>
    %dma_start3A_39 = tpu.memref_squeeze %dma_start3A_38 : memref<1x1x64xi32, #tpu.memory_space<hbm>> -> memref<64xi32, #tpu.memory_space<hbm>>
    tpu.enqueue_dma source(%dma_start3A_39 : memref<64xi32, #tpu.memory_space<hbm>>) target(%arg16 : memref<64xi32, #tpu.memory_space<vmem>>) target_semaphore(%arg32 : memref<!tpu.dma_semaphore, #tpu.memory_space<semaphore_mem>>)
    %dma_start3A_40 = arith.constant 0 : i32
    %dma_start3A_41 = arith.constant 0 : i32
    %dma_start3A_42 = tpu.memref_slice %arg5[%add3A, %dma_start3A_40, %dma_start3A_41] : memref<32x160x64xf32, #tpu.memory_space<hbm>> -> memref<1x1x64xf32, #tpu.memory_space<hbm>>
    %dma_start3A_43 = tpu.memref_squeeze %dma_start3A_42 : memref<1x1x64xf32, #tpu.memory_space<hbm>> -> memref<64xf32, #tpu.memory_space<hbm>>
    %dma_start3A_44 = arith.constant 0 : i32
    %dma_start3A_45 = tpu.memref_slice %arg5[%add3A, %dma_start3A_40, %dma_start3A_44] : memref<32x160x64xf32, #tpu.memory_space<hbm>> -> memref<1x1x64xf32, #tpu.memory_space<hbm>>
    %dma_start3A_46 = tpu.memref_squeeze %dma_start3A_45 : memref<1x1x64xf32, #tpu.memory_space<hbm>> -> memref<64xf32, #tpu.memory_space<hbm>>
    tpu.enqueue_dma source(%dma_start3A_46 : memref<64xf32, #tpu.memory_space<hbm>>) target(%arg20 : memref<64xf32, #tpu.memory_space<vmem>>) target_semaphore(%arg32 : memref<!tpu.dma_semaphore, #tpu.memory_space<semaphore_mem>>)
    %dma_start3A_47 = arith.constant 1 : i32
    %dma_start3A_48 = arith.constant 0 : i32
    %dma_start3A_49 = tpu.memref_slice %arg3[%add3A, %dma_start3A_47, %dma_start3A_48] : memref<32x160x64xi32, #tpu.memory_space<hbm>> -> memref<1x1x64xi32, #tpu.memory_space<hbm>>
    %dma_start3A_50 = tpu.memref_squeeze %dma_start3A_49 : memref<1x1x64xi32, #tpu.memory_space<hbm>> -> memref<64xi32, #tpu.memory_space<hbm>>
    %dma_start3A_51 = arith.constant 0 : i32
    %dma_start3A_52 = tpu.memref_slice %arg3[%add3A, %dma_start3A_47, %dma_start3A_51] : memref<32x160x64xi32, #tpu.memory_space<hbm>> -> memref<1x1x64xi32, #tpu.memory_space<hbm>>
    %dma_start3A_53 = tpu.memref_squeeze %dma_start3A_52 : memref<1x1x64xi32, #tpu.memory_space<hbm>> -> memref<64xi32, #tpu.memory_space<hbm>>
    tpu.enqueue_dma source(%dma_start3A_53 : memref<64xi32, #tpu.memory_space<hbm>>) target(%arg13 : memref<64xi32, #tpu.memory_space<vmem>>) target_semaphore(%arg33 : memref<!tpu.dma_semaphore, #tpu.memory_space<semaphore_mem>>)
    %dma_start3A_54 = arith.constant 1 : i32
    %dma_start3A_55 = arith.constant 0 : i32
    %dma_start3A_56 = tpu.memref_slice %arg4[%add3A, %dma_start3A_54, %dma_start3A_55] : memref<32x160x64xi32, #tpu.memory_space<hbm>> -> memref<1x1x64xi32, #tpu.memory_space<hbm>>
    %dma_start3A_57 = tpu.memref_squeeze %dma_start3A_56 : memref<1x1x64xi32, #tpu.memory_space<hbm>> -> memref<64xi32, #tpu.memory_space<hbm>>
    %dma_start3A_58 = arith.constant 0 : i32
    %dma_start3A_59 = tpu.memref_slice %arg4[%add3A, %dma_start3A_54, %dma_start3A_58] : memref<32x160x64xi32, #tpu.memory_space<hbm>> -> memref<1x1x64xi32, #tpu.memory_space<hbm>>
    %dma_start3A_60 = tpu.memref_squeeze %dma_start3A_59 : memref<1x1x64xi32, #tpu.memory_space<hbm>> -> memref<64xi32, #tpu.memory_space<hbm>>
    tpu.enqueue_dma source(%dma_start3A_60 : memref<64xi32, #tpu.memory_space<hbm>>) target(%arg17 : memref<64xi32, #tpu.memory_space<vmem>>) target_semaphore(%arg33 : memref<!tpu.dma_semaphore, #tpu.memory_space<semaphore_mem>>)
    %dma_start3A_61 = arith.constant 1 : i32
    %dma_start3A_62 = arith.constant 0 : i32
    %dma_start3A_63 = tpu.memref_slice %arg5[%add3A, %dma_start3A_61, %dma_start3A_62] : memref<32x160x64xf32, #tpu.memory_space<hbm>> -> memref<1x1x64xf32, #tpu.memory_space<hbm>>
    %dma_start3A_64 = tpu.memref_squeeze %dma_start3A_63 : memref<1x1x64xf32, #tpu.memory_space<hbm>> -> memref<64xf32, #tpu.memory_space<hbm>>
    %dma_start3A_65 = arith.constant 0 : i32
    %dma_start3A_66 = tpu.memref_slice %arg5[%add3A, %dma_start3A_61, %dma_start3A_65] : memref<32x160x64xf32, #tpu.memory_space<hbm>> -> memref<1x1x64xf32, #tpu.memory_space<hbm>>
    %dma_start3A_67 = tpu.memref_squeeze %dma_start3A_66 : memref<1x1x64xf32, #tpu.memory_space<hbm>> -> memref<64xf32, #tpu.memory_space<hbm>>
    tpu.enqueue_dma source(%dma_start3A_67 : memref<64xf32, #tpu.memory_space<hbm>>) target(%arg21 : memref<64xf32, #tpu.memory_space<vmem>>) target_semaphore(%arg33 : memref<!tpu.dma_semaphore, #tpu.memory_space<semaphore_mem>>)
    %dma_wait3A = arith.constant 0 : i32
    %dma_wait3A_68 = arith.constant 0 : i32
    %dma_wait3A_69 = tpu.memref_slice %arg3[%add3A, %dma_wait3A, %dma_wait3A_68] : memref<32x160x64xi32, #tpu.memory_space<hbm>> -> memref<1x1x64xi32, #tpu.memory_space<hbm>>
    %dma_wait3A_70 = tpu.memref_squeeze %dma_wait3A_69 : memref<1x1x64xi32, #tpu.memory_space<hbm>> -> memref<64xi32, #tpu.memory_space<hbm>>
    %dma_wait3A_71 = arith.constant 0 : i32
    %dma_wait3A_72 = tpu.memref_slice %arg3[%add3A, %dma_wait3A, %dma_wait3A_71] : memref<32x160x64xi32, #tpu.memory_space<hbm>> -> memref<1x1x64xi32, #tpu.memory_space<hbm>>
    %dma_wait3A_73 = tpu.memref_squeeze %dma_wait3A_72 : memref<1x1x64xi32, #tpu.memory_space<hbm>> -> memref<64xi32, #tpu.memory_space<hbm>>
    tpu.wait_dma2 semaphore(%arg32 : memref<!tpu.dma_semaphore, #tpu.memory_space<semaphore_mem>>) src(%dma_wait3A_73 : memref<64xi32, #tpu.memory_space<hbm>>) dst(%arg12 : memref<64xi32, #tpu.memory_space<vmem>>)
    %dma_wait3A_74 = arith.constant 0 : i32
    %dma_wait3A_75 = arith.constant 0 : i32
    %dma_wait3A_76 = tpu.memref_slice %arg4[%add3A, %dma_wait3A_74, %dma_wait3A_75] : memref<32x160x64xi32, #tpu.memory_space<hbm>> -> memref<1x1x64xi32, #tpu.memory_space<hbm>>
    %dma_wait3A_77 = tpu.memref_squeeze %dma_wait3A_76 : memref<1x1x64xi32, #tpu.memory_space<hbm>> -> memref<64xi32, #tpu.memory_space<hbm>>
    %dma_wait3A_78 = arith.constant 0 : i32
    %dma_wait3A_79 = tpu.memref_slice %arg4[%add3A, %dma_wait3A_74, %dma_wait3A_78] : memref<32x160x64xi32, #tpu.memory_space<hbm>> -> memref<1x1x64xi32, #tpu.memory_space<hbm>>
    %dma_wait3A_80 = tpu.memref_squeeze %dma_wait3A_79 : memref<1x1x64xi32, #tpu.memory_space<hbm>> -> memref<64xi32, #tpu.memory_space<hbm>>
    tpu.wait_dma2 semaphore(%arg32 : memref<!tpu.dma_semaphore, #tpu.memory_space<semaphore_mem>>) src(%dma_wait3A_80 : memref<64xi32, #tpu.memory_space<hbm>>) dst(%arg16 : memref<64xi32, #tpu.memory_space<vmem>>)
    %dma_wait3A_81 = arith.constant 0 : i32
    %dma_wait3A_82 = arith.constant 0 : i32
    %dma_wait3A_83 = tpu.memref_slice %arg5[%add3A, %dma_wait3A_81, %dma_wait3A_82] : memref<32x160x64xf32, #tpu.memory_space<hbm>> -> memref<1x1x64xf32, #tpu.memory_space<hbm>>
    %dma_wait3A_84 = tpu.memref_squeeze %dma_wait3A_83 : memref<1x1x64xf32, #tpu.memory_space<hbm>> -> memref<64xf32, #tpu.memory_space<hbm>>
    %dma_wait3A_85 = arith.constant 0 : i32
    %dma_wait3A_86 = tpu.memref_slice %arg5[%add3A, %dma_wait3A_81, %dma_wait3A_85] : memref<32x160x64xf32, #tpu.memory_space<hbm>> -> memref<1x1x64xf32, #tpu.memory_space<hbm>>
    %dma_wait3A_87 = tpu.memref_squeeze %dma_wait3A_86 : memref<1x1x64xf32, #tpu.memory_space<hbm>> -> memref<64xf32, #tpu.memory_space<hbm>>
    tpu.wait_dma2 semaphore(%arg32 : memref<!tpu.dma_semaphore, #tpu.memory_space<semaphore_mem>>) src(%dma_wait3A_87 : memref<64xf32, #tpu.memory_space<hbm>>) dst(%arg20 : memref<64xf32, #tpu.memory_space<vmem>>)
    %dma_start3A_88 = arith.constant 0 : i32
    %dma_start3A_89 = arith.constant 0 : i32
    %dma_start3A_90 = tpu.memref_slice %arg2[%dma_start3A_88, %dma_start3A_89] : memref<10000x128xf32, #tpu.memory_space<hbm>> -> memref<10000x128xf32, #tpu.memory_space<hbm>>
    tpu.enqueue_indirect_dma source(%dma_start3A_90 : memref<10000x128xf32, #tpu.memory_space<hbm>>) target(%arg8 : memref<64x128xf32, #tpu.memory_space<vmem>>) offsets(%arg12 : memref<64xi32, #tpu.memory_space<vmem>>) semaphore(%arg24 : memref<!tpu.dma_semaphore, #tpu.memory_space<semaphore_mem>>)
    %dma_wait3A_91 = arith.constant 1 : i32
    %dma_wait3A_92 = arith.constant 0 : i32
    %dma_wait3A_93 = tpu.memref_slice %arg3[%add3A, %dma_wait3A_91, %dma_wait3A_92] : memref<32x160x64xi32, #tpu.memory_space<hbm>> -> memref<1x1x64xi32, #tpu.memory_space<hbm>>
    %dma_wait3A_94 = tpu.memref_squeeze %dma_wait3A_93 : memref<1x1x64xi32, #tpu.memory_space<hbm>> -> memref<64xi32, #tpu.memory_space<hbm>>
    %dma_wait3A_95 = arith.constant 0 : i32
    %dma_wait3A_96 = tpu.memref_slice %arg3[%add3A, %dma_wait3A_91, %dma_wait3A_95] : memref<32x160x64xi32, #tpu.memory_space<hbm>> -> memref<1x1x64xi32, #tpu.memory_space<hbm>>
    %dma_wait3A_97 = tpu.memref_squeeze %dma_wait3A_96 : memref<1x1x64xi32, #tpu.memory_space<hbm>> -> memref<64xi32, #tpu.memory_space<hbm>>
    tpu.wait_dma2 semaphore(%arg33 : memref<!tpu.dma_semaphore, #tpu.memory_space<semaphore_mem>>) src(%dma_wait3A_97 : memref<64xi32, #tpu.memory_space<hbm>>) dst(%arg13 : memref<64xi32, #tpu.memory_space<vmem>>)
    %dma_wait3A_98 = arith.constant 1 : i32
    %dma_wait3A_99 = arith.constant 0 : i32
    %dma_wait3A_100 = tpu.memref_slice %arg4[%add3A, %dma_wait3A_98, %dma_wait3A_99] : memref<32x160x64xi32, #tpu.memory_space<hbm>> -> memref<1x1x64xi32, #tpu.memory_space<hbm>>
    %dma_wait3A_101 = tpu.memref_squeeze %dma_wait3A_100 : memref<1x1x64xi32, #tpu.memory_space<hbm>> -> memref<64xi32, #tpu.memory_space<hbm>>
    %dma_wait3A_102 = arith.constant 0 : i32
    %dma_wait3A_103 = tpu.memref_slice %arg4[%add3A, %dma_wait3A_98, %dma_wait3A_102] : memref<32x160x64xi32, #tpu.memory_space<hbm>> -> memref<1x1x64xi32, #tpu.memory_space<hbm>>
    %dma_wait3A_104 = tpu.memref_squeeze %dma_wait3A_103 : memref<1x1x64xi32, #tpu.memory_space<hbm>> -> memref<64xi32, #tpu.memory_space<hbm>>
    tpu.wait_dma2 semaphore(%arg33 : memref<!tpu.dma_semaphore, #tpu.memory_space<semaphore_mem>>) src(%dma_wait3A_104 : memref<64xi32, #tpu.memory_space<hbm>>) dst(%arg17 : memref<64xi32, #tpu.memory_space<vmem>>)
    %dma_wait3A_105 = arith.constant 1 : i32
    %dma_wait3A_106 = arith.constant 0 : i32
    %dma_wait3A_107 = tpu.memref_slice %arg5[%add3A, %dma_wait3A_105, %dma_wait3A_106] : memref<32x160x64xf32, #tpu.memory_space<hbm>> -> memref<1x1x64xf32, #tpu.memory_space<hbm>>
    %dma_wait3A_108 = tpu.memref_squeeze %dma_wait3A_107 : memref<1x1x64xf32, #tpu.memory_space<hbm>> -> memref<64xf32, #tpu.memory_space<hbm>>
    %dma_wait3A_109 = arith.constant 0 : i32
    %dma_wait3A_110 = tpu.memref_slice %arg5[%add3A, %dma_wait3A_105, %dma_wait3A_109] : memref<32x160x64xf32, #tpu.memory_space<hbm>> -> memref<1x1x64xf32, #tpu.memory_space<hbm>>
    %dma_wait3A_111 = tpu.memref_squeeze %dma_wait3A_110 : memref<1x1x64xf32, #tpu.memory_space<hbm>> -> memref<64xf32, #tpu.memory_space<hbm>>
    tpu.wait_dma2 semaphore(%arg33 : memref<!tpu.dma_semaphore, #tpu.memory_space<semaphore_mem>>) src(%dma_wait3A_111 : memref<64xf32, #tpu.memory_space<hbm>>) dst(%arg21 : memref<64xf32, #tpu.memory_space<vmem>>)
    %dma_start3A_112 = arith.constant 0 : i32
    %dma_start3A_113 = arith.constant 0 : i32
    %dma_start3A_114 = tpu.memref_slice %arg2[%dma_start3A_112, %dma_start3A_113] : memref<10000x128xf32, #tpu.memory_space<hbm>> -> memref<10000x128xf32, #tpu.memory_space<hbm>>
    tpu.enqueue_indirect_dma source(%dma_start3A_114 : memref<10000x128xf32, #tpu.memory_space<hbm>>) target(%arg9 : memref<64x128xf32, #tpu.memory_space<vmem>>) offsets(%arg13 : memref<64xi32, #tpu.memory_space<vmem>>) semaphore(%arg25 : memref<!tpu.dma_semaphore, #tpu.memory_space<semaphore_mem>>)
    %scan3A_115 = arith.constant 0 : i32
    %scan3A_116 = arith.constant 40 : i32
    %scan3A_117 = arith.addi %scan3A_115, %scan3A_116 : i32
    %scan3A_118 = arith.constant 1 : i32
    scf.for %scan3A_127 = %scan3A_115 to %scan3A_117 step %scan3A_118  : i32 {
      %mul3A_128 = arith.constant 4 : i32
      %mul3A_129 = arith.muli %scan3A_127, %mul3A_128 : i32
      %add3A_130 = arith.constant 0 : i32
      %add3A_131 = arith.addi %add3A_130, %mul3A_129 : i32
      %add3A_132 = arith.constant 0 : i32
      %add3A_133 = arith.addi %add3A_131, %add3A_132 : i32
      %dma_wait3A_134 = arith.constant 0 : i32
      %dma_wait3A_135 = arith.constant 0 : i32
      %dma_wait3A_136 = tpu.memref_slice %arg2[%dma_wait3A_134, %dma_wait3A_135] : memref<10000x128xf32, #tpu.memory_space<hbm>> -> memref<10000x128xf32, #tpu.memory_space<hbm>>
      tpu.wait_indirect_dma semaphore(%arg24 : memref<!tpu.dma_semaphore, #tpu.memory_space<semaphore_mem>>) src(%dma_wait3A_136 : memref<10000x128xf32, #tpu.memory_space<hbm>>) dst(%arg8 : memref<64x128xf32, #tpu.memory_space<vmem>>)
      %ge3A = arith.constant 2 : i32
      %ge3A_137 = arith.cmpi sge, %add3A_133, %ge3A : i32
      %convert_element_type3A = arith.extui %ge3A_137 : i1 to i32
      %cond3A = arith.constant 0 : i32
      %cond3A_138 = arith.cmpi ne, %convert_element_type3A, %cond3A : i32
      scf.if %cond3A_138 {
        %dma_wait3A_256 = arith.constant 0 : i32
        %dma_wait3A_257 = arith.constant 0 : i32
        %dma_wait3A_258 = tpu.memref_slice %arg7[%dma_wait3A_256, %dma_wait3A_257] : memref<10240x128xf32, #tpu.memory_space<vmem_shared>> -> memref<10240x128xf32, #tpu.memory_space<vmem_shared>>
        tpu.wait_indirect_dma semaphore(%arg30 : memref<!tpu.dma_semaphore, #tpu.memory_space<semaphore_mem>>) src(%arg10 : memref<64x128xf32, #tpu.memory_space<vmem>>) dst(%dma_wait3A_258 : memref<10240x128xf32, #tpu.memory_space<vmem_shared>>)
      } else {
      }
      %add3A_139 = arith.constant 2 : i32
      %add3A_140 = arith.addi %add3A_133, %add3A_139 : i32
      %lt3A = arith.constant 160 : i32
      %lt3A_141 = arith.cmpi slt, %add3A_140, %lt3A : i32
      %convert_element_type3A_142 = arith.extui %lt3A_141 : i1 to i32
      %cond3A_143 = arith.constant 0 : i32
      %cond3A_144 = arith.cmpi ne, %convert_element_type3A_142, %cond3A_143 : i32
      scf.if %cond3A_144 {
        %add3A_256 = arith.constant 2 : i32
        %add3A_257 = arith.addi %add3A_133, %add3A_256 : i32
        %dma_start3A_258 = arith.constant 0 : i32
        %dma_start3A_259 = tpu.memref_slice %arg3[%add3A, %add3A_257, %dma_start3A_258] : memref<32x160x64xi32, #tpu.memory_space<hbm>> -> memref<1x1x64xi32, #tpu.memory_space<hbm>>
        %dma_start3A_260 = tpu.memref_squeeze %dma_start3A_259 : memref<1x1x64xi32, #tpu.memory_space<hbm>> -> memref<64xi32, #tpu.memory_space<hbm>>
        %dma_start3A_261 = arith.constant 0 : i32
        %dma_start3A_262 = tpu.memref_slice %arg3[%add3A, %add3A_257, %dma_start3A_261] : memref<32x160x64xi32, #tpu.memory_space<hbm>> -> memref<1x1x64xi32, #tpu.memory_space<hbm>>
        %dma_start3A_263 = tpu.memref_squeeze %dma_start3A_262 : memref<1x1x64xi32, #tpu.memory_space<hbm>> -> memref<64xi32, #tpu.memory_space<hbm>>
        tpu.enqueue_dma source(%dma_start3A_263 : memref<64xi32, #tpu.memory_space<hbm>>) target(%arg14 : memref<64xi32, #tpu.memory_space<vmem>>) target_semaphore(%arg34 : memref<!tpu.dma_semaphore, #tpu.memory_space<semaphore_mem>>)
        %dma_start3A_264 = arith.constant 0 : i32
        %dma_start3A_265 = tpu.memref_slice %arg4[%add3A, %add3A_257, %dma_start3A_264] : memref<32x160x64xi32, #tpu.memory_space<hbm>> -> memref<1x1x64xi32, #tpu.memory_space<hbm>>
        %dma_start3A_266 = tpu.memref_squeeze %dma_start3A_265 : memref<1x1x64xi32, #tpu.memory_space<hbm>> -> memref<64xi32, #tpu.memory_space<hbm>>
        %dma_start3A_267 = arith.constant 0 : i32
        %dma_start3A_268 = tpu.memref_slice %arg4[%add3A, %add3A_257, %dma_start3A_267] : memref<32x160x64xi32, #tpu.memory_space<hbm>> -> memref<1x1x64xi32, #tpu.memory_space<hbm>>
        %dma_start3A_269 = tpu.memref_squeeze %dma_start3A_268 : memref<1x1x64xi32, #tpu.memory_space<hbm>> -> memref<64xi32, #tpu.memory_space<hbm>>
        tpu.enqueue_dma source(%dma_start3A_269 : memref<64xi32, #tpu.memory_space<hbm>>) target(%arg18 : memref<64xi32, #tpu.memory_space<vmem>>) target_semaphore(%arg34 : memref<!tpu.dma_semaphore, #tpu.memory_space<semaphore_mem>>)
        %dma_start3A_270 = arith.constant 0 : i32
        %dma_start3A_271 = tpu.memref_slice %arg5[%add3A, %add3A_257, %dma_start3A_270] : memref<32x160x64xf32, #tpu.memory_space<hbm>> -> memref<1x1x64xf32, #tpu.memory_space<hbm>>
        %dma_start3A_272 = tpu.memref_squeeze %dma_start3A_271 : memref<1x1x64xf32, #tpu.memory_space<hbm>> -> memref<64xf32, #tpu.memory_space<hbm>>
        %dma_start3A_273 = arith.constant 0 : i32
        %dma_start3A_274 = tpu.memref_slice %arg5[%add3A, %add3A_257, %dma_start3A_273] : memref<32x160x64xf32, #tpu.memory_space<hbm>> -> memref<1x1x64xf32, #tpu.memory_space<hbm>>
        %dma_start3A_275 = tpu.memref_squeeze %dma_start3A_274 : memref<1x1x64xf32, #tpu.memory_space<hbm>> -> memref<64xf32, #tpu.memory_space<hbm>>
        tpu.enqueue_dma source(%dma_start3A_275 : memref<64xf32, #tpu.memory_space<hbm>>) target(%arg22 : memref<64xf32, #tpu.memory_space<vmem>>) target_semaphore(%arg34 : memref<!tpu.dma_semaphore, #tpu.memory_space<semaphore_mem>>)
      } else {
      }
      %scan3A_145 = arith.constant 0 : i32
      %scan3A_146 = arith.constant 64 : i32
      %scan3A_147 = arith.addi %scan3A_145, %scan3A_146 : i32
      %scan3A_148 = arith.constant 1 : i32
      scf.for %scan3A_256 = %scan3A_145 to %scan3A_147 step %scan3A_148  : i32 {
        %mul3A_257 = arith.constant 1 : i32
        %mul3A_258 = arith.muli %scan3A_256, %mul3A_257 : i32
        %add3A_259 = arith.constant 0 : i32
        %add3A_260 = arith.addi %add3A_259, %mul3A_258 : i32
        %broadcast_in_dim3A = vector.broadcast %add3A_260 : i32 to vector<16xi32>
        %gather3A = tpu.vector_load_idx %arg20[%broadcast_in_dim3A] : memref<64xf32, #tpu.memory_space<vmem>>[vector<16xi32>], vector<16xf32>,
        %get3A = arith.index_cast %add3A_260 : i32 to index
        %get3A_261 = arith.constant 0 : index
        %get3A_262 = tpu.vector_load %arg8[%get3A, %get3A_261] {strides = array<i32>} : memref<64x128xf32, #tpu.memory_space<vmem>>, vector<16xf32>,
        %mul3A_263 = arith.mulf %get3A_262, %gather3A : vector<16xf32>
        %swap3A = arith.index_cast %add3A_260 : i32 to index
        %swap3A_264 = arith.constant 0 : index
        %swap3A_265 = tpu.vector_load %arg8[%swap3A, %swap3A_264] {strides = array<i32>} : memref<64x128xf32, #tpu.memory_space<vmem>>, vector<16xf32>,
        tpu.vector_store %arg8[%swap3A, %swap3A_264], %mul3A_263 {strides = array<i32>} : memref<64x128xf32, #tpu.memory_space<vmem>>, vector<16xf32>,
        %get3A_266 = arith.index_cast %add3A_260 : i32 to index
        %get3A_267 = arith.constant 16 : index
        %get3A_268 = tpu.vector_load %arg8[%get3A_266, %get3A_267] {strides = array<i32>} : memref<64x128xf32, #tpu.memory_space<vmem>>, vector<16xf32>,
        %mul3A_269 = arith.mulf %get3A_268, %gather3A : vector<16xf32>
        %swap3A_270 = arith.index_cast %add3A_260 : i32 to index
        %swap3A_271 = arith.constant 16 : index
        %swap3A_272 = tpu.vector_load %arg8[%swap3A_270, %swap3A_271] {strides = array<i32>} : memref<64x128xf32, #tpu.memory_space<vmem>>, vector<16xf32>,
        tpu.vector_store %arg8[%swap3A_270, %swap3A_271], %mul3A_269 {strides = array<i32>} : memref<64x128xf32, #tpu.memory_space<vmem>>, vector<16xf32>,
        %get3A_273 = arith.index_cast %add3A_260 : i32 to index
        %get3A_274 = arith.constant 32 : index
        %get3A_275 = tpu.vector_load %arg8[%get3A_273, %get3A_274] {strides = array<i32>} : memref<64x128xf32, #tpu.memory_space<vmem>>, vector<16xf32>,
        %mul3A_276 = arith.mulf %get3A_275, %gather3A : vector<16xf32>
        %swap3A_277 = arith.index_cast %add3A_260 : i32 to index
        %swap3A_278 = arith.constant 32 : index
        %swap3A_279 = tpu.vector_load %arg8[%swap3A_277, %swap3A_278] {strides = array<i32>} : memref<64x128xf32, #tpu.memory_space<vmem>>, vector<16xf32>,
        tpu.vector_store %arg8[%swap3A_277, %swap3A_278], %mul3A_276 {strides = array<i32>} : memref<64x128xf32, #tpu.memory_space<vmem>>, vector<16xf32>,
        %get3A_280 = arith.index_cast %add3A_260 : i32 to index
        %get3A_281 = arith.constant 48 : index
        %get3A_282 = tpu.vector_load %arg8[%get3A_280, %get3A_281] {strides = array<i32>} : memref<64x128xf32, #tpu.memory_space<vmem>>, vector<16xf32>,
        %mul3A_283 = arith.mulf %get3A_282, %gather3A : vector<16xf32>
        %swap3A_284 = arith.index_cast %add3A_260 : i32 to index
        %swap3A_285 = arith.constant 48 : index
        %swap3A_286 = tpu.vector_load %arg8[%swap3A_284, %swap3A_285] {strides = array<i32>} : memref<64x128xf32, #tpu.memory_space<vmem>>, vector<16xf32>,
        tpu.vector_store %arg8[%swap3A_284, %swap3A_285], %mul3A_283 {strides = array<i32>} : memref<64x128xf32, #tpu.memory_space<vmem>>, vector<16xf32>,
        %get3A_287 = arith.index_cast %add3A_260 : i32 to index
        %get3A_288 = arith.constant 64 : index
        %get3A_289 = tpu.vector_load %arg8[%get3A_287, %get3A_288] {strides = array<i32>} : memref<64x128xf32, #tpu.memory_space<vmem>>, vector<16xf32>,
        %mul3A_290 = arith.mulf %get3A_289, %gather3A : vector<16xf32>
        %swap3A_291 = arith.index_cast %add3A_260 : i32 to index
        %swap3A_292 = arith.constant 64 : index
        %swap3A_293 = tpu.vector_load %arg8[%swap3A_291, %swap3A_292] {strides = array<i32>} : memref<64x128xf32, #tpu.memory_space<vmem>>, vector<16xf32>,
        tpu.vector_store %arg8[%swap3A_291, %swap3A_292], %mul3A_290 {strides = array<i32>} : memref<64x128xf32, #tpu.memory_space<vmem>>, vector<16xf32>,
        %get3A_294 = arith.index_cast %add3A_260 : i32 to index
        %get3A_295 = arith.constant 80 : index
        %get3A_296 = tpu.vector_load %arg8[%get3A_294, %get3A_295] {strides = array<i32>} : memref<64x128xf32, #tpu.memory_space<vmem>>, vector<16xf32>,
        %mul3A_297 = arith.mulf %get3A_296, %gather3A : vector<16xf32>
        %swap3A_298 = arith.index_cast %add3A_260 : i32 to index
        %swap3A_299 = arith.constant 80 : index
        %swap3A_300 = tpu.vector_load %arg8[%swap3A_298, %swap3A_299] {strides = array<i32>} : memref<64x128xf32, #tpu.memory_space<vmem>>, vector<16xf32>,
        tpu.vector_store %arg8[%swap3A_298, %swap3A_299], %mul3A_297 {strides = array<i32>} : memref<64x128xf32, #tpu.memory_space<vmem>>, vector<16xf32>,
        %get3A_301 = arith.index_cast %add3A_260 : i32 to index
        %get3A_302 = arith.constant 96 : index
        %get3A_303 = tpu.vector_load %arg8[%get3A_301, %get3A_302] {strides = array<i32>} : memref<64x128xf32, #tpu.memory_space<vmem>>, vector<16xf32>,
        %mul3A_304 = arith.mulf %get3A_303, %gather3A : vector<16xf32>
        %swap3A_305 = arith.index_cast %add3A_260 : i32 to index
        %swap3A_306 = arith.constant 96 : index
        %swap3A_307 = tpu.vector_load %arg8[%swap3A_305, %swap3A_306] {strides = array<i32>} : memref<64x128xf32, #tpu.memory_space<vmem>>, vector<16xf32>,
        tpu.vector_store %arg8[%swap3A_305, %swap3A_306], %mul3A_304 {strides = array<i32>} : memref<64x128xf32, #tpu.memory_space<vmem>>, vector<16xf32>,
        %get3A_308 = arith.index_cast %add3A_260 : i32 to index
        %get3A_309 = arith.constant 112 : index
        %get3A_310 = tpu.vector_load %arg8[%get3A_308, %get3A_309] {strides = array<i32>} : memref<64x128xf32, #tpu.memory_space<vmem>>, vector<16xf32>,
        %mul3A_311 = arith.mulf %get3A_310, %gather3A : vector<16xf32>
        %swap3A_312 = arith.index_cast %add3A_260 : i32 to index
        %swap3A_313 = arith.constant 112 : index
        %swap3A_314 = tpu.vector_load %arg8[%swap3A_312, %swap3A_313] {strides = array<i32>} : memref<64x128xf32, #tpu.memory_space<vmem>>, vector<16xf32>,
        tpu.vector_store %arg8[%swap3A_312, %swap3A_313], %mul3A_311 {strides = array<i32>} : memref<64x128xf32, #tpu.memory_space<vmem>>, vector<16xf32>,
      }
      %scan3A_149 = arith.constant 64 : i32
      %add3A_150 = arith.constant 2 : i32
      %add3A_151 = arith.addi %add3A_133, %add3A_150 : i32
      %lt3A_152 = arith.constant 160 : i32
      %lt3A_153 = arith.cmpi slt, %add3A_151, %lt3A_152 : i32
      %convert_element_type3A_154 = arith.extui %lt3A_153 : i1 to i32
      %cond3A_155 = arith.constant 0 : i32
      %cond3A_156 = arith.cmpi ne, %convert_element_type3A_154, %cond3A_155 : i32
      scf.if %cond3A_156 {
        %add3A_256 = arith.constant 2 : i32
        %add3A_257 = arith.addi %add3A_133, %add3A_256 : i32
        %dma_wait3A_258 = arith.constant 0 : i32
        %dma_wait3A_259 = tpu.memref_slice %arg3[%add3A, %add3A_257, %dma_wait3A_258] : memref<32x160x64xi32, #tpu.memory_space<hbm>> -> memref<1x1x64xi32, #tpu.memory_space<hbm>>
        %dma_wait3A_260 = tpu.memref_squeeze %dma_wait3A_259 : memref<1x1x64xi32, #tpu.memory_space<hbm>> -> memref<64xi32, #tpu.memory_space<hbm>>
        %dma_wait3A_261 = arith.constant 0 : i32
        %dma_wait3A_262 = tpu.memref_slice %arg3[%add3A, %add3A_257, %dma_wait3A_261] : memref<32x160x64xi32, #tpu.memory_space<hbm>> -> memref<1x1x64xi32, #tpu.memory_space<hbm>>
        %dma_wait3A_263 = tpu.memref_squeeze %dma_wait3A_262 : memref<1x1x64xi32, #tpu.memory_space<hbm>> -> memref<64xi32, #tpu.memory_space<hbm>>
        tpu.wait_dma2 semaphore(%arg34 : memref<!tpu.dma_semaphore, #tpu.memory_space<semaphore_mem>>) src(%dma_wait3A_263 : memref<64xi32, #tpu.memory_space<hbm>>) dst(%arg14 : memref<64xi32, #tpu.memory_space<vmem>>)
        %dma_wait3A_264 = arith.constant 0 : i32
        %dma_wait3A_265 = tpu.memref_slice %arg4[%add3A, %add3A_257, %dma_wait3A_264] : memref<32x160x64xi32, #tpu.memory_space<hbm>> -> memref<1x1x64xi32, #tpu.memory_space<hbm>>
        %dma_wait3A_266 = tpu.memref_squeeze %dma_wait3A_265 : memref<1x1x64xi32, #tpu.memory_space<hbm>> -> memref<64xi32, #tpu.memory_space<hbm>>
        %dma_wait3A_267 = arith.constant 0 : i32
        %dma_wait3A_268 = tpu.memref_slice %arg4[%add3A, %add3A_257, %dma_wait3A_267] : memref<32x160x64xi32, #tpu.memory_space<hbm>> -> memref<1x1x64xi32, #tpu.memory_space<hbm>>
        %dma_wait3A_269 = tpu.memref_squeeze %dma_wait3A_268 : memref<1x1x64xi32, #tpu.memory_space<hbm>> -> memref<64xi32, #tpu.memory_space<hbm>>
        tpu.wait_dma2 semaphore(%arg34 : memref<!tpu.dma_semaphore, #tpu.memory_space<semaphore_mem>>) src(%dma_wait3A_269 : memref<64xi32, #tpu.memory_space<hbm>>) dst(%arg18 : memref<64xi32, #tpu.memory_space<vmem>>)
        %dma_wait3A_270 = arith.constant 0 : i32
        %dma_wait3A_271 = tpu.memref_slice %arg5[%add3A, %add3A_257, %dma_wait3A_270] : memref<32x160x64xf32, #tpu.memory_space<hbm>> -> memref<1x1x64xf32, #tpu.memory_space<hbm>>
        %dma_wait3A_272 = tpu.memref_squeeze %dma_wait3A_271 : memref<1x1x64xf32, #tpu.memory_space<hbm>> -> memref<64xf32, #tpu.memory_space<hbm>>
        %dma_wait3A_273 = arith.constant 0 : i32
        %dma_wait3A_274 = tpu.memref_slice %arg5[%add3A, %add3A_257, %dma_wait3A_273] : memref<32x160x64xf32, #tpu.memory_space<hbm>> -> memref<1x1x64xf32, #tpu.memory_space<hbm>>
        %dma_wait3A_275 = tpu.memref_squeeze %dma_wait3A_274 : memref<1x1x64xf32, #tpu.memory_space<hbm>> -> memref<64xf32, #tpu.memory_space<hbm>>
        tpu.wait_dma2 semaphore(%arg34 : memref<!tpu.dma_semaphore, #tpu.memory_space<semaphore_mem>>) src(%dma_wait3A_275 : memref<64xf32, #tpu.memory_space<hbm>>) dst(%arg22 : memref<64xf32, #tpu.memory_space<vmem>>)
        %dma_start3A_276 = arith.constant 0 : i32
        %dma_start3A_277 = arith.constant 0 : i32
        %dma_start3A_278 = tpu.memref_slice %arg2[%dma_start3A_276, %dma_start3A_277] : memref<10000x128xf32, #tpu.memory_space<hbm>> -> memref<10000x128xf32, #tpu.memory_space<hbm>>
        tpu.enqueue_indirect_dma source(%dma_start3A_278 : memref<10000x128xf32, #tpu.memory_space<hbm>>) target(%arg10 : memref<64x128xf32, #tpu.memory_space<vmem>>) offsets(%arg14 : memref<64xi32, #tpu.memory_space<vmem>>) semaphore(%arg26 : memref<!tpu.dma_semaphore, #tpu.memory_space<semaphore_mem>>)
      } else {
      }
      %dma_start3A_157 = arith.constant 0 : i32
      %dma_start3A_158 = arith.constant 0 : i32
      %dma_start3A_159 = tpu.memref_slice %arg7[%dma_start3A_157, %dma_start3A_158] : memref<10240x128xf32, #tpu.memory_space<vmem_shared>> -> memref<10240x128xf32, #tpu.memory_space<vmem_shared>>
      tpu.enqueue_indirect_dma source(%arg8 : memref<64x128xf32, #tpu.memory_space<vmem>>) target(%dma_start3A_159 : memref<10240x128xf32, #tpu.memory_space<vmem_shared>>) offsets(%arg16 : memref<64xi32, #tpu.memory_space<vmem>>) semaphore(%arg28 : memref<!tpu.dma_semaphore, #tpu.memory_space<semaphore_mem>>) {add = true}
      %add3A_160 = arith.constant 1 : i32
      %add3A_161 = arith.addi %add3A_131, %add3A_160 : i32
      %dma_wait3A_162 = arith.constant 0 : i32
      %dma_wait3A_163 = arith.constant 0 : i32
      %dma_wait3A_164 = tpu.memref_slice %arg2[%dma_wait3A_162, %dma_wait3A_163] : memref<10000x128xf32, #tpu.memory_space<hbm>> -> memref<10000x128xf32, #tpu.memory_space<hbm>>
      tpu.wait_indirect_dma semaphore(%arg25 : memref<!tpu.dma_semaphore, #tpu.memory_space<semaphore_mem>>) src(%dma_wait3A_164 : memref<10000x128xf32, #tpu.memory_space<hbm>>) dst(%arg9 : memref<64x128xf32, #tpu.memory_space<vmem>>)
      %ge3A_165 = arith.constant 2 : i32
      %ge3A_166 = arith.cmpi sge, %add3A_161, %ge3A_165 : i32
      %convert_element_type3A_167 = arith.extui %ge3A_166 : i1 to i32
      %cond3A_168 = arith.constant 0 : i32
      %cond3A_169 = arith.cmpi ne, %convert_element_type3A_167, %cond3A_168 : i32
      scf.if %cond3A_169 {
        %dma_wait3A_256 = arith.constant 0 : i32
        %dma_wait3A_257 = arith.constant 0 : i32
        %dma_wait3A_258 = tpu.memref_slice %arg7[%dma_wait3A_256, %dma_wait3A_257] : memref<10240x128xf32, #tpu.memory_space<vmem_shared>> -> memref<10240x128xf32, #tpu.memory_space<vmem_shared>>
        tpu.wait_indirect_dma semaphore(%arg31 : memref<!tpu.dma_semaphore, #tpu.memory_space<semaphore_mem>>) src(%arg11 : memref<64x128xf32, #tpu.memory_space<vmem>>) dst(%dma_wait3A_258 : memref<10240x128xf32, #tpu.memory_space<vmem_shared>>)
      } else {
      }
      %add3A_170 = arith.constant 2 : i32
      %add3A_171 = arith.addi %add3A_161, %add3A_170 : i32
      %lt3A_172 = arith.constant 160 : i32
      %lt3A_173 = arith.cmpi slt, %add3A_171, %lt3A_172 : i32
      %convert_element_type3A_174 = arith.extui %lt3A_173 : i1 to i32
      %cond3A_175 = arith.constant 0 : i32
      %cond3A_176 = arith.cmpi ne, %convert_element_type3A_174, %cond3A_175 : i32
      scf.if %cond3A_176 {
        %add3A_256 = arith.constant 2 : i32
        %add3A_257 = arith.addi %add3A_161, %add3A_256 : i32
        %dma_start3A_258 = arith.constant 0 : i32
        %dma_start3A_259 = tpu.memref_slice %arg3[%add3A, %add3A_257, %dma_start3A_258] : memref<32x160x64xi32, #tpu.memory_space<hbm>> -> memref<1x1x64xi32, #tpu.memory_space<hbm>>
        %dma_start3A_260 = tpu.memref_squeeze %dma_start3A_259 : memref<1x1x64xi32, #tpu.memory_space<hbm>> -> memref<64xi32, #tpu.memory_space<hbm>>
        %dma_start3A_261 = arith.constant 0 : i32
        %dma_start3A_262 = tpu.memref_slice %arg3[%add3A, %add3A_257, %dma_start3A_261] : memref<32x160x64xi32, #tpu.memory_space<hbm>> -> memref<1x1x64xi32, #tpu.memory_space<hbm>>
        %dma_start3A_263 = tpu.memref_squeeze %dma_start3A_262 : memref<1x1x64xi32, #tpu.memory_space<hbm>> -> memref<64xi32, #tpu.memory_space<hbm>>
        tpu.enqueue_dma source(%dma_start3A_263 : memref<64xi32, #tpu.memory_space<hbm>>) target(%arg15 : memref<64xi32, #tpu.memory_space<vmem>>) target_semaphore(%arg35 : memref<!tpu.dma_semaphore, #tpu.memory_space<semaphore_mem>>)
        %dma_start3A_264 = arith.constant 0 : i32
        %dma_start3A_265 = tpu.memref_slice %arg4[%add3A, %add3A_257, %dma_start3A_264] : memref<32x160x64xi32, #tpu.memory_space<hbm>> -> memref<1x1x64xi32, #tpu.memory_space<hbm>>
        %dma_start3A_266 = tpu.memref_squeeze %dma_start3A_265 : memref<1x1x64xi32, #tpu.memory_space<hbm>> -> memref<64xi32, #tpu.memory_space<hbm>>
        %dma_start3A_267 = arith.constant 0 : i32
        %dma_start3A_268 = tpu.memref_slice %arg4[%add3A, %add3A_257, %dma_start3A_267] : memref<32x160x64xi32, #tpu.memory_space<hbm>> -> memref<1x1x64xi32, #tpu.memory_space<hbm>>
        %dma_start3A_269 = tpu.memref_squeeze %dma_start3A_268 : memref<1x1x64xi32, #tpu.memory_space<hbm>> -> memref<64xi32, #tpu.memory_space<hbm>>
        tpu.enqueue_dma source(%dma_start3A_269 : memref<64xi32, #tpu.memory_space<hbm>>) target(%arg19 : memref<64xi32, #tpu.memory_space<vmem>>) target_semaphore(%arg35 : memref<!tpu.dma_semaphore, #tpu.memory_space<semaphore_mem>>)
        %dma_start3A_270 = arith.constant 0 : i32
        %dma_start3A_271 = tpu.memref_slice %arg5[%add3A, %add3A_257, %dma_start3A_270] : memref<32x160x64xf32, #tpu.memory_space<hbm>> -> memref<1x1x64xf32, #tpu.memory_space<hbm>>
        %dma_start3A_272 = tpu.memref_squeeze %dma_start3A_271 : memref<1x1x64xf32, #tpu.memory_space<hbm>> -> memref<64xf32, #tpu.memory_space<hbm>>
        %dma_start3A_273 = arith.constant 0 : i32
        %dma_start3A_274 = tpu.memref_slice %arg5[%add3A, %add3A_257, %dma_start3A_273] : memref<32x160x64xf32, #tpu.memory_space<hbm>> -> memref<1x1x64xf32, #tpu.memory_space<hbm>>
        %dma_start3A_275 = tpu.memref_squeeze %dma_start3A_274 : memref<1x1x64xf32, #tpu.memory_space<hbm>> -> memref<64xf32, #tpu.memory_space<hbm>>
        tpu.enqueue_dma source(%dma_start3A_275 : memref<64xf32, #tpu.memory_space<hbm>>) target(%arg23 : memref<64xf32, #tpu.memory_space<vmem>>) target_semaphore(%arg35 : memref<!tpu.dma_semaphore, #tpu.memory_space<semaphore_mem>>)
      } else {
      }
      %scan3A_177 = arith.constant 0 : i32
      %scan3A_178 = arith.constant 64 : i32
      %scan3A_179 = arith.addi %scan3A_177, %scan3A_178 : i32
      %scan3A_180 = arith.constant 1 : i32
      scf.for %scan3A_256 = %scan3A_177 to %scan3A_179 step %scan3A_180  : i32 {
        %mul3A_257 = arith.constant 1 : i32
        %mul3A_258 = arith.muli %scan3A_256, %mul3A_257 : i32
        %add3A_259 = arith.constant 0 : i32
        %add3A_260 = arith.addi %add3A_259, %mul3A_258 : i32
        %broadcast_in_dim3A = vector.broadcast %add3A_260 : i32 to vector<16xi32>
        %gather3A = tpu.vector_load_idx %arg21[%broadcast_in_dim3A] : memref<64xf32, #tpu.memory_space<vmem>>[vector<16xi32>], vector<16xf32>,
        %get3A = arith.index_cast %add3A_260 : i32 to index
        %get3A_261 = arith.constant 0 : index
        %get3A_262 = tpu.vector_load %arg9[%get3A, %get3A_261] {strides = array<i32>} : memref<64x128xf32, #tpu.memory_space<vmem>>, vector<16xf32>,
        %mul3A_263 = arith.mulf %get3A_262, %gather3A : vector<16xf32>
        %swap3A = arith.index_cast %add3A_260 : i32 to index
        %swap3A_264 = arith.constant 0 : index
        %swap3A_265 = tpu.vector_load %arg9[%swap3A, %swap3A_264] {strides = array<i32>} : memref<64x128xf32, #tpu.memory_space<vmem>>, vector<16xf32>,
        tpu.vector_store %arg9[%swap3A, %swap3A_264], %mul3A_263 {strides = array<i32>} : memref<64x128xf32, #tpu.memory_space<vmem>>, vector<16xf32>,
        %get3A_266 = arith.index_cast %add3A_260 : i32 to index
        %get3A_267 = arith.constant 16 : index
        %get3A_268 = tpu.vector_load %arg9[%get3A_266, %get3A_267] {strides = array<i32>} : memref<64x128xf32, #tpu.memory_space<vmem>>, vector<16xf32>,
        %mul3A_269 = arith.mulf %get3A_268, %gather3A : vector<16xf32>
        %swap3A_270 = arith.index_cast %add3A_260 : i32 to index
        %swap3A_271 = arith.constant 16 : index
        %swap3A_272 = tpu.vector_load %arg9[%swap3A_270, %swap3A_271] {strides = array<i32>} : memref<64x128xf32, #tpu.memory_space<vmem>>, vector<16xf32>,
        tpu.vector_store %arg9[%swap3A_270, %swap3A_271], %mul3A_269 {strides = array<i32>} : memref<64x128xf32, #tpu.memory_space<vmem>>, vector<16xf32>,
        %get3A_273 = arith.index_cast %add3A_260 : i32 to index
        %get3A_274 = arith.constant 32 : index
        %get3A_275 = tpu.vector_load %arg9[%get3A_273, %get3A_274] {strides = array<i32>} : memref<64x128xf32, #tpu.memory_space<vmem>>, vector<16xf32>,
        %mul3A_276 = arith.mulf %get3A_275, %gather3A : vector<16xf32>
        %swap3A_277 = arith.index_cast %add3A_260 : i32 to index
        %swap3A_278 = arith.constant 32 : index
        %swap3A_279 = tpu.vector_load %arg9[%swap3A_277, %swap3A_278] {strides = array<i32>} : memref<64x128xf32, #tpu.memory_space<vmem>>, vector<16xf32>,
        tpu.vector_store %arg9[%swap3A_277, %swap3A_278], %mul3A_276 {strides = array<i32>} : memref<64x128xf32, #tpu.memory_space<vmem>>, vector<16xf32>,
        %get3A_280 = arith.index_cast %add3A_260 : i32 to index
        %get3A_281 = arith.constant 48 : index
        %get3A_282 = tpu.vector_load %arg9[%get3A_280, %get3A_281] {strides = array<i32>} : memref<64x128xf32, #tpu.memory_space<vmem>>, vector<16xf32>,
        %mul3A_283 = arith.mulf %get3A_282, %gather3A : vector<16xf32>
        %swap3A_284 = arith.index_cast %add3A_260 : i32 to index
        %swap3A_285 = arith.constant 48 : index
        %swap3A_286 = tpu.vector_load %arg9[%swap3A_284, %swap3A_285] {strides = array<i32>} : memref<64x128xf32, #tpu.memory_space<vmem>>, vector<16xf32>,
        tpu.vector_store %arg9[%swap3A_284, %swap3A_285], %mul3A_283 {strides = array<i32>} : memref<64x128xf32, #tpu.memory_space<vmem>>, vector<16xf32>,
        %get3A_287 = arith.index_cast %add3A_260 : i32 to index
        %get3A_288 = arith.constant 64 : index
        %get3A_289 = tpu.vector_load %arg9[%get3A_287, %get3A_288] {strides = array<i32>} : memref<64x128xf32, #tpu.memory_space<vmem>>, vector<16xf32>,
        %mul3A_290 = arith.mulf %get3A_289, %gather3A : vector<16xf32>
        %swap3A_291 = arith.index_cast %add3A_260 : i32 to index
        %swap3A_292 = arith.constant 64 : index
        %swap3A_293 = tpu.vector_load %arg9[%swap3A_291, %swap3A_292] {strides = array<i32>} : memref<64x128xf32, #tpu.memory_space<vmem>>, vector<16xf32>,
        tpu.vector_store %arg9[%swap3A_291, %swap3A_292], %mul3A_290 {strides = array<i32>} : memref<64x128xf32, #tpu.memory_space<vmem>>, vector<16xf32>,
        %get3A_294 = arith.index_cast %add3A_260 : i32 to index
        %get3A_295 = arith.constant 80 : index
        %get3A_296 = tpu.vector_load %arg9[%get3A_294, %get3A_295] {strides = array<i32>} : memref<64x128xf32, #tpu.memory_space<vmem>>, vector<16xf32>,
        %mul3A_297 = arith.mulf %get3A_296, %gather3A : vector<16xf32>
        %swap3A_298 = arith.index_cast %add3A_260 : i32 to index
        %swap3A_299 = arith.constant 80 : index
        %swap3A_300 = tpu.vector_load %arg9[%swap3A_298, %swap3A_299] {strides = array<i32>} : memref<64x128xf32, #tpu.memory_space<vmem>>, vector<16xf32>,
        tpu.vector_store %arg9[%swap3A_298, %swap3A_299], %mul3A_297 {strides = array<i32>} : memref<64x128xf32, #tpu.memory_space<vmem>>, vector<16xf32>,
        %get3A_301 = arith.index_cast %add3A_260 : i32 to index
        %get3A_302 = arith.constant 96 : index
        %get3A_303 = tpu.vector_load %arg9[%get3A_301, %get3A_302] {strides = array<i32>} : memref<64x128xf32, #tpu.memory_space<vmem>>, vector<16xf32>,
        %mul3A_304 = arith.mulf %get3A_303, %gather3A : vector<16xf32>
        %swap3A_305 = arith.index_cast %add3A_260 : i32 to index
        %swap3A_306 = arith.constant 96 : index
        %swap3A_307 = tpu.vector_load %arg9[%swap3A_305, %swap3A_306] {strides = array<i32>} : memref<64x128xf32, #tpu.memory_space<vmem>>, vector<16xf32>,
        tpu.vector_store %arg9[%swap3A_305, %swap3A_306], %mul3A_304 {strides = array<i32>} : memref<64x128xf32, #tpu.memory_space<vmem>>, vector<16xf32>,
        %get3A_308 = arith.index_cast %add3A_260 : i32 to index
        %get3A_309 = arith.constant 112 : index
        %get3A_310 = tpu.vector_load %arg9[%get3A_308, %get3A_309] {strides = array<i32>} : memref<64x128xf32, #tpu.memory_space<vmem>>, vector<16xf32>,
        %mul3A_311 = arith.mulf %get3A_310, %gather3A : vector<16xf32>
        %swap3A_312 = arith.index_cast %add3A_260 : i32 to index
        %swap3A_313 = arith.constant 112 : index
        %swap3A_314 = tpu.vector_load %arg9[%swap3A_312, %swap3A_313] {strides = array<i32>} : memref<64x128xf32, #tpu.memory_space<vmem>>, vector<16xf32>,
        tpu.vector_store %arg9[%swap3A_312, %swap3A_313], %mul3A_311 {strides = array<i32>} : memref<64x128xf32, #tpu.memory_space<vmem>>, vector<16xf32>,
      }
      %scan3A_181 = arith.constant 64 : i32
      %add3A_182 = arith.constant 2 : i32
      %add3A_183 = arith.addi %add3A_161, %add3A_182 : i32
      %lt3A_184 = arith.constant 160 : i32
      %lt3A_185 = arith.cmpi slt, %add3A_183, %lt3A_184 : i32
      %convert_element_type3A_186 = arith.extui %lt3A_185 : i1 to i32
      %cond3A_187 = arith.constant 0 : i32
      %cond3A_188 = arith.cmpi ne, %convert_element_type3A_186, %cond3A_187 : i32
      scf.if %cond3A_188 {
        %add3A_256 = arith.constant 2 : i32
        %add3A_257 = arith.addi %add3A_161, %add3A_256 : i32
        %dma_wait3A_258 = arith.constant 0 : i32
        %dma_wait3A_259 = tpu.memref_slice %arg3[%add3A, %add3A_257, %dma_wait3A_258] : memref<32x160x64xi32, #tpu.memory_space<hbm>> -> memref<1x1x64xi32, #tpu.memory_space<hbm>>
        %dma_wait3A_260 = tpu.memref_squeeze %dma_wait3A_259 : memref<1x1x64xi32, #tpu.memory_space<hbm>> -> memref<64xi32, #tpu.memory_space<hbm>>
        %dma_wait3A_261 = arith.constant 0 : i32
        %dma_wait3A_262 = tpu.memref_slice %arg3[%add3A, %add3A_257, %dma_wait3A_261] : memref<32x160x64xi32, #tpu.memory_space<hbm>> -> memref<1x1x64xi32, #tpu.memory_space<hbm>>
        %dma_wait3A_263 = tpu.memref_squeeze %dma_wait3A_262 : memref<1x1x64xi32, #tpu.memory_space<hbm>> -> memref<64xi32, #tpu.memory_space<hbm>>
        tpu.wait_dma2 semaphore(%arg35 : memref<!tpu.dma_semaphore, #tpu.memory_space<semaphore_mem>>) src(%dma_wait3A_263 : memref<64xi32, #tpu.memory_space<hbm>>) dst(%arg15 : memref<64xi32, #tpu.memory_space<vmem>>)
        %dma_wait3A_264 = arith.constant 0 : i32
        %dma_wait3A_265 = tpu.memref_slice %arg4[%add3A, %add3A_257, %dma_wait3A_264] : memref<32x160x64xi32, #tpu.memory_space<hbm>> -> memref<1x1x64xi32, #tpu.memory_space<hbm>>
        %dma_wait3A_266 = tpu.memref_squeeze %dma_wait3A_265 : memref<1x1x64xi32, #tpu.memory_space<hbm>> -> memref<64xi32, #tpu.memory_space<hbm>>
        %dma_wait3A_267 = arith.constant 0 : i32
        %dma_wait3A_268 = tpu.memref_slice %arg4[%add3A, %add3A_257, %dma_wait3A_267] : memref<32x160x64xi32, #tpu.memory_space<hbm>> -> memref<1x1x64xi32, #tpu.memory_space<hbm>>
        %dma_wait3A_269 = tpu.memref_squeeze %dma_wait3A_268 : memref<1x1x64xi32, #tpu.memory_space<hbm>> -> memref<64xi32, #tpu.memory_space<hbm>>
        tpu.wait_dma2 semaphore(%arg35 : memref<!tpu.dma_semaphore, #tpu.memory_space<semaphore_mem>>) src(%dma_wait3A_269 : memref<64xi32, #tpu.memory_space<hbm>>) dst(%arg19 : memref<64xi32, #tpu.memory_space<vmem>>)
        %dma_wait3A_270 = arith.constant 0 : i32
        %dma_wait3A_271 = tpu.memref_slice %arg5[%add3A, %add3A_257, %dma_wait3A_270] : memref<32x160x64xf32, #tpu.memory_space<hbm>> -> memref<1x1x64xf32, #tpu.memory_space<hbm>>
        %dma_wait3A_272 = tpu.memref_squeeze %dma_wait3A_271 : memref<1x1x64xf32, #tpu.memory_space<hbm>> -> memref<64xf32, #tpu.memory_space<hbm>>
        %dma_wait3A_273 = arith.constant 0 : i32
        %dma_wait3A_274 = tpu.memref_slice %arg5[%add3A, %add3A_257, %dma_wait3A_273] : memref<32x160x64xf32, #tpu.memory_space<hbm>> -> memref<1x1x64xf32, #tpu.memory_space<hbm>>
        %dma_wait3A_275 = tpu.memref_squeeze %dma_wait3A_274 : memref<1x1x64xf32, #tpu.memory_space<hbm>> -> memref<64xf32, #tpu.memory_space<hbm>>
        tpu.wait_dma2 semaphore(%arg35 : memref<!tpu.dma_semaphore, #tpu.memory_space<semaphore_mem>>) src(%dma_wait3A_275 : memref<64xf32, #tpu.memory_space<hbm>>) dst(%arg23 : memref<64xf32, #tpu.memory_space<vmem>>)
        %dma_start3A_276 = arith.constant 0 : i32
        %dma_start3A_277 = arith.constant 0 : i32
        %dma_start3A_278 = tpu.memref_slice %arg2[%dma_start3A_276, %dma_start3A_277] : memref<10000x128xf32, #tpu.memory_space<hbm>> -> memref<10000x128xf32, #tpu.memory_space<hbm>>
        tpu.enqueue_indirect_dma source(%dma_start3A_278 : memref<10000x128xf32, #tpu.memory_space<hbm>>) target(%arg11 : memref<64x128xf32, #tpu.memory_space<vmem>>) offsets(%arg15 : memref<64xi32, #tpu.memory_space<vmem>>) semaphore(%arg27 : memref<!tpu.dma_semaphore, #tpu.memory_space<semaphore_mem>>)
      } else {
      }
      %dma_start3A_189 = arith.constant 0 : i32
      %dma_start3A_190 = arith.constant 0 : i32
      %dma_start3A_191 = tpu.memref_slice %arg7[%dma_start3A_189, %dma_start3A_190] : memref<10240x128xf32, #tpu.memory_space<vmem_shared>> -> memref<10240x128xf32, #tpu.memory_space<vmem_shared>>
      tpu.enqueue_indirect_dma source(%arg9 : memref<64x128xf32, #tpu.memory_space<vmem>>) target(%dma_start3A_191 : memref<10240x128xf32, #tpu.memory_space<vmem_shared>>) offsets(%arg17 : memref<64xi32, #tpu.memory_space<vmem>>) semaphore(%arg29 : memref<!tpu.dma_semaphore, #tpu.memory_space<semaphore_mem>>) {add = true}
      %add3A_192 = arith.constant 2 : i32
      %add3A_193 = arith.addi %add3A_131, %add3A_192 : i32
      %dma_wait3A_194 = arith.constant 0 : i32
      %dma_wait3A_195 = arith.constant 0 : i32
      %dma_wait3A_196 = tpu.memref_slice %arg2[%dma_wait3A_194, %dma_wait3A_195] : memref<10000x128xf32, #tpu.memory_space<hbm>> -> memref<10000x128xf32, #tpu.memory_space<hbm>>
      tpu.wait_indirect_dma semaphore(%arg26 : memref<!tpu.dma_semaphore, #tpu.memory_space<semaphore_mem>>) src(%dma_wait3A_196 : memref<10000x128xf32, #tpu.memory_space<hbm>>) dst(%arg10 : memref<64x128xf32, #tpu.memory_space<vmem>>)
      %ge3A_197 = arith.constant 2 : i32
      %ge3A_198 = arith.cmpi sge, %add3A_193, %ge3A_197 : i32
      %convert_element_type3A_199 = arith.extui %ge3A_198 : i1 to i32
      %cond3A_200 = arith.constant 0 : i32
      %cond3A_201 = arith.cmpi ne, %convert_element_type3A_199, %cond3A_200 : i32
      scf.if %cond3A_201 {
        %dma_wait3A_256 = arith.constant 0 : i32
        %dma_wait3A_257 = arith.constant 0 : i32
        %dma_wait3A_258 = tpu.memref_slice %arg7[%dma_wait3A_256, %dma_wait3A_257] : memref<10240x128xf32, #tpu.memory_space<vmem_shared>> -> memref<10240x128xf32, #tpu.memory_space<vmem_shared>>
        tpu.wait_indirect_dma semaphore(%arg28 : memref<!tpu.dma_semaphore, #tpu.memory_space<semaphore_mem>>) src(%arg8 : memref<64x128xf32, #tpu.memory_space<vmem>>) dst(%dma_wait3A_258 : memref<10240x128xf32, #tpu.memory_space<vmem_shared>>)
      } else {
      }
      %add3A_202 = arith.constant 2 : i32
      %add3A_203 = arith.addi %add3A_193, %add3A_202 : i32
      %lt3A_204 = arith.constant 160 : i32
      %lt3A_205 = arith.cmpi slt, %add3A_203, %lt3A_204 : i32
      %convert_element_type3A_206 = arith.extui %lt3A_205 : i1 to i32
      %cond3A_207 = arith.constant 0 : i32
      %cond3A_208 = arith.cmpi ne, %convert_element_type3A_206, %cond3A_207 : i32
      scf.if %cond3A_208 {
        %add3A_256 = arith.constant 2 : i32
        %add3A_257 = arith.addi %add3A_193, %add3A_256 : i32
        %dma_start3A_258 = arith.constant 0 : i32
        %dma_start3A_259 = tpu.memref_slice %arg3[%add3A, %add3A_257, %dma_start3A_258] : memref<32x160x64xi32, #tpu.memory_space<hbm>> -> memref<1x1x64xi32, #tpu.memory_space<hbm>>
        %dma_start3A_260 = tpu.memref_squeeze %dma_start3A_259 : memref<1x1x64xi32, #tpu.memory_space<hbm>> -> memref<64xi32, #tpu.memory_space<hbm>>
        %dma_start3A_261 = arith.constant 0 : i32
        %dma_start3A_262 = tpu.memref_slice %arg3[%add3A, %add3A_257, %dma_start3A_261] : memref<32x160x64xi32, #tpu.memory_space<hbm>> -> memref<1x1x64xi32, #tpu.memory_space<hbm>>
        %dma_start3A_263 = tpu.memref_squeeze %dma_start3A_262 : memref<1x1x64xi32, #tpu.memory_space<hbm>> -> memref<64xi32, #tpu.memory_space<hbm>>
        tpu.enqueue_dma source(%dma_start3A_263 : memref<64xi32, #tpu.memory_space<hbm>>) target(%arg12 : memref<64xi32, #tpu.memory_space<vmem>>) target_semaphore(%arg32 : memref<!tpu.dma_semaphore, #tpu.memory_space<semaphore_mem>>)
        %dma_start3A_264 = arith.constant 0 : i32
        %dma_start3A_265 = tpu.memref_slice %arg4[%add3A, %add3A_257, %dma_start3A_264] : memref<32x160x64xi32, #tpu.memory_space<hbm>> -> memref<1x1x64xi32, #tpu.memory_space<hbm>>
        %dma_start3A_266 = tpu.memref_squeeze %dma_start3A_265 : memref<1x1x64xi32, #tpu.memory_space<hbm>> -> memref<64xi32, #tpu.memory_space<hbm>>
        %dma_start3A_267 = arith.constant 0 : i32
        %dma_start3A_268 = tpu.memref_slice %arg4[%add3A, %add3A_257, %dma_start3A_267] : memref<32x160x64xi32, #tpu.memory_space<hbm>> -> memref<1x1x64xi32, #tpu.memory_space<hbm>>
        %dma_start3A_269 = tpu.memref_squeeze %dma_start3A_268 : memref<1x1x64xi32, #tpu.memory_space<hbm>> -> memref<64xi32, #tpu.memory_space<hbm>>
        tpu.enqueue_dma source(%dma_start3A_269 : memref<64xi32, #tpu.memory_space<hbm>>) target(%arg16 : memref<64xi32, #tpu.memory_space<vmem>>) target_semaphore(%arg32 : memref<!tpu.dma_semaphore, #tpu.memory_space<semaphore_mem>>)
        %dma_start3A_270 = arith.constant 0 : i32
        %dma_start3A_271 = tpu.memref_slice %arg5[%add3A, %add3A_257, %dma_start3A_270] : memref<32x160x64xf32, #tpu.memory_space<hbm>> -> memref<1x1x64xf32, #tpu.memory_space<hbm>>
        %dma_start3A_272 = tpu.memref_squeeze %dma_start3A_271 : memref<1x1x64xf32, #tpu.memory_space<hbm>> -> memref<64xf32, #tpu.memory_space<hbm>>
        %dma_start3A_273 = arith.constant 0 : i32
        %dma_start3A_274 = tpu.memref_slice %arg5[%add3A, %add3A_257, %dma_start3A_273] : memref<32x160x64xf32, #tpu.memory_space<hbm>> -> memref<1x1x64xf32, #tpu.memory_space<hbm>>
        %dma_start3A_275 = tpu.memref_squeeze %dma_start3A_274 : memref<1x1x64xf32, #tpu.memory_space<hbm>> -> memref<64xf32, #tpu.memory_space<hbm>>
        tpu.enqueue_dma source(%dma_start3A_275 : memref<64xf32, #tpu.memory_space<hbm>>) target(%arg20 : memref<64xf32, #tpu.memory_space<vmem>>) target_semaphore(%arg32 : memref<!tpu.dma_semaphore, #tpu.memory_space<semaphore_mem>>)
      } else {
      }
      %scan3A_209 = arith.constant 0 : i32
      %scan3A_210 = arith.constant 64 : i32
      %scan3A_211 = arith.addi %scan3A_209, %scan3A_210 : i32
      %scan3A_212 = arith.constant 1 : i32
      scf.for %scan3A_256 = %scan3A_209 to %scan3A_211 step %scan3A_212  : i32 {
        %mul3A_257 = arith.constant 1 : i32
        %mul3A_258 = arith.muli %scan3A_256, %mul3A_257 : i32
        %add3A_259 = arith.constant 0 : i32
        %add3A_260 = arith.addi %add3A_259, %mul3A_258 : i32
        %broadcast_in_dim3A = vector.broadcast %add3A_260 : i32 to vector<16xi32>
        %gather3A = tpu.vector_load_idx %arg22[%broadcast_in_dim3A] : memref<64xf32, #tpu.memory_space<vmem>>[vector<16xi32>], vector<16xf32>,
        %get3A = arith.index_cast %add3A_260 : i32 to index
        %get3A_261 = arith.constant 0 : index
        %get3A_262 = tpu.vector_load %arg10[%get3A, %get3A_261] {strides = array<i32>} : memref<64x128xf32, #tpu.memory_space<vmem>>, vector<16xf32>,
        %mul3A_263 = arith.mulf %get3A_262, %gather3A : vector<16xf32>
        %swap3A = arith.index_cast %add3A_260 : i32 to index
        %swap3A_264 = arith.constant 0 : index
        %swap3A_265 = tpu.vector_load %arg10[%swap3A, %swap3A_264] {strides = array<i32>} : memref<64x128xf32, #tpu.memory_space<vmem>>, vector<16xf32>,
        tpu.vector_store %arg10[%swap3A, %swap3A_264], %mul3A_263 {strides = array<i32>} : memref<64x128xf32, #tpu.memory_space<vmem>>, vector<16xf32>,
        %get3A_266 = arith.index_cast %add3A_260 : i32 to index
        %get3A_267 = arith.constant 16 : index
        %get3A_268 = tpu.vector_load %arg10[%get3A_266, %get3A_267] {strides = array<i32>} : memref<64x128xf32, #tpu.memory_space<vmem>>, vector<16xf32>,
        %mul3A_269 = arith.mulf %get3A_268, %gather3A : vector<16xf32>
        %swap3A_270 = arith.index_cast %add3A_260 : i32 to index
        %swap3A_271 = arith.constant 16 : index
        %swap3A_272 = tpu.vector_load %arg10[%swap3A_270, %swap3A_271] {strides = array<i32>} : memref<64x128xf32, #tpu.memory_space<vmem>>, vector<16xf32>,
        tpu.vector_store %arg10[%swap3A_270, %swap3A_271], %mul3A_269 {strides = array<i32>} : memref<64x128xf32, #tpu.memory_space<vmem>>, vector<16xf32>,
        %get3A_273 = arith.index_cast %add3A_260 : i32 to index
        %get3A_274 = arith.constant 32 : index
        %get3A_275 = tpu.vector_load %arg10[%get3A_273, %get3A_274] {strides = array<i32>} : memref<64x128xf32, #tpu.memory_space<vmem>>, vector<16xf32>,
        %mul3A_276 = arith.mulf %get3A_275, %gather3A : vector<16xf32>
        %swap3A_277 = arith.index_cast %add3A_260 : i32 to index
        %swap3A_278 = arith.constant 32 : index
        %swap3A_279 = tpu.vector_load %arg10[%swap3A_277, %swap3A_278] {strides = array<i32>} : memref<64x128xf32, #tpu.memory_space<vmem>>, vector<16xf32>,
        tpu.vector_store %arg10[%swap3A_277, %swap3A_278], %mul3A_276 {strides = array<i32>} : memref<64x128xf32, #tpu.memory_space<vmem>>, vector<16xf32>,
        %get3A_280 = arith.index_cast %add3A_260 : i32 to index
        %get3A_281 = arith.constant 48 : index
        %get3A_282 = tpu.vector_load %arg10[%get3A_280, %get3A_281] {strides = array<i32>} : memref<64x128xf32, #tpu.memory_space<vmem>>, vector<16xf32>,
        %mul3A_283 = arith.mulf %get3A_282, %gather3A : vector<16xf32>
        %swap3A_284 = arith.index_cast %add3A_260 : i32 to index
        %swap3A_285 = arith.constant 48 : index
        %swap3A_286 = tpu.vector_load %arg10[%swap3A_284, %swap3A_285] {strides = array<i32>} : memref<64x128xf32, #tpu.memory_space<vmem>>, vector<16xf32>,
        tpu.vector_store %arg10[%swap3A_284, %swap3A_285], %mul3A_283 {strides = array<i32>} : memref<64x128xf32, #tpu.memory_space<vmem>>, vector<16xf32>,
        %get3A_287 = arith.index_cast %add3A_260 : i32 to index
        %get3A_288 = arith.constant 64 : index
        %get3A_289 = tpu.vector_load %arg10[%get3A_287, %get3A_288] {strides = array<i32>} : memref<64x128xf32, #tpu.memory_space<vmem>>, vector<16xf32>,
        %mul3A_290 = arith.mulf %get3A_289, %gather3A : vector<16xf32>
        %swap3A_291 = arith.index_cast %add3A_260 : i32 to index
        %swap3A_292 = arith.constant 64 : index
        %swap3A_293 = tpu.vector_load %arg10[%swap3A_291, %swap3A_292] {strides = array<i32>} : memref<64x128xf32, #tpu.memory_space<vmem>>, vector<16xf32>,
        tpu.vector_store %arg10[%swap3A_291, %swap3A_292], %mul3A_290 {strides = array<i32>} : memref<64x128xf32, #tpu.memory_space<vmem>>, vector<16xf32>,
        %get3A_294 = arith.index_cast %add3A_260 : i32 to index
        %get3A_295 = arith.constant 80 : index
        %get3A_296 = tpu.vector_load %arg10[%get3A_294, %get3A_295] {strides = array<i32>} : memref<64x128xf32, #tpu.memory_space<vmem>>, vector<16xf32>,
        %mul3A_297 = arith.mulf %get3A_296, %gather3A : vector<16xf32>
        %swap3A_298 = arith.index_cast %add3A_260 : i32 to index
        %swap3A_299 = arith.constant 80 : index
        %swap3A_300 = tpu.vector_load %arg10[%swap3A_298, %swap3A_299] {strides = array<i32>} : memref<64x128xf32, #tpu.memory_space<vmem>>, vector<16xf32>,
        tpu.vector_store %arg10[%swap3A_298, %swap3A_299], %mul3A_297 {strides = array<i32>} : memref<64x128xf32, #tpu.memory_space<vmem>>, vector<16xf32>,
        %get3A_301 = arith.index_cast %add3A_260 : i32 to index
        %get3A_302 = arith.constant 96 : index
        %get3A_303 = tpu.vector_load %arg10[%get3A_301, %get3A_302] {strides = array<i32>} : memref<64x128xf32, #tpu.memory_space<vmem>>, vector<16xf32>,
        %mul3A_304 = arith.mulf %get3A_303, %gather3A : vector<16xf32>
        %swap3A_305 = arith.index_cast %add3A_260 : i32 to index
        %swap3A_306 = arith.constant 96 : index
        %swap3A_307 = tpu.vector_load %arg10[%swap3A_305, %swap3A_306] {strides = array<i32>} : memref<64x128xf32, #tpu.memory_space<vmem>>, vector<16xf32>,
        tpu.vector_store %arg10[%swap3A_305, %swap3A_306], %mul3A_304 {strides = array<i32>} : memref<64x128xf32, #tpu.memory_space<vmem>>, vector<16xf32>,
        %get3A_308 = arith.index_cast %add3A_260 : i32 to index
        %get3A_309 = arith.constant 112 : index
        %get3A_310 = tpu.vector_load %arg10[%get3A_308, %get3A_309] {strides = array<i32>} : memref<64x128xf32, #tpu.memory_space<vmem>>, vector<16xf32>,
        %mul3A_311 = arith.mulf %get3A_310, %gather3A : vector<16xf32>
        %swap3A_312 = arith.index_cast %add3A_260 : i32 to index
        %swap3A_313 = arith.constant 112 : index
        %swap3A_314 = tpu.vector_load %arg10[%swap3A_312, %swap3A_313] {strides = array<i32>} : memref<64x128xf32, #tpu.memory_space<vmem>>, vector<16xf32>,
        tpu.vector_store %arg10[%swap3A_312, %swap3A_313], %mul3A_311 {strides = array<i32>} : memref<64x128xf32, #tpu.memory_space<vmem>>, vector<16xf32>,
      }
      %scan3A_213 = arith.constant 64 : i32
      %add3A_214 = arith.constant 2 : i32
      %add3A_215 = arith.addi %add3A_193, %add3A_214 : i32
      %lt3A_216 = arith.constant 160 : i32
      %lt3A_217 = arith.cmpi slt, %add3A_215, %lt3A_216 : i32
      %convert_element_type3A_218 = arith.extui %lt3A_217 : i1 to i32
      %cond3A_219 = arith.constant 0 : i32
      %cond3A_220 = arith.cmpi ne, %convert_element_type3A_218, %cond3A_219 : i32
      scf.if %cond3A_220 {
        %add3A_256 = arith.constant 2 : i32
        %add3A_257 = arith.addi %add3A_193, %add3A_256 : i32
        %dma_wait3A_258 = arith.constant 0 : i32
        %dma_wait3A_259 = tpu.memref_slice %arg3[%add3A, %add3A_257, %dma_wait3A_258] : memref<32x160x64xi32, #tpu.memory_space<hbm>> -> memref<1x1x64xi32, #tpu.memory_space<hbm>>
        %dma_wait3A_260 = tpu.memref_squeeze %dma_wait3A_259 : memref<1x1x64xi32, #tpu.memory_space<hbm>> -> memref<64xi32, #tpu.memory_space<hbm>>
        %dma_wait3A_261 = arith.constant 0 : i32
        %dma_wait3A_262 = tpu.memref_slice %arg3[%add3A, %add3A_257, %dma_wait3A_261] : memref<32x160x64xi32, #tpu.memory_space<hbm>> -> memref<1x1x64xi32, #tpu.memory_space<hbm>>
        %dma_wait3A_263 = tpu.memref_squeeze %dma_wait3A_262 : memref<1x1x64xi32, #tpu.memory_space<hbm>> -> memref<64xi32, #tpu.memory_space<hbm>>
        tpu.wait_dma2 semaphore(%arg32 : memref<!tpu.dma_semaphore, #tpu.memory_space<semaphore_mem>>) src(%dma_wait3A_263 : memref<64xi32, #tpu.memory_space<hbm>>) dst(%arg12 : memref<64xi32, #tpu.memory_space<vmem>>)
        %dma_wait3A_264 = arith.constant 0 : i32
        %dma_wait3A_265 = tpu.memref_slice %arg4[%add3A, %add3A_257, %dma_wait3A_264] : memref<32x160x64xi32, #tpu.memory_space<hbm>> -> memref<1x1x64xi32, #tpu.memory_space<hbm>>
        %dma_wait3A_266 = tpu.memref_squeeze %dma_wait3A_265 : memref<1x1x64xi32, #tpu.memory_space<hbm>> -> memref<64xi32, #tpu.memory_space<hbm>>
        %dma_wait3A_267 = arith.constant 0 : i32
        %dma_wait3A_268 = tpu.memref_slice %arg4[%add3A, %add3A_257, %dma_wait3A_267] : memref<32x160x64xi32, #tpu.memory_space<hbm>> -> memref<1x1x64xi32, #tpu.memory_space<hbm>>
        %dma_wait3A_269 = tpu.memref_squeeze %dma_wait3A_268 : memref<1x1x64xi32, #tpu.memory_space<hbm>> -> memref<64xi32, #tpu.memory_space<hbm>>
        tpu.wait_dma2 semaphore(%arg32 : memref<!tpu.dma_semaphore, #tpu.memory_space<semaphore_mem>>) src(%dma_wait3A_269 : memref<64xi32, #tpu.memory_space<hbm>>) dst(%arg16 : memref<64xi32, #tpu.memory_space<vmem>>)
        %dma_wait3A_270 = arith.constant 0 : i32
        %dma_wait3A_271 = tpu.memref_slice %arg5[%add3A, %add3A_257, %dma_wait3A_270] : memref<32x160x64xf32, #tpu.memory_space<hbm>> -> memref<1x1x64xf32, #tpu.memory_space<hbm>>
        %dma_wait3A_272 = tpu.memref_squeeze %dma_wait3A_271 : memref<1x1x64xf32, #tpu.memory_space<hbm>> -> memref<64xf32, #tpu.memory_space<hbm>>
        %dma_wait3A_273 = arith.constant 0 : i32
        %dma_wait3A_274 = tpu.memref_slice %arg5[%add3A, %add3A_257, %dma_wait3A_273] : memref<32x160x64xf32, #tpu.memory_space<hbm>> -> memref<1x1x64xf32, #tpu.memory_space<hbm>>
        %dma_wait3A_275 = tpu.memref_squeeze %dma_wait3A_274 : memref<1x1x64xf32, #tpu.memory_space<hbm>> -> memref<64xf32, #tpu.memory_space<hbm>>
        tpu.wait_dma2 semaphore(%arg32 : memref<!tpu.dma_semaphore, #tpu.memory_space<semaphore_mem>>) src(%dma_wait3A_275 : memref<64xf32, #tpu.memory_space<hbm>>) dst(%arg20 : memref<64xf32, #tpu.memory_space<vmem>>)
        %dma_start3A_276 = arith.constant 0 : i32
        %dma_start3A_277 = arith.constant 0 : i32
        %dma_start3A_278 = tpu.memref_slice %arg2[%dma_start3A_276, %dma_start3A_277] : memref<10000x128xf32, #tpu.memory_space<hbm>> -> memref<10000x128xf32, #tpu.memory_space<hbm>>
        tpu.enqueue_indirect_dma source(%dma_start3A_278 : memref<10000x128xf32, #tpu.memory_space<hbm>>) target(%arg8 : memref<64x128xf32, #tpu.memory_space<vmem>>) offsets(%arg12 : memref<64xi32, #tpu.memory_space<vmem>>) semaphore(%arg24 : memref<!tpu.dma_semaphore, #tpu.memory_space<semaphore_mem>>)
      } else {
      }
      %dma_start3A_221 = arith.constant 0 : i32
      %dma_start3A_222 = arith.constant 0 : i32
      %dma_start3A_223 = tpu.memref_slice %arg7[%dma_start3A_221, %dma_start3A_222] : memref<10240x128xf32, #tpu.memory_space<vmem_shared>> -> memref<10240x128xf32, #tpu.memory_space<vmem_shared>>
      tpu.enqueue_indirect_dma source(%arg10 : memref<64x128xf32, #tpu.memory_space<vmem>>) target(%dma_start3A_223 : memref<10240x128xf32, #tpu.memory_space<vmem_shared>>) offsets(%arg18 : memref<64xi32, #tpu.memory_space<vmem>>) semaphore(%arg30 : memref<!tpu.dma_semaphore, #tpu.memory_space<semaphore_mem>>) {add = true}
      %add3A_224 = arith.constant 3 : i32
      %add3A_225 = arith.addi %add3A_131, %add3A_224 : i32
      %dma_wait3A_226 = arith.constant 0 : i32
      %dma_wait3A_227 = arith.constant 0 : i32
      %dma_wait3A_228 = tpu.memref_slice %arg2[%dma_wait3A_226, %dma_wait3A_227] : memref<10000x128xf32, #tpu.memory_space<hbm>> -> memref<10000x128xf32, #tpu.memory_space<hbm>>
      tpu.wait_indirect_dma semaphore(%arg27 : memref<!tpu.dma_semaphore, #tpu.memory_space<semaphore_mem>>) src(%dma_wait3A_228 : memref<10000x128xf32, #tpu.memory_space<hbm>>) dst(%arg11 : memref<64x128xf32, #tpu.memory_space<vmem>>)
      %ge3A_229 = arith.constant 2 : i32
      %ge3A_230 = arith.cmpi sge, %add3A_225, %ge3A_229 : i32
      %convert_element_type3A_231 = arith.extui %ge3A_230 : i1 to i32
      %cond3A_232 = arith.constant 0 : i32
      %cond3A_233 = arith.cmpi ne, %convert_element_type3A_231, %cond3A_232 : i32
      scf.if %cond3A_233 {
        %dma_wait3A_256 = arith.constant 0 : i32
        %dma_wait3A_257 = arith.constant 0 : i32
        %dma_wait3A_258 = tpu.memref_slice %arg7[%dma_wait3A_256, %dma_wait3A_257] : memref<10240x128xf32, #tpu.memory_space<vmem_shared>> -> memref<10240x128xf32, #tpu.memory_space<vmem_shared>>
        tpu.wait_indirect_dma semaphore(%arg29 : memref<!tpu.dma_semaphore, #tpu.memory_space<semaphore_mem>>) src(%arg9 : memref<64x128xf32, #tpu.memory_space<vmem>>) dst(%dma_wait3A_258 : memref<10240x128xf32, #tpu.memory_space<vmem_shared>>)
      } else {
      }
      %add3A_234 = arith.constant 2 : i32
      %add3A_235 = arith.addi %add3A_225, %add3A_234 : i32
      %lt3A_236 = arith.constant 160 : i32
      %lt3A_237 = arith.cmpi slt, %add3A_235, %lt3A_236 : i32
      %convert_element_type3A_238 = arith.extui %lt3A_237 : i1 to i32
      %cond3A_239 = arith.constant 0 : i32
      %cond3A_240 = arith.cmpi ne, %convert_element_type3A_238, %cond3A_239 : i32
      scf.if %cond3A_240 {
        %add3A_256 = arith.constant 2 : i32
        %add3A_257 = arith.addi %add3A_225, %add3A_256 : i32
        %dma_start3A_258 = arith.constant 0 : i32
        %dma_start3A_259 = tpu.memref_slice %arg3[%add3A, %add3A_257, %dma_start3A_258] : memref<32x160x64xi32, #tpu.memory_space<hbm>> -> memref<1x1x64xi32, #tpu.memory_space<hbm>>
        %dma_start3A_260 = tpu.memref_squeeze %dma_start3A_259 : memref<1x1x64xi32, #tpu.memory_space<hbm>> -> memref<64xi32, #tpu.memory_space<hbm>>
        %dma_start3A_261 = arith.constant 0 : i32
        %dma_start3A_262 = tpu.memref_slice %arg3[%add3A, %add3A_257, %dma_start3A_261] : memref<32x160x64xi32, #tpu.memory_space<hbm>> -> memref<1x1x64xi32, #tpu.memory_space<hbm>>
        %dma_start3A_263 = tpu.memref_squeeze %dma_start3A_262 : memref<1x1x64xi32, #tpu.memory_space<hbm>> -> memref<64xi32, #tpu.memory_space<hbm>>
        tpu.enqueue_dma source(%dma_start3A_263 : memref<64xi32, #tpu.memory_space<hbm>>) target(%arg13 : memref<64xi32, #tpu.memory_space<vmem>>) target_semaphore(%arg33 : memref<!tpu.dma_semaphore, #tpu.memory_space<semaphore_mem>>)
        %dma_start3A_264 = arith.constant 0 : i32
        %dma_start3A_265 = tpu.memref_slice %arg4[%add3A, %add3A_257, %dma_start3A_264] : memref<32x160x64xi32, #tpu.memory_space<hbm>> -> memref<1x1x64xi32, #tpu.memory_space<hbm>>
        %dma_start3A_266 = tpu.memref_squeeze %dma_start3A_265 : memref<1x1x64xi32, #tpu.memory_space<hbm>> -> memref<64xi32, #tpu.memory_space<hbm>>
        %dma_start3A_267 = arith.constant 0 : i32
        %dma_start3A_268 = tpu.memref_slice %arg4[%add3A, %add3A_257, %dma_start3A_267] : memref<32x160x64xi32, #tpu.memory_space<hbm>> -> memref<1x1x64xi32, #tpu.memory_space<hbm>>
        %dma_start3A_269 = tpu.memref_squeeze %dma_start3A_268 : memref<1x1x64xi32, #tpu.memory_space<hbm>> -> memref<64xi32, #tpu.memory_space<hbm>>
        tpu.enqueue_dma source(%dma_start3A_269 : memref<64xi32, #tpu.memory_space<hbm>>) target(%arg17 : memref<64xi32, #tpu.memory_space<vmem>>) target_semaphore(%arg33 : memref<!tpu.dma_semaphore, #tpu.memory_space<semaphore_mem>>)
        %dma_start3A_270 = arith.constant 0 : i32
        %dma_start3A_271 = tpu.memref_slice %arg5[%add3A, %add3A_257, %dma_start3A_270] : memref<32x160x64xf32, #tpu.memory_space<hbm>> -> memref<1x1x64xf32, #tpu.memory_space<hbm>>
        %dma_start3A_272 = tpu.memref_squeeze %dma_start3A_271 : memref<1x1x64xf32, #tpu.memory_space<hbm>> -> memref<64xf32, #tpu.memory_space<hbm>>
        %dma_start3A_273 = arith.constant 0 : i32
        %dma_start3A_274 = tpu.memref_slice %arg5[%add3A, %add3A_257, %dma_start3A_273] : memref<32x160x64xf32, #tpu.memory_space<hbm>> -> memref<1x1x64xf32, #tpu.memory_space<hbm>>
        %dma_start3A_275 = tpu.memref_squeeze %dma_start3A_274 : memref<1x1x64xf32, #tpu.memory_space<hbm>> -> memref<64xf32, #tpu.memory_space<hbm>>
        tpu.enqueue_dma source(%dma_start3A_275 : memref<64xf32, #tpu.memory_space<hbm>>) target(%arg21 : memref<64xf32, #tpu.memory_space<vmem>>) target_semaphore(%arg33 : memref<!tpu.dma_semaphore, #tpu.memory_space<semaphore_mem>>)
      } else {
      }
      %scan3A_241 = arith.constant 0 : i32
      %scan3A_242 = arith.constant 64 : i32
      %scan3A_243 = arith.addi %scan3A_241, %scan3A_242 : i32
      %scan3A_244 = arith.constant 1 : i32
      scf.for %scan3A_256 = %scan3A_241 to %scan3A_243 step %scan3A_244  : i32 {
        %mul3A_257 = arith.constant 1 : i32
        %mul3A_258 = arith.muli %scan3A_256, %mul3A_257 : i32
        %add3A_259 = arith.constant 0 : i32
        %add3A_260 = arith.addi %add3A_259, %mul3A_258 : i32
        %broadcast_in_dim3A = vector.broadcast %add3A_260 : i32 to vector<16xi32>
        %gather3A = tpu.vector_load_idx %arg23[%broadcast_in_dim3A] : memref<64xf32, #tpu.memory_space<vmem>>[vector<16xi32>], vector<16xf32>,
        %get3A = arith.index_cast %add3A_260 : i32 to index
        %get3A_261 = arith.constant 0 : index
        %get3A_262 = tpu.vector_load %arg11[%get3A, %get3A_261] {strides = array<i32>} : memref<64x128xf32, #tpu.memory_space<vmem>>, vector<16xf32>,
        %mul3A_263 = arith.mulf %get3A_262, %gather3A : vector<16xf32>
        %swap3A = arith.index_cast %add3A_260 : i32 to index
        %swap3A_264 = arith.constant 0 : index
        %swap3A_265 = tpu.vector_load %arg11[%swap3A, %swap3A_264] {strides = array<i32>} : memref<64x128xf32, #tpu.memory_space<vmem>>, vector<16xf32>,
        tpu.vector_store %arg11[%swap3A, %swap3A_264], %mul3A_263 {strides = array<i32>} : memref<64x128xf32, #tpu.memory_space<vmem>>, vector<16xf32>,
        %get3A_266 = arith.index_cast %add3A_260 : i32 to index
        %get3A_267 = arith.constant 16 : index
        %get3A_268 = tpu.vector_load %arg11[%get3A_266, %get3A_267] {strides = array<i32>} : memref<64x128xf32, #tpu.memory_space<vmem>>, vector<16xf32>,
        %mul3A_269 = arith.mulf %get3A_268, %gather3A : vector<16xf32>
        %swap3A_270 = arith.index_cast %add3A_260 : i32 to index
        %swap3A_271 = arith.constant 16 : index
        %swap3A_272 = tpu.vector_load %arg11[%swap3A_270, %swap3A_271] {strides = array<i32>} : memref<64x128xf32, #tpu.memory_space<vmem>>, vector<16xf32>,
        tpu.vector_store %arg11[%swap3A_270, %swap3A_271], %mul3A_269 {strides = array<i32>} : memref<64x128xf32, #tpu.memory_space<vmem>>, vector<16xf32>,
        %get3A_273 = arith.index_cast %add3A_260 : i32 to index
        %get3A_274 = arith.constant 32 : index
        %get3A_275 = tpu.vector_load %arg11[%get3A_273, %get3A_274] {strides = array<i32>} : memref<64x128xf32, #tpu.memory_space<vmem>>, vector<16xf32>,
        %mul3A_276 = arith.mulf %get3A_275, %gather3A : vector<16xf32>
        %swap3A_277 = arith.index_cast %add3A_260 : i32 to index
        %swap3A_278 = arith.constant 32 : index
        %swap3A_279 = tpu.vector_load %arg11[%swap3A_277, %swap3A_278] {strides = array<i32>} : memref<64x128xf32, #tpu.memory_space<vmem>>, vector<16xf32>,
        tpu.vector_store %arg11[%swap3A_277, %swap3A_278], %mul3A_276 {strides = array<i32>} : memref<64x128xf32, #tpu.memory_space<vmem>>, vector<16xf32>,
        %get3A_280 = arith.index_cast %add3A_260 : i32 to index
        %get3A_281 = arith.constant 48 : index
        %get3A_282 = tpu.vector_load %arg11[%get3A_280, %get3A_281] {strides = array<i32>} : memref<64x128xf32, #tpu.memory_space<vmem>>, vector<16xf32>,
        %mul3A_283 = arith.mulf %get3A_282, %gather3A : vector<16xf32>
        %swap3A_284 = arith.index_cast %add3A_260 : i32 to index
        %swap3A_285 = arith.constant 48 : index
        %swap3A_286 = tpu.vector_load %arg11[%swap3A_284, %swap3A_285] {strides = array<i32>} : memref<64x128xf32, #tpu.memory_space<vmem>>, vector<16xf32>,
        tpu.vector_store %arg11[%swap3A_284, %swap3A_285], %mul3A_283 {strides = array<i32>} : memref<64x128xf32, #tpu.memory_space<vmem>>, vector<16xf32>,
        %get3A_287 = arith.index_cast %add3A_260 : i32 to index
        %get3A_288 = arith.constant 64 : index
        %get3A_289 = tpu.vector_load %arg11[%get3A_287, %get3A_288] {strides = array<i32>} : memref<64x128xf32, #tpu.memory_space<vmem>>, vector<16xf32>,
        %mul3A_290 = arith.mulf %get3A_289, %gather3A : vector<16xf32>
        %swap3A_291 = arith.index_cast %add3A_260 : i32 to index
        %swap3A_292 = arith.constant 64 : index
        %swap3A_293 = tpu.vector_load %arg11[%swap3A_291, %swap3A_292] {strides = array<i32>} : memref<64x128xf32, #tpu.memory_space<vmem>>, vector<16xf32>,
        tpu.vector_store %arg11[%swap3A_291, %swap3A_292], %mul3A_290 {strides = array<i32>} : memref<64x128xf32, #tpu.memory_space<vmem>>, vector<16xf32>,
        %get3A_294 = arith.index_cast %add3A_260 : i32 to index
        %get3A_295 = arith.constant 80 : index
        %get3A_296 = tpu.vector_load %arg11[%get3A_294, %get3A_295] {strides = array<i32>} : memref<64x128xf32, #tpu.memory_space<vmem>>, vector<16xf32>,
        %mul3A_297 = arith.mulf %get3A_296, %gather3A : vector<16xf32>
        %swap3A_298 = arith.index_cast %add3A_260 : i32 to index
        %swap3A_299 = arith.constant 80 : index
        %swap3A_300 = tpu.vector_load %arg11[%swap3A_298, %swap3A_299] {strides = array<i32>} : memref<64x128xf32, #tpu.memory_space<vmem>>, vector<16xf32>,
        tpu.vector_store %arg11[%swap3A_298, %swap3A_299], %mul3A_297 {strides = array<i32>} : memref<64x128xf32, #tpu.memory_space<vmem>>, vector<16xf32>,
        %get3A_301 = arith.index_cast %add3A_260 : i32 to index
        %get3A_302 = arith.constant 96 : index
        %get3A_303 = tpu.vector_load %arg11[%get3A_301, %get3A_302] {strides = array<i32>} : memref<64x128xf32, #tpu.memory_space<vmem>>, vector<16xf32>,
        %mul3A_304 = arith.mulf %get3A_303, %gather3A : vector<16xf32>
        %swap3A_305 = arith.index_cast %add3A_260 : i32 to index
        %swap3A_306 = arith.constant 96 : index
        %swap3A_307 = tpu.vector_load %arg11[%swap3A_305, %swap3A_306] {strides = array<i32>} : memref<64x128xf32, #tpu.memory_space<vmem>>, vector<16xf32>,
        tpu.vector_store %arg11[%swap3A_305, %swap3A_306], %mul3A_304 {strides = array<i32>} : memref<64x128xf32, #tpu.memory_space<vmem>>, vector<16xf32>,
        %get3A_308 = arith.index_cast %add3A_260 : i32 to index
        %get3A_309 = arith.constant 112 : index
        %get3A_310 = tpu.vector_load %arg11[%get3A_308, %get3A_309] {strides = array<i32>} : memref<64x128xf32, #tpu.memory_space<vmem>>, vector<16xf32>,
        %mul3A_311 = arith.mulf %get3A_310, %gather3A : vector<16xf32>
        %swap3A_312 = arith.index_cast %add3A_260 : i32 to index
        %swap3A_313 = arith.constant 112 : index
        %swap3A_314 = tpu.vector_load %arg11[%swap3A_312, %swap3A_313] {strides = array<i32>} : memref<64x128xf32, #tpu.memory_space<vmem>>, vector<16xf32>,
        tpu.vector_store %arg11[%swap3A_312, %swap3A_313], %mul3A_311 {strides = array<i32>} : memref<64x128xf32, #tpu.memory_space<vmem>>, vector<16xf32>,
      }
      %scan3A_245 = arith.constant 64 : i32
      %add3A_246 = arith.constant 2 : i32
      %add3A_247 = arith.addi %add3A_225, %add3A_246 : i32
      %lt3A_248 = arith.constant 160 : i32
      %lt3A_249 = arith.cmpi slt, %add3A_247, %lt3A_248 : i32
      %convert_element_type3A_250 = arith.extui %lt3A_249 : i1 to i32
      %cond3A_251 = arith.constant 0 : i32
      %cond3A_252 = arith.cmpi ne, %convert_element_type3A_250, %cond3A_251 : i32
      scf.if %cond3A_252 {
        %add3A_256 = arith.constant 2 : i32
        %add3A_257 = arith.addi %add3A_225, %add3A_256 : i32
        %dma_wait3A_258 = arith.constant 0 : i32
        %dma_wait3A_259 = tpu.memref_slice %arg3[%add3A, %add3A_257, %dma_wait3A_258] : memref<32x160x64xi32, #tpu.memory_space<hbm>> -> memref<1x1x64xi32, #tpu.memory_space<hbm>>
        %dma_wait3A_260 = tpu.memref_squeeze %dma_wait3A_259 : memref<1x1x64xi32, #tpu.memory_space<hbm>> -> memref<64xi32, #tpu.memory_space<hbm>>
        %dma_wait3A_261 = arith.constant 0 : i32
        %dma_wait3A_262 = tpu.memref_slice %arg3[%add3A, %add3A_257, %dma_wait3A_261] : memref<32x160x64xi32, #tpu.memory_space<hbm>> -> memref<1x1x64xi32, #tpu.memory_space<hbm>>
        %dma_wait3A_263 = tpu.memref_squeeze %dma_wait3A_262 : memref<1x1x64xi32, #tpu.memory_space<hbm>> -> memref<64xi32, #tpu.memory_space<hbm>>
        tpu.wait_dma2 semaphore(%arg33 : memref<!tpu.dma_semaphore, #tpu.memory_space<semaphore_mem>>) src(%dma_wait3A_263 : memref<64xi32, #tpu.memory_space<hbm>>) dst(%arg13 : memref<64xi32, #tpu.memory_space<vmem>>)
        %dma_wait3A_264 = arith.constant 0 : i32
        %dma_wait3A_265 = tpu.memref_slice %arg4[%add3A, %add3A_257, %dma_wait3A_264] : memref<32x160x64xi32, #tpu.memory_space<hbm>> -> memref<1x1x64xi32, #tpu.memory_space<hbm>>
        %dma_wait3A_266 = tpu.memref_squeeze %dma_wait3A_265 : memref<1x1x64xi32, #tpu.memory_space<hbm>> -> memref<64xi32, #tpu.memory_space<hbm>>
        %dma_wait3A_267 = arith.constant 0 : i32
        %dma_wait3A_268 = tpu.memref_slice %arg4[%add3A, %add3A_257, %dma_wait3A_267] : memref<32x160x64xi32, #tpu.memory_space<hbm>> -> memref<1x1x64xi32, #tpu.memory_space<hbm>>
        %dma_wait3A_269 = tpu.memref_squeeze %dma_wait3A_268 : memref<1x1x64xi32, #tpu.memory_space<hbm>> -> memref<64xi32, #tpu.memory_space<hbm>>
        tpu.wait_dma2 semaphore(%arg33 : memref<!tpu.dma_semaphore, #tpu.memory_space<semaphore_mem>>) src(%dma_wait3A_269 : memref<64xi32, #tpu.memory_space<hbm>>) dst(%arg17 : memref<64xi32, #tpu.memory_space<vmem>>)
        %dma_wait3A_270 = arith.constant 0 : i32
        %dma_wait3A_271 = tpu.memref_slice %arg5[%add3A, %add3A_257, %dma_wait3A_270] : memref<32x160x64xf32, #tpu.memory_space<hbm>> -> memref<1x1x64xf32, #tpu.memory_space<hbm>>
        %dma_wait3A_272 = tpu.memref_squeeze %dma_wait3A_271 : memref<1x1x64xf32, #tpu.memory_space<hbm>> -> memref<64xf32, #tpu.memory_space<hbm>>
        %dma_wait3A_273 = arith.constant 0 : i32
        %dma_wait3A_274 = tpu.memref_slice %arg5[%add3A, %add3A_257, %dma_wait3A_273] : memref<32x160x64xf32, #tpu.memory_space<hbm>> -> memref<1x1x64xf32, #tpu.memory_space<hbm>>
        %dma_wait3A_275 = tpu.memref_squeeze %dma_wait3A_274 : memref<1x1x64xf32, #tpu.memory_space<hbm>> -> memref<64xf32, #tpu.memory_space<hbm>>
        tpu.wait_dma2 semaphore(%arg33 : memref<!tpu.dma_semaphore, #tpu.memory_space<semaphore_mem>>) src(%dma_wait3A_275 : memref<64xf32, #tpu.memory_space<hbm>>) dst(%arg21 : memref<64xf32, #tpu.memory_space<vmem>>)
        %dma_start3A_276 = arith.constant 0 : i32
        %dma_start3A_277 = arith.constant 0 : i32
        %dma_start3A_278 = tpu.memref_slice %arg2[%dma_start3A_276, %dma_start3A_277] : memref<10000x128xf32, #tpu.memory_space<hbm>> -> memref<10000x128xf32, #tpu.memory_space<hbm>>
        tpu.enqueue_indirect_dma source(%dma_start3A_278 : memref<10000x128xf32, #tpu.memory_space<hbm>>) target(%arg9 : memref<64x128xf32, #tpu.memory_space<vmem>>) offsets(%arg13 : memref<64xi32, #tpu.memory_space<vmem>>) semaphore(%arg25 : memref<!tpu.dma_semaphore, #tpu.memory_space<semaphore_mem>>)
      } else {
      }
      %dma_start3A_253 = arith.constant 0 : i32
      %dma_start3A_254 = arith.constant 0 : i32
      %dma_start3A_255 = tpu.memref_slice %arg7[%dma_start3A_253, %dma_start3A_254] : memref<10240x128xf32, #tpu.memory_space<vmem_shared>> -> memref<10240x128xf32, #tpu.memory_space<vmem_shared>>
      tpu.enqueue_indirect_dma source(%arg11 : memref<64x128xf32, #tpu.memory_space<vmem>>) target(%dma_start3A_255 : memref<10240x128xf32, #tpu.memory_space<vmem_shared>>) offsets(%arg19 : memref<64xi32, #tpu.memory_space<vmem>>) semaphore(%arg31 : memref<!tpu.dma_semaphore, #tpu.memory_space<semaphore_mem>>) {add = true}
    }
    %scan3A_119 = arith.constant 40 : i32
    %dma_wait3A_120 = arith.constant 0 : i32
    %dma_wait3A_121 = arith.constant 0 : i32
    %dma_wait3A_122 = tpu.memref_slice %arg7[%dma_wait3A_120, %dma_wait3A_121] : memref<10240x128xf32, #tpu.memory_space<vmem_shared>> -> memref<10240x128xf32, #tpu.memory_space<vmem_shared>>
    tpu.wait_indirect_dma semaphore(%arg30 : memref<!tpu.dma_semaphore, #tpu.memory_space<semaphore_mem>>) src(%arg10 : memref<64x128xf32, #tpu.memory_space<vmem>>) dst(%dma_wait3A_122 : memref<10240x128xf32, #tpu.memory_space<vmem_shared>>)
    %dma_wait3A_123 = arith.constant 0 : i32
    %dma_wait3A_124 = arith.constant 0 : i32
    %dma_wait3A_125 = tpu.memref_slice %arg7[%dma_wait3A_123, %dma_wait3A_124] : memref<10240x128xf32, #tpu.memory_space<vmem_shared>> -> memref<10240x128xf32, #tpu.memory_space<vmem_shared>>
    tpu.wait_indirect_dma semaphore(%arg31 : memref<!tpu.dma_semaphore, #tpu.memory_space<semaphore_mem>>) src(%arg11 : memref<64x128xf32, #tpu.memory_space<vmem>>) dst(%dma_wait3A_125 : memref<10240x128xf32, #tpu.memory_space<vmem_shared>>)
    %barrier3A_126 = arith.constant 0 : index
    tpu.barrier barrier_id(%barrier3A_126)
    "tpu.region"() ({
      %run_scoped3A = tpu.sem_alloc : memref<!tpu.dma_semaphore, #tpu.memory_space<semaphore_mem>>
      %dma_start3A_127 = arith.constant 0 : i32
      %dma_start3A_128 = tpu.memref_slice %arg6[%arg0, %mul3A_6, %dma_start3A_127] : memref<2x10240x128xf32, #tpu.memory_space<hbm>> -> memref<1x640x128xf32, #tpu.memory_space<hbm>>
      %dma_start3A_129 = tpu.memref_squeeze %dma_start3A_128 : memref<1x640x128xf32, #tpu.memory_space<hbm>> -> memref<640x128xf32, #tpu.memory_space<hbm>>
      %dma_start3A_130 = arith.constant 0 : i32
      %dma_start3A_131 = tpu.memref_slice %arg7[%mul3A_6, %dma_start3A_130] : memref<10240x128xf32, #tpu.memory_space<vmem_shared>> -> memref<640x128xf32, #tpu.memory_space<vmem_shared>>
      tpu.enqueue_dma source(%dma_start3A_131 : memref<640x128xf32, #tpu.memory_space<vmem_shared>>) target(%dma_start3A_129 : memref<640x128xf32, #tpu.memory_space<hbm>>) target_semaphore(%run_scoped3A : memref<!tpu.dma_semaphore, #tpu.memory_space<semaphore_mem>>)
      %dma_wait3A_132 = arith.constant 0 : i32
      %dma_wait3A_133 = tpu.memref_slice %arg6[%arg0, %mul3A_6, %dma_wait3A_132] : memref<2x10240x128xf32, #tpu.memory_space<hbm>> -> memref<1x640x128xf32, #tpu.memory_space<hbm>>
      %dma_wait3A_134 = tpu.memref_squeeze %dma_wait3A_133 : memref<1x640x128xf32, #tpu.memory_space<hbm>> -> memref<640x128xf32, #tpu.memory_space<hbm>>
      %dma_wait3A_135 = arith.constant 0 : i32
      %dma_wait3A_136 = tpu.memref_slice %arg7[%mul3A_6, %dma_wait3A_135] : memref<10240x128xf32, #tpu.memory_space<vmem_shared>> -> memref<640x128xf32, #tpu.memory_space<vmem_shared>>
      tpu.wait_dma2 semaphore(%run_scoped3A : memref<!tpu.dma_semaphore, #tpu.memory_space<semaphore_mem>>) src(%dma_wait3A_136 : memref<640x128xf32, #tpu.memory_space<vmem_shared>>) dst(%dma_wait3A_134 : memref<640x128xf32, #tpu.memory_space<hbm>>)
      tpu.yield
    }) : () -> ()
    return
  }
}

#map = affine_map<(d0, d1) -> (0, 0)>
#map1 = affine_map<(d0, d1) -> (0, 0, 0)>
module attributes {stable_mosaic.version = 14 : i64} {
  func.func @spmm(%arg0: i32, %arg1: i32, %arg2: memref<10000x128xf32, #tpu.memory_space<hbm>>, %arg3: memref<32x160x64xi32, #tpu.memory_space<hbm>>, %arg4: memref<32x160x64xi32, #tpu.memory_space<hbm>>, %arg5: memref<32x160x64xf32, #tpu.memory_space<hbm>>, %arg6: memref<2x10240x128xf32, #tpu.memory_space<hbm>>, %arg7: memref<10240x128xf32, #tpu.memory_space<vmem_shared>>, %arg8: memref<64x128xf32, #tpu.memory_space<vmem>>, %arg9: memref<64x128xf32, #tpu.memory_space<vmem>>, %arg10: memref<64x128xf32, #tpu.memory_space<vmem>>, %arg11: memref<64x128xf32, #tpu.memory_space<vmem>>, %arg12: memref<64xi32, #tpu.memory_space<vmem>>, %arg13: memref<64xi32, #tpu.memory_space<vmem>>, %arg14: memref<64xi32, #tpu.memory_space<vmem>>, %arg15: memref<64xi32, #tpu.memory_space<vmem>>, %arg16: memref<64xi32, #tpu.memory_space<vmem>>, %arg17: memref<64xi32, #tpu.memory_space<vmem>>, %arg18: memref<64xi32, #tpu.memory_space<vmem>>, %arg19: memref<64xi32, #tpu.memory_space<vmem>>, %arg20: memref<64xf32, #tpu.memory_space<vmem>>, %arg21: memref<64xf32, #tpu.memory_space<vmem>>, %arg22: memref<64xf32, #tpu.memory_space<vmem>>, %arg23: memref<64xf32, #tpu.memory_space<vmem>>, %arg24: memref<!tpu.dma_semaphore, #tpu.memory_space<semaphore_mem>>, %arg25: memref<!tpu.dma_semaphore, #tpu.memory_space<semaphore_mem>>, %arg26: memref<!tpu.dma_semaphore, #tpu.memory_space<semaphore_mem>>, %arg27: memref<!tpu.dma_semaphore, #tpu.memory_space<semaphore_mem>>, %arg28: memref<!tpu.dma_semaphore, #tpu.memory_space<semaphore_mem>>, %arg29: memref<!tpu.dma_semaphore, #tpu.memory_space<semaphore_mem>>, %arg30: memref<!tpu.dma_semaphore, #tpu.memory_space<semaphore_mem>>, %arg31: memref<!tpu.dma_semaphore, #tpu.memory_space<semaphore_mem>>, %arg32: memref<!tpu.dma_semaphore, #tpu.memory_space<semaphore_mem>>, %arg33: memref<!tpu.dma_semaphore, #tpu.memory_space<semaphore_mem>>, %arg34: memref<!tpu.dma_semaphore, #tpu.memory_space<semaphore_mem>>, %arg35: memref<!tpu.dma_semaphore, #tpu.memory_space<semaphore_mem>>) attributes {dimension_semantics = [#tpu.dimension_semantics<core_parallel>, #tpu.dimension_semantics<subcore_parallel>], iteration_bounds = array<i64: 2, 16>, scalar_prefetch = 0 : i64, scratch_operands = 29 : i64, tpu.core_type = #tpu.core_type<sc_vector_subcore>, window_params = [{transform_indices = #map}, {transform_indices = #map1}, {transform_indices = #map1}, {transform_indices = #map1}, {transform_indices = #map1}]} {
    %mul3A = arith.constant 16 : i32
    %mul3A_0 = arith.muli %arg0, %mul3A : i32
    %add3A = arith.addi %mul3A_0, %arg1 : i32
    %scan3A = arith.constant 0 : i32
    %scan3A_1 = arith.constant 64 : i32
    %scan3A_2 = arith.addi %scan3A, %scan3A_1 : i32
    %scan3A_3 = arith.constant 1 : i32
    scf.for %scan3A_127 = %scan3A to %scan3A_2 step %scan3A_3  : i32 {
      %mul3A_128 = arith.constant 1 : i32
      %mul3A_129 = arith.muli %scan3A_127, %mul3A_128 : i32
      %add3A_130 = arith.constant 0 : i32
      %add3A_131 = arith.addi %add3A_130, %mul3A_129 : i32
      %broadcast_in_dim3A = arith.constant 0.000000e+00 : f32
      %broadcast_in_dim3A_132 = vector.broadcast %broadcast_in_dim3A : f32 to vector<16xf32>
      %swap3A = arith.index_cast %add3A_131 : i32 to index
      %swap3A_133 = arith.constant 0 : index
      %swap3A_134 = tpu.vector_load %arg8[%swap3A, %swap3A_133] {strides = array<i32>} : memref<64x128xf32, #tpu.memory_space<vmem>>, vector<16xf32>,
      tpu.vector_store %arg8[%swap3A, %swap3A_133], %broadcast_in_dim3A_132 {strides = array<i32>} : memref<64x128xf32, #tpu.memory_space<vmem>>, vector<16xf32>,
      %broadcast_in_dim3A_135 = arith.constant 0.000000e+00 : f32
      %broadcast_in_dim3A_136 = vector.broadcast %broadcast_in_dim3A_135 : f32 to vector<16xf32>
      %swap3A_137 = arith.index_cast %add3A_131 : i32 to index
      %swap3A_138 = arith.constant 16 : index
      %swap3A_139 = tpu.vector_load %arg8[%swap3A_137, %swap3A_138] {strides = array<i32>} : memref<64x128xf32, #tpu.memory_space<vmem>>, vector<16xf32>,
      tpu.vector_store %arg8[%swap3A_137, %swap3A_138], %broadcast_in_dim3A_136 {strides = array<i32>} : memref<64x128xf32, #tpu.memory_space<vmem>>, vector<16xf32>,
      %broadcast_in_dim3A_140 = arith.constant 0.000000e+00 : f32
      %broadcast_in_dim3A_141 = vector.broadcast %broadcast_in_dim3A_140 : f32 to vector<16xf32>
      %swap3A_142 = arith.index_cast %add3A_131 : i32 to index
      %swap3A_143 = arith.constant 32 : index
      %swap3A_144 = tpu.vector_load %arg8[%swap3A_142, %swap3A_143] {strides = array<i32>} : memref<64x128xf32, #tpu.memory_space<vmem>>, vector<16xf32>,
      tpu.vector_store %arg8[%swap3A_142, %swap3A_143], %broadcast_in_dim3A_141 {strides = array<i32>} : memref<64x128xf32, #tpu.memory_space<vmem>>, vector<16xf32>,
      %broadcast_in_dim3A_145 = arith.constant 0.000000e+00 : f32
      %broadcast_in_dim3A_146 = vector.broadcast %broadcast_in_dim3A_145 : f32 to vector<16xf32>
      %swap3A_147 = arith.index_cast %add3A_131 : i32 to index
      %swap3A_148 = arith.constant 48 : index
      %swap3A_149 = tpu.vector_load %arg8[%swap3A_147, %swap3A_148] {strides = array<i32>} : memref<64x128xf32, #tpu.memory_space<vmem>>, vector<16xf32>,
      tpu.vector_store %arg8[%swap3A_147, %swap3A_148], %broadcast_in_dim3A_146 {strides = array<i32>} : memref<64x128xf32, #tpu.memory_space<vmem>>, vector<16xf32>,
      %broadcast_in_dim3A_150 = arith.constant 0.000000e+00 : f32
      %broadcast_in_dim3A_151 = vector.broadcast %broadcast_in_dim3A_150 : f32 to vector<16xf32>
      %swap3A_152 = arith.index_cast %add3A_131 : i32 to index
      %swap3A_153 = arith.constant 64 : index
      %swap3A_154 = tpu.vector_load %arg8[%swap3A_152, %swap3A_153] {strides = array<i32>} : memref<64x128xf32, #tpu.memory_space<vmem>>, vector<16xf32>,
      tpu.vector_store %arg8[%swap3A_152, %swap3A_153], %broadcast_in_dim3A_151 {strides = array<i32>} : memref<64x128xf32, #tpu.memory_space<vmem>>, vector<16xf32>,
      %broadcast_in_dim3A_155 = arith.constant 0.000000e+00 : f32
      %broadcast_in_dim3A_156 = vector.broadcast %broadcast_in_dim3A_155 : f32 to vector<16xf32>
      %swap3A_157 = arith.index_cast %add3A_131 : i32 to index
      %swap3A_158 = arith.constant 80 : index
      %swap3A_159 = tpu.vector_load %arg8[%swap3A_157, %swap3A_158] {strides = array<i32>} : memref<64x128xf32, #tpu.memory_space<vmem>>, vector<16xf32>,
      tpu.vector_store %arg8[%swap3A_157, %swap3A_158], %broadcast_in_dim3A_156 {strides = array<i32>} : memref<64x128xf32, #tpu.memory_space<vmem>>, vector<16xf32>,
      %broadcast_in_dim3A_160 = arith.constant 0.000000e+00 : f32
      %broadcast_in_dim3A_161 = vector.broadcast %broadcast_in_dim3A_160 : f32 to vector<16xf32>
      %swap3A_162 = arith.index_cast %add3A_131 : i32 to index
      %swap3A_163 = arith.constant 96 : index
      %swap3A_164 = tpu.vector_load %arg8[%swap3A_162, %swap3A_163] {strides = array<i32>} : memref<64x128xf32, #tpu.memory_space<vmem>>, vector<16xf32>,
      tpu.vector_store %arg8[%swap3A_162, %swap3A_163], %broadcast_in_dim3A_161 {strides = array<i32>} : memref<64x128xf32, #tpu.memory_space<vmem>>, vector<16xf32>,
      %broadcast_in_dim3A_165 = arith.constant 0.000000e+00 : f32
      %broadcast_in_dim3A_166 = vector.broadcast %broadcast_in_dim3A_165 : f32 to vector<16xf32>
      %swap3A_167 = arith.index_cast %add3A_131 : i32 to index
      %swap3A_168 = arith.constant 112 : index
      %swap3A_169 = tpu.vector_load %arg8[%swap3A_167, %swap3A_168] {strides = array<i32>} : memref<64x128xf32, #tpu.memory_space<vmem>>, vector<16xf32>,
      tpu.vector_store %arg8[%swap3A_167, %swap3A_168], %broadcast_in_dim3A_166 {strides = array<i32>} : memref<64x128xf32, #tpu.memory_space<vmem>>, vector<16xf32>,
    }
    %scan3A_4 = arith.constant 64 : i32
    %mul3A_5 = arith.constant 640 : i32
    %mul3A_6 = arith.muli %arg1, %mul3A_5 : i32
    %add3A_7 = arith.constant 0 : i32
    %add3A_8 = arith.addi %mul3A_6, %add3A_7 : i32
    "tpu.region"() ({
      %run_scoped3A = tpu.sem_alloc : memref<!tpu.dma_semaphore, #tpu.memory_space<semaphore_mem>>
      %dma_start3A_127 = arith.constant 0 : i32
      %dma_start3A_128 = arith.constant 0 : i32
      %dma_start3A_129 = tpu.memref_slice %arg8[%dma_start3A_127, %dma_start3A_128] : memref<64x128xf32, #tpu.memory_space<vmem>> -> memref<64x128xf32, #tpu.memory_space<vmem>>
      %dma_start3A_130 = arith.constant 0 : i32
      %dma_start3A_131 = tpu.memref_slice %arg7[%add3A_8, %dma_start3A_130] : memref<10240x128xf32, #tpu.memory_space<vmem_shared>> -> memref<64x128xf32, #tpu.memory_space<vmem_shared>>
      %dma_start3A_132 = arith.constant 0 : i32
      %dma_start3A_133 = tpu.memref_slice %arg7[%add3A_8, %dma_start3A_132] : memref<10240x128xf32, #tpu.memory_space<vmem_shared>> -> memref<64x128xf32, #tpu.memory_space<vmem_shared>>
      %dma_start3A_134 = arith.constant 0 : i32
      %dma_start3A_135 = arith.constant 0 : i32
      %dma_start3A_136 = tpu.memref_slice %arg8[%dma_start3A_134, %dma_start3A_135] : memref<64x128xf32, #tpu.memory_space<vmem>> -> memref<64x128xf32, #tpu.memory_space<vmem>>
      tpu.enqueue_dma source(%dma_start3A_136 : memref<64x128xf32, #tpu.memory_space<vmem>>) target(%dma_start3A_133 : memref<64x128xf32, #tpu.memory_space<vmem_shared>>) target_semaphore(%run_scoped3A : memref<!tpu.dma_semaphore, #tpu.memory_space<semaphore_mem>>)
      %dma_wait3A_137 = arith.constant 0 : i32
      %dma_wait3A_138 = arith.constant 0 : i32
      %dma_wait3A_139 = tpu.memref_slice %arg8[%dma_wait3A_137, %dma_wait3A_138] : memref<64x128xf32, #tpu.memory_space<vmem>> -> memref<64x128xf32, #tpu.memory_space<vmem>>
      %dma_wait3A_140 = arith.constant 0 : i32
      %dma_wait3A_141 = tpu.memref_slice %arg7[%add3A_8, %dma_wait3A_140] : memref<10240x128xf32, #tpu.memory_space<vmem_shared>> -> memref<64x128xf32, #tpu.memory_space<vmem_shared>>
      %dma_wait3A_142 = arith.constant 0 : i32
      %dma_wait3A_143 = tpu.memref_slice %arg7[%add3A_8, %dma_wait3A_142] : memref<10240x128xf32, #tpu.memory_space<vmem_shared>> -> memref<64x128xf32, #tpu.memory_space<vmem_shared>>
      %dma_wait3A_144 = arith.constant 0 : i32
      %dma_wait3A_145 = arith.constant 0 : i32
      %dma_wait3A_146 = tpu.memref_slice %arg8[%dma_wait3A_144, %dma_wait3A_145] : memref<64x128xf32, #tpu.memory_space<vmem>> -> memref<64x128xf32, #tpu.memory_space<vmem>>
      tpu.wait_dma2 semaphore(%run_scoped3A : memref<!tpu.dma_semaphore, #tpu.memory_space<semaphore_mem>>) src(%dma_wait3A_146 : memref<64x128xf32, #tpu.memory_space<vmem>>) dst(%dma_wait3A_143 : memref<64x128xf32, #tpu.memory_space<vmem_shared>>)
      tpu.yield
    }) : () -> ()
    %add3A_9 = arith.constant 64 : i32
    %add3A_10 = arith.addi %mul3A_6, %add3A_9 : i32
    "tpu.region"() ({
      %run_scoped3A = tpu.sem_alloc : memref<!tpu.dma_semaphore, #tpu.memory_space<semaphore_mem>>
      %dma_start3A_127 = arith.constant 0 : i32
      %dma_start3A_128 = arith.constant 0 : i32
      %dma_start3A_129 = tpu.memref_slice %arg8[%dma_start3A_127, %dma_start3A_128] : memref<64x128xf32, #tpu.memory_space<vmem>> -> memref<64x128xf32, #tpu.memory_space<vmem>>
      %dma_start3A_130 = arith.constant 0 : i32
      %dma_start3A_131 = tpu.memref_slice %arg7[%add3A_10, %dma_start3A_130] : memref<10240x128xf32, #tpu.memory_space<vmem_shared>> -> memref<64x128xf32, #tpu.memory_space<vmem_shared>>
      %dma_start3A_132 = arith.constant 0 : i32
      %dma_start3A_133 = tpu.memref_slice %arg7[%add3A_10, %dma_start3A_132] : memref<10240x128xf32, #tpu.memory_space<vmem_shared>> -> memref<64x128xf32, #tpu.memory_space<vmem_shared>>
      %dma_start3A_134 = arith.constant 0 : i32
      %dma_start3A_135 = arith.constant 0 : i32
      %dma_start3A_136 = tpu.memref_slice %arg8[%dma_start3A_134, %dma_start3A_135] : memref<64x128xf32, #tpu.memory_space<vmem>> -> memref<64x128xf32, #tpu.memory_space<vmem>>
      tpu.enqueue_dma source(%dma_start3A_136 : memref<64x128xf32, #tpu.memory_space<vmem>>) target(%dma_start3A_133 : memref<64x128xf32, #tpu.memory_space<vmem_shared>>) target_semaphore(%run_scoped3A : memref<!tpu.dma_semaphore, #tpu.memory_space<semaphore_mem>>)
      %dma_wait3A_137 = arith.constant 0 : i32
      %dma_wait3A_138 = arith.constant 0 : i32
      %dma_wait3A_139 = tpu.memref_slice %arg8[%dma_wait3A_137, %dma_wait3A_138] : memref<64x128xf32, #tpu.memory_space<vmem>> -> memref<64x128xf32, #tpu.memory_space<vmem>>
      %dma_wait3A_140 = arith.constant 0 : i32
      %dma_wait3A_141 = tpu.memref_slice %arg7[%add3A_10, %dma_wait3A_140] : memref<10240x128xf32, #tpu.memory_space<vmem_shared>> -> memref<64x128xf32, #tpu.memory_space<vmem_shared>>
      %dma_wait3A_142 = arith.constant 0 : i32
      %dma_wait3A_143 = tpu.memref_slice %arg7[%add3A_10, %dma_wait3A_142] : memref<10240x128xf32, #tpu.memory_space<vmem_shared>> -> memref<64x128xf32, #tpu.memory_space<vmem_shared>>
      %dma_wait3A_144 = arith.constant 0 : i32
      %dma_wait3A_145 = arith.constant 0 : i32
      %dma_wait3A_146 = tpu.memref_slice %arg8[%dma_wait3A_144, %dma_wait3A_145] : memref<64x128xf32, #tpu.memory_space<vmem>> -> memref<64x128xf32, #tpu.memory_space<vmem>>
      tpu.wait_dma2 semaphore(%run_scoped3A : memref<!tpu.dma_semaphore, #tpu.memory_space<semaphore_mem>>) src(%dma_wait3A_146 : memref<64x128xf32, #tpu.memory_space<vmem>>) dst(%dma_wait3A_143 : memref<64x128xf32, #tpu.memory_space<vmem_shared>>)
      tpu.yield
    }) : () -> ()
    %add3A_11 = arith.constant 128 : i32
    %add3A_12 = arith.addi %mul3A_6, %add3A_11 : i32
    "tpu.region"() ({
      %run_scoped3A = tpu.sem_alloc : memref<!tpu.dma_semaphore, #tpu.memory_space<semaphore_mem>>
      %dma_start3A_127 = arith.constant 0 : i32
      %dma_start3A_128 = arith.constant 0 : i32
      %dma_start3A_129 = tpu.memref_slice %arg8[%dma_start3A_127, %dma_start3A_128] : memref<64x128xf32, #tpu.memory_space<vmem>> -> memref<64x128xf32, #tpu.memory_space<vmem>>
      %dma_start3A_130 = arith.constant 0 : i32
      %dma_start3A_131 = tpu.memref_slice %arg7[%add3A_12, %dma_start3A_130] : memref<10240x128xf32, #tpu.memory_space<vmem_shared>> -> memref<64x128xf32, #tpu.memory_space<vmem_shared>>
      %dma_start3A_132 = arith.constant 0 : i32
      %dma_start3A_133 = tpu.memref_slice %arg7[%add3A_12, %dma_start3A_132] : memref<10240x128xf32, #tpu.memory_space<vmem_shared>> -> memref<64x128xf32, #tpu.memory_space<vmem_shared>>
      %dma_start3A_134 = arith.constant 0 : i32
      %dma_start3A_135 = arith.constant 0 : i32
      %dma_start3A_136 = tpu.memref_slice %arg8[%dma_start3A_134, %dma_start3A_135] : memref<64x128xf32, #tpu.memory_space<vmem>> -> memref<64x128xf32, #tpu.memory_space<vmem>>
      tpu.enqueue_dma source(%dma_start3A_136 : memref<64x128xf32, #tpu.memory_space<vmem>>) target(%dma_start3A_133 : memref<64x128xf32, #tpu.memory_space<vmem_shared>>) target_semaphore(%run_scoped3A : memref<!tpu.dma_semaphore, #tpu.memory_space<semaphore_mem>>)
      %dma_wait3A_137 = arith.constant 0 : i32
      %dma_wait3A_138 = arith.constant 0 : i32
      %dma_wait3A_139 = tpu.memref_slice %arg8[%dma_wait3A_137, %dma_wait3A_138] : memref<64x128xf32, #tpu.memory_space<vmem>> -> memref<64x128xf32, #tpu.memory_space<vmem>>
      %dma_wait3A_140 = arith.constant 0 : i32
      %dma_wait3A_141 = tpu.memref_slice %arg7[%add3A_12, %dma_wait3A_140] : memref<10240x128xf32, #tpu.memory_space<vmem_shared>> -> memref<64x128xf32, #tpu.memory_space<vmem_shared>>
      %dma_wait3A_142 = arith.constant 0 : i32
      %dma_wait3A_143 = tpu.memref_slice %arg7[%add3A_12, %dma_wait3A_142] : memref<10240x128xf32, #tpu.memory_space<vmem_shared>> -> memref<64x128xf32, #tpu.memory_space<vmem_shared>>
      %dma_wait3A_144 = arith.constant 0 : i32
      %dma_wait3A_145 = arith.constant 0 : i32
      %dma_wait3A_146 = tpu.memref_slice %arg8[%dma_wait3A_144, %dma_wait3A_145] : memref<64x128xf32, #tpu.memory_space<vmem>> -> memref<64x128xf32, #tpu.memory_space<vmem>>
      tpu.wait_dma2 semaphore(%run_scoped3A : memref<!tpu.dma_semaphore, #tpu.memory_space<semaphore_mem>>) src(%dma_wait3A_146 : memref<64x128xf32, #tpu.memory_space<vmem>>) dst(%dma_wait3A_143 : memref<64x128xf32, #tpu.memory_space<vmem_shared>>)
      tpu.yield
    }) : () -> ()
    %add3A_13 = arith.constant 192 : i32
    %add3A_14 = arith.addi %mul3A_6, %add3A_13 : i32
    "tpu.region"() ({
      %run_scoped3A = tpu.sem_alloc : memref<!tpu.dma_semaphore, #tpu.memory_space<semaphore_mem>>
      %dma_start3A_127 = arith.constant 0 : i32
      %dma_start3A_128 = arith.constant 0 : i32
      %dma_start3A_129 = tpu.memref_slice %arg8[%dma_start3A_127, %dma_start3A_128] : memref<64x128xf32, #tpu.memory_space<vmem>> -> memref<64x128xf32, #tpu.memory_space<vmem>>
      %dma_start3A_130 = arith.constant 0 : i32
      %dma_start3A_131 = tpu.memref_slice %arg7[%add3A_14, %dma_start3A_130] : memref<10240x128xf32, #tpu.memory_space<vmem_shared>> -> memref<64x128xf32, #tpu.memory_space<vmem_shared>>
      %dma_start3A_132 = arith.constant 0 : i32
      %dma_start3A_133 = tpu.memref_slice %arg7[%add3A_14, %dma_start3A_132] : memref<10240x128xf32, #tpu.memory_space<vmem_shared>> -> memref<64x128xf32, #tpu.memory_space<vmem_shared>>
      %dma_start3A_134 = arith.constant 0 : i32
      %dma_start3A_135 = arith.constant 0 : i32
      %dma_start3A_136 = tpu.memref_slice %arg8[%dma_start3A_134, %dma_start3A_135] : memref<64x128xf32, #tpu.memory_space<vmem>> -> memref<64x128xf32, #tpu.memory_space<vmem>>
      tpu.enqueue_dma source(%dma_start3A_136 : memref<64x128xf32, #tpu.memory_space<vmem>>) target(%dma_start3A_133 : memref<64x128xf32, #tpu.memory_space<vmem_shared>>) target_semaphore(%run_scoped3A : memref<!tpu.dma_semaphore, #tpu.memory_space<semaphore_mem>>)
      %dma_wait3A_137 = arith.constant 0 : i32
      %dma_wait3A_138 = arith.constant 0 : i32
      %dma_wait3A_139 = tpu.memref_slice %arg8[%dma_wait3A_137, %dma_wait3A_138] : memref<64x128xf32, #tpu.memory_space<vmem>> -> memref<64x128xf32, #tpu.memory_space<vmem>>
      %dma_wait3A_140 = arith.constant 0 : i32
      %dma_wait3A_141 = tpu.memref_slice %arg7[%add3A_14, %dma_wait3A_140] : memref<10240x128xf32, #tpu.memory_space<vmem_shared>> -> memref<64x128xf32, #tpu.memory_space<vmem_shared>>
      %dma_wait3A_142 = arith.constant 0 : i32
      %dma_wait3A_143 = tpu.memref_slice %arg7[%add3A_14, %dma_wait3A_142] : memref<10240x128xf32, #tpu.memory_space<vmem_shared>> -> memref<64x128xf32, #tpu.memory_space<vmem_shared>>
      %dma_wait3A_144 = arith.constant 0 : i32
      %dma_wait3A_145 = arith.constant 0 : i32
      %dma_wait3A_146 = tpu.memref_slice %arg8[%dma_wait3A_144, %dma_wait3A_145] : memref<64x128xf32, #tpu.memory_space<vmem>> -> memref<64x128xf32, #tpu.memory_space<vmem>>
      tpu.wait_dma2 semaphore(%run_scoped3A : memref<!tpu.dma_semaphore, #tpu.memory_space<semaphore_mem>>) src(%dma_wait3A_146 : memref<64x128xf32, #tpu.memory_space<vmem>>) dst(%dma_wait3A_143 : memref<64x128xf32, #tpu.memory_space<vmem_shared>>)
      tpu.yield
    }) : () -> ()
    %add3A_15 = arith.constant 256 : i32
    %add3A_16 = arith.addi %mul3A_6, %add3A_15 : i32
    "tpu.region"() ({
      %run_scoped3A = tpu.sem_alloc : memref<!tpu.dma_semaphore, #tpu.memory_space<semaphore_mem>>
      %dma_start3A_127 = arith.constant 0 : i32
      %dma_start3A_128 = arith.constant 0 : i32
      %dma_start3A_129 = tpu.memref_slice %arg8[%dma_start3A_127, %dma_start3A_128] : memref<64x128xf32, #tpu.memory_space<vmem>> -> memref<64x128xf32, #tpu.memory_space<vmem>>
      %dma_start3A_130 = arith.constant 0 : i32
      %dma_start3A_131 = tpu.memref_slice %arg7[%add3A_16, %dma_start3A_130] : memref<10240x128xf32, #tpu.memory_space<vmem_shared>> -> memref<64x128xf32, #tpu.memory_space<vmem_shared>>
      %dma_start3A_132 = arith.constant 0 : i32
      %dma_start3A_133 = tpu.memref_slice %arg7[%add3A_16, %dma_start3A_132] : memref<10240x128xf32, #tpu.memory_space<vmem_shared>> -> memref<64x128xf32, #tpu.memory_space<vmem_shared>>
      %dma_start3A_134 = arith.constant 0 : i32
      %dma_start3A_135 = arith.constant 0 : i32
      %dma_start3A_136 = tpu.memref_slice %arg8[%dma_start3A_134, %dma_start3A_135] : memref<64x128xf32, #tpu.memory_space<vmem>> -> memref<64x128xf32, #tpu.memory_space<vmem>>
      tpu.enqueue_dma source(%dma_start3A_136 : memref<64x128xf32, #tpu.memory_space<vmem>>) target(%dma_start3A_133 : memref<64x128xf32, #tpu.memory_space<vmem_shared>>) target_semaphore(%run_scoped3A : memref<!tpu.dma_semaphore, #tpu.memory_space<semaphore_mem>>)
      %dma_wait3A_137 = arith.constant 0 : i32
      %dma_wait3A_138 = arith.constant 0 : i32
      %dma_wait3A_139 = tpu.memref_slice %arg8[%dma_wait3A_137, %dma_wait3A_138] : memref<64x128xf32, #tpu.memory_space<vmem>> -> memref<64x128xf32, #tpu.memory_space<vmem>>
      %dma_wait3A_140 = arith.constant 0 : i32
      %dma_wait3A_141 = tpu.memref_slice %arg7[%add3A_16, %dma_wait3A_140] : memref<10240x128xf32, #tpu.memory_space<vmem_shared>> -> memref<64x128xf32, #tpu.memory_space<vmem_shared>>
      %dma_wait3A_142 = arith.constant 0 : i32
      %dma_wait3A_143 = tpu.memref_slice %arg7[%add3A_16, %dma_wait3A_142] : memref<10240x128xf32, #tpu.memory_space<vmem_shared>> -> memref<64x128xf32, #tpu.memory_space<vmem_shared>>
      %dma_wait3A_144 = arith.constant 0 : i32
      %dma_wait3A_145 = arith.constant 0 : i32
      %dma_wait3A_146 = tpu.memref_slice %arg8[%dma_wait3A_144, %dma_wait3A_145] : memref<64x128xf32, #tpu.memory_space<vmem>> -> memref<64x128xf32, #tpu.memory_space<vmem>>
      tpu.wait_dma2 semaphore(%run_scoped3A : memref<!tpu.dma_semaphore, #tpu.memory_space<semaphore_mem>>) src(%dma_wait3A_146 : memref<64x128xf32, #tpu.memory_space<vmem>>) dst(%dma_wait3A_143 : memref<64x128xf32, #tpu.memory_space<vmem_shared>>)
      tpu.yield
    }) : () -> ()
    %add3A_17 = arith.constant 320 : i32
    %add3A_18 = arith.addi %mul3A_6, %add3A_17 : i32
    "tpu.region"() ({
      %run_scoped3A = tpu.sem_alloc : memref<!tpu.dma_semaphore, #tpu.memory_space<semaphore_mem>>
      %dma_start3A_127 = arith.constant 0 : i32
      %dma_start3A_128 = arith.constant 0 : i32
      %dma_start3A_129 = tpu.memref_slice %arg8[%dma_start3A_127, %dma_start3A_128] : memref<64x128xf32, #tpu.memory_space<vmem>> -> memref<64x128xf32, #tpu.memory_space<vmem>>
      %dma_start3A_130 = arith.constant 0 : i32
      %dma_start3A_131 = tpu.memref_slice %arg7[%add3A_18, %dma_start3A_130] : memref<10240x128xf32, #tpu.memory_space<vmem_shared>> -> memref<64x128xf32, #tpu.memory_space<vmem_shared>>
      %dma_start3A_132 = arith.constant 0 : i32
      %dma_start3A_133 = tpu.memref_slice %arg7[%add3A_18, %dma_start3A_132] : memref<10240x128xf32, #tpu.memory_space<vmem_shared>> -> memref<64x128xf32, #tpu.memory_space<vmem_shared>>
      %dma_start3A_134 = arith.constant 0 : i32
      %dma_start3A_135 = arith.constant 0 : i32
      %dma_start3A_136 = tpu.memref_slice %arg8[%dma_start3A_134, %dma_start3A_135] : memref<64x128xf32, #tpu.memory_space<vmem>> -> memref<64x128xf32, #tpu.memory_space<vmem>>
      tpu.enqueue_dma source(%dma_start3A_136 : memref<64x128xf32, #tpu.memory_space<vmem>>) target(%dma_start3A_133 : memref<64x128xf32, #tpu.memory_space<vmem_shared>>) target_semaphore(%run_scoped3A : memref<!tpu.dma_semaphore, #tpu.memory_space<semaphore_mem>>)
      %dma_wait3A_137 = arith.constant 0 : i32
      %dma_wait3A_138 = arith.constant 0 : i32
      %dma_wait3A_139 = tpu.memref_slice %arg8[%dma_wait3A_137, %dma_wait3A_138] : memref<64x128xf32, #tpu.memory_space<vmem>> -> memref<64x128xf32, #tpu.memory_space<vmem>>
      %dma_wait3A_140 = arith.constant 0 : i32
      %dma_wait3A_141 = tpu.memref_slice %arg7[%add3A_18, %dma_wait3A_140] : memref<10240x128xf32, #tpu.memory_space<vmem_shared>> -> memref<64x128xf32, #tpu.memory_space<vmem_shared>>
      %dma_wait3A_142 = arith.constant 0 : i32
      %dma_wait3A_143 = tpu.memref_slice %arg7[%add3A_18, %dma_wait3A_142] : memref<10240x128xf32, #tpu.memory_space<vmem_shared>> -> memref<64x128xf32, #tpu.memory_space<vmem_shared>>
      %dma_wait3A_144 = arith.constant 0 : i32
      %dma_wait3A_145 = arith.constant 0 : i32
      %dma_wait3A_146 = tpu.memref_slice %arg8[%dma_wait3A_144, %dma_wait3A_145] : memref<64x128xf32, #tpu.memory_space<vmem>> -> memref<64x128xf32, #tpu.memory_space<vmem>>
      tpu.wait_dma2 semaphore(%run_scoped3A : memref<!tpu.dma_semaphore, #tpu.memory_space<semaphore_mem>>) src(%dma_wait3A_146 : memref<64x128xf32, #tpu.memory_space<vmem>>) dst(%dma_wait3A_143 : memref<64x128xf32, #tpu.memory_space<vmem_shared>>)
      tpu.yield
    }) : () -> ()
    %add3A_19 = arith.constant 384 : i32
    %add3A_20 = arith.addi %mul3A_6, %add3A_19 : i32
    "tpu.region"() ({
      %run_scoped3A = tpu.sem_alloc : memref<!tpu.dma_semaphore, #tpu.memory_space<semaphore_mem>>
      %dma_start3A_127 = arith.constant 0 : i32
      %dma_start3A_128 = arith.constant 0 : i32
      %dma_start3A_129 = tpu.memref_slice %arg8[%dma_start3A_127, %dma_start3A_128] : memref<64x128xf32, #tpu.memory_space<vmem>> -> memref<64x128xf32, #tpu.memory_space<vmem>>
      %dma_start3A_130 = arith.constant 0 : i32
      %dma_start3A_131 = tpu.memref_slice %arg7[%add3A_20, %dma_start3A_130] : memref<10240x128xf32, #tpu.memory_space<vmem_shared>> -> memref<64x128xf32, #tpu.memory_space<vmem_shared>>
      %dma_start3A_132 = arith.constant 0 : i32
      %dma_start3A_133 = tpu.memref_slice %arg7[%add3A_20, %dma_start3A_132] : memref<10240x128xf32, #tpu.memory_space<vmem_shared>> -> memref<64x128xf32, #tpu.memory_space<vmem_shared>>
      %dma_start3A_134 = arith.constant 0 : i32
      %dma_start3A_135 = arith.constant 0 : i32
      %dma_start3A_136 = tpu.memref_slice %arg8[%dma_start3A_134, %dma_start3A_135] : memref<64x128xf32, #tpu.memory_space<vmem>> -> memref<64x128xf32, #tpu.memory_space<vmem>>
      tpu.enqueue_dma source(%dma_start3A_136 : memref<64x128xf32, #tpu.memory_space<vmem>>) target(%dma_start3A_133 : memref<64x128xf32, #tpu.memory_space<vmem_shared>>) target_semaphore(%run_scoped3A : memref<!tpu.dma_semaphore, #tpu.memory_space<semaphore_mem>>)
      %dma_wait3A_137 = arith.constant 0 : i32
      %dma_wait3A_138 = arith.constant 0 : i32
      %dma_wait3A_139 = tpu.memref_slice %arg8[%dma_wait3A_137, %dma_wait3A_138] : memref<64x128xf32, #tpu.memory_space<vmem>> -> memref<64x128xf32, #tpu.memory_space<vmem>>
      %dma_wait3A_140 = arith.constant 0 : i32
      %dma_wait3A_141 = tpu.memref_slice %arg7[%add3A_20, %dma_wait3A_140] : memref<10240x128xf32, #tpu.memory_space<vmem_shared>> -> memref<64x128xf32, #tpu.memory_space<vmem_shared>>
      %dma_wait3A_142 = arith.constant 0 : i32
      %dma_wait3A_143 = tpu.memref_slice %arg7[%add3A_20, %dma_wait3A_142] : memref<10240x128xf32, #tpu.memory_space<vmem_shared>> -> memref<64x128xf32, #tpu.memory_space<vmem_shared>>
      %dma_wait3A_144 = arith.constant 0 : i32
      %dma_wait3A_145 = arith.constant 0 : i32
      %dma_wait3A_146 = tpu.memref_slice %arg8[%dma_wait3A_144, %dma_wait3A_145] : memref<64x128xf32, #tpu.memory_space<vmem>> -> memref<64x128xf32, #tpu.memory_space<vmem>>
      tpu.wait_dma2 semaphore(%run_scoped3A : memref<!tpu.dma_semaphore, #tpu.memory_space<semaphore_mem>>) src(%dma_wait3A_146 : memref<64x128xf32, #tpu.memory_space<vmem>>) dst(%dma_wait3A_143 : memref<64x128xf32, #tpu.memory_space<vmem_shared>>)
      tpu.yield
    }) : () -> ()
    %add3A_21 = arith.constant 448 : i32
    %add3A_22 = arith.addi %mul3A_6, %add3A_21 : i32
    "tpu.region"() ({
      %run_scoped3A = tpu.sem_alloc : memref<!tpu.dma_semaphore, #tpu.memory_space<semaphore_mem>>
      %dma_start3A_127 = arith.constant 0 : i32
      %dma_start3A_128 = arith.constant 0 : i32
      %dma_start3A_129 = tpu.memref_slice %arg8[%dma_start3A_127, %dma_start3A_128] : memref<64x128xf32, #tpu.memory_space<vmem>> -> memref<64x128xf32, #tpu.memory_space<vmem>>
      %dma_start3A_130 = arith.constant 0 : i32
      %dma_start3A_131 = tpu.memref_slice %arg7[%add3A_22, %dma_start3A_130] : memref<10240x128xf32, #tpu.memory_space<vmem_shared>> -> memref<64x128xf32, #tpu.memory_space<vmem_shared>>
      %dma_start3A_132 = arith.constant 0 : i32
      %dma_start3A_133 = tpu.memref_slice %arg7[%add3A_22, %dma_start3A_132] : memref<10240x128xf32, #tpu.memory_space<vmem_shared>> -> memref<64x128xf32, #tpu.memory_space<vmem_shared>>
      %dma_start3A_134 = arith.constant 0 : i32
      %dma_start3A_135 = arith.constant 0 : i32
      %dma_start3A_136 = tpu.memref_slice %arg8[%dma_start3A_134, %dma_start3A_135] : memref<64x128xf32, #tpu.memory_space<vmem>> -> memref<64x128xf32, #tpu.memory_space<vmem>>
      tpu.enqueue_dma source(%dma_start3A_136 : memref<64x128xf32, #tpu.memory_space<vmem>>) target(%dma_start3A_133 : memref<64x128xf32, #tpu.memory_space<vmem_shared>>) target_semaphore(%run_scoped3A : memref<!tpu.dma_semaphore, #tpu.memory_space<semaphore_mem>>)
      %dma_wait3A_137 = arith.constant 0 : i32
      %dma_wait3A_138 = arith.constant 0 : i32
      %dma_wait3A_139 = tpu.memref_slice %arg8[%dma_wait3A_137, %dma_wait3A_138] : memref<64x128xf32, #tpu.memory_space<vmem>> -> memref<64x128xf32, #tpu.memory_space<vmem>>
      %dma_wait3A_140 = arith.constant 0 : i32
      %dma_wait3A_141 = tpu.memref_slice %arg7[%add3A_22, %dma_wait3A_140] : memref<10240x128xf32, #tpu.memory_space<vmem_shared>> -> memref<64x128xf32, #tpu.memory_space<vmem_shared>>
      %dma_wait3A_142 = arith.constant 0 : i32
      %dma_wait3A_143 = tpu.memref_slice %arg7[%add3A_22, %dma_wait3A_142] : memref<10240x128xf32, #tpu.memory_space<vmem_shared>> -> memref<64x128xf32, #tpu.memory_space<vmem_shared>>
      %dma_wait3A_144 = arith.constant 0 : i32
      %dma_wait3A_145 = arith.constant 0 : i32
      %dma_wait3A_146 = tpu.memref_slice %arg8[%dma_wait3A_144, %dma_wait3A_145] : memref<64x128xf32, #tpu.memory_space<vmem>> -> memref<64x128xf32, #tpu.memory_space<vmem>>
      tpu.wait_dma2 semaphore(%run_scoped3A : memref<!tpu.dma_semaphore, #tpu.memory_space<semaphore_mem>>) src(%dma_wait3A_146 : memref<64x128xf32, #tpu.memory_space<vmem>>) dst(%dma_wait3A_143 : memref<64x128xf32, #tpu.memory_space<vmem_shared>>)
      tpu.yield
    }) : () -> ()
    %add3A_23 = arith.constant 512 : i32
    %add3A_24 = arith.addi %mul3A_6, %add3A_23 : i32
    "tpu.region"() ({
      %run_scoped3A = tpu.sem_alloc : memref<!tpu.dma_semaphore, #tpu.memory_space<semaphore_mem>>
      %dma_start3A_127 = arith.constant 0 : i32
      %dma_start3A_128 = arith.constant 0 : i32
      %dma_start3A_129 = tpu.memref_slice %arg8[%dma_start3A_127, %dma_start3A_128] : memref<64x128xf32, #tpu.memory_space<vmem>> -> memref<64x128xf32, #tpu.memory_space<vmem>>
      %dma_start3A_130 = arith.constant 0 : i32
      %dma_start3A_131 = tpu.memref_slice %arg7[%add3A_24, %dma_start3A_130] : memref<10240x128xf32, #tpu.memory_space<vmem_shared>> -> memref<64x128xf32, #tpu.memory_space<vmem_shared>>
      %dma_start3A_132 = arith.constant 0 : i32
      %dma_start3A_133 = tpu.memref_slice %arg7[%add3A_24, %dma_start3A_132] : memref<10240x128xf32, #tpu.memory_space<vmem_shared>> -> memref<64x128xf32, #tpu.memory_space<vmem_shared>>
      %dma_start3A_134 = arith.constant 0 : i32
      %dma_start3A_135 = arith.constant 0 : i32
      %dma_start3A_136 = tpu.memref_slice %arg8[%dma_start3A_134, %dma_start3A_135] : memref<64x128xf32, #tpu.memory_space<vmem>> -> memref<64x128xf32, #tpu.memory_space<vmem>>
      tpu.enqueue_dma source(%dma_start3A_136 : memref<64x128xf32, #tpu.memory_space<vmem>>) target(%dma_start3A_133 : memref<64x128xf32, #tpu.memory_space<vmem_shared>>) target_semaphore(%run_scoped3A : memref<!tpu.dma_semaphore, #tpu.memory_space<semaphore_mem>>)
      %dma_wait3A_137 = arith.constant 0 : i32
      %dma_wait3A_138 = arith.constant 0 : i32
      %dma_wait3A_139 = tpu.memref_slice %arg8[%dma_wait3A_137, %dma_wait3A_138] : memref<64x128xf32, #tpu.memory_space<vmem>> -> memref<64x128xf32, #tpu.memory_space<vmem>>
      %dma_wait3A_140 = arith.constant 0 : i32
      %dma_wait3A_141 = tpu.memref_slice %arg7[%add3A_24, %dma_wait3A_140] : memref<10240x128xf32, #tpu.memory_space<vmem_shared>> -> memref<64x128xf32, #tpu.memory_space<vmem_shared>>
      %dma_wait3A_142 = arith.constant 0 : i32
      %dma_wait3A_143 = tpu.memref_slice %arg7[%add3A_24, %dma_wait3A_142] : memref<10240x128xf32, #tpu.memory_space<vmem_shared>> -> memref<64x128xf32, #tpu.memory_space<vmem_shared>>
      %dma_wait3A_144 = arith.constant 0 : i32
      %dma_wait3A_145 = arith.constant 0 : i32
      %dma_wait3A_146 = tpu.memref_slice %arg8[%dma_wait3A_144, %dma_wait3A_145] : memref<64x128xf32, #tpu.memory_space<vmem>> -> memref<64x128xf32, #tpu.memory_space<vmem>>
      tpu.wait_dma2 semaphore(%run_scoped3A : memref<!tpu.dma_semaphore, #tpu.memory_space<semaphore_mem>>) src(%dma_wait3A_146 : memref<64x128xf32, #tpu.memory_space<vmem>>) dst(%dma_wait3A_143 : memref<64x128xf32, #tpu.memory_space<vmem_shared>>)
      tpu.yield
    }) : () -> ()
    %add3A_25 = arith.constant 576 : i32
    %add3A_26 = arith.addi %mul3A_6, %add3A_25 : i32
    "tpu.region"() ({
      %run_scoped3A = tpu.sem_alloc : memref<!tpu.dma_semaphore, #tpu.memory_space<semaphore_mem>>
      %dma_start3A_127 = arith.constant 0 : i32
      %dma_start3A_128 = arith.constant 0 : i32
      %dma_start3A_129 = tpu.memref_slice %arg8[%dma_start3A_127, %dma_start3A_128] : memref<64x128xf32, #tpu.memory_space<vmem>> -> memref<64x128xf32, #tpu.memory_space<vmem>>
      %dma_start3A_130 = arith.constant 0 : i32
      %dma_start3A_131 = tpu.memref_slice %arg7[%add3A_26, %dma_start3A_130] : memref<10240x128xf32, #tpu.memory_space<vmem_shared>> -> memref<64x128xf32, #tpu.memory_space<vmem_shared>>
      %dma_start3A_132 = arith.constant 0 : i32
      %dma_start3A_133 = tpu.memref_slice %arg7[%add3A_26, %dma_start3A_132] : memref<10240x128xf32, #tpu.memory_space<vmem_shared>> -> memref<64x128xf32, #tpu.memory_space<vmem_shared>>
      %dma_start3A_134 = arith.constant 0 : i32
      %dma_start3A_135 = arith.constant 0 : i32
      %dma_start3A_136 = tpu.memref_slice %arg8[%dma_start3A_134, %dma_start3A_135] : memref<64x128xf32, #tpu.memory_space<vmem>> -> memref<64x128xf32, #tpu.memory_space<vmem>>
      tpu.enqueue_dma source(%dma_start3A_136 : memref<64x128xf32, #tpu.memory_space<vmem>>) target(%dma_start3A_133 : memref<64x128xf32, #tpu.memory_space<vmem_shared>>) target_semaphore(%run_scoped3A : memref<!tpu.dma_semaphore, #tpu.memory_space<semaphore_mem>>)
      %dma_wait3A_137 = arith.constant 0 : i32
      %dma_wait3A_138 = arith.constant 0 : i32
      %dma_wait3A_139 = tpu.memref_slice %arg8[%dma_wait3A_137, %dma_wait3A_138] : memref<64x128xf32, #tpu.memory_space<vmem>> -> memref<64x128xf32, #tpu.memory_space<vmem>>
      %dma_wait3A_140 = arith.constant 0 : i32
      %dma_wait3A_141 = tpu.memref_slice %arg7[%add3A_26, %dma_wait3A_140] : memref<10240x128xf32, #tpu.memory_space<vmem_shared>> -> memref<64x128xf32, #tpu.memory_space<vmem_shared>>
      %dma_wait3A_142 = arith.constant 0 : i32
      %dma_wait3A_143 = tpu.memref_slice %arg7[%add3A_26, %dma_wait3A_142] : memref<10240x128xf32, #tpu.memory_space<vmem_shared>> -> memref<64x128xf32, #tpu.memory_space<vmem_shared>>
      %dma_wait3A_144 = arith.constant 0 : i32
      %dma_wait3A_145 = arith.constant 0 : i32
      %dma_wait3A_146 = tpu.memref_slice %arg8[%dma_wait3A_144, %dma_wait3A_145] : memref<64x128xf32, #tpu.memory_space<vmem>> -> memref<64x128xf32, #tpu.memory_space<vmem>>
      tpu.wait_dma2 semaphore(%run_scoped3A : memref<!tpu.dma_semaphore, #tpu.memory_space<semaphore_mem>>) src(%dma_wait3A_146 : memref<64x128xf32, #tpu.memory_space<vmem>>) dst(%dma_wait3A_143 : memref<64x128xf32, #tpu.memory_space<vmem_shared>>)
      tpu.yield
    }) : () -> ()
    %barrier3A = arith.constant 0 : index
    tpu.barrier barrier_id(%barrier3A)
    %dma_start3A = arith.constant 0 : i32
    %dma_start3A_27 = arith.constant 0 : i32
    %dma_start3A_28 = tpu.memref_slice %arg3[%add3A, %dma_start3A, %dma_start3A_27] : memref<32x160x64xi32, #tpu.memory_space<hbm>> -> memref<1x1x64xi32, #tpu.memory_space<hbm>>
    %dma_start3A_29 = tpu.memref_squeeze %dma_start3A_28 : memref<1x1x64xi32, #tpu.memory_space<hbm>> -> memref<64xi32, #tpu.memory_space<hbm>>
    %dma_start3A_30 = arith.constant 0 : i32
    %dma_start3A_31 = tpu.memref_slice %arg3[%add3A, %dma_start3A, %dma_start3A_30] : memref<32x160x64xi32, #tpu.memory_space<hbm>> -> memref<1x1x64xi32, #tpu.memory_space<hbm>>
    %dma_start3A_32 = tpu.memref_squeeze %dma_start3A_31 : memref<1x1x64xi32, #tpu.memory_space<hbm>> -> memref<64xi32, #tpu.memory_space<hbm>>
    tpu.enqueue_dma source(%dma_start3A_32 : memref<64xi32, #tpu.memory_space<hbm>>) target(%arg12 : memref<64xi32, #tpu.memory_space<vmem>>) target_semaphore(%arg32 : memref<!tpu.dma_semaphore, #tpu.memory_space<semaphore_mem>>)
    %dma_start3A_33 = arith.constant 0 : i32
    %dma_start3A_34 = arith.constant 0 : i32
    %dma_start3A_35 = tpu.memref_slice %arg4[%add3A, %dma_start3A_33, %dma_start3A_34] : memref<32x160x64xi32, #tpu.memory_space<hbm>> -> memref<1x1x64xi32, #tpu.memory_space<hbm>>
    %dma_start3A_36 = tpu.memref_squeeze %dma_start3A_35 : memref<1x1x64xi32, #tpu.memory_space<hbm>> -> memref<64xi32, #tpu.memory_space<hbm>>
    %dma_start3A_37 = arith.constant 0 : i32
    %dma_start3A_38 = tpu.memref_slice %arg4[%add3A, %dma_start3A_33, %dma_start3A_37] : memref<32x160x64xi32, #tpu.memory_space<hbm>> -> memref<1x1x64xi32, #tpu.memory_space<hbm>>
    %dma_start3A_39 = tpu.memref_squeeze %dma_start3A_38 : memref<1x1x64xi32, #tpu.memory_space<hbm>> -> memref<64xi32, #tpu.memory_space<hbm>>
    tpu.enqueue_dma source(%dma_start3A_39 : memref<64xi32, #tpu.memory_space<hbm>>) target(%arg16 : memref<64xi32, #tpu.memory_space<vmem>>) target_semaphore(%arg32 : memref<!tpu.dma_semaphore, #tpu.memory_space<semaphore_mem>>)
    %dma_start3A_40 = arith.constant 0 : i32
    %dma_start3A_41 = arith.constant 0 : i32
    %dma_start3A_42 = tpu.memref_slice %arg5[%add3A, %dma_start3A_40, %dma_start3A_41] : memref<32x160x64xf32, #tpu.memory_space<hbm>> -> memref<1x1x64xf32, #tpu.memory_space<hbm>>
    %dma_start3A_43 = tpu.memref_squeeze %dma_start3A_42 : memref<1x1x64xf32, #tpu.memory_space<hbm>> -> memref<64xf32, #tpu.memory_space<hbm>>
    %dma_start3A_44 = arith.constant 0 : i32
    %dma_start3A_45 = tpu.memref_slice %arg5[%add3A, %dma_start3A_40, %dma_start3A_44] : memref<32x160x64xf32, #tpu.memory_space<hbm>> -> memref<1x1x64xf32, #tpu.memory_space<hbm>>
    %dma_start3A_46 = tpu.memref_squeeze %dma_start3A_45 : memref<1x1x64xf32, #tpu.memory_space<hbm>> -> memref<64xf32, #tpu.memory_space<hbm>>
    tpu.enqueue_dma source(%dma_start3A_46 : memref<64xf32, #tpu.memory_space<hbm>>) target(%arg20 : memref<64xf32, #tpu.memory_space<vmem>>) target_semaphore(%arg32 : memref<!tpu.dma_semaphore, #tpu.memory_space<semaphore_mem>>)
    %dma_start3A_47 = arith.constant 1 : i32
    %dma_start3A_48 = arith.constant 0 : i32
    %dma_start3A_49 = tpu.memref_slice %arg3[%add3A, %dma_start3A_47, %dma_start3A_48] : memref<32x160x64xi32, #tpu.memory_space<hbm>> -> memref<1x1x64xi32, #tpu.memory_space<hbm>>
    %dma_start3A_50 = tpu.memref_squeeze %dma_start3A_49 : memref<1x1x64xi32, #tpu.memory_space<hbm>> -> memref<64xi32, #tpu.memory_space<hbm>>
    %dma_start3A_51 = arith.constant 0 : i32
    %dma_start3A_52 = tpu.memref_slice %arg3[%add3A, %dma_start3A_47, %dma_start3A_51] : memref<32x160x64xi32, #tpu.memory_space<hbm>> -> memref<1x1x64xi32, #tpu.memory_space<hbm>>
    %dma_start3A_53 = tpu.memref_squeeze %dma_start3A_52 : memref<1x1x64xi32, #tpu.memory_space<hbm>> -> memref<64xi32, #tpu.memory_space<hbm>>
    tpu.enqueue_dma source(%dma_start3A_53 : memref<64xi32, #tpu.memory_space<hbm>>) target(%arg13 : memref<64xi32, #tpu.memory_space<vmem>>) target_semaphore(%arg33 : memref<!tpu.dma_semaphore, #tpu.memory_space<semaphore_mem>>)
    %dma_start3A_54 = arith.constant 1 : i32
    %dma_start3A_55 = arith.constant 0 : i32
    %dma_start3A_56 = tpu.memref_slice %arg4[%add3A, %dma_start3A_54, %dma_start3A_55] : memref<32x160x64xi32, #tpu.memory_space<hbm>> -> memref<1x1x64xi32, #tpu.memory_space<hbm>>
    %dma_start3A_57 = tpu.memref_squeeze %dma_start3A_56 : memref<1x1x64xi32, #tpu.memory_space<hbm>> -> memref<64xi32, #tpu.memory_space<hbm>>
    %dma_start3A_58 = arith.constant 0 : i32
    %dma_start3A_59 = tpu.memref_slice %arg4[%add3A, %dma_start3A_54, %dma_start3A_58] : memref<32x160x64xi32, #tpu.memory_space<hbm>> -> memref<1x1x64xi32, #tpu.memory_space<hbm>>
    %dma_start3A_60 = tpu.memref_squeeze %dma_start3A_59 : memref<1x1x64xi32, #tpu.memory_space<hbm>> -> memref<64xi32, #tpu.memory_space<hbm>>
    tpu.enqueue_dma source(%dma_start3A_60 : memref<64xi32, #tpu.memory_space<hbm>>) target(%arg17 : memref<64xi32, #tpu.memory_space<vmem>>) target_semaphore(%arg33 : memref<!tpu.dma_semaphore, #tpu.memory_space<semaphore_mem>>)
    %dma_start3A_61 = arith.constant 1 : i32
    %dma_start3A_62 = arith.constant 0 : i32
    %dma_start3A_63 = tpu.memref_slice %arg5[%add3A, %dma_start3A_61, %dma_start3A_62] : memref<32x160x64xf32, #tpu.memory_space<hbm>> -> memref<1x1x64xf32, #tpu.memory_space<hbm>>
    %dma_start3A_64 = tpu.memref_squeeze %dma_start3A_63 : memref<1x1x64xf32, #tpu.memory_space<hbm>> -> memref<64xf32, #tpu.memory_space<hbm>>
    %dma_start3A_65 = arith.constant 0 : i32
    %dma_start3A_66 = tpu.memref_slice %arg5[%add3A, %dma_start3A_61, %dma_start3A_65] : memref<32x160x64xf32, #tpu.memory_space<hbm>> -> memref<1x1x64xf32, #tpu.memory_space<hbm>>
    %dma_start3A_67 = tpu.memref_squeeze %dma_start3A_66 : memref<1x1x64xf32, #tpu.memory_space<hbm>> -> memref<64xf32, #tpu.memory_space<hbm>>
    tpu.enqueue_dma source(%dma_start3A_67 : memref<64xf32, #tpu.memory_space<hbm>>) target(%arg21 : memref<64xf32, #tpu.memory_space<vmem>>) target_semaphore(%arg33 : memref<!tpu.dma_semaphore, #tpu.memory_space<semaphore_mem>>)
    %dma_wait3A = arith.constant 0 : i32
    %dma_wait3A_68 = arith.constant 0 : i32
    %dma_wait3A_69 = tpu.memref_slice %arg3[%add3A, %dma_wait3A, %dma_wait3A_68] : memref<32x160x64xi32, #tpu.memory_space<hbm>> -> memref<1x1x64xi32, #tpu.memory_space<hbm>>
    %dma_wait3A_70 = tpu.memref_squeeze %dma_wait3A_69 : memref<1x1x64xi32, #tpu.memory_space<hbm>> -> memref<64xi32, #tpu.memory_space<hbm>>
    %dma_wait3A_71 = arith.constant 0 : i32
    %dma_wait3A_72 = tpu.memref_slice %arg3[%add3A, %dma_wait3A, %dma_wait3A_71] : memref<32x160x64xi32, #tpu.memory_space<hbm>> -> memref<1x1x64xi32, #tpu.memory_space<hbm>>
    %dma_wait3A_73 = tpu.memref_squeeze %dma_wait3A_72 : memref<1x1x64xi32, #tpu.memory_space<hbm>> -> memref<64xi32, #tpu.memory_space<hbm>>
    tpu.wait_dma2 semaphore(%arg32 : memref<!tpu.dma_semaphore, #tpu.memory_space<semaphore_mem>>) src(%dma_wait3A_73 : memref<64xi32, #tpu.memory_space<hbm>>) dst(%arg12 : memref<64xi32, #tpu.memory_space<vmem>>)
    %dma_wait3A_74 = arith.constant 0 : i32
    %dma_wait3A_75 = arith.constant 0 : i32
    %dma_wait3A_76 = tpu.memref_slice %arg4[%add3A, %dma_wait3A_74, %dma_wait3A_75] : memref<32x160x64xi32, #tpu.memory_space<hbm>> -> memref<1x1x64xi32, #tpu.memory_space<hbm>>
    %dma_wait3A_77 = tpu.memref_squeeze %dma_wait3A_76 : memref<1x1x64xi32, #tpu.memory_space<hbm>> -> memref<64xi32, #tpu.memory_space<hbm>>
    %dma_wait3A_78 = arith.constant 0 : i32
    %dma_wait3A_79 = tpu.memref_slice %arg4[%add3A, %dma_wait3A_74, %dma_wait3A_78] : memref<32x160x64xi32, #tpu.memory_space<hbm>> -> memref<1x1x64xi32, #tpu.memory_space<hbm>>
    %dma_wait3A_80 = tpu.memref_squeeze %dma_wait3A_79 : memref<1x1x64xi32, #tpu.memory_space<hbm>> -> memref<64xi32, #tpu.memory_space<hbm>>
    tpu.wait_dma2 semaphore(%arg32 : memref<!tpu.dma_semaphore, #tpu.memory_space<semaphore_mem>>) src(%dma_wait3A_80 : memref<64xi32, #tpu.memory_space<hbm>>) dst(%arg16 : memref<64xi32, #tpu.memory_space<vmem>>)
    %dma_wait3A_81 = arith.constant 0 : i32
    %dma_wait3A_82 = arith.constant 0 : i32
    %dma_wait3A_83 = tpu.memref_slice %arg5[%add3A, %dma_wait3A_81, %dma_wait3A_82] : memref<32x160x64xf32, #tpu.memory_space<hbm>> -> memref<1x1x64xf32, #tpu.memory_space<hbm>>
    %dma_wait3A_84 = tpu.memref_squeeze %dma_wait3A_83 : memref<1x1x64xf32, #tpu.memory_space<hbm>> -> memref<64xf32, #tpu.memory_space<hbm>>
    %dma_wait3A_85 = arith.constant 0 : i32
    %dma_wait3A_86 = tpu.memref_slice %arg5[%add3A, %dma_wait3A_81, %dma_wait3A_85] : memref<32x160x64xf32, #tpu.memory_space<hbm>> -> memref<1x1x64xf32, #tpu.memory_space<hbm>>
    %dma_wait3A_87 = tpu.memref_squeeze %dma_wait3A_86 : memref<1x1x64xf32, #tpu.memory_space<hbm>> -> memref<64xf32, #tpu.memory_space<hbm>>
    tpu.wait_dma2 semaphore(%arg32 : memref<!tpu.dma_semaphore, #tpu.memory_space<semaphore_mem>>) src(%dma_wait3A_87 : memref<64xf32, #tpu.memory_space<hbm>>) dst(%arg20 : memref<64xf32, #tpu.memory_space<vmem>>)
    %dma_start3A_88 = arith.constant 0 : i32
    %dma_start3A_89 = arith.constant 0 : i32
    %dma_start3A_90 = tpu.memref_slice %arg2[%dma_start3A_88, %dma_start3A_89] : memref<10000x128xf32, #tpu.memory_space<hbm>> -> memref<10000x128xf32, #tpu.memory_space<hbm>>
    tpu.enqueue_indirect_dma source(%dma_start3A_90 : memref<10000x128xf32, #tpu.memory_space<hbm>>) target(%arg8 : memref<64x128xf32, #tpu.memory_space<vmem>>) offsets(%arg12 : memref<64xi32, #tpu.memory_space<vmem>>) semaphore(%arg24 : memref<!tpu.dma_semaphore, #tpu.memory_space<semaphore_mem>>)
    %dma_wait3A_91 = arith.constant 1 : i32
    %dma_wait3A_92 = arith.constant 0 : i32
    %dma_wait3A_93 = tpu.memref_slice %arg3[%add3A, %dma_wait3A_91, %dma_wait3A_92] : memref<32x160x64xi32, #tpu.memory_space<hbm>> -> memref<1x1x64xi32, #tpu.memory_space<hbm>>
    %dma_wait3A_94 = tpu.memref_squeeze %dma_wait3A_93 : memref<1x1x64xi32, #tpu.memory_space<hbm>> -> memref<64xi32, #tpu.memory_space<hbm>>
    %dma_wait3A_95 = arith.constant 0 : i32
    %dma_wait3A_96 = tpu.memref_slice %arg3[%add3A, %dma_wait3A_91, %dma_wait3A_95] : memref<32x160x64xi32, #tpu.memory_space<hbm>> -> memref<1x1x64xi32, #tpu.memory_space<hbm>>
    %dma_wait3A_97 = tpu.memref_squeeze %dma_wait3A_96 : memref<1x1x64xi32, #tpu.memory_space<hbm>> -> memref<64xi32, #tpu.memory_space<hbm>>
    tpu.wait_dma2 semaphore(%arg33 : memref<!tpu.dma_semaphore, #tpu.memory_space<semaphore_mem>>) src(%dma_wait3A_97 : memref<64xi32, #tpu.memory_space<hbm>>) dst(%arg13 : memref<64xi32, #tpu.memory_space<vmem>>)
    %dma_wait3A_98 = arith.constant 1 : i32
    %dma_wait3A_99 = arith.constant 0 : i32
    %dma_wait3A_100 = tpu.memref_slice %arg4[%add3A, %dma_wait3A_98, %dma_wait3A_99] : memref<32x160x64xi32, #tpu.memory_space<hbm>> -> memref<1x1x64xi32, #tpu.memory_space<hbm>>
    %dma_wait3A_101 = tpu.memref_squeeze %dma_wait3A_100 : memref<1x1x64xi32, #tpu.memory_space<hbm>> -> memref<64xi32, #tpu.memory_space<hbm>>
    %dma_wait3A_102 = arith.constant 0 : i32
    %dma_wait3A_103 = tpu.memref_slice %arg4[%add3A, %dma_wait3A_98, %dma_wait3A_102] : memref<32x160x64xi32, #tpu.memory_space<hbm>> -> memref<1x1x64xi32, #tpu.memory_space<hbm>>
    %dma_wait3A_104 = tpu.memref_squeeze %dma_wait3A_103 : memref<1x1x64xi32, #tpu.memory_space<hbm>> -> memref<64xi32, #tpu.memory_space<hbm>>
    tpu.wait_dma2 semaphore(%arg33 : memref<!tpu.dma_semaphore, #tpu.memory_space<semaphore_mem>>) src(%dma_wait3A_104 : memref<64xi32, #tpu.memory_space<hbm>>) dst(%arg17 : memref<64xi32, #tpu.memory_space<vmem>>)
    %dma_wait3A_105 = arith.constant 1 : i32
    %dma_wait3A_106 = arith.constant 0 : i32
    %dma_wait3A_107 = tpu.memref_slice %arg5[%add3A, %dma_wait3A_105, %dma_wait3A_106] : memref<32x160x64xf32, #tpu.memory_space<hbm>> -> memref<1x1x64xf32, #tpu.memory_space<hbm>>
    %dma_wait3A_108 = tpu.memref_squeeze %dma_wait3A_107 : memref<1x1x64xf32, #tpu.memory_space<hbm>> -> memref<64xf32, #tpu.memory_space<hbm>>
    %dma_wait3A_109 = arith.constant 0 : i32
    %dma_wait3A_110 = tpu.memref_slice %arg5[%add3A, %dma_wait3A_105, %dma_wait3A_109] : memref<32x160x64xf32, #tpu.memory_space<hbm>> -> memref<1x1x64xf32, #tpu.memory_space<hbm>>
    %dma_wait3A_111 = tpu.memref_squeeze %dma_wait3A_110 : memref<1x1x64xf32, #tpu.memory_space<hbm>> -> memref<64xf32, #tpu.memory_space<hbm>>
    tpu.wait_dma2 semaphore(%arg33 : memref<!tpu.dma_semaphore, #tpu.memory_space<semaphore_mem>>) src(%dma_wait3A_111 : memref<64xf32, #tpu.memory_space<hbm>>) dst(%arg21 : memref<64xf32, #tpu.memory_space<vmem>>)
    %dma_start3A_112 = arith.constant 0 : i32
    %dma_start3A_113 = arith.constant 0 : i32
    %dma_start3A_114 = tpu.memref_slice %arg2[%dma_start3A_112, %dma_start3A_113] : memref<10000x128xf32, #tpu.memory_space<hbm>> -> memref<10000x128xf32, #tpu.memory_space<hbm>>
    tpu.enqueue_indirect_dma source(%dma_start3A_114 : memref<10000x128xf32, #tpu.memory_space<hbm>>) target(%arg9 : memref<64x128xf32, #tpu.memory_space<vmem>>) offsets(%arg13 : memref<64xi32, #tpu.memory_space<vmem>>) semaphore(%arg25 : memref<!tpu.dma_semaphore, #tpu.memory_space<semaphore_mem>>)
    %scan3A_115 = arith.constant 0 : i32
    %scan3A_116 = arith.constant 40 : i32
    %scan3A_117 = arith.addi %scan3A_115, %scan3A_116 : i32
    %scan3A_118 = arith.constant 1 : i32
    scf.for %scan3A_127 = %scan3A_115 to %scan3A_117 step %scan3A_118  : i32 {
      %mul3A_128 = arith.constant 4 : i32
      %mul3A_129 = arith.muli %scan3A_127, %mul3A_128 : i32
      %add3A_130 = arith.constant 0 : i32
      %add3A_131 = arith.addi %add3A_130, %mul3A_129 : i32
      %add3A_132 = arith.constant 0 : i32
      %add3A_133 = arith.addi %add3A_131, %add3A_132 : i32
      %dma_wait3A_134 = arith.constant 0 : i32
      %dma_wait3A_135 = arith.constant 0 : i32
      %dma_wait3A_136 = tpu.memref_slice %arg2[%dma_wait3A_134, %dma_wait3A_135] : memref<10000x128xf32, #tpu.memory_space<hbm>> -> memref<10000x128xf32, #tpu.memory_space<hbm>>
      tpu.wait_indirect_dma semaphore(%arg24 : memref<!tpu.dma_semaphore, #tpu.memory_space<semaphore_mem>>) src(%dma_wait3A_136 : memref<10000x128xf32, #tpu.memory_space<hbm>>) dst(%arg8 : memref<64x128xf32, #tpu.memory_space<vmem>>)
      %ge3A = arith.constant 2 : i32
      %ge3A_137 = arith.cmpi sge, %add3A_133, %ge3A : i32
      %convert_element_type3A = arith.extui %ge3A_137 : i1 to i32
      %cond3A = arith.constant 0 : i32
      %cond3A_138 = arith.cmpi ne, %convert_element_type3A, %cond3A : i32
      scf.if %cond3A_138 {
        %dma_wait3A_256 = arith.constant 0 : i32
        %dma_wait3A_257 = arith.constant 0 : i32
        %dma_wait3A_258 = tpu.memref_slice %arg7[%dma_wait3A_256, %dma_wait3A_257] : memref<10240x128xf32, #tpu.memory_space<vmem_shared>> -> memref<10240x128xf32, #tpu.memory_space<vmem_shared>>
        tpu.wait_indirect_dma semaphore(%arg30 : memref<!tpu.dma_semaphore, #tpu.memory_space<semaphore_mem>>) src(%arg10 : memref<64x128xf32, #tpu.memory_space<vmem>>) dst(%dma_wait3A_258 : memref<10240x128xf32, #tpu.memory_space<vmem_shared>>)
      } else {
      }
      %add3A_139 = arith.constant 2 : i32
      %add3A_140 = arith.addi %add3A_133, %add3A_139 : i32
      %lt3A = arith.constant 160 : i32
      %lt3A_141 = arith.cmpi slt, %add3A_140, %lt3A : i32
      %convert_element_type3A_142 = arith.extui %lt3A_141 : i1 to i32
      %cond3A_143 = arith.constant 0 : i32
      %cond3A_144 = arith.cmpi ne, %convert_element_type3A_142, %cond3A_143 : i32
      scf.if %cond3A_144 {
        %add3A_256 = arith.constant 2 : i32
        %add3A_257 = arith.addi %add3A_133, %add3A_256 : i32
        %dma_start3A_258 = arith.constant 0 : i32
        %dma_start3A_259 = tpu.memref_slice %arg3[%add3A, %add3A_257, %dma_start3A_258] : memref<32x160x64xi32, #tpu.memory_space<hbm>> -> memref<1x1x64xi32, #tpu.memory_space<hbm>>
        %dma_start3A_260 = tpu.memref_squeeze %dma_start3A_259 : memref<1x1x64xi32, #tpu.memory_space<hbm>> -> memref<64xi32, #tpu.memory_space<hbm>>
        %dma_start3A_261 = arith.constant 0 : i32
        %dma_start3A_262 = tpu.memref_slice %arg3[%add3A, %add3A_257, %dma_start3A_261] : memref<32x160x64xi32, #tpu.memory_space<hbm>> -> memref<1x1x64xi32, #tpu.memory_space<hbm>>
        %dma_start3A_263 = tpu.memref_squeeze %dma_start3A_262 : memref<1x1x64xi32, #tpu.memory_space<hbm>> -> memref<64xi32, #tpu.memory_space<hbm>>
        tpu.enqueue_dma source(%dma_start3A_263 : memref<64xi32, #tpu.memory_space<hbm>>) target(%arg14 : memref<64xi32, #tpu.memory_space<vmem>>) target_semaphore(%arg34 : memref<!tpu.dma_semaphore, #tpu.memory_space<semaphore_mem>>)
        %dma_start3A_264 = arith.constant 0 : i32
        %dma_start3A_265 = tpu.memref_slice %arg4[%add3A, %add3A_257, %dma_start3A_264] : memref<32x160x64xi32, #tpu.memory_space<hbm>> -> memref<1x1x64xi32, #tpu.memory_space<hbm>>
        %dma_start3A_266 = tpu.memref_squeeze %dma_start3A_265 : memref<1x1x64xi32, #tpu.memory_space<hbm>> -> memref<64xi32, #tpu.memory_space<hbm>>
        %dma_start3A_267 = arith.constant 0 : i32
        %dma_start3A_268 = tpu.memref_slice %arg4[%add3A, %add3A_257, %dma_start3A_267] : memref<32x160x64xi32, #tpu.memory_space<hbm>> -> memref<1x1x64xi32, #tpu.memory_space<hbm>>
        %dma_start3A_269 = tpu.memref_squeeze %dma_start3A_268 : memref<1x1x64xi32, #tpu.memory_space<hbm>> -> memref<64xi32, #tpu.memory_space<hbm>>
        tpu.enqueue_dma source(%dma_start3A_269 : memref<64xi32, #tpu.memory_space<hbm>>) target(%arg18 : memref<64xi32, #tpu.memory_space<vmem>>) target_semaphore(%arg34 : memref<!tpu.dma_semaphore, #tpu.memory_space<semaphore_mem>>)
        %dma_start3A_270 = arith.constant 0 : i32
        %dma_start3A_271 = tpu.memref_slice %arg5[%add3A, %add3A_257, %dma_start3A_270] : memref<32x160x64xf32, #tpu.memory_space<hbm>> -> memref<1x1x64xf32, #tpu.memory_space<hbm>>
        %dma_start3A_272 = tpu.memref_squeeze %dma_start3A_271 : memref<1x1x64xf32, #tpu.memory_space<hbm>> -> memref<64xf32, #tpu.memory_space<hbm>>
        %dma_start3A_273 = arith.constant 0 : i32
        %dma_start3A_274 = tpu.memref_slice %arg5[%add3A, %add3A_257, %dma_start3A_273] : memref<32x160x64xf32, #tpu.memory_space<hbm>> -> memref<1x1x64xf32, #tpu.memory_space<hbm>>
        %dma_start3A_275 = tpu.memref_squeeze %dma_start3A_274 : memref<1x1x64xf32, #tpu.memory_space<hbm>> -> memref<64xf32, #tpu.memory_space<hbm>>
        tpu.enqueue_dma source(%dma_start3A_275 : memref<64xf32, #tpu.memory_space<hbm>>) target(%arg22 : memref<64xf32, #tpu.memory_space<vmem>>) target_semaphore(%arg34 : memref<!tpu.dma_semaphore, #tpu.memory_space<semaphore_mem>>)
      } else {
      }
      %scan3A_145 = arith.constant 0 : i32
      %scan3A_146 = arith.constant 64 : i32
      %scan3A_147 = arith.addi %scan3A_145, %scan3A_146 : i32
      %scan3A_148 = arith.constant 1 : i32
      scf.for %scan3A_256 = %scan3A_145 to %scan3A_147 step %scan3A_148  : i32 {
        %mul3A_257 = arith.constant 1 : i32
        %mul3A_258 = arith.muli %scan3A_256, %mul3A_257 : i32
        %add3A_259 = arith.constant 0 : i32
        %add3A_260 = arith.addi %add3A_259, %mul3A_258 : i32
        %broadcast_in_dim3A = vector.broadcast %add3A_260 : i32 to vector<16xi32>
        %gather3A = tpu.vector_load_idx %arg20[%broadcast_in_dim3A] : memref<64xf32, #tpu.memory_space<vmem>>[vector<16xi32>], vector<16xf32>,
        %get3A = arith.index_cast %add3A_260 : i32 to index
        %get3A_261 = arith.constant 0 : index
        %get3A_262 = tpu.vector_load %arg8[%get3A, %get3A_261] {strides = array<i32>} : memref<64x128xf32, #tpu.memory_space<vmem>>, vector<16xf32>,
        %mul3A_263 = arith.mulf %get3A_262, %gather3A : vector<16xf32>
        %swap3A = arith.index_cast %add3A_260 : i32 to index
        %swap3A_264 = arith.constant 0 : index
        %swap3A_265 = tpu.vector_load %arg8[%swap3A, %swap3A_264] {strides = array<i32>} : memref<64x128xf32, #tpu.memory_space<vmem>>, vector<16xf32>,
        tpu.vector_store %arg8[%swap3A, %swap3A_264], %mul3A_263 {strides = array<i32>} : memref<64x128xf32, #tpu.memory_space<vmem>>, vector<16xf32>,
        %get3A_266 = arith.index_cast %add3A_260 : i32 to index
        %get3A_267 = arith.constant 16 : index
        %get3A_268 = tpu.vector_load %arg8[%get3A_266, %get3A_267] {strides = array<i32>} : memref<64x128xf32, #tpu.memory_space<vmem>>, vector<16xf32>,
        %mul3A_269 = arith.mulf %get3A_268, %gather3A : vector<16xf32>
        %swap3A_270 = arith.index_cast %add3A_260 : i32 to index
        %swap3A_271 = arith.constant 16 : index
        %swap3A_272 = tpu.vector_load %arg8[%swap3A_270, %swap3A_271] {strides = array<i32>} : memref<64x128xf32, #tpu.memory_space<vmem>>, vector<16xf32>,
        tpu.vector_store %arg8[%swap3A_270, %swap3A_271], %mul3A_269 {strides = array<i32>} : memref<64x128xf32, #tpu.memory_space<vmem>>, vector<16xf32>,
        %get3A_273 = arith.index_cast %add3A_260 : i32 to index
        %get3A_274 = arith.constant 32 : index
        %get3A_275 = tpu.vector_load %arg8[%get3A_273, %get3A_274] {strides = array<i32>} : memref<64x128xf32, #tpu.memory_space<vmem>>, vector<16xf32>,
        %mul3A_276 = arith.mulf %get3A_275, %gather3A : vector<16xf32>
        %swap3A_277 = arith.index_cast %add3A_260 : i32 to index
        %swap3A_278 = arith.constant 32 : index
        %swap3A_279 = tpu.vector_load %arg8[%swap3A_277, %swap3A_278] {strides = array<i32>} : memref<64x128xf32, #tpu.memory_space<vmem>>, vector<16xf32>,
        tpu.vector_store %arg8[%swap3A_277, %swap3A_278], %mul3A_276 {strides = array<i32>} : memref<64x128xf32, #tpu.memory_space<vmem>>, vector<16xf32>,
        %get3A_280 = arith.index_cast %add3A_260 : i32 to index
        %get3A_281 = arith.constant 48 : index
        %get3A_282 = tpu.vector_load %arg8[%get3A_280, %get3A_281] {strides = array<i32>} : memref<64x128xf32, #tpu.memory_space<vmem>>, vector<16xf32>,
        %mul3A_283 = arith.mulf %get3A_282, %gather3A : vector<16xf32>
        %swap3A_284 = arith.index_cast %add3A_260 : i32 to index
        %swap3A_285 = arith.constant 48 : index
        %swap3A_286 = tpu.vector_load %arg8[%swap3A_284, %swap3A_285] {strides = array<i32>} : memref<64x128xf32, #tpu.memory_space<vmem>>, vector<16xf32>,
        tpu.vector_store %arg8[%swap3A_284, %swap3A_285], %mul3A_283 {strides = array<i32>} : memref<64x128xf32, #tpu.memory_space<vmem>>, vector<16xf32>,
        %get3A_287 = arith.index_cast %add3A_260 : i32 to index
        %get3A_288 = arith.constant 64 : index
        %get3A_289 = tpu.vector_load %arg8[%get3A_287, %get3A_288] {strides = array<i32>} : memref<64x128xf32, #tpu.memory_space<vmem>>, vector<16xf32>,
        %mul3A_290 = arith.mulf %get3A_289, %gather3A : vector<16xf32>
        %swap3A_291 = arith.index_cast %add3A_260 : i32 to index
        %swap3A_292 = arith.constant 64 : index
        %swap3A_293 = tpu.vector_load %arg8[%swap3A_291, %swap3A_292] {strides = array<i32>} : memref<64x128xf32, #tpu.memory_space<vmem>>, vector<16xf32>,
        tpu.vector_store %arg8[%swap3A_291, %swap3A_292], %mul3A_290 {strides = array<i32>} : memref<64x128xf32, #tpu.memory_space<vmem>>, vector<16xf32>,
        %get3A_294 = arith.index_cast %add3A_260 : i32 to index
        %get3A_295 = arith.constant 80 : index
        %get3A_296 = tpu.vector_load %arg8[%get3A_294, %get3A_295] {strides = array<i32>} : memref<64x128xf32, #tpu.memory_space<vmem>>, vector<16xf32>,
        %mul3A_297 = arith.mulf %get3A_296, %gather3A : vector<16xf32>
        %swap3A_298 = arith.index_cast %add3A_260 : i32 to index
        %swap3A_299 = arith.constant 80 : index
        %swap3A_300 = tpu.vector_load %arg8[%swap3A_298, %swap3A_299] {strides = array<i32>} : memref<64x128xf32, #tpu.memory_space<vmem>>, vector<16xf32>,
        tpu.vector_store %arg8[%swap3A_298, %swap3A_299], %mul3A_297 {strides = array<i32>} : memref<64x128xf32, #tpu.memory_space<vmem>>, vector<16xf32>,
        %get3A_301 = arith.index_cast %add3A_260 : i32 to index
        %get3A_302 = arith.constant 96 : index
        %get3A_303 = tpu.vector_load %arg8[%get3A_301, %get3A_302] {strides = array<i32>} : memref<64x128xf32, #tpu.memory_space<vmem>>, vector<16xf32>,
        %mul3A_304 = arith.mulf %get3A_303, %gather3A : vector<16xf32>
        %swap3A_305 = arith.index_cast %add3A_260 : i32 to index
        %swap3A_306 = arith.constant 96 : index
        %swap3A_307 = tpu.vector_load %arg8[%swap3A_305, %swap3A_306] {strides = array<i32>} : memref<64x128xf32, #tpu.memory_space<vmem>>, vector<16xf32>,
        tpu.vector_store %arg8[%swap3A_305, %swap3A_306], %mul3A_304 {strides = array<i32>} : memref<64x128xf32, #tpu.memory_space<vmem>>, vector<16xf32>,
        %get3A_308 = arith.index_cast %add3A_260 : i32 to index
        %get3A_309 = arith.constant 112 : index
        %get3A_310 = tpu.vector_load %arg8[%get3A_308, %get3A_309] {strides = array<i32>} : memref<64x128xf32, #tpu.memory_space<vmem>>, vector<16xf32>,
        %mul3A_311 = arith.mulf %get3A_310, %gather3A : vector<16xf32>
        %swap3A_312 = arith.index_cast %add3A_260 : i32 to index
        %swap3A_313 = arith.constant 112 : index
        %swap3A_314 = tpu.vector_load %arg8[%swap3A_312, %swap3A_313] {strides = array<i32>} : memref<64x128xf32, #tpu.memory_space<vmem>>, vector<16xf32>,
        tpu.vector_store %arg8[%swap3A_312, %swap3A_313], %mul3A_311 {strides = array<i32>} : memref<64x128xf32, #tpu.memory_space<vmem>>, vector<16xf32>,
      }
      %scan3A_149 = arith.constant 64 : i32
      %add3A_150 = arith.constant 2 : i32
      %add3A_151 = arith.addi %add3A_133, %add3A_150 : i32
      %lt3A_152 = arith.constant 160 : i32
      %lt3A_153 = arith.cmpi slt, %add3A_151, %lt3A_152 : i32
      %convert_element_type3A_154 = arith.extui %lt3A_153 : i1 to i32
      %cond3A_155 = arith.constant 0 : i32
      %cond3A_156 = arith.cmpi ne, %convert_element_type3A_154, %cond3A_155 : i32
      scf.if %cond3A_156 {
        %add3A_256 = arith.constant 2 : i32
        %add3A_257 = arith.addi %add3A_133, %add3A_256 : i32
        %dma_wait3A_258 = arith.constant 0 : i32
        %dma_wait3A_259 = tpu.memref_slice %arg3[%add3A, %add3A_257, %dma_wait3A_258] : memref<32x160x64xi32, #tpu.memory_space<hbm>> -> memref<1x1x64xi32, #tpu.memory_space<hbm>>
        %dma_wait3A_260 = tpu.memref_squeeze %dma_wait3A_259 : memref<1x1x64xi32, #tpu.memory_space<hbm>> -> memref<64xi32, #tpu.memory_space<hbm>>
        %dma_wait3A_261 = arith.constant 0 : i32
        %dma_wait3A_262 = tpu.memref_slice %arg3[%add3A, %add3A_257, %dma_wait3A_261] : memref<32x160x64xi32, #tpu.memory_space<hbm>> -> memref<1x1x64xi32, #tpu.memory_space<hbm>>
        %dma_wait3A_263 = tpu.memref_squeeze %dma_wait3A_262 : memref<1x1x64xi32, #tpu.memory_space<hbm>> -> memref<64xi32, #tpu.memory_space<hbm>>
        tpu.wait_dma2 semaphore(%arg34 : memref<!tpu.dma_semaphore, #tpu.memory_space<semaphore_mem>>) src(%dma_wait3A_263 : memref<64xi32, #tpu.memory_space<hbm>>) dst(%arg14 : memref<64xi32, #tpu.memory_space<vmem>>)
        %dma_wait3A_264 = arith.constant 0 : i32
        %dma_wait3A_265 = tpu.memref_slice %arg4[%add3A, %add3A_257, %dma_wait3A_264] : memref<32x160x64xi32, #tpu.memory_space<hbm>> -> memref<1x1x64xi32, #tpu.memory_space<hbm>>
        %dma_wait3A_266 = tpu.memref_squeeze %dma_wait3A_265 : memref<1x1x64xi32, #tpu.memory_space<hbm>> -> memref<64xi32, #tpu.memory_space<hbm>>
        %dma_wait3A_267 = arith.constant 0 : i32
        %dma_wait3A_268 = tpu.memref_slice %arg4[%add3A, %add3A_257, %dma_wait3A_267] : memref<32x160x64xi32, #tpu.memory_space<hbm>> -> memref<1x1x64xi32, #tpu.memory_space<hbm>>
        %dma_wait3A_269 = tpu.memref_squeeze %dma_wait3A_268 : memref<1x1x64xi32, #tpu.memory_space<hbm>> -> memref<64xi32, #tpu.memory_space<hbm>>
        tpu.wait_dma2 semaphore(%arg34 : memref<!tpu.dma_semaphore, #tpu.memory_space<semaphore_mem>>) src(%dma_wait3A_269 : memref<64xi32, #tpu.memory_space<hbm>>) dst(%arg18 : memref<64xi32, #tpu.memory_space<vmem>>)
        %dma_wait3A_270 = arith.constant 0 : i32
        %dma_wait3A_271 = tpu.memref_slice %arg5[%add3A, %add3A_257, %dma_wait3A_270] : memref<32x160x64xf32, #tpu.memory_space<hbm>> -> memref<1x1x64xf32, #tpu.memory_space<hbm>>
        %dma_wait3A_272 = tpu.memref_squeeze %dma_wait3A_271 : memref<1x1x64xf32, #tpu.memory_space<hbm>> -> memref<64xf32, #tpu.memory_space<hbm>>
        %dma_wait3A_273 = arith.constant 0 : i32
        %dma_wait3A_274 = tpu.memref_slice %arg5[%add3A, %add3A_257, %dma_wait3A_273] : memref<32x160x64xf32, #tpu.memory_space<hbm>> -> memref<1x1x64xf32, #tpu.memory_space<hbm>>
        %dma_wait3A_275 = tpu.memref_squeeze %dma_wait3A_274 : memref<1x1x64xf32, #tpu.memory_space<hbm>> -> memref<64xf32, #tpu.memory_space<hbm>>
        tpu.wait_dma2 semaphore(%arg34 : memref<!tpu.dma_semaphore, #tpu.memory_space<semaphore_mem>>) src(%dma_wait3A_275 : memref<64xf32, #tpu.memory_space<hbm>>) dst(%arg22 : memref<64xf32, #tpu.memory_space<vmem>>)
        %dma_start3A_276 = arith.constant 0 : i32
        %dma_start3A_277 = arith.constant 0 : i32
        %dma_start3A_278 = tpu.memref_slice %arg2[%dma_start3A_276, %dma_start3A_277] : memref<10000x128xf32, #tpu.memory_space<hbm>> -> memref<10000x128xf32, #tpu.memory_space<hbm>>
        tpu.enqueue_indirect_dma source(%dma_start3A_278 : memref<10000x128xf32, #tpu.memory_space<hbm>>) target(%arg10 : memref<64x128xf32, #tpu.memory_space<vmem>>) offsets(%arg14 : memref<64xi32, #tpu.memory_space<vmem>>) semaphore(%arg26 : memref<!tpu.dma_semaphore, #tpu.memory_space<semaphore_mem>>)
      } else {
      }
      %dma_start3A_157 = arith.constant 0 : i32
      %dma_start3A_158 = arith.constant 0 : i32
      %dma_start3A_159 = tpu.memref_slice %arg7[%dma_start3A_157, %dma_start3A_158] : memref<10240x128xf32, #tpu.memory_space<vmem_shared>> -> memref<10240x128xf32, #tpu.memory_space<vmem_shared>>
      tpu.enqueue_indirect_dma source(%arg8 : memref<64x128xf32, #tpu.memory_space<vmem>>) target(%dma_start3A_159 : memref<10240x128xf32, #tpu.memory_space<vmem_shared>>) offsets(%arg16 : memref<64xi32, #tpu.memory_space<vmem>>) semaphore(%arg28 : memref<!tpu.dma_semaphore, #tpu.memory_space<semaphore_mem>>) {add = true}
      %add3A_160 = arith.constant 1 : i32
      %add3A_161 = arith.addi %add3A_131, %add3A_160 : i32
      %dma_wait3A_162 = arith.constant 0 : i32
      %dma_wait3A_163 = arith.constant 0 : i32
      %dma_wait3A_164 = tpu.memref_slice %arg2[%dma_wait3A_162, %dma_wait3A_163] : memref<10000x128xf32, #tpu.memory_space<hbm>> -> memref<10000x128xf32, #tpu.memory_space<hbm>>
      tpu.wait_indirect_dma semaphore(%arg25 : memref<!tpu.dma_semaphore, #tpu.memory_space<semaphore_mem>>) src(%dma_wait3A_164 : memref<10000x128xf32, #tpu.memory_space<hbm>>) dst(%arg9 : memref<64x128xf32, #tpu.memory_space<vmem>>)
      %ge3A_165 = arith.constant 2 : i32
      %ge3A_166 = arith.cmpi sge, %add3A_161, %ge3A_165 : i32
      %convert_element_type3A_167 = arith.extui %ge3A_166 : i1 to i32
      %cond3A_168 = arith.constant 0 : i32
      %cond3A_169 = arith.cmpi ne, %convert_element_type3A_167, %cond3A_168 : i32
      scf.if %cond3A_169 {
        %dma_wait3A_256 = arith.constant 0 : i32
        %dma_wait3A_257 = arith.constant 0 : i32
        %dma_wait3A_258 = tpu.memref_slice %arg7[%dma_wait3A_256, %dma_wait3A_257] : memref<10240x128xf32, #tpu.memory_space<vmem_shared>> -> memref<10240x128xf32, #tpu.memory_space<vmem_shared>>
        tpu.wait_indirect_dma semaphore(%arg31 : memref<!tpu.dma_semaphore, #tpu.memory_space<semaphore_mem>>) src(%arg11 : memref<64x128xf32, #tpu.memory_space<vmem>>) dst(%dma_wait3A_258 : memref<10240x128xf32, #tpu.memory_space<vmem_shared>>)
      } else {
      }
      %add3A_170 = arith.constant 2 : i32
      %add3A_171 = arith.addi %add3A_161, %add3A_170 : i32
      %lt3A_172 = arith.constant 160 : i32
      %lt3A_173 = arith.cmpi slt, %add3A_171, %lt3A_172 : i32
      %convert_element_type3A_174 = arith.extui %lt3A_173 : i1 to i32
      %cond3A_175 = arith.constant 0 : i32
      %cond3A_176 = arith.cmpi ne, %convert_element_type3A_174, %cond3A_175 : i32
      scf.if %cond3A_176 {
        %add3A_256 = arith.constant 2 : i32
        %add3A_257 = arith.addi %add3A_161, %add3A_256 : i32
        %dma_start3A_258 = arith.constant 0 : i32
        %dma_start3A_259 = tpu.memref_slice %arg3[%add3A, %add3A_257, %dma_start3A_258] : memref<32x160x64xi32, #tpu.memory_space<hbm>> -> memref<1x1x64xi32, #tpu.memory_space<hbm>>
        %dma_start3A_260 = tpu.memref_squeeze %dma_start3A_259 : memref<1x1x64xi32, #tpu.memory_space<hbm>> -> memref<64xi32, #tpu.memory_space<hbm>>
        %dma_start3A_261 = arith.constant 0 : i32
        %dma_start3A_262 = tpu.memref_slice %arg3[%add3A, %add3A_257, %dma_start3A_261] : memref<32x160x64xi32, #tpu.memory_space<hbm>> -> memref<1x1x64xi32, #tpu.memory_space<hbm>>
        %dma_start3A_263 = tpu.memref_squeeze %dma_start3A_262 : memref<1x1x64xi32, #tpu.memory_space<hbm>> -> memref<64xi32, #tpu.memory_space<hbm>>
        tpu.enqueue_dma source(%dma_start3A_263 : memref<64xi32, #tpu.memory_space<hbm>>) target(%arg15 : memref<64xi32, #tpu.memory_space<vmem>>) target_semaphore(%arg35 : memref<!tpu.dma_semaphore, #tpu.memory_space<semaphore_mem>>)
        %dma_start3A_264 = arith.constant 0 : i32
        %dma_start3A_265 = tpu.memref_slice %arg4[%add3A, %add3A_257, %dma_start3A_264] : memref<32x160x64xi32, #tpu.memory_space<hbm>> -> memref<1x1x64xi32, #tpu.memory_space<hbm>>
        %dma_start3A_266 = tpu.memref_squeeze %dma_start3A_265 : memref<1x1x64xi32, #tpu.memory_space<hbm>> -> memref<64xi32, #tpu.memory_space<hbm>>
        %dma_start3A_267 = arith.constant 0 : i32
        %dma_start3A_268 = tpu.memref_slice %arg4[%add3A, %add3A_257, %dma_start3A_267] : memref<32x160x64xi32, #tpu.memory_space<hbm>> -> memref<1x1x64xi32, #tpu.memory_space<hbm>>
        %dma_start3A_269 = tpu.memref_squeeze %dma_start3A_268 : memref<1x1x64xi32, #tpu.memory_space<hbm>> -> memref<64xi32, #tpu.memory_space<hbm>>
        tpu.enqueue_dma source(%dma_start3A_269 : memref<64xi32, #tpu.memory_space<hbm>>) target(%arg19 : memref<64xi32, #tpu.memory_space<vmem>>) target_semaphore(%arg35 : memref<!tpu.dma_semaphore, #tpu.memory_space<semaphore_mem>>)
        %dma_start3A_270 = arith.constant 0 : i32
        %dma_start3A_271 = tpu.memref_slice %arg5[%add3A, %add3A_257, %dma_start3A_270] : memref<32x160x64xf32, #tpu.memory_space<hbm>> -> memref<1x1x64xf32, #tpu.memory_space<hbm>>
        %dma_start3A_272 = tpu.memref_squeeze %dma_start3A_271 : memref<1x1x64xf32, #tpu.memory_space<hbm>> -> memref<64xf32, #tpu.memory_space<hbm>>
        %dma_start3A_273 = arith.constant 0 : i32
        %dma_start3A_274 = tpu.memref_slice %arg5[%add3A, %add3A_257, %dma_start3A_273] : memref<32x160x64xf32, #tpu.memory_space<hbm>> -> memref<1x1x64xf32, #tpu.memory_space<hbm>>
        %dma_start3A_275 = tpu.memref_squeeze %dma_start3A_274 : memref<1x1x64xf32, #tpu.memory_space<hbm>> -> memref<64xf32, #tpu.memory_space<hbm>>
        tpu.enqueue_dma source(%dma_start3A_275 : memref<64xf32, #tpu.memory_space<hbm>>) target(%arg23 : memref<64xf32, #tpu.memory_space<vmem>>) target_semaphore(%arg35 : memref<!tpu.dma_semaphore, #tpu.memory_space<semaphore_mem>>)
      } else {
      }
      %scan3A_177 = arith.constant 0 : i32
      %scan3A_178 = arith.constant 64 : i32
      %scan3A_179 = arith.addi %scan3A_177, %scan3A_178 : i32
      %scan3A_180 = arith.constant 1 : i32
      scf.for %scan3A_256 = %scan3A_177 to %scan3A_179 step %scan3A_180  : i32 {
        %mul3A_257 = arith.constant 1 : i32
        %mul3A_258 = arith.muli %scan3A_256, %mul3A_257 : i32
        %add3A_259 = arith.constant 0 : i32
        %add3A_260 = arith.addi %add3A_259, %mul3A_258 : i32
        %broadcast_in_dim3A = vector.broadcast %add3A_260 : i32 to vector<16xi32>
        %gather3A = tpu.vector_load_idx %arg21[%broadcast_in_dim3A] : memref<64xf32, #tpu.memory_space<vmem>>[vector<16xi32>], vector<16xf32>,
        %get3A = arith.index_cast %add3A_260 : i32 to index
        %get3A_261 = arith.constant 0 : index
        %get3A_262 = tpu.vector_load %arg9[%get3A, %get3A_261] {strides = array<i32>} : memref<64x128xf32, #tpu.memory_space<vmem>>, vector<16xf32>,
        %mul3A_263 = arith.mulf %get3A_262, %gather3A : vector<16xf32>
        %swap3A = arith.index_cast %add3A_260 : i32 to index
        %swap3A_264 = arith.constant 0 : index
        %swap3A_265 = tpu.vector_load %arg9[%swap3A, %swap3A_264] {strides = array<i32>} : memref<64x128xf32, #tpu.memory_space<vmem>>, vector<16xf32>,
        tpu.vector_store %arg9[%swap3A, %swap3A_264], %mul3A_263 {strides = array<i32>} : memref<64x128xf32, #tpu.memory_space<vmem>>, vector<16xf32>,
        %get3A_266 = arith.index_cast %add3A_260 : i32 to index
        %get3A_267 = arith.constant 16 : index
        %get3A_268 = tpu.vector_load %arg9[%get3A_266, %get3A_267] {strides = array<i32>} : memref<64x128xf32, #tpu.memory_space<vmem>>, vector<16xf32>,
        %mul3A_269 = arith.mulf %get3A_268, %gather3A : vector<16xf32>
        %swap3A_270 = arith.index_cast %add3A_260 : i32 to index
        %swap3A_271 = arith.constant 16 : index
        %swap3A_272 = tpu.vector_load %arg9[%swap3A_270, %swap3A_271] {strides = array<i32>} : memref<64x128xf32, #tpu.memory_space<vmem>>, vector<16xf32>,
        tpu.vector_store %arg9[%swap3A_270, %swap3A_271], %mul3A_269 {strides = array<i32>} : memref<64x128xf32, #tpu.memory_space<vmem>>, vector<16xf32>,
        %get3A_273 = arith.index_cast %add3A_260 : i32 to index
        %get3A_274 = arith.constant 32 : index
        %get3A_275 = tpu.vector_load %arg9[%get3A_273, %get3A_274] {strides = array<i32>} : memref<64x128xf32, #tpu.memory_space<vmem>>, vector<16xf32>,
        %mul3A_276 = arith.mulf %get3A_275, %gather3A : vector<16xf32>
        %swap3A_277 = arith.index_cast %add3A_260 : i32 to index
        %swap3A_278 = arith.constant 32 : index
        %swap3A_279 = tpu.vector_load %arg9[%swap3A_277, %swap3A_278] {strides = array<i32>} : memref<64x128xf32, #tpu.memory_space<vmem>>, vector<16xf32>,
        tpu.vector_store %arg9[%swap3A_277, %swap3A_278], %mul3A_276 {strides = array<i32>} : memref<64x128xf32, #tpu.memory_space<vmem>>, vector<16xf32>,
        %get3A_280 = arith.index_cast %add3A_260 : i32 to index
        %get3A_281 = arith.constant 48 : index
        %get3A_282 = tpu.vector_load %arg9[%get3A_280, %get3A_281] {strides = array<i32>} : memref<64x128xf32, #tpu.memory_space<vmem>>, vector<16xf32>,
        %mul3A_283 = arith.mulf %get3A_282, %gather3A : vector<16xf32>
        %swap3A_284 = arith.index_cast %add3A_260 : i32 to index
        %swap3A_285 = arith.constant 48 : index
        %swap3A_286 = tpu.vector_load %arg9[%swap3A_284, %swap3A_285] {strides = array<i32>} : memref<64x128xf32, #tpu.memory_space<vmem>>, vector<16xf32>,
        tpu.vector_store %arg9[%swap3A_284, %swap3A_285], %mul3A_283 {strides = array<i32>} : memref<64x128xf32, #tpu.memory_space<vmem>>, vector<16xf32>,
        %get3A_287 = arith.index_cast %add3A_260 : i32 to index
        %get3A_288 = arith.constant 64 : index
        %get3A_289 = tpu.vector_load %arg9[%get3A_287, %get3A_288] {strides = array<i32>} : memref<64x128xf32, #tpu.memory_space<vmem>>, vector<16xf32>,
        %mul3A_290 = arith.mulf %get3A_289, %gather3A : vector<16xf32>
        %swap3A_291 = arith.index_cast %add3A_260 : i32 to index
        %swap3A_292 = arith.constant 64 : index
        %swap3A_293 = tpu.vector_load %arg9[%swap3A_291, %swap3A_292] {strides = array<i32>} : memref<64x128xf32, #tpu.memory_space<vmem>>, vector<16xf32>,
        tpu.vector_store %arg9[%swap3A_291, %swap3A_292], %mul3A_290 {strides = array<i32>} : memref<64x128xf32, #tpu.memory_space<vmem>>, vector<16xf32>,
        %get3A_294 = arith.index_cast %add3A_260 : i32 to index
        %get3A_295 = arith.constant 80 : index
        %get3A_296 = tpu.vector_load %arg9[%get3A_294, %get3A_295] {strides = array<i32>} : memref<64x128xf32, #tpu.memory_space<vmem>>, vector<16xf32>,
        %mul3A_297 = arith.mulf %get3A_296, %gather3A : vector<16xf32>
        %swap3A_298 = arith.index_cast %add3A_260 : i32 to index
        %swap3A_299 = arith.constant 80 : index
        %swap3A_300 = tpu.vector_load %arg9[%swap3A_298, %swap3A_299] {strides = array<i32>} : memref<64x128xf32, #tpu.memory_space<vmem>>, vector<16xf32>,
        tpu.vector_store %arg9[%swap3A_298, %swap3A_299], %mul3A_297 {strides = array<i32>} : memref<64x128xf32, #tpu.memory_space<vmem>>, vector<16xf32>,
        %get3A_301 = arith.index_cast %add3A_260 : i32 to index
        %get3A_302 = arith.constant 96 : index
        %get3A_303 = tpu.vector_load %arg9[%get3A_301, %get3A_302] {strides = array<i32>} : memref<64x128xf32, #tpu.memory_space<vmem>>, vector<16xf32>,
        %mul3A_304 = arith.mulf %get3A_303, %gather3A : vector<16xf32>
        %swap3A_305 = arith.index_cast %add3A_260 : i32 to index
        %swap3A_306 = arith.constant 96 : index
        %swap3A_307 = tpu.vector_load %arg9[%swap3A_305, %swap3A_306] {strides = array<i32>} : memref<64x128xf32, #tpu.memory_space<vmem>>, vector<16xf32>,
        tpu.vector_store %arg9[%swap3A_305, %swap3A_306], %mul3A_304 {strides = array<i32>} : memref<64x128xf32, #tpu.memory_space<vmem>>, vector<16xf32>,
        %get3A_308 = arith.index_cast %add3A_260 : i32 to index
        %get3A_309 = arith.constant 112 : index
        %get3A_310 = tpu.vector_load %arg9[%get3A_308, %get3A_309] {strides = array<i32>} : memref<64x128xf32, #tpu.memory_space<vmem>>, vector<16xf32>,
        %mul3A_311 = arith.mulf %get3A_310, %gather3A : vector<16xf32>
        %swap3A_312 = arith.index_cast %add3A_260 : i32 to index
        %swap3A_313 = arith.constant 112 : index
        %swap3A_314 = tpu.vector_load %arg9[%swap3A_312, %swap3A_313] {strides = array<i32>} : memref<64x128xf32, #tpu.memory_space<vmem>>, vector<16xf32>,
        tpu.vector_store %arg9[%swap3A_312, %swap3A_313], %mul3A_311 {strides = array<i32>} : memref<64x128xf32, #tpu.memory_space<vmem>>, vector<16xf32>,
      }
      %scan3A_181 = arith.constant 64 : i32
      %add3A_182 = arith.constant 2 : i32
      %add3A_183 = arith.addi %add3A_161, %add3A_182 : i32
      %lt3A_184 = arith.constant 160 : i32
      %lt3A_185 = arith.cmpi slt, %add3A_183, %lt3A_184 : i32
      %convert_element_type3A_186 = arith.extui %lt3A_185 : i1 to i32
      %cond3A_187 = arith.constant 0 : i32
      %cond3A_188 = arith.cmpi ne, %convert_element_type3A_186, %cond3A_187 : i32
      scf.if %cond3A_188 {
        %add3A_256 = arith.constant 2 : i32
        %add3A_257 = arith.addi %add3A_161, %add3A_256 : i32
        %dma_wait3A_258 = arith.constant 0 : i32
        %dma_wait3A_259 = tpu.memref_slice %arg3[%add3A, %add3A_257, %dma_wait3A_258] : memref<32x160x64xi32, #tpu.memory_space<hbm>> -> memref<1x1x64xi32, #tpu.memory_space<hbm>>
        %dma_wait3A_260 = tpu.memref_squeeze %dma_wait3A_259 : memref<1x1x64xi32, #tpu.memory_space<hbm>> -> memref<64xi32, #tpu.memory_space<hbm>>
        %dma_wait3A_261 = arith.constant 0 : i32
        %dma_wait3A_262 = tpu.memref_slice %arg3[%add3A, %add3A_257, %dma_wait3A_261] : memref<32x160x64xi32, #tpu.memory_space<hbm>> -> memref<1x1x64xi32, #tpu.memory_space<hbm>>
        %dma_wait3A_263 = tpu.memref_squeeze %dma_wait3A_262 : memref<1x1x64xi32, #tpu.memory_space<hbm>> -> memref<64xi32, #tpu.memory_space<hbm>>
        tpu.wait_dma2 semaphore(%arg35 : memref<!tpu.dma_semaphore, #tpu.memory_space<semaphore_mem>>) src(%dma_wait3A_263 : memref<64xi32, #tpu.memory_space<hbm>>) dst(%arg15 : memref<64xi32, #tpu.memory_space<vmem>>)
        %dma_wait3A_264 = arith.constant 0 : i32
        %dma_wait3A_265 = tpu.memref_slice %arg4[%add3A, %add3A_257, %dma_wait3A_264] : memref<32x160x64xi32, #tpu.memory_space<hbm>> -> memref<1x1x64xi32, #tpu.memory_space<hbm>>
        %dma_wait3A_266 = tpu.memref_squeeze %dma_wait3A_265 : memref<1x1x64xi32, #tpu.memory_space<hbm>> -> memref<64xi32, #tpu.memory_space<hbm>>
        %dma_wait3A_267 = arith.constant 0 : i32
        %dma_wait3A_268 = tpu.memref_slice %arg4[%add3A, %add3A_257, %dma_wait3A_267] : memref<32x160x64xi32, #tpu.memory_space<hbm>> -> memref<1x1x64xi32, #tpu.memory_space<hbm>>
        %dma_wait3A_269 = tpu.memref_squeeze %dma_wait3A_268 : memref<1x1x64xi32, #tpu.memory_space<hbm>> -> memref<64xi32, #tpu.memory_space<hbm>>
        tpu.wait_dma2 semaphore(%arg35 : memref<!tpu.dma_semaphore, #tpu.memory_space<semaphore_mem>>) src(%dma_wait3A_269 : memref<64xi32, #tpu.memory_space<hbm>>) dst(%arg19 : memref<64xi32, #tpu.memory_space<vmem>>)
        %dma_wait3A_270 = arith.constant 0 : i32
        %dma_wait3A_271 = tpu.memref_slice %arg5[%add3A, %add3A_257, %dma_wait3A_270] : memref<32x160x64xf32, #tpu.memory_space<hbm>> -> memref<1x1x64xf32, #tpu.memory_space<hbm>>
        %dma_wait3A_272 = tpu.memref_squeeze %dma_wait3A_271 : memref<1x1x64xf32, #tpu.memory_space<hbm>> -> memref<64xf32, #tpu.memory_space<hbm>>
        %dma_wait3A_273 = arith.constant 0 : i32
        %dma_wait3A_274 = tpu.memref_slice %arg5[%add3A, %add3A_257, %dma_wait3A_273] : memref<32x160x64xf32, #tpu.memory_space<hbm>> -> memref<1x1x64xf32, #tpu.memory_space<hbm>>
        %dma_wait3A_275 = tpu.memref_squeeze %dma_wait3A_274 : memref<1x1x64xf32, #tpu.memory_space<hbm>> -> memref<64xf32, #tpu.memory_space<hbm>>
        tpu.wait_dma2 semaphore(%arg35 : memref<!tpu.dma_semaphore, #tpu.memory_space<semaphore_mem>>) src(%dma_wait3A_275 : memref<64xf32, #tpu.memory_space<hbm>>) dst(%arg23 : memref<64xf32, #tpu.memory_space<vmem>>)
        %dma_start3A_276 = arith.constant 0 : i32
        %dma_start3A_277 = arith.constant 0 : i32
        %dma_start3A_278 = tpu.memref_slice %arg2[%dma_start3A_276, %dma_start3A_277] : memref<10000x128xf32, #tpu.memory_space<hbm>> -> memref<10000x128xf32, #tpu.memory_space<hbm>>
        tpu.enqueue_indirect_dma source(%dma_start3A_278 : memref<10000x128xf32, #tpu.memory_space<hbm>>) target(%arg11 : memref<64x128xf32, #tpu.memory_space<vmem>>) offsets(%arg15 : memref<64xi32, #tpu.memory_space<vmem>>) semaphore(%arg27 : memref<!tpu.dma_semaphore, #tpu.memory_space<semaphore_mem>>)
      } else {
      }
      %dma_start3A_189 = arith.constant 0 : i32
      %dma_start3A_190 = arith.constant 0 : i32
      %dma_start3A_191 = tpu.memref_slice %arg7[%dma_start3A_189, %dma_start3A_190] : memref<10240x128xf32, #tpu.memory_space<vmem_shared>> -> memref<10240x128xf32, #tpu.memory_space<vmem_shared>>
      tpu.enqueue_indirect_dma source(%arg9 : memref<64x128xf32, #tpu.memory_space<vmem>>) target(%dma_start3A_191 : memref<10240x128xf32, #tpu.memory_space<vmem_shared>>) offsets(%arg17 : memref<64xi32, #tpu.memory_space<vmem>>) semaphore(%arg29 : memref<!tpu.dma_semaphore, #tpu.memory_space<semaphore_mem>>) {add = true}
      %add3A_192 = arith.constant 2 : i32
      %add3A_193 = arith.addi %add3A_131, %add3A_192 : i32
      %dma_wait3A_194 = arith.constant 0 : i32
      %dma_wait3A_195 = arith.constant 0 : i32
      %dma_wait3A_196 = tpu.memref_slice %arg2[%dma_wait3A_194, %dma_wait3A_195] : memref<10000x128xf32, #tpu.memory_space<hbm>> -> memref<10000x128xf32, #tpu.memory_space<hbm>>
      tpu.wait_indirect_dma semaphore(%arg26 : memref<!tpu.dma_semaphore, #tpu.memory_space<semaphore_mem>>) src(%dma_wait3A_196 : memref<10000x128xf32, #tpu.memory_space<hbm>>) dst(%arg10 : memref<64x128xf32, #tpu.memory_space<vmem>>)
      %ge3A_197 = arith.constant 2 : i32
      %ge3A_198 = arith.cmpi sge, %add3A_193, %ge3A_197 : i32
      %convert_element_type3A_199 = arith.extui %ge3A_198 : i1 to i32
      %cond3A_200 = arith.constant 0 : i32
      %cond3A_201 = arith.cmpi ne, %convert_element_type3A_199, %cond3A_200 : i32
      scf.if %cond3A_201 {
        %dma_wait3A_256 = arith.constant 0 : i32
        %dma_wait3A_257 = arith.constant 0 : i32
        %dma_wait3A_258 = tpu.memref_slice %arg7[%dma_wait3A_256, %dma_wait3A_257] : memref<10240x128xf32, #tpu.memory_space<vmem_shared>> -> memref<10240x128xf32, #tpu.memory_space<vmem_shared>>
        tpu.wait_indirect_dma semaphore(%arg28 : memref<!tpu.dma_semaphore, #tpu.memory_space<semaphore_mem>>) src(%arg8 : memref<64x128xf32, #tpu.memory_space<vmem>>) dst(%dma_wait3A_258 : memref<10240x128xf32, #tpu.memory_space<vmem_shared>>)
      } else {
      }
      %add3A_202 = arith.constant 2 : i32
      %add3A_203 = arith.addi %add3A_193, %add3A_202 : i32
      %lt3A_204 = arith.constant 160 : i32
      %lt3A_205 = arith.cmpi slt, %add3A_203, %lt3A_204 : i32
      %convert_element_type3A_206 = arith.extui %lt3A_205 : i1 to i32
      %cond3A_207 = arith.constant 0 : i32
      %cond3A_208 = arith.cmpi ne, %convert_element_type3A_206, %cond3A_207 : i32
      scf.if %cond3A_208 {
        %add3A_256 = arith.constant 2 : i32
        %add3A_257 = arith.addi %add3A_193, %add3A_256 : i32
        %dma_start3A_258 = arith.constant 0 : i32
        %dma_start3A_259 = tpu.memref_slice %arg3[%add3A, %add3A_257, %dma_start3A_258] : memref<32x160x64xi32, #tpu.memory_space<hbm>> -> memref<1x1x64xi32, #tpu.memory_space<hbm>>
        %dma_start3A_260 = tpu.memref_squeeze %dma_start3A_259 : memref<1x1x64xi32, #tpu.memory_space<hbm>> -> memref<64xi32, #tpu.memory_space<hbm>>
        %dma_start3A_261 = arith.constant 0 : i32
        %dma_start3A_262 = tpu.memref_slice %arg3[%add3A, %add3A_257, %dma_start3A_261] : memref<32x160x64xi32, #tpu.memory_space<hbm>> -> memref<1x1x64xi32, #tpu.memory_space<hbm>>
        %dma_start3A_263 = tpu.memref_squeeze %dma_start3A_262 : memref<1x1x64xi32, #tpu.memory_space<hbm>> -> memref<64xi32, #tpu.memory_space<hbm>>
        tpu.enqueue_dma source(%dma_start3A_263 : memref<64xi32, #tpu.memory_space<hbm>>) target(%arg12 : memref<64xi32, #tpu.memory_space<vmem>>) target_semaphore(%arg32 : memref<!tpu.dma_semaphore, #tpu.memory_space<semaphore_mem>>)
        %dma_start3A_264 = arith.constant 0 : i32
        %dma_start3A_265 = tpu.memref_slice %arg4[%add3A, %add3A_257, %dma_start3A_264] : memref<32x160x64xi32, #tpu.memory_space<hbm>> -> memref<1x1x64xi32, #tpu.memory_space<hbm>>
        %dma_start3A_266 = tpu.memref_squeeze %dma_start3A_265 : memref<1x1x64xi32, #tpu.memory_space<hbm>> -> memref<64xi32, #tpu.memory_space<hbm>>
        %dma_start3A_267 = arith.constant 0 : i32
        %dma_start3A_268 = tpu.memref_slice %arg4[%add3A, %add3A_257, %dma_start3A_267] : memref<32x160x64xi32, #tpu.memory_space<hbm>> -> memref<1x1x64xi32, #tpu.memory_space<hbm>>
        %dma_start3A_269 = tpu.memref_squeeze %dma_start3A_268 : memref<1x1x64xi32, #tpu.memory_space<hbm>> -> memref<64xi32, #tpu.memory_space<hbm>>
        tpu.enqueue_dma source(%dma_start3A_269 : memref<64xi32, #tpu.memory_space<hbm>>) target(%arg16 : memref<64xi32, #tpu.memory_space<vmem>>) target_semaphore(%arg32 : memref<!tpu.dma_semaphore, #tpu.memory_space<semaphore_mem>>)
        %dma_start3A_270 = arith.constant 0 : i32
        %dma_start3A_271 = tpu.memref_slice %arg5[%add3A, %add3A_257, %dma_start3A_270] : memref<32x160x64xf32, #tpu.memory_space<hbm>> -> memref<1x1x64xf32, #tpu.memory_space<hbm>>
        %dma_start3A_272 = tpu.memref_squeeze %dma_start3A_271 : memref<1x1x64xf32, #tpu.memory_space<hbm>> -> memref<64xf32, #tpu.memory_space<hbm>>
        %dma_start3A_273 = arith.constant 0 : i32
        %dma_start3A_274 = tpu.memref_slice %arg5[%add3A, %add3A_257, %dma_start3A_273] : memref<32x160x64xf32, #tpu.memory_space<hbm>> -> memref<1x1x64xf32, #tpu.memory_space<hbm>>
        %dma_start3A_275 = tpu.memref_squeeze %dma_start3A_274 : memref<1x1x64xf32, #tpu.memory_space<hbm>> -> memref<64xf32, #tpu.memory_space<hbm>>
        tpu.enqueue_dma source(%dma_start3A_275 : memref<64xf32, #tpu.memory_space<hbm>>) target(%arg20 : memref<64xf32, #tpu.memory_space<vmem>>) target_semaphore(%arg32 : memref<!tpu.dma_semaphore, #tpu.memory_space<semaphore_mem>>)
      } else {
      }
      %scan3A_209 = arith.constant 0 : i32
      %scan3A_210 = arith.constant 64 : i32
      %scan3A_211 = arith.addi %scan3A_209, %scan3A_210 : i32
      %scan3A_212 = arith.constant 1 : i32
      scf.for %scan3A_256 = %scan3A_209 to %scan3A_211 step %scan3A_212  : i32 {
        %mul3A_257 = arith.constant 1 : i32
        %mul3A_258 = arith.muli %scan3A_256, %mul3A_257 : i32
        %add3A_259 = arith.constant 0 : i32
        %add3A_260 = arith.addi %add3A_259, %mul3A_258 : i32
        %broadcast_in_dim3A = vector.broadcast %add3A_260 : i32 to vector<16xi32>
        %gather3A = tpu.vector_load_idx %arg22[%broadcast_in_dim3A] : memref<64xf32, #tpu.memory_space<vmem>>[vector<16xi32>], vector<16xf32>,
        %get3A = arith.index_cast %add3A_260 : i32 to index
        %get3A_261 = arith.constant 0 : index
        %get3A_262 = tpu.vector_load %arg10[%get3A, %get3A_261] {strides = array<i32>} : memref<64x128xf32, #tpu.memory_space<vmem>>, vector<16xf32>,
        %mul3A_263 = arith.mulf %get3A_262, %gather3A : vector<16xf32>
        %swap3A = arith.index_cast %add3A_260 : i32 to index
        %swap3A_264 = arith.constant 0 : index
        %swap3A_265 = tpu.vector_load %arg10[%swap3A, %swap3A_264] {strides = array<i32>} : memref<64x128xf32, #tpu.memory_space<vmem>>, vector<16xf32>,
        tpu.vector_store %arg10[%swap3A, %swap3A_264], %mul3A_263 {strides = array<i32>} : memref<64x128xf32, #tpu.memory_space<vmem>>, vector<16xf32>,
        %get3A_266 = arith.index_cast %add3A_260 : i32 to index
        %get3A_267 = arith.constant 16 : index
        %get3A_268 = tpu.vector_load %arg10[%get3A_266, %get3A_267] {strides = array<i32>} : memref<64x128xf32, #tpu.memory_space<vmem>>, vector<16xf32>,
        %mul3A_269 = arith.mulf %get3A_268, %gather3A : vector<16xf32>
        %swap3A_270 = arith.index_cast %add3A_260 : i32 to index
        %swap3A_271 = arith.constant 16 : index
        %swap3A_272 = tpu.vector_load %arg10[%swap3A_270, %swap3A_271] {strides = array<i32>} : memref<64x128xf32, #tpu.memory_space<vmem>>, vector<16xf32>,
        tpu.vector_store %arg10[%swap3A_270, %swap3A_271], %mul3A_269 {strides = array<i32>} : memref<64x128xf32, #tpu.memory_space<vmem>>, vector<16xf32>,
        %get3A_273 = arith.index_cast %add3A_260 : i32 to index
        %get3A_274 = arith.constant 32 : index
        %get3A_275 = tpu.vector_load %arg10[%get3A_273, %get3A_274] {strides = array<i32>} : memref<64x128xf32, #tpu.memory_space<vmem>>, vector<16xf32>,
        %mul3A_276 = arith.mulf %get3A_275, %gather3A : vector<16xf32>
        %swap3A_277 = arith.index_cast %add3A_260 : i32 to index
        %swap3A_278 = arith.constant 32 : index
        %swap3A_279 = tpu.vector_load %arg10[%swap3A_277, %swap3A_278] {strides = array<i32>} : memref<64x128xf32, #tpu.memory_space<vmem>>, vector<16xf32>,
        tpu.vector_store %arg10[%swap3A_277, %swap3A_278], %mul3A_276 {strides = array<i32>} : memref<64x128xf32, #tpu.memory_space<vmem>>, vector<16xf32>,
        %get3A_280 = arith.index_cast %add3A_260 : i32 to index
        %get3A_281 = arith.constant 48 : index
        %get3A_282 = tpu.vector_load %arg10[%get3A_280, %get3A_281] {strides = array<i32>} : memref<64x128xf32, #tpu.memory_space<vmem>>, vector<16xf32>,
        %mul3A_283 = arith.mulf %get3A_282, %gather3A : vector<16xf32>
        %swap3A_284 = arith.index_cast %add3A_260 : i32 to index
        %swap3A_285 = arith.constant 48 : index
        %swap3A_286 = tpu.vector_load %arg10[%swap3A_284, %swap3A_285] {strides = array<i32>} : memref<64x128xf32, #tpu.memory_space<vmem>>, vector<16xf32>,
        tpu.vector_store %arg10[%swap3A_284, %swap3A_285], %mul3A_283 {strides = array<i32>} : memref<64x128xf32, #tpu.memory_space<vmem>>, vector<16xf32>,
        %get3A_287 = arith.index_cast %add3A_260 : i32 to index
        %get3A_288 = arith.constant 64 : index
        %get3A_289 = tpu.vector_load %arg10[%get3A_287, %get3A_288] {strides = array<i32>} : memref<64x128xf32, #tpu.memory_space<vmem>>, vector<16xf32>,
        %mul3A_290 = arith.mulf %get3A_289, %gather3A : vector<16xf32>
        %swap3A_291 = arith.index_cast %add3A_260 : i32 to index
        %swap3A_292 = arith.constant 64 : index
        %swap3A_293 = tpu.vector_load %arg10[%swap3A_291, %swap3A_292] {strides = array<i32>} : memref<64x128xf32, #tpu.memory_space<vmem>>, vector<16xf32>,
        tpu.vector_store %arg10[%swap3A_291, %swap3A_292], %mul3A_290 {strides = array<i32>} : memref<64x128xf32, #tpu.memory_space<vmem>>, vector<16xf32>,
        %get3A_294 = arith.index_cast %add3A_260 : i32 to index
        %get3A_295 = arith.constant 80 : index
        %get3A_296 = tpu.vector_load %arg10[%get3A_294, %get3A_295] {strides = array<i32>} : memref<64x128xf32, #tpu.memory_space<vmem>>, vector<16xf32>,
        %mul3A_297 = arith.mulf %get3A_296, %gather3A : vector<16xf32>
        %swap3A_298 = arith.index_cast %add3A_260 : i32 to index
        %swap3A_299 = arith.constant 80 : index
        %swap3A_300 = tpu.vector_load %arg10[%swap3A_298, %swap3A_299] {strides = array<i32>} : memref<64x128xf32, #tpu.memory_space<vmem>>, vector<16xf32>,
        tpu.vector_store %arg10[%swap3A_298, %swap3A_299], %mul3A_297 {strides = array<i32>} : memref<64x128xf32, #tpu.memory_space<vmem>>, vector<16xf32>,
        %get3A_301 = arith.index_cast %add3A_260 : i32 to index
        %get3A_302 = arith.constant 96 : index
        %get3A_303 = tpu.vector_load %arg10[%get3A_301, %get3A_302] {strides = array<i32>} : memref<64x128xf32, #tpu.memory_space<vmem>>, vector<16xf32>,
        %mul3A_304 = arith.mulf %get3A_303, %gather3A : vector<16xf32>
        %swap3A_305 = arith.index_cast %add3A_260 : i32 to index
        %swap3A_306 = arith.constant 96 : index
        %swap3A_307 = tpu.vector_load %arg10[%swap3A_305, %swap3A_306] {strides = array<i32>} : memref<64x128xf32, #tpu.memory_space<vmem>>, vector<16xf32>,
        tpu.vector_store %arg10[%swap3A_305, %swap3A_306], %mul3A_304 {strides = array<i32>} : memref<64x128xf32, #tpu.memory_space<vmem>>, vector<16xf32>,
        %get3A_308 = arith.index_cast %add3A_260 : i32 to index
        %get3A_309 = arith.constant 112 : index
        %get3A_310 = tpu.vector_load %arg10[%get3A_308, %get3A_309] {strides = array<i32>} : memref<64x128xf32, #tpu.memory_space<vmem>>, vector<16xf32>,
        %mul3A_311 = arith.mulf %get3A_310, %gather3A : vector<16xf32>
        %swap3A_312 = arith.index_cast %add3A_260 : i32 to index
        %swap3A_313 = arith.constant 112 : index
        %swap3A_314 = tpu.vector_load %arg10[%swap3A_312, %swap3A_313] {strides = array<i32>} : memref<64x128xf32, #tpu.memory_space<vmem>>, vector<16xf32>,
        tpu.vector_store %arg10[%swap3A_312, %swap3A_313], %mul3A_311 {strides = array<i32>} : memref<64x128xf32, #tpu.memory_space<vmem>>, vector<16xf32>,
      }
      %scan3A_213 = arith.constant 64 : i32
      %add3A_214 = arith.constant 2 : i32
      %add3A_215 = arith.addi %add3A_193, %add3A_214 : i32
      %lt3A_216 = arith.constant 160 : i32
      %lt3A_217 = arith.cmpi slt, %add3A_215, %lt3A_216 : i32
      %convert_element_type3A_218 = arith.extui %lt3A_217 : i1 to i32
      %cond3A_219 = arith.constant 0 : i32
      %cond3A_220 = arith.cmpi ne, %convert_element_type3A_218, %cond3A_219 : i32
      scf.if %cond3A_220 {
        %add3A_256 = arith.constant 2 : i32
        %add3A_257 = arith.addi %add3A_193, %add3A_256 : i32
        %dma_wait3A_258 = arith.constant 0 : i32
        %dma_wait3A_259 = tpu.memref_slice %arg3[%add3A, %add3A_257, %dma_wait3A_258] : memref<32x160x64xi32, #tpu.memory_space<hbm>> -> memref<1x1x64xi32, #tpu.memory_space<hbm>>
        %dma_wait3A_260 = tpu.memref_squeeze %dma_wait3A_259 : memref<1x1x64xi32, #tpu.memory_space<hbm>> -> memref<64xi32, #tpu.memory_space<hbm>>
        %dma_wait3A_261 = arith.constant 0 : i32
        %dma_wait3A_262 = tpu.memref_slice %arg3[%add3A, %add3A_257, %dma_wait3A_261] : memref<32x160x64xi32, #tpu.memory_space<hbm>> -> memref<1x1x64xi32, #tpu.memory_space<hbm>>
        %dma_wait3A_263 = tpu.memref_squeeze %dma_wait3A_262 : memref<1x1x64xi32, #tpu.memory_space<hbm>> -> memref<64xi32, #tpu.memory_space<hbm>>
        tpu.wait_dma2 semaphore(%arg32 : memref<!tpu.dma_semaphore, #tpu.memory_space<semaphore_mem>>) src(%dma_wait3A_263 : memref<64xi32, #tpu.memory_space<hbm>>) dst(%arg12 : memref<64xi32, #tpu.memory_space<vmem>>)
        %dma_wait3A_264 = arith.constant 0 : i32
        %dma_wait3A_265 = tpu.memref_slice %arg4[%add3A, %add3A_257, %dma_wait3A_264] : memref<32x160x64xi32, #tpu.memory_space<hbm>> -> memref<1x1x64xi32, #tpu.memory_space<hbm>>
        %dma_wait3A_266 = tpu.memref_squeeze %dma_wait3A_265 : memref<1x1x64xi32, #tpu.memory_space<hbm>> -> memref<64xi32, #tpu.memory_space<hbm>>
        %dma_wait3A_267 = arith.constant 0 : i32
        %dma_wait3A_268 = tpu.memref_slice %arg4[%add3A, %add3A_257, %dma_wait3A_267] : memref<32x160x64xi32, #tpu.memory_space<hbm>> -> memref<1x1x64xi32, #tpu.memory_space<hbm>>
        %dma_wait3A_269 = tpu.memref_squeeze %dma_wait3A_268 : memref<1x1x64xi32, #tpu.memory_space<hbm>> -> memref<64xi32, #tpu.memory_space<hbm>>
        tpu.wait_dma2 semaphore(%arg32 : memref<!tpu.dma_semaphore, #tpu.memory_space<semaphore_mem>>) src(%dma_wait3A_269 : memref<64xi32, #tpu.memory_space<hbm>>) dst(%arg16 : memref<64xi32, #tpu.memory_space<vmem>>)
        %dma_wait3A_270 = arith.constant 0 : i32
        %dma_wait3A_271 = tpu.memref_slice %arg5[%add3A, %add3A_257, %dma_wait3A_270] : memref<32x160x64xf32, #tpu.memory_space<hbm>> -> memref<1x1x64xf32, #tpu.memory_space<hbm>>
        %dma_wait3A_272 = tpu.memref_squeeze %dma_wait3A_271 : memref<1x1x64xf32, #tpu.memory_space<hbm>> -> memref<64xf32, #tpu.memory_space<hbm>>
        %dma_wait3A_273 = arith.constant 0 : i32
        %dma_wait3A_274 = tpu.memref_slice %arg5[%add3A, %add3A_257, %dma_wait3A_273] : memref<32x160x64xf32, #tpu.memory_space<hbm>> -> memref<1x1x64xf32, #tpu.memory_space<hbm>>
        %dma_wait3A_275 = tpu.memref_squeeze %dma_wait3A_274 : memref<1x1x64xf32, #tpu.memory_space<hbm>> -> memref<64xf32, #tpu.memory_space<hbm>>
        tpu.wait_dma2 semaphore(%arg32 : memref<!tpu.dma_semaphore, #tpu.memory_space<semaphore_mem>>) src(%dma_wait3A_275 : memref<64xf32, #tpu.memory_space<hbm>>) dst(%arg20 : memref<64xf32, #tpu.memory_space<vmem>>)
        %dma_start3A_276 = arith.constant 0 : i32
        %dma_start3A_277 = arith.constant 0 : i32
        %dma_start3A_278 = tpu.memref_slice %arg2[%dma_start3A_276, %dma_start3A_277] : memref<10000x128xf32, #tpu.memory_space<hbm>> -> memref<10000x128xf32, #tpu.memory_space<hbm>>
        tpu.enqueue_indirect_dma source(%dma_start3A_278 : memref<10000x128xf32, #tpu.memory_space<hbm>>) target(%arg8 : memref<64x128xf32, #tpu.memory_space<vmem>>) offsets(%arg12 : memref<64xi32, #tpu.memory_space<vmem>>) semaphore(%arg24 : memref<!tpu.dma_semaphore, #tpu.memory_space<semaphore_mem>>)
      } else {
      }
      %dma_start3A_221 = arith.constant 0 : i32
      %dma_start3A_222 = arith.constant 0 : i32
      %dma_start3A_223 = tpu.memref_slice %arg7[%dma_start3A_221, %dma_start3A_222] : memref<10240x128xf32, #tpu.memory_space<vmem_shared>> -> memref<10240x128xf32, #tpu.memory_space<vmem_shared>>
      tpu.enqueue_indirect_dma source(%arg10 : memref<64x128xf32, #tpu.memory_space<vmem>>) target(%dma_start3A_223 : memref<10240x128xf32, #tpu.memory_space<vmem_shared>>) offsets(%arg18 : memref<64xi32, #tpu.memory_space<vmem>>) semaphore(%arg30 : memref<!tpu.dma_semaphore, #tpu.memory_space<semaphore_mem>>) {add = true}
      %add3A_224 = arith.constant 3 : i32
      %add3A_225 = arith.addi %add3A_131, %add3A_224 : i32
      %dma_wait3A_226 = arith.constant 0 : i32
      %dma_wait3A_227 = arith.constant 0 : i32
      %dma_wait3A_228 = tpu.memref_slice %arg2[%dma_wait3A_226, %dma_wait3A_227] : memref<10000x128xf32, #tpu.memory_space<hbm>> -> memref<10000x128xf32, #tpu.memory_space<hbm>>
      tpu.wait_indirect_dma semaphore(%arg27 : memref<!tpu.dma_semaphore, #tpu.memory_space<semaphore_mem>>) src(%dma_wait3A_228 : memref<10000x128xf32, #tpu.memory_space<hbm>>) dst(%arg11 : memref<64x128xf32, #tpu.memory_space<vmem>>)
      %ge3A_229 = arith.constant 2 : i32
      %ge3A_230 = arith.cmpi sge, %add3A_225, %ge3A_229 : i32
      %convert_element_type3A_231 = arith.extui %ge3A_230 : i1 to i32
      %cond3A_232 = arith.constant 0 : i32
      %cond3A_233 = arith.cmpi ne, %convert_element_type3A_231, %cond3A_232 : i32
      scf.if %cond3A_233 {
        %dma_wait3A_256 = arith.constant 0 : i32
        %dma_wait3A_257 = arith.constant 0 : i32
        %dma_wait3A_258 = tpu.memref_slice %arg7[%dma_wait3A_256, %dma_wait3A_257] : memref<10240x128xf32, #tpu.memory_space<vmem_shared>> -> memref<10240x128xf32, #tpu.memory_space<vmem_shared>>
        tpu.wait_indirect_dma semaphore(%arg29 : memref<!tpu.dma_semaphore, #tpu.memory_space<semaphore_mem>>) src(%arg9 : memref<64x128xf32, #tpu.memory_space<vmem>>) dst(%dma_wait3A_258 : memref<10240x128xf32, #tpu.memory_space<vmem_shared>>)
      } else {
      }
      %add3A_234 = arith.constant 2 : i32
      %add3A_235 = arith.addi %add3A_225, %add3A_234 : i32
      %lt3A_236 = arith.constant 160 : i32
      %lt3A_237 = arith.cmpi slt, %add3A_235, %lt3A_236 : i32
      %convert_element_type3A_238 = arith.extui %lt3A_237 : i1 to i32
      %cond3A_239 = arith.constant 0 : i32
      %cond3A_240 = arith.cmpi ne, %convert_element_type3A_238, %cond3A_239 : i32
      scf.if %cond3A_240 {
        %add3A_256 = arith.constant 2 : i32
        %add3A_257 = arith.addi %add3A_225, %add3A_256 : i32
        %dma_start3A_258 = arith.constant 0 : i32
        %dma_start3A_259 = tpu.memref_slice %arg3[%add3A, %add3A_257, %dma_start3A_258] : memref<32x160x64xi32, #tpu.memory_space<hbm>> -> memref<1x1x64xi32, #tpu.memory_space<hbm>>
        %dma_start3A_260 = tpu.memref_squeeze %dma_start3A_259 : memref<1x1x64xi32, #tpu.memory_space<hbm>> -> memref<64xi32, #tpu.memory_space<hbm>>
        %dma_start3A_261 = arith.constant 0 : i32
        %dma_start3A_262 = tpu.memref_slice %arg3[%add3A, %add3A_257, %dma_start3A_261] : memref<32x160x64xi32, #tpu.memory_space<hbm>> -> memref<1x1x64xi32, #tpu.memory_space<hbm>>
        %dma_start3A_263 = tpu.memref_squeeze %dma_start3A_262 : memref<1x1x64xi32, #tpu.memory_space<hbm>> -> memref<64xi32, #tpu.memory_space<hbm>>
        tpu.enqueue_dma source(%dma_start3A_263 : memref<64xi32, #tpu.memory_space<hbm>>) target(%arg13 : memref<64xi32, #tpu.memory_space<vmem>>) target_semaphore(%arg33 : memref<!tpu.dma_semaphore, #tpu.memory_space<semaphore_mem>>)
        %dma_start3A_264 = arith.constant 0 : i32
        %dma_start3A_265 = tpu.memref_slice %arg4[%add3A, %add3A_257, %dma_start3A_264] : memref<32x160x64xi32, #tpu.memory_space<hbm>> -> memref<1x1x64xi32, #tpu.memory_space<hbm>>
        %dma_start3A_266 = tpu.memref_squeeze %dma_start3A_265 : memref<1x1x64xi32, #tpu.memory_space<hbm>> -> memref<64xi32, #tpu.memory_space<hbm>>
        %dma_start3A_267 = arith.constant 0 : i32
        %dma_start3A_268 = tpu.memref_slice %arg4[%add3A, %add3A_257, %dma_start3A_267] : memref<32x160x64xi32, #tpu.memory_space<hbm>> -> memref<1x1x64xi32, #tpu.memory_space<hbm>>
        %dma_start3A_269 = tpu.memref_squeeze %dma_start3A_268 : memref<1x1x64xi32, #tpu.memory_space<hbm>> -> memref<64xi32, #tpu.memory_space<hbm>>
        tpu.enqueue_dma source(%dma_start3A_269 : memref<64xi32, #tpu.memory_space<hbm>>) target(%arg17 : memref<64xi32, #tpu.memory_space<vmem>>) target_semaphore(%arg33 : memref<!tpu.dma_semaphore, #tpu.memory_space<semaphore_mem>>)
        %dma_start3A_270 = arith.constant 0 : i32
        %dma_start3A_271 = tpu.memref_slice %arg5[%add3A, %add3A_257, %dma_start3A_270] : memref<32x160x64xf32, #tpu.memory_space<hbm>> -> memref<1x1x64xf32, #tpu.memory_space<hbm>>
        %dma_start3A_272 = tpu.memref_squeeze %dma_start3A_271 : memref<1x1x64xf32, #tpu.memory_space<hbm>> -> memref<64xf32, #tpu.memory_space<hbm>>
        %dma_start3A_273 = arith.constant 0 : i32
        %dma_start3A_274 = tpu.memref_slice %arg5[%add3A, %add3A_257, %dma_start3A_273] : memref<32x160x64xf32, #tpu.memory_space<hbm>> -> memref<1x1x64xf32, #tpu.memory_space<hbm>>
        %dma_start3A_275 = tpu.memref_squeeze %dma_start3A_274 : memref<1x1x64xf32, #tpu.memory_space<hbm>> -> memref<64xf32, #tpu.memory_space<hbm>>
        tpu.enqueue_dma source(%dma_start3A_275 : memref<64xf32, #tpu.memory_space<hbm>>) target(%arg21 : memref<64xf32, #tpu.memory_space<vmem>>) target_semaphore(%arg33 : memref<!tpu.dma_semaphore, #tpu.memory_space<semaphore_mem>>)
      } else {
      }
      %scan3A_241 = arith.constant 0 : i32
      %scan3A_242 = arith.constant 64 : i32
      %scan3A_243 = arith.addi %scan3A_241, %scan3A_242 : i32
      %scan3A_244 = arith.constant 1 : i32
      scf.for %scan3A_256 = %scan3A_241 to %scan3A_243 step %scan3A_244  : i32 {
        %mul3A_257 = arith.constant 1 : i32
        %mul3A_258 = arith.muli %scan3A_256, %mul3A_257 : i32
        %add3A_259 = arith.constant 0 : i32
        %add3A_260 = arith.addi %add3A_259, %mul3A_258 : i32
        %broadcast_in_dim3A = vector.broadcast %add3A_260 : i32 to vector<16xi32>
        %gather3A = tpu.vector_load_idx %arg23[%broadcast_in_dim3A] : memref<64xf32, #tpu.memory_space<vmem>>[vector<16xi32>], vector<16xf32>,
        %get3A = arith.index_cast %add3A_260 : i32 to index
        %get3A_261 = arith.constant 0 : index
        %get3A_262 = tpu.vector_load %arg11[%get3A, %get3A_261] {strides = array<i32>} : memref<64x128xf32, #tpu.memory_space<vmem>>, vector<16xf32>,
        %mul3A_263 = arith.mulf %get3A_262, %gather3A : vector<16xf32>
        %swap3A = arith.index_cast %add3A_260 : i32 to index
        %swap3A_264 = arith.constant 0 : index
        %swap3A_265 = tpu.vector_load %arg11[%swap3A, %swap3A_264] {strides = array<i32>} : memref<64x128xf32, #tpu.memory_space<vmem>>, vector<16xf32>,
        tpu.vector_store %arg11[%swap3A, %swap3A_264], %mul3A_263 {strides = array<i32>} : memref<64x128xf32, #tpu.memory_space<vmem>>, vector<16xf32>,
        %get3A_266 = arith.index_cast %add3A_260 : i32 to index
        %get3A_267 = arith.constant 16 : index
        %get3A_268 = tpu.vector_load %arg11[%get3A_266, %get3A_267] {strides = array<i32>} : memref<64x128xf32, #tpu.memory_space<vmem>>, vector<16xf32>,
        %mul3A_269 = arith.mulf %get3A_268, %gather3A : vector<16xf32>
        %swap3A_270 = arith.index_cast %add3A_260 : i32 to index
        %swap3A_271 = arith.constant 16 : index
        %swap3A_272 = tpu.vector_load %arg11[%swap3A_270, %swap3A_271] {strides = array<i32>} : memref<64x128xf32, #tpu.memory_space<vmem>>, vector<16xf32>,
        tpu.vector_store %arg11[%swap3A_270, %swap3A_271], %mul3A_269 {strides = array<i32>} : memref<64x128xf32, #tpu.memory_space<vmem>>, vector<16xf32>,
        %get3A_273 = arith.index_cast %add3A_260 : i32 to index
        %get3A_274 = arith.constant 32 : index
        %get3A_275 = tpu.vector_load %arg11[%get3A_273, %get3A_274] {strides = array<i32>} : memref<64x128xf32, #tpu.memory_space<vmem>>, vector<16xf32>,
        %mul3A_276 = arith.mulf %get3A_275, %gather3A : vector<16xf32>
        %swap3A_277 = arith.index_cast %add3A_260 : i32 to index
        %swap3A_278 = arith.constant 32 : index
        %swap3A_279 = tpu.vector_load %arg11[%swap3A_277, %swap3A_278] {strides = array<i32>} : memref<64x128xf32, #tpu.memory_space<vmem>>, vector<16xf32>,
        tpu.vector_store %arg11[%swap3A_277, %swap3A_278], %mul3A_276 {strides = array<i32>} : memref<64x128xf32, #tpu.memory_space<vmem>>, vector<16xf32>,
        %get3A_280 = arith.index_cast %add3A_260 : i32 to index
        %get3A_281 = arith.constant 48 : index
        %get3A_282 = tpu.vector_load %arg11[%get3A_280, %get3A_281] {strides = array<i32>} : memref<64x128xf32, #tpu.memory_space<vmem>>, vector<16xf32>,
        %mul3A_283 = arith.mulf %get3A_282, %gather3A : vector<16xf32>
        %swap3A_284 = arith.index_cast %add3A_260 : i32 to index
        %swap3A_285 = arith.constant 48 : index
        %swap3A_286 = tpu.vector_load %arg11[%swap3A_284, %swap3A_285] {strides = array<i32>} : memref<64x128xf32, #tpu.memory_space<vmem>>, vector<16xf32>,
        tpu.vector_store %arg11[%swap3A_284, %swap3A_285], %mul3A_283 {strides = array<i32>} : memref<64x128xf32, #tpu.memory_space<vmem>>, vector<16xf32>,
        %get3A_287 = arith.index_cast %add3A_260 : i32 to index
        %get3A_288 = arith.constant 64 : index
        %get3A_289 = tpu.vector_load %arg11[%get3A_287, %get3A_288] {strides = array<i32>} : memref<64x128xf32, #tpu.memory_space<vmem>>, vector<16xf32>,
        %mul3A_290 = arith.mulf %get3A_289, %gather3A : vector<16xf32>
        %swap3A_291 = arith.index_cast %add3A_260 : i32 to index
        %swap3A_292 = arith.constant 64 : index
        %swap3A_293 = tpu.vector_load %arg11[%swap3A_291, %swap3A_292] {strides = array<i32>} : memref<64x128xf32, #tpu.memory_space<vmem>>, vector<16xf32>,
        tpu.vector_store %arg11[%swap3A_291, %swap3A_292], %mul3A_290 {strides = array<i32>} : memref<64x128xf32, #tpu.memory_space<vmem>>, vector<16xf32>,
        %get3A_294 = arith.index_cast %add3A_260 : i32 to index
        %get3A_295 = arith.constant 80 : index
        %get3A_296 = tpu.vector_load %arg11[%get3A_294, %get3A_295] {strides = array<i32>} : memref<64x128xf32, #tpu.memory_space<vmem>>, vector<16xf32>,
        %mul3A_297 = arith.mulf %get3A_296, %gather3A : vector<16xf32>
        %swap3A_298 = arith.index_cast %add3A_260 : i32 to index
        %swap3A_299 = arith.constant 80 : index
        %swap3A_300 = tpu.vector_load %arg11[%swap3A_298, %swap3A_299] {strides = array<i32>} : memref<64x128xf32, #tpu.memory_space<vmem>>, vector<16xf32>,
        tpu.vector_store %arg11[%swap3A_298, %swap3A_299], %mul3A_297 {strides = array<i32>} : memref<64x128xf32, #tpu.memory_space<vmem>>, vector<16xf32>,
        %get3A_301 = arith.index_cast %add3A_260 : i32 to index
        %get3A_302 = arith.constant 96 : index
        %get3A_303 = tpu.vector_load %arg11[%get3A_301, %get3A_302] {strides = array<i32>} : memref<64x128xf32, #tpu.memory_space<vmem>>, vector<16xf32>,
        %mul3A_304 = arith.mulf %get3A_303, %gather3A : vector<16xf32>
        %swap3A_305 = arith.index_cast %add3A_260 : i32 to index
        %swap3A_306 = arith.constant 96 : index
        %swap3A_307 = tpu.vector_load %arg11[%swap3A_305, %swap3A_306] {strides = array<i32>} : memref<64x128xf32, #tpu.memory_space<vmem>>, vector<16xf32>,
        tpu.vector_store %arg11[%swap3A_305, %swap3A_306], %mul3A_304 {strides = array<i32>} : memref<64x128xf32, #tpu.memory_space<vmem>>, vector<16xf32>,
        %get3A_308 = arith.index_cast %add3A_260 : i32 to index
        %get3A_309 = arith.constant 112 : index
        %get3A_310 = tpu.vector_load %arg11[%get3A_308, %get3A_309] {strides = array<i32>} : memref<64x128xf32, #tpu.memory_space<vmem>>, vector<16xf32>,
        %mul3A_311 = arith.mulf %get3A_310, %gather3A : vector<16xf32>
        %swap3A_312 = arith.index_cast %add3A_260 : i32 to index
        %swap3A_313 = arith.constant 112 : index
        %swap3A_314 = tpu.vector_load %arg11[%swap3A_312, %swap3A_313] {strides = array<i32>} : memref<64x128xf32, #tpu.memory_space<vmem>>, vector<16xf32>,
        tpu.vector_store %arg11[%swap3A_312, %swap3A_313], %mul3A_311 {strides = array<i32>} : memref<64x128xf32, #tpu.memory_space<vmem>>, vector<16xf32>,
      }
      %scan3A_245 = arith.constant 64 : i32
      %add3A_246 = arith.constant 2 : i32
      %add3A_247 = arith.addi %add3A_225, %add3A_246 : i32
      %lt3A_248 = arith.constant 160 : i32
      %lt3A_249 = arith.cmpi slt, %add3A_247, %lt3A_248 : i32
      %convert_element_type3A_250 = arith.extui %lt3A_249 : i1 to i32
      %cond3A_251 = arith.constant 0 : i32
      %cond3A_252 = arith.cmpi ne, %convert_element_type3A_250, %cond3A_251 : i32
      scf.if %cond3A_252 {
        %add3A_256 = arith.constant 2 : i32
        %add3A_257 = arith.addi %add3A_225, %add3A_256 : i32
        %dma_wait3A_258 = arith.constant 0 : i32
        %dma_wait3A_259 = tpu.memref_slice %arg3[%add3A, %add3A_257, %dma_wait3A_258] : memref<32x160x64xi32, #tpu.memory_space<hbm>> -> memref<1x1x64xi32, #tpu.memory_space<hbm>>
        %dma_wait3A_260 = tpu.memref_squeeze %dma_wait3A_259 : memref<1x1x64xi32, #tpu.memory_space<hbm>> -> memref<64xi32, #tpu.memory_space<hbm>>
        %dma_wait3A_261 = arith.constant 0 : i32
        %dma_wait3A_262 = tpu.memref_slice %arg3[%add3A, %add3A_257, %dma_wait3A_261] : memref<32x160x64xi32, #tpu.memory_space<hbm>> -> memref<1x1x64xi32, #tpu.memory_space<hbm>>
        %dma_wait3A_263 = tpu.memref_squeeze %dma_wait3A_262 : memref<1x1x64xi32, #tpu.memory_space<hbm>> -> memref<64xi32, #tpu.memory_space<hbm>>
        tpu.wait_dma2 semaphore(%arg33 : memref<!tpu.dma_semaphore, #tpu.memory_space<semaphore_mem>>) src(%dma_wait3A_263 : memref<64xi32, #tpu.memory_space<hbm>>) dst(%arg13 : memref<64xi32, #tpu.memory_space<vmem>>)
        %dma_wait3A_264 = arith.constant 0 : i32
        %dma_wait3A_265 = tpu.memref_slice %arg4[%add3A, %add3A_257, %dma_wait3A_264] : memref<32x160x64xi32, #tpu.memory_space<hbm>> -> memref<1x1x64xi32, #tpu.memory_space<hbm>>
        %dma_wait3A_266 = tpu.memref_squeeze %dma_wait3A_265 : memref<1x1x64xi32, #tpu.memory_space<hbm>> -> memref<64xi32, #tpu.memory_space<hbm>>
        %dma_wait3A_267 = arith.constant 0 : i32
        %dma_wait3A_268 = tpu.memref_slice %arg4[%add3A, %add3A_257, %dma_wait3A_267] : memref<32x160x64xi32, #tpu.memory_space<hbm>> -> memref<1x1x64xi32, #tpu.memory_space<hbm>>
        %dma_wait3A_269 = tpu.memref_squeeze %dma_wait3A_268 : memref<1x1x64xi32, #tpu.memory_space<hbm>> -> memref<64xi32, #tpu.memory_space<hbm>>
        tpu.wait_dma2 semaphore(%arg33 : memref<!tpu.dma_semaphore, #tpu.memory_space<semaphore_mem>>) src(%dma_wait3A_269 : memref<64xi32, #tpu.memory_space<hbm>>) dst(%arg17 : memref<64xi32, #tpu.memory_space<vmem>>)
        %dma_wait3A_270 = arith.constant 0 : i32
        %dma_wait3A_271 = tpu.memref_slice %arg5[%add3A, %add3A_257, %dma_wait3A_270] : memref<32x160x64xf32, #tpu.memory_space<hbm>> -> memref<1x1x64xf32, #tpu.memory_space<hbm>>
        %dma_wait3A_272 = tpu.memref_squeeze %dma_wait3A_271 : memref<1x1x64xf32, #tpu.memory_space<hbm>> -> memref<64xf32, #tpu.memory_space<hbm>>
        %dma_wait3A_273 = arith.constant 0 : i32
        %dma_wait3A_274 = tpu.memref_slice %arg5[%add3A, %add3A_257, %dma_wait3A_273] : memref<32x160x64xf32, #tpu.memory_space<hbm>> -> memref<1x1x64xf32, #tpu.memory_space<hbm>>
        %dma_wait3A_275 = tpu.memref_squeeze %dma_wait3A_274 : memref<1x1x64xf32, #tpu.memory_space<hbm>> -> memref<64xf32, #tpu.memory_space<hbm>>
        tpu.wait_dma2 semaphore(%arg33 : memref<!tpu.dma_semaphore, #tpu.memory_space<semaphore_mem>>) src(%dma_wait3A_275 : memref<64xf32, #tpu.memory_space<hbm>>) dst(%arg21 : memref<64xf32, #tpu.memory_space<vmem>>)
        %dma_start3A_276 = arith.constant 0 : i32
        %dma_start3A_277 = arith.constant 0 : i32
        %dma_start3A_278 = tpu.memref_slice %arg2[%dma_start3A_276, %dma_start3A_277] : memref<10000x128xf32, #tpu.memory_space<hbm>> -> memref<10000x128xf32, #tpu.memory_space<hbm>>
        tpu.enqueue_indirect_dma source(%dma_start3A_278 : memref<10000x128xf32, #tpu.memory_space<hbm>>) target(%arg9 : memref<64x128xf32, #tpu.memory_space<vmem>>) offsets(%arg13 : memref<64xi32, #tpu.memory_space<vmem>>) semaphore(%arg25 : memref<!tpu.dma_semaphore, #tpu.memory_space<semaphore_mem>>)
      } else {
      }
      %dma_start3A_253 = arith.constant 0 : i32
      %dma_start3A_254 = arith.constant 0 : i32
      %dma_start3A_255 = tpu.memref_slice %arg7[%dma_start3A_253, %dma_start3A_254] : memref<10240x128xf32, #tpu.memory_space<vmem_shared>> -> memref<10240x128xf32, #tpu.memory_space<vmem_shared>>
      tpu.enqueue_indirect_dma source(%arg11 : memref<64x128xf32, #tpu.memory_space<vmem>>) target(%dma_start3A_255 : memref<10240x128xf32, #tpu.memory_space<vmem_shared>>) offsets(%arg19 : memref<64xi32, #tpu.memory_space<vmem>>) semaphore(%arg31 : memref<!tpu.dma_semaphore, #tpu.memory_space<semaphore_mem>>) {add = true}
    }
    %scan3A_119 = arith.constant 40 : i32
    %dma_wait3A_120 = arith.constant 0 : i32
    %dma_wait3A_121 = arith.constant 0 : i32
    %dma_wait3A_122 = tpu.memref_slice %arg7[%dma_wait3A_120, %dma_wait3A_121] : memref<10240x128xf32, #tpu.memory_space<vmem_shared>> -> memref<10240x128xf32, #tpu.memory_space<vmem_shared>>
    tpu.wait_indirect_dma semaphore(%arg30 : memref<!tpu.dma_semaphore, #tpu.memory_space<semaphore_mem>>) src(%arg10 : memref<64x128xf32, #tpu.memory_space<vmem>>) dst(%dma_wait3A_122 : memref<10240x128xf32, #tpu.memory_space<vmem_shared>>)
    %dma_wait3A_123 = arith.constant 0 : i32
    %dma_wait3A_124 = arith.constant 0 : i32
    %dma_wait3A_125 = tpu.memref_slice %arg7[%dma_wait3A_123, %dma_wait3A_124] : memref<10240x128xf32, #tpu.memory_space<vmem_shared>> -> memref<10240x128xf32, #tpu.memory_space<vmem_shared>>
    tpu.wait_indirect_dma semaphore(%arg31 : memref<!tpu.dma_semaphore, #tpu.memory_space<semaphore_mem>>) src(%arg11 : memref<64x128xf32, #tpu.memory_space<vmem>>) dst(%dma_wait3A_125 : memref<10240x128xf32, #tpu.memory_space<vmem_shared>>)
    %barrier3A_126 = arith.constant 0 : index
    tpu.barrier barrier_id(%barrier3A_126)
    "tpu.region"() ({
      %run_scoped3A = tpu.sem_alloc : memref<!tpu.dma_semaphore, #tpu.memory_space<semaphore_mem>>
      %dma_start3A_127 = arith.constant 0 : i32
      %dma_start3A_128 = tpu.memref_slice %arg6[%arg0, %mul3A_6, %dma_start3A_127] : memref<2x10240x128xf32, #tpu.memory_space<hbm>> -> memref<1x640x128xf32, #tpu.memory_space<hbm>>
      %dma_start3A_129 = tpu.memref_squeeze %dma_start3A_128 : memref<1x640x128xf32, #tpu.memory_space<hbm>> -> memref<640x128xf32, #tpu.memory_space<hbm>>
      %dma_start3A_130 = arith.constant 0 : i32
      %dma_start3A_131 = tpu.memref_slice %arg7[%mul3A_6, %dma_start3A_130] : memref<10240x128xf32, #tpu.memory_space<vmem_shared>> -> memref<640x128xf32, #tpu.memory_space<vmem_shared>>
      tpu.enqueue_dma source(%dma_start3A_131 : memref<640x128xf32, #tpu.memory_space<vmem_shared>>) target(%dma_start3A_129 : memref<640x128xf32, #tpu.memory_space<hbm>>) target_semaphore(%run_scoped3A : memref<!tpu.dma_semaphore, #tpu.memory_space<semaphore_mem>>)
      %dma_wait3A_132 = arith.constant 0 : i32
      %dma_wait3A_133 = tpu.memref_slice %arg6[%arg0, %mul3A_6, %dma_wait3A_132] : memref<2x10240x128xf32, #tpu.memory_space<hbm>> -> memref<1x640x128xf32, #tpu.memory_space<hbm>>
      %dma_wait3A_134 = tpu.memref_squeeze %dma_wait3A_133 : memref<1x640x128xf32, #tpu.memory_space<hbm>> -> memref<640x128xf32, #tpu.memory_space<hbm>>
      %dma_wait3A_135 = arith.constant 0 : i32
      %dma_wait3A_136 = tpu.memref_slice %arg7[%mul3A_6, %dma_wait3A_135] : memref<10240x128xf32, #tpu.memory_space<vmem_shared>> -> memref<640x128xf32, #tpu.memory_space<vmem_shared>>
      tpu.wait_dma2 semaphore(%run_scoped3A : memref<!tpu.dma_semaphore, #tpu.memory_space<semaphore_mem>>) src(%dma_wait3A_136 : memref<640x128xf32, #tpu.memory_space<vmem_shared>>) dst(%dma_wait3A_134 : memref<640x128xf32, #tpu.memory_space<hbm>>)
      tpu.yield
    }) : () -> ()
    return
  }
}

#map = affine_map<(d0, d1) -> (0, 0)>
#map1 = affine_map<(d0, d1) -> (0, 0, 0)>
module attributes {stable_mosaic.version = 14 : i64} {
  func.func @spmm(%arg0: i32, %arg1: i32, %arg2: memref<10000x128xf32, #tpu.memory_space<hbm>>, %arg3: memref<32x160x64xi32, #tpu.memory_space<hbm>>, %arg4: memref<32x160x64xi32, #tpu.memory_space<hbm>>, %arg5: memref<32x160x64xf32, #tpu.memory_space<hbm>>, %arg6: memref<2x10240x128xf32, #tpu.memory_space<hbm>>, %arg7: memref<10240x128xf32, #tpu.memory_space<vmem_shared>>, %arg8: memref<64x128xf32, #tpu.memory_space<vmem>>, %arg9: memref<64x128xf32, #tpu.memory_space<vmem>>, %arg10: memref<64x128xf32, #tpu.memory_space<vmem>>, %arg11: memref<64x128xf32, #tpu.memory_space<vmem>>, %arg12: memref<64xi32, #tpu.memory_space<vmem>>, %arg13: memref<64xi32, #tpu.memory_space<vmem>>, %arg14: memref<64xi32, #tpu.memory_space<vmem>>, %arg15: memref<64xi32, #tpu.memory_space<vmem>>, %arg16: memref<64xi32, #tpu.memory_space<vmem>>, %arg17: memref<64xi32, #tpu.memory_space<vmem>>, %arg18: memref<64xi32, #tpu.memory_space<vmem>>, %arg19: memref<64xi32, #tpu.memory_space<vmem>>, %arg20: memref<64xf32, #tpu.memory_space<vmem>>, %arg21: memref<64xf32, #tpu.memory_space<vmem>>, %arg22: memref<64xf32, #tpu.memory_space<vmem>>, %arg23: memref<64xf32, #tpu.memory_space<vmem>>, %arg24: memref<!tpu.dma_semaphore, #tpu.memory_space<semaphore_mem>>, %arg25: memref<!tpu.dma_semaphore, #tpu.memory_space<semaphore_mem>>, %arg26: memref<!tpu.dma_semaphore, #tpu.memory_space<semaphore_mem>>, %arg27: memref<!tpu.dma_semaphore, #tpu.memory_space<semaphore_mem>>, %arg28: memref<!tpu.dma_semaphore, #tpu.memory_space<semaphore_mem>>, %arg29: memref<!tpu.dma_semaphore, #tpu.memory_space<semaphore_mem>>, %arg30: memref<!tpu.dma_semaphore, #tpu.memory_space<semaphore_mem>>, %arg31: memref<!tpu.dma_semaphore, #tpu.memory_space<semaphore_mem>>, %arg32: memref<!tpu.dma_semaphore, #tpu.memory_space<semaphore_mem>>, %arg33: memref<!tpu.dma_semaphore, #tpu.memory_space<semaphore_mem>>, %arg34: memref<!tpu.dma_semaphore, #tpu.memory_space<semaphore_mem>>, %arg35: memref<!tpu.dma_semaphore, #tpu.memory_space<semaphore_mem>>) attributes {dimension_semantics = [#tpu.dimension_semantics<core_parallel>, #tpu.dimension_semantics<subcore_parallel>], iteration_bounds = array<i64: 2, 16>, scalar_prefetch = 0 : i64, scratch_operands = 29 : i64, tpu.core_type = #tpu.core_type<sc_vector_subcore>, window_params = [{transform_indices = #map}, {transform_indices = #map1}, {transform_indices = #map1}, {transform_indices = #map1}, {transform_indices = #map1}]} {
    %mul3A = arith.constant 16 : i32
    %mul3A_0 = arith.muli %arg0, %mul3A : i32
    %add3A = arith.addi %mul3A_0, %arg1 : i32
    %scan3A = arith.constant 0 : i32
    %scan3A_1 = arith.constant 64 : i32
    %scan3A_2 = arith.addi %scan3A, %scan3A_1 : i32
    %scan3A_3 = arith.constant 1 : i32
    scf.for %scan3A_127 = %scan3A to %scan3A_2 step %scan3A_3  : i32 {
      %mul3A_128 = arith.constant 1 : i32
      %mul3A_129 = arith.muli %scan3A_127, %mul3A_128 : i32
      %add3A_130 = arith.constant 0 : i32
      %add3A_131 = arith.addi %add3A_130, %mul3A_129 : i32
      %broadcast_in_dim3A = arith.constant 0.000000e+00 : f32
      %broadcast_in_dim3A_132 = vector.broadcast %broadcast_in_dim3A : f32 to vector<16xf32>
      %swap3A = arith.index_cast %add3A_131 : i32 to index
      %swap3A_133 = arith.constant 0 : index
      %swap3A_134 = tpu.vector_load %arg8[%swap3A, %swap3A_133] {strides = array<i32>} : memref<64x128xf32, #tpu.memory_space<vmem>>, vector<16xf32>,
      tpu.vector_store %arg8[%swap3A, %swap3A_133], %broadcast_in_dim3A_132 {strides = array<i32>} : memref<64x128xf32, #tpu.memory_space<vmem>>, vector<16xf32>,
      %broadcast_in_dim3A_135 = arith.constant 0.000000e+00 : f32
      %broadcast_in_dim3A_136 = vector.broadcast %broadcast_in_dim3A_135 : f32 to vector<16xf32>
      %swap3A_137 = arith.index_cast %add3A_131 : i32 to index
      %swap3A_138 = arith.constant 16 : index
      %swap3A_139 = tpu.vector_load %arg8[%swap3A_137, %swap3A_138] {strides = array<i32>} : memref<64x128xf32, #tpu.memory_space<vmem>>, vector<16xf32>,
      tpu.vector_store %arg8[%swap3A_137, %swap3A_138], %broadcast_in_dim3A_136 {strides = array<i32>} : memref<64x128xf32, #tpu.memory_space<vmem>>, vector<16xf32>,
      %broadcast_in_dim3A_140 = arith.constant 0.000000e+00 : f32
      %broadcast_in_dim3A_141 = vector.broadcast %broadcast_in_dim3A_140 : f32 to vector<16xf32>
      %swap3A_142 = arith.index_cast %add3A_131 : i32 to index
      %swap3A_143 = arith.constant 32 : index
      %swap3A_144 = tpu.vector_load %arg8[%swap3A_142, %swap3A_143] {strides = array<i32>} : memref<64x128xf32, #tpu.memory_space<vmem>>, vector<16xf32>,
      tpu.vector_store %arg8[%swap3A_142, %swap3A_143], %broadcast_in_dim3A_141 {strides = array<i32>} : memref<64x128xf32, #tpu.memory_space<vmem>>, vector<16xf32>,
      %broadcast_in_dim3A_145 = arith.constant 0.000000e+00 : f32
      %broadcast_in_dim3A_146 = vector.broadcast %broadcast_in_dim3A_145 : f32 to vector<16xf32>
      %swap3A_147 = arith.index_cast %add3A_131 : i32 to index
      %swap3A_148 = arith.constant 48 : index
      %swap3A_149 = tpu.vector_load %arg8[%swap3A_147, %swap3A_148] {strides = array<i32>} : memref<64x128xf32, #tpu.memory_space<vmem>>, vector<16xf32>,
      tpu.vector_store %arg8[%swap3A_147, %swap3A_148], %broadcast_in_dim3A_146 {strides = array<i32>} : memref<64x128xf32, #tpu.memory_space<vmem>>, vector<16xf32>,
      %broadcast_in_dim3A_150 = arith.constant 0.000000e+00 : f32
      %broadcast_in_dim3A_151 = vector.broadcast %broadcast_in_dim3A_150 : f32 to vector<16xf32>
      %swap3A_152 = arith.index_cast %add3A_131 : i32 to index
      %swap3A_153 = arith.constant 64 : index
      %swap3A_154 = tpu.vector_load %arg8[%swap3A_152, %swap3A_153] {strides = array<i32>} : memref<64x128xf32, #tpu.memory_space<vmem>>, vector<16xf32>,
      tpu.vector_store %arg8[%swap3A_152, %swap3A_153], %broadcast_in_dim3A_151 {strides = array<i32>} : memref<64x128xf32, #tpu.memory_space<vmem>>, vector<16xf32>,
      %broadcast_in_dim3A_155 = arith.constant 0.000000e+00 : f32
      %broadcast_in_dim3A_156 = vector.broadcast %broadcast_in_dim3A_155 : f32 to vector<16xf32>
      %swap3A_157 = arith.index_cast %add3A_131 : i32 to index
      %swap3A_158 = arith.constant 80 : index
      %swap3A_159 = tpu.vector_load %arg8[%swap3A_157, %swap3A_158] {strides = array<i32>} : memref<64x128xf32, #tpu.memory_space<vmem>>, vector<16xf32>,
      tpu.vector_store %arg8[%swap3A_157, %swap3A_158], %broadcast_in_dim3A_156 {strides = array<i32>} : memref<64x128xf32, #tpu.memory_space<vmem>>, vector<16xf32>,
      %broadcast_in_dim3A_160 = arith.constant 0.000000e+00 : f32
      %broadcast_in_dim3A_161 = vector.broadcast %broadcast_in_dim3A_160 : f32 to vector<16xf32>
      %swap3A_162 = arith.index_cast %add3A_131 : i32 to index
      %swap3A_163 = arith.constant 96 : index
      %swap3A_164 = tpu.vector_load %arg8[%swap3A_162, %swap3A_163] {strides = array<i32>} : memref<64x128xf32, #tpu.memory_space<vmem>>, vector<16xf32>,
      tpu.vector_store %arg8[%swap3A_162, %swap3A_163], %broadcast_in_dim3A_161 {strides = array<i32>} : memref<64x128xf32, #tpu.memory_space<vmem>>, vector<16xf32>,
      %broadcast_in_dim3A_165 = arith.constant 0.000000e+00 : f32
      %broadcast_in_dim3A_166 = vector.broadcast %broadcast_in_dim3A_165 : f32 to vector<16xf32>
      %swap3A_167 = arith.index_cast %add3A_131 : i32 to index
      %swap3A_168 = arith.constant 112 : index
      %swap3A_169 = tpu.vector_load %arg8[%swap3A_167, %swap3A_168] {strides = array<i32>} : memref<64x128xf32, #tpu.memory_space<vmem>>, vector<16xf32>,
      tpu.vector_store %arg8[%swap3A_167, %swap3A_168], %broadcast_in_dim3A_166 {strides = array<i32>} : memref<64x128xf32, #tpu.memory_space<vmem>>, vector<16xf32>,
    }
    %scan3A_4 = arith.constant 64 : i32
    %mul3A_5 = arith.constant 640 : i32
    %mul3A_6 = arith.muli %arg1, %mul3A_5 : i32
    %add3A_7 = arith.constant 0 : i32
    %add3A_8 = arith.addi %mul3A_6, %add3A_7 : i32
    "tpu.region"() ({
      %run_scoped3A = tpu.sem_alloc : memref<!tpu.dma_semaphore, #tpu.memory_space<semaphore_mem>>
      %dma_start3A_127 = arith.constant 0 : i32
      %dma_start3A_128 = arith.constant 0 : i32
      %dma_start3A_129 = tpu.memref_slice %arg8[%dma_start3A_127, %dma_start3A_128] : memref<64x128xf32, #tpu.memory_space<vmem>> -> memref<64x128xf32, #tpu.memory_space<vmem>>
      %dma_start3A_130 = arith.constant 0 : i32
      %dma_start3A_131 = tpu.memref_slice %arg7[%add3A_8, %dma_start3A_130] : memref<10240x128xf32, #tpu.memory_space<vmem_shared>> -> memref<64x128xf32, #tpu.memory_space<vmem_shared>>
      %dma_start3A_132 = arith.constant 0 : i32
      %dma_start3A_133 = tpu.memref_slice %arg7[%add3A_8, %dma_start3A_132] : memref<10240x128xf32, #tpu.memory_space<vmem_shared>> -> memref<64x128xf32, #tpu.memory_space<vmem_shared>>
      %dma_start3A_134 = arith.constant 0 : i32
      %dma_start3A_135 = arith.constant 0 : i32
      %dma_start3A_136 = tpu.memref_slice %arg8[%dma_start3A_134, %dma_start3A_135] : memref<64x128xf32, #tpu.memory_space<vmem>> -> memref<64x128xf32, #tpu.memory_space<vmem>>
      tpu.enqueue_dma source(%dma_start3A_136 : memref<64x128xf32, #tpu.memory_space<vmem>>) target(%dma_start3A_133 : memref<64x128xf32, #tpu.memory_space<vmem_shared>>) target_semaphore(%run_scoped3A : memref<!tpu.dma_semaphore, #tpu.memory_space<semaphore_mem>>)
      %dma_wait3A_137 = arith.constant 0 : i32
      %dma_wait3A_138 = arith.constant 0 : i32
      %dma_wait3A_139 = tpu.memref_slice %arg8[%dma_wait3A_137, %dma_wait3A_138] : memref<64x128xf32, #tpu.memory_space<vmem>> -> memref<64x128xf32, #tpu.memory_space<vmem>>
      %dma_wait3A_140 = arith.constant 0 : i32
      %dma_wait3A_141 = tpu.memref_slice %arg7[%add3A_8, %dma_wait3A_140] : memref<10240x128xf32, #tpu.memory_space<vmem_shared>> -> memref<64x128xf32, #tpu.memory_space<vmem_shared>>
      %dma_wait3A_142 = arith.constant 0 : i32
      %dma_wait3A_143 = tpu.memref_slice %arg7[%add3A_8, %dma_wait3A_142] : memref<10240x128xf32, #tpu.memory_space<vmem_shared>> -> memref<64x128xf32, #tpu.memory_space<vmem_shared>>
      %dma_wait3A_144 = arith.constant 0 : i32
      %dma_wait3A_145 = arith.constant 0 : i32
      %dma_wait3A_146 = tpu.memref_slice %arg8[%dma_wait3A_144, %dma_wait3A_145] : memref<64x128xf32, #tpu.memory_space<vmem>> -> memref<64x128xf32, #tpu.memory_space<vmem>>
      tpu.wait_dma2 semaphore(%run_scoped3A : memref<!tpu.dma_semaphore, #tpu.memory_space<semaphore_mem>>) src(%dma_wait3A_146 : memref<64x128xf32, #tpu.memory_space<vmem>>) dst(%dma_wait3A_143 : memref<64x128xf32, #tpu.memory_space<vmem_shared>>)
      tpu.yield
    }) : () -> ()
    %add3A_9 = arith.constant 64 : i32
    %add3A_10 = arith.addi %mul3A_6, %add3A_9 : i32
    "tpu.region"() ({
      %run_scoped3A = tpu.sem_alloc : memref<!tpu.dma_semaphore, #tpu.memory_space<semaphore_mem>>
      %dma_start3A_127 = arith.constant 0 : i32
      %dma_start3A_128 = arith.constant 0 : i32
      %dma_start3A_129 = tpu.memref_slice %arg8[%dma_start3A_127, %dma_start3A_128] : memref<64x128xf32, #tpu.memory_space<vmem>> -> memref<64x128xf32, #tpu.memory_space<vmem>>
      %dma_start3A_130 = arith.constant 0 : i32
      %dma_start3A_131 = tpu.memref_slice %arg7[%add3A_10, %dma_start3A_130] : memref<10240x128xf32, #tpu.memory_space<vmem_shared>> -> memref<64x128xf32, #tpu.memory_space<vmem_shared>>
      %dma_start3A_132 = arith.constant 0 : i32
      %dma_start3A_133 = tpu.memref_slice %arg7[%add3A_10, %dma_start3A_132] : memref<10240x128xf32, #tpu.memory_space<vmem_shared>> -> memref<64x128xf32, #tpu.memory_space<vmem_shared>>
      %dma_start3A_134 = arith.constant 0 : i32
      %dma_start3A_135 = arith.constant 0 : i32
      %dma_start3A_136 = tpu.memref_slice %arg8[%dma_start3A_134, %dma_start3A_135] : memref<64x128xf32, #tpu.memory_space<vmem>> -> memref<64x128xf32, #tpu.memory_space<vmem>>
      tpu.enqueue_dma source(%dma_start3A_136 : memref<64x128xf32, #tpu.memory_space<vmem>>) target(%dma_start3A_133 : memref<64x128xf32, #tpu.memory_space<vmem_shared>>) target_semaphore(%run_scoped3A : memref<!tpu.dma_semaphore, #tpu.memory_space<semaphore_mem>>)
      %dma_wait3A_137 = arith.constant 0 : i32
      %dma_wait3A_138 = arith.constant 0 : i32
      %dma_wait3A_139 = tpu.memref_slice %arg8[%dma_wait3A_137, %dma_wait3A_138] : memref<64x128xf32, #tpu.memory_space<vmem>> -> memref<64x128xf32, #tpu.memory_space<vmem>>
      %dma_wait3A_140 = arith.constant 0 : i32
      %dma_wait3A_141 = tpu.memref_slice %arg7[%add3A_10, %dma_wait3A_140] : memref<10240x128xf32, #tpu.memory_space<vmem_shared>> -> memref<64x128xf32, #tpu.memory_space<vmem_shared>>
      %dma_wait3A_142 = arith.constant 0 : i32
      %dma_wait3A_143 = tpu.memref_slice %arg7[%add3A_10, %dma_wait3A_142] : memref<10240x128xf32, #tpu.memory_space<vmem_shared>> -> memref<64x128xf32, #tpu.memory_space<vmem_shared>>
      %dma_wait3A_144 = arith.constant 0 : i32
      %dma_wait3A_145 = arith.constant 0 : i32
      %dma_wait3A_146 = tpu.memref_slice %arg8[%dma_wait3A_144, %dma_wait3A_145] : memref<64x128xf32, #tpu.memory_space<vmem>> -> memref<64x128xf32, #tpu.memory_space<vmem>>
      tpu.wait_dma2 semaphore(%run_scoped3A : memref<!tpu.dma_semaphore, #tpu.memory_space<semaphore_mem>>) src(%dma_wait3A_146 : memref<64x128xf32, #tpu.memory_space<vmem>>) dst(%dma_wait3A_143 : memref<64x128xf32, #tpu.memory_space<vmem_shared>>)
      tpu.yield
    }) : () -> ()
    %add3A_11 = arith.constant 128 : i32
    %add3A_12 = arith.addi %mul3A_6, %add3A_11 : i32
    "tpu.region"() ({
      %run_scoped3A = tpu.sem_alloc : memref<!tpu.dma_semaphore, #tpu.memory_space<semaphore_mem>>
      %dma_start3A_127 = arith.constant 0 : i32
      %dma_start3A_128 = arith.constant 0 : i32
      %dma_start3A_129 = tpu.memref_slice %arg8[%dma_start3A_127, %dma_start3A_128] : memref<64x128xf32, #tpu.memory_space<vmem>> -> memref<64x128xf32, #tpu.memory_space<vmem>>
      %dma_start3A_130 = arith.constant 0 : i32
      %dma_start3A_131 = tpu.memref_slice %arg7[%add3A_12, %dma_start3A_130] : memref<10240x128xf32, #tpu.memory_space<vmem_shared>> -> memref<64x128xf32, #tpu.memory_space<vmem_shared>>
      %dma_start3A_132 = arith.constant 0 : i32
      %dma_start3A_133 = tpu.memref_slice %arg7[%add3A_12, %dma_start3A_132] : memref<10240x128xf32, #tpu.memory_space<vmem_shared>> -> memref<64x128xf32, #tpu.memory_space<vmem_shared>>
      %dma_start3A_134 = arith.constant 0 : i32
      %dma_start3A_135 = arith.constant 0 : i32
      %dma_start3A_136 = tpu.memref_slice %arg8[%dma_start3A_134, %dma_start3A_135] : memref<64x128xf32, #tpu.memory_space<vmem>> -> memref<64x128xf32, #tpu.memory_space<vmem>>
      tpu.enqueue_dma source(%dma_start3A_136 : memref<64x128xf32, #tpu.memory_space<vmem>>) target(%dma_start3A_133 : memref<64x128xf32, #tpu.memory_space<vmem_shared>>) target_semaphore(%run_scoped3A : memref<!tpu.dma_semaphore, #tpu.memory_space<semaphore_mem>>)
      %dma_wait3A_137 = arith.constant 0 : i32
      %dma_wait3A_138 = arith.constant 0 : i32
      %dma_wait3A_139 = tpu.memref_slice %arg8[%dma_wait3A_137, %dma_wait3A_138] : memref<64x128xf32, #tpu.memory_space<vmem>> -> memref<64x128xf32, #tpu.memory_space<vmem>>
      %dma_wait3A_140 = arith.constant 0 : i32
      %dma_wait3A_141 = tpu.memref_slice %arg7[%add3A_12, %dma_wait3A_140] : memref<10240x128xf32, #tpu.memory_space<vmem_shared>> -> memref<64x128xf32, #tpu.memory_space<vmem_shared>>
      %dma_wait3A_142 = arith.constant 0 : i32
      %dma_wait3A_143 = tpu.memref_slice %arg7[%add3A_12, %dma_wait3A_142] : memref<10240x128xf32, #tpu.memory_space<vmem_shared>> -> memref<64x128xf32, #tpu.memory_space<vmem_shared>>
      %dma_wait3A_144 = arith.constant 0 : i32
      %dma_wait3A_145 = arith.constant 0 : i32
      %dma_wait3A_146 = tpu.memref_slice %arg8[%dma_wait3A_144, %dma_wait3A_145] : memref<64x128xf32, #tpu.memory_space<vmem>> -> memref<64x128xf32, #tpu.memory_space<vmem>>
      tpu.wait_dma2 semaphore(%run_scoped3A : memref<!tpu.dma_semaphore, #tpu.memory_space<semaphore_mem>>) src(%dma_wait3A_146 : memref<64x128xf32, #tpu.memory_space<vmem>>) dst(%dma_wait3A_143 : memref<64x128xf32, #tpu.memory_space<vmem_shared>>)
      tpu.yield
    }) : () -> ()
    %add3A_13 = arith.constant 192 : i32
    %add3A_14 = arith.addi %mul3A_6, %add3A_13 : i32
    "tpu.region"() ({
      %run_scoped3A = tpu.sem_alloc : memref<!tpu.dma_semaphore, #tpu.memory_space<semaphore_mem>>
      %dma_start3A_127 = arith.constant 0 : i32
      %dma_start3A_128 = arith.constant 0 : i32
      %dma_start3A_129 = tpu.memref_slice %arg8[%dma_start3A_127, %dma_start3A_128] : memref<64x128xf32, #tpu.memory_space<vmem>> -> memref<64x128xf32, #tpu.memory_space<vmem>>
      %dma_start3A_130 = arith.constant 0 : i32
      %dma_start3A_131 = tpu.memref_slice %arg7[%add3A_14, %dma_start3A_130] : memref<10240x128xf32, #tpu.memory_space<vmem_shared>> -> memref<64x128xf32, #tpu.memory_space<vmem_shared>>
      %dma_start3A_132 = arith.constant 0 : i32
      %dma_start3A_133 = tpu.memref_slice %arg7[%add3A_14, %dma_start3A_132] : memref<10240x128xf32, #tpu.memory_space<vmem_shared>> -> memref<64x128xf32, #tpu.memory_space<vmem_shared>>
      %dma_start3A_134 = arith.constant 0 : i32
      %dma_start3A_135 = arith.constant 0 : i32
      %dma_start3A_136 = tpu.memref_slice %arg8[%dma_start3A_134, %dma_start3A_135] : memref<64x128xf32, #tpu.memory_space<vmem>> -> memref<64x128xf32, #tpu.memory_space<vmem>>
      tpu.enqueue_dma source(%dma_start3A_136 : memref<64x128xf32, #tpu.memory_space<vmem>>) target(%dma_start3A_133 : memref<64x128xf32, #tpu.memory_space<vmem_shared>>) target_semaphore(%run_scoped3A : memref<!tpu.dma_semaphore, #tpu.memory_space<semaphore_mem>>)
      %dma_wait3A_137 = arith.constant 0 : i32
      %dma_wait3A_138 = arith.constant 0 : i32
      %dma_wait3A_139 = tpu.memref_slice %arg8[%dma_wait3A_137, %dma_wait3A_138] : memref<64x128xf32, #tpu.memory_space<vmem>> -> memref<64x128xf32, #tpu.memory_space<vmem>>
      %dma_wait3A_140 = arith.constant 0 : i32
      %dma_wait3A_141 = tpu.memref_slice %arg7[%add3A_14, %dma_wait3A_140] : memref<10240x128xf32, #tpu.memory_space<vmem_shared>> -> memref<64x128xf32, #tpu.memory_space<vmem_shared>>
      %dma_wait3A_142 = arith.constant 0 : i32
      %dma_wait3A_143 = tpu.memref_slice %arg7[%add3A_14, %dma_wait3A_142] : memref<10240x128xf32, #tpu.memory_space<vmem_shared>> -> memref<64x128xf32, #tpu.memory_space<vmem_shared>>
      %dma_wait3A_144 = arith.constant 0 : i32
      %dma_wait3A_145 = arith.constant 0 : i32
      %dma_wait3A_146 = tpu.memref_slice %arg8[%dma_wait3A_144, %dma_wait3A_145] : memref<64x128xf32, #tpu.memory_space<vmem>> -> memref<64x128xf32, #tpu.memory_space<vmem>>
      tpu.wait_dma2 semaphore(%run_scoped3A : memref<!tpu.dma_semaphore, #tpu.memory_space<semaphore_mem>>) src(%dma_wait3A_146 : memref<64x128xf32, #tpu.memory_space<vmem>>) dst(%dma_wait3A_143 : memref<64x128xf32, #tpu.memory_space<vmem_shared>>)
      tpu.yield
    }) : () -> ()
    %add3A_15 = arith.constant 256 : i32
    %add3A_16 = arith.addi %mul3A_6, %add3A_15 : i32
    "tpu.region"() ({
      %run_scoped3A = tpu.sem_alloc : memref<!tpu.dma_semaphore, #tpu.memory_space<semaphore_mem>>
      %dma_start3A_127 = arith.constant 0 : i32
      %dma_start3A_128 = arith.constant 0 : i32
      %dma_start3A_129 = tpu.memref_slice %arg8[%dma_start3A_127, %dma_start3A_128] : memref<64x128xf32, #tpu.memory_space<vmem>> -> memref<64x128xf32, #tpu.memory_space<vmem>>
      %dma_start3A_130 = arith.constant 0 : i32
      %dma_start3A_131 = tpu.memref_slice %arg7[%add3A_16, %dma_start3A_130] : memref<10240x128xf32, #tpu.memory_space<vmem_shared>> -> memref<64x128xf32, #tpu.memory_space<vmem_shared>>
      %dma_start3A_132 = arith.constant 0 : i32
      %dma_start3A_133 = tpu.memref_slice %arg7[%add3A_16, %dma_start3A_132] : memref<10240x128xf32, #tpu.memory_space<vmem_shared>> -> memref<64x128xf32, #tpu.memory_space<vmem_shared>>
      %dma_start3A_134 = arith.constant 0 : i32
      %dma_start3A_135 = arith.constant 0 : i32
      %dma_start3A_136 = tpu.memref_slice %arg8[%dma_start3A_134, %dma_start3A_135] : memref<64x128xf32, #tpu.memory_space<vmem>> -> memref<64x128xf32, #tpu.memory_space<vmem>>
      tpu.enqueue_dma source(%dma_start3A_136 : memref<64x128xf32, #tpu.memory_space<vmem>>) target(%dma_start3A_133 : memref<64x128xf32, #tpu.memory_space<vmem_shared>>) target_semaphore(%run_scoped3A : memref<!tpu.dma_semaphore, #tpu.memory_space<semaphore_mem>>)
      %dma_wait3A_137 = arith.constant 0 : i32
      %dma_wait3A_138 = arith.constant 0 : i32
      %dma_wait3A_139 = tpu.memref_slice %arg8[%dma_wait3A_137, %dma_wait3A_138] : memref<64x128xf32, #tpu.memory_space<vmem>> -> memref<64x128xf32, #tpu.memory_space<vmem>>
      %dma_wait3A_140 = arith.constant 0 : i32
      %dma_wait3A_141 = tpu.memref_slice %arg7[%add3A_16, %dma_wait3A_140] : memref<10240x128xf32, #tpu.memory_space<vmem_shared>> -> memref<64x128xf32, #tpu.memory_space<vmem_shared>>
      %dma_wait3A_142 = arith.constant 0 : i32
      %dma_wait3A_143 = tpu.memref_slice %arg7[%add3A_16, %dma_wait3A_142] : memref<10240x128xf32, #tpu.memory_space<vmem_shared>> -> memref<64x128xf32, #tpu.memory_space<vmem_shared>>
      %dma_wait3A_144 = arith.constant 0 : i32
      %dma_wait3A_145 = arith.constant 0 : i32
      %dma_wait3A_146 = tpu.memref_slice %arg8[%dma_wait3A_144, %dma_wait3A_145] : memref<64x128xf32, #tpu.memory_space<vmem>> -> memref<64x128xf32, #tpu.memory_space<vmem>>
      tpu.wait_dma2 semaphore(%run_scoped3A : memref<!tpu.dma_semaphore, #tpu.memory_space<semaphore_mem>>) src(%dma_wait3A_146 : memref<64x128xf32, #tpu.memory_space<vmem>>) dst(%dma_wait3A_143 : memref<64x128xf32, #tpu.memory_space<vmem_shared>>)
      tpu.yield
    }) : () -> ()
    %add3A_17 = arith.constant 320 : i32
    %add3A_18 = arith.addi %mul3A_6, %add3A_17 : i32
    "tpu.region"() ({
      %run_scoped3A = tpu.sem_alloc : memref<!tpu.dma_semaphore, #tpu.memory_space<semaphore_mem>>
      %dma_start3A_127 = arith.constant 0 : i32
      %dma_start3A_128 = arith.constant 0 : i32
      %dma_start3A_129 = tpu.memref_slice %arg8[%dma_start3A_127, %dma_start3A_128] : memref<64x128xf32, #tpu.memory_space<vmem>> -> memref<64x128xf32, #tpu.memory_space<vmem>>
      %dma_start3A_130 = arith.constant 0 : i32
      %dma_start3A_131 = tpu.memref_slice %arg7[%add3A_18, %dma_start3A_130] : memref<10240x128xf32, #tpu.memory_space<vmem_shared>> -> memref<64x128xf32, #tpu.memory_space<vmem_shared>>
      %dma_start3A_132 = arith.constant 0 : i32
      %dma_start3A_133 = tpu.memref_slice %arg7[%add3A_18, %dma_start3A_132] : memref<10240x128xf32, #tpu.memory_space<vmem_shared>> -> memref<64x128xf32, #tpu.memory_space<vmem_shared>>
      %dma_start3A_134 = arith.constant 0 : i32
      %dma_start3A_135 = arith.constant 0 : i32
      %dma_start3A_136 = tpu.memref_slice %arg8[%dma_start3A_134, %dma_start3A_135] : memref<64x128xf32, #tpu.memory_space<vmem>> -> memref<64x128xf32, #tpu.memory_space<vmem>>
      tpu.enqueue_dma source(%dma_start3A_136 : memref<64x128xf32, #tpu.memory_space<vmem>>) target(%dma_start3A_133 : memref<64x128xf32, #tpu.memory_space<vmem_shared>>) target_semaphore(%run_scoped3A : memref<!tpu.dma_semaphore, #tpu.memory_space<semaphore_mem>>)
      %dma_wait3A_137 = arith.constant 0 : i32
      %dma_wait3A_138 = arith.constant 0 : i32
      %dma_wait3A_139 = tpu.memref_slice %arg8[%dma_wait3A_137, %dma_wait3A_138] : memref<64x128xf32, #tpu.memory_space<vmem>> -> memref<64x128xf32, #tpu.memory_space<vmem>>
      %dma_wait3A_140 = arith.constant 0 : i32
      %dma_wait3A_141 = tpu.memref_slice %arg7[%add3A_18, %dma_wait3A_140] : memref<10240x128xf32, #tpu.memory_space<vmem_shared>> -> memref<64x128xf32, #tpu.memory_space<vmem_shared>>
      %dma_wait3A_142 = arith.constant 0 : i32
      %dma_wait3A_143 = tpu.memref_slice %arg7[%add3A_18, %dma_wait3A_142] : memref<10240x128xf32, #tpu.memory_space<vmem_shared>> -> memref<64x128xf32, #tpu.memory_space<vmem_shared>>
      %dma_wait3A_144 = arith.constant 0 : i32
      %dma_wait3A_145 = arith.constant 0 : i32
      %dma_wait3A_146 = tpu.memref_slice %arg8[%dma_wait3A_144, %dma_wait3A_145] : memref<64x128xf32, #tpu.memory_space<vmem>> -> memref<64x128xf32, #tpu.memory_space<vmem>>
      tpu.wait_dma2 semaphore(%run_scoped3A : memref<!tpu.dma_semaphore, #tpu.memory_space<semaphore_mem>>) src(%dma_wait3A_146 : memref<64x128xf32, #tpu.memory_space<vmem>>) dst(%dma_wait3A_143 : memref<64x128xf32, #tpu.memory_space<vmem_shared>>)
      tpu.yield
    }) : () -> ()
    %add3A_19 = arith.constant 384 : i32
    %add3A_20 = arith.addi %mul3A_6, %add3A_19 : i32
    "tpu.region"() ({
      %run_scoped3A = tpu.sem_alloc : memref<!tpu.dma_semaphore, #tpu.memory_space<semaphore_mem>>
      %dma_start3A_127 = arith.constant 0 : i32
      %dma_start3A_128 = arith.constant 0 : i32
      %dma_start3A_129 = tpu.memref_slice %arg8[%dma_start3A_127, %dma_start3A_128] : memref<64x128xf32, #tpu.memory_space<vmem>> -> memref<64x128xf32, #tpu.memory_space<vmem>>
      %dma_start3A_130 = arith.constant 0 : i32
      %dma_start3A_131 = tpu.memref_slice %arg7[%add3A_20, %dma_start3A_130] : memref<10240x128xf32, #tpu.memory_space<vmem_shared>> -> memref<64x128xf32, #tpu.memory_space<vmem_shared>>
      %dma_start3A_132 = arith.constant 0 : i32
      %dma_start3A_133 = tpu.memref_slice %arg7[%add3A_20, %dma_start3A_132] : memref<10240x128xf32, #tpu.memory_space<vmem_shared>> -> memref<64x128xf32, #tpu.memory_space<vmem_shared>>
      %dma_start3A_134 = arith.constant 0 : i32
      %dma_start3A_135 = arith.constant 0 : i32
      %dma_start3A_136 = tpu.memref_slice %arg8[%dma_start3A_134, %dma_start3A_135] : memref<64x128xf32, #tpu.memory_space<vmem>> -> memref<64x128xf32, #tpu.memory_space<vmem>>
      tpu.enqueue_dma source(%dma_start3A_136 : memref<64x128xf32, #tpu.memory_space<vmem>>) target(%dma_start3A_133 : memref<64x128xf32, #tpu.memory_space<vmem_shared>>) target_semaphore(%run_scoped3A : memref<!tpu.dma_semaphore, #tpu.memory_space<semaphore_mem>>)
      %dma_wait3A_137 = arith.constant 0 : i32
      %dma_wait3A_138 = arith.constant 0 : i32
      %dma_wait3A_139 = tpu.memref_slice %arg8[%dma_wait3A_137, %dma_wait3A_138] : memref<64x128xf32, #tpu.memory_space<vmem>> -> memref<64x128xf32, #tpu.memory_space<vmem>>
      %dma_wait3A_140 = arith.constant 0 : i32
      %dma_wait3A_141 = tpu.memref_slice %arg7[%add3A_20, %dma_wait3A_140] : memref<10240x128xf32, #tpu.memory_space<vmem_shared>> -> memref<64x128xf32, #tpu.memory_space<vmem_shared>>
      %dma_wait3A_142 = arith.constant 0 : i32
      %dma_wait3A_143 = tpu.memref_slice %arg7[%add3A_20, %dma_wait3A_142] : memref<10240x128xf32, #tpu.memory_space<vmem_shared>> -> memref<64x128xf32, #tpu.memory_space<vmem_shared>>
      %dma_wait3A_144 = arith.constant 0 : i32
      %dma_wait3A_145 = arith.constant 0 : i32
      %dma_wait3A_146 = tpu.memref_slice %arg8[%dma_wait3A_144, %dma_wait3A_145] : memref<64x128xf32, #tpu.memory_space<vmem>> -> memref<64x128xf32, #tpu.memory_space<vmem>>
      tpu.wait_dma2 semaphore(%run_scoped3A : memref<!tpu.dma_semaphore, #tpu.memory_space<semaphore_mem>>) src(%dma_wait3A_146 : memref<64x128xf32, #tpu.memory_space<vmem>>) dst(%dma_wait3A_143 : memref<64x128xf32, #tpu.memory_space<vmem_shared>>)
      tpu.yield
    }) : () -> ()
    %add3A_21 = arith.constant 448 : i32
    %add3A_22 = arith.addi %mul3A_6, %add3A_21 : i32
    "tpu.region"() ({
      %run_scoped3A = tpu.sem_alloc : memref<!tpu.dma_semaphore, #tpu.memory_space<semaphore_mem>>
      %dma_start3A_127 = arith.constant 0 : i32
      %dma_start3A_128 = arith.constant 0 : i32
      %dma_start3A_129 = tpu.memref_slice %arg8[%dma_start3A_127, %dma_start3A_128] : memref<64x128xf32, #tpu.memory_space<vmem>> -> memref<64x128xf32, #tpu.memory_space<vmem>>
      %dma_start3A_130 = arith.constant 0 : i32
      %dma_start3A_131 = tpu.memref_slice %arg7[%add3A_22, %dma_start3A_130] : memref<10240x128xf32, #tpu.memory_space<vmem_shared>> -> memref<64x128xf32, #tpu.memory_space<vmem_shared>>
      %dma_start3A_132 = arith.constant 0 : i32
      %dma_start3A_133 = tpu.memref_slice %arg7[%add3A_22, %dma_start3A_132] : memref<10240x128xf32, #tpu.memory_space<vmem_shared>> -> memref<64x128xf32, #tpu.memory_space<vmem_shared>>
      %dma_start3A_134 = arith.constant 0 : i32
      %dma_start3A_135 = arith.constant 0 : i32
      %dma_start3A_136 = tpu.memref_slice %arg8[%dma_start3A_134, %dma_start3A_135] : memref<64x128xf32, #tpu.memory_space<vmem>> -> memref<64x128xf32, #tpu.memory_space<vmem>>
      tpu.enqueue_dma source(%dma_start3A_136 : memref<64x128xf32, #tpu.memory_space<vmem>>) target(%dma_start3A_133 : memref<64x128xf32, #tpu.memory_space<vmem_shared>>) target_semaphore(%run_scoped3A : memref<!tpu.dma_semaphore, #tpu.memory_space<semaphore_mem>>)
      %dma_wait3A_137 = arith.constant 0 : i32
      %dma_wait3A_138 = arith.constant 0 : i32
      %dma_wait3A_139 = tpu.memref_slice %arg8[%dma_wait3A_137, %dma_wait3A_138] : memref<64x128xf32, #tpu.memory_space<vmem>> -> memref<64x128xf32, #tpu.memory_space<vmem>>
      %dma_wait3A_140 = arith.constant 0 : i32
      %dma_wait3A_141 = tpu.memref_slice %arg7[%add3A_22, %dma_wait3A_140] : memref<10240x128xf32, #tpu.memory_space<vmem_shared>> -> memref<64x128xf32, #tpu.memory_space<vmem_shared>>
      %dma_wait3A_142 = arith.constant 0 : i32
      %dma_wait3A_143 = tpu.memref_slice %arg7[%add3A_22, %dma_wait3A_142] : memref<10240x128xf32, #tpu.memory_space<vmem_shared>> -> memref<64x128xf32, #tpu.memory_space<vmem_shared>>
      %dma_wait3A_144 = arith.constant 0 : i32
      %dma_wait3A_145 = arith.constant 0 : i32
      %dma_wait3A_146 = tpu.memref_slice %arg8[%dma_wait3A_144, %dma_wait3A_145] : memref<64x128xf32, #tpu.memory_space<vmem>> -> memref<64x128xf32, #tpu.memory_space<vmem>>
      tpu.wait_dma2 semaphore(%run_scoped3A : memref<!tpu.dma_semaphore, #tpu.memory_space<semaphore_mem>>) src(%dma_wait3A_146 : memref<64x128xf32, #tpu.memory_space<vmem>>) dst(%dma_wait3A_143 : memref<64x128xf32, #tpu.memory_space<vmem_shared>>)
      tpu.yield
    }) : () -> ()
    %add3A_23 = arith.constant 512 : i32
    %add3A_24 = arith.addi %mul3A_6, %add3A_23 : i32
    "tpu.region"() ({
      %run_scoped3A = tpu.sem_alloc : memref<!tpu.dma_semaphore, #tpu.memory_space<semaphore_mem>>
      %dma_start3A_127 = arith.constant 0 : i32
      %dma_start3A_128 = arith.constant 0 : i32
      %dma_start3A_129 = tpu.memref_slice %arg8[%dma_start3A_127, %dma_start3A_128] : memref<64x128xf32, #tpu.memory_space<vmem>> -> memref<64x128xf32, #tpu.memory_space<vmem>>
      %dma_start3A_130 = arith.constant 0 : i32
      %dma_start3A_131 = tpu.memref_slice %arg7[%add3A_24, %dma_start3A_130] : memref<10240x128xf32, #tpu.memory_space<vmem_shared>> -> memref<64x128xf32, #tpu.memory_space<vmem_shared>>
      %dma_start3A_132 = arith.constant 0 : i32
      %dma_start3A_133 = tpu.memref_slice %arg7[%add3A_24, %dma_start3A_132] : memref<10240x128xf32, #tpu.memory_space<vmem_shared>> -> memref<64x128xf32, #tpu.memory_space<vmem_shared>>
      %dma_start3A_134 = arith.constant 0 : i32
      %dma_start3A_135 = arith.constant 0 : i32
      %dma_start3A_136 = tpu.memref_slice %arg8[%dma_start3A_134, %dma_start3A_135] : memref<64x128xf32, #tpu.memory_space<vmem>> -> memref<64x128xf32, #tpu.memory_space<vmem>>
      tpu.enqueue_dma source(%dma_start3A_136 : memref<64x128xf32, #tpu.memory_space<vmem>>) target(%dma_start3A_133 : memref<64x128xf32, #tpu.memory_space<vmem_shared>>) target_semaphore(%run_scoped3A : memref<!tpu.dma_semaphore, #tpu.memory_space<semaphore_mem>>)
      %dma_wait3A_137 = arith.constant 0 : i32
      %dma_wait3A_138 = arith.constant 0 : i32
      %dma_wait3A_139 = tpu.memref_slice %arg8[%dma_wait3A_137, %dma_wait3A_138] : memref<64x128xf32, #tpu.memory_space<vmem>> -> memref<64x128xf32, #tpu.memory_space<vmem>>
      %dma_wait3A_140 = arith.constant 0 : i32
      %dma_wait3A_141 = tpu.memref_slice %arg7[%add3A_24, %dma_wait3A_140] : memref<10240x128xf32, #tpu.memory_space<vmem_shared>> -> memref<64x128xf32, #tpu.memory_space<vmem_shared>>
      %dma_wait3A_142 = arith.constant 0 : i32
      %dma_wait3A_143 = tpu.memref_slice %arg7[%add3A_24, %dma_wait3A_142] : memref<10240x128xf32, #tpu.memory_space<vmem_shared>> -> memref<64x128xf32, #tpu.memory_space<vmem_shared>>
      %dma_wait3A_144 = arith.constant 0 : i32
      %dma_wait3A_145 = arith.constant 0 : i32
      %dma_wait3A_146 = tpu.memref_slice %arg8[%dma_wait3A_144, %dma_wait3A_145] : memref<64x128xf32, #tpu.memory_space<vmem>> -> memref<64x128xf32, #tpu.memory_space<vmem>>
      tpu.wait_dma2 semaphore(%run_scoped3A : memref<!tpu.dma_semaphore, #tpu.memory_space<semaphore_mem>>) src(%dma_wait3A_146 : memref<64x128xf32, #tpu.memory_space<vmem>>) dst(%dma_wait3A_143 : memref<64x128xf32, #tpu.memory_space<vmem_shared>>)
      tpu.yield
    }) : () -> ()
    %add3A_25 = arith.constant 576 : i32
    %add3A_26 = arith.addi %mul3A_6, %add3A_25 : i32
    "tpu.region"() ({
      %run_scoped3A = tpu.sem_alloc : memref<!tpu.dma_semaphore, #tpu.memory_space<semaphore_mem>>
      %dma_start3A_127 = arith.constant 0 : i32
      %dma_start3A_128 = arith.constant 0 : i32
      %dma_start3A_129 = tpu.memref_slice %arg8[%dma_start3A_127, %dma_start3A_128] : memref<64x128xf32, #tpu.memory_space<vmem>> -> memref<64x128xf32, #tpu.memory_space<vmem>>
      %dma_start3A_130 = arith.constant 0 : i32
      %dma_start3A_131 = tpu.memref_slice %arg7[%add3A_26, %dma_start3A_130] : memref<10240x128xf32, #tpu.memory_space<vmem_shared>> -> memref<64x128xf32, #tpu.memory_space<vmem_shared>>
      %dma_start3A_132 = arith.constant 0 : i32
      %dma_start3A_133 = tpu.memref_slice %arg7[%add3A_26, %dma_start3A_132] : memref<10240x128xf32, #tpu.memory_space<vmem_shared>> -> memref<64x128xf32, #tpu.memory_space<vmem_shared>>
      %dma_start3A_134 = arith.constant 0 : i32
      %dma_start3A_135 = arith.constant 0 : i32
      %dma_start3A_136 = tpu.memref_slice %arg8[%dma_start3A_134, %dma_start3A_135] : memref<64x128xf32, #tpu.memory_space<vmem>> -> memref<64x128xf32, #tpu.memory_space<vmem>>
      tpu.enqueue_dma source(%dma_start3A_136 : memref<64x128xf32, #tpu.memory_space<vmem>>) target(%dma_start3A_133 : memref<64x128xf32, #tpu.memory_space<vmem_shared>>) target_semaphore(%run_scoped3A : memref<!tpu.dma_semaphore, #tpu.memory_space<semaphore_mem>>)
      %dma_wait3A_137 = arith.constant 0 : i32
      %dma_wait3A_138 = arith.constant 0 : i32
      %dma_wait3A_139 = tpu.memref_slice %arg8[%dma_wait3A_137, %dma_wait3A_138] : memref<64x128xf32, #tpu.memory_space<vmem>> -> memref<64x128xf32, #tpu.memory_space<vmem>>
      %dma_wait3A_140 = arith.constant 0 : i32
      %dma_wait3A_141 = tpu.memref_slice %arg7[%add3A_26, %dma_wait3A_140] : memref<10240x128xf32, #tpu.memory_space<vmem_shared>> -> memref<64x128xf32, #tpu.memory_space<vmem_shared>>
      %dma_wait3A_142 = arith.constant 0 : i32
      %dma_wait3A_143 = tpu.memref_slice %arg7[%add3A_26, %dma_wait3A_142] : memref<10240x128xf32, #tpu.memory_space<vmem_shared>> -> memref<64x128xf32, #tpu.memory_space<vmem_shared>>
      %dma_wait3A_144 = arith.constant 0 : i32
      %dma_wait3A_145 = arith.constant 0 : i32
      %dma_wait3A_146 = tpu.memref_slice %arg8[%dma_wait3A_144, %dma_wait3A_145] : memref<64x128xf32, #tpu.memory_space<vmem>> -> memref<64x128xf32, #tpu.memory_space<vmem>>
      tpu.wait_dma2 semaphore(%run_scoped3A : memref<!tpu.dma_semaphore, #tpu.memory_space<semaphore_mem>>) src(%dma_wait3A_146 : memref<64x128xf32, #tpu.memory_space<vmem>>) dst(%dma_wait3A_143 : memref<64x128xf32, #tpu.memory_space<vmem_shared>>)
      tpu.yield
    }) : () -> ()
    %barrier3A = arith.constant 0 : index
    tpu.barrier barrier_id(%barrier3A)
    %dma_start3A = arith.constant 0 : i32
    %dma_start3A_27 = arith.constant 0 : i32
    %dma_start3A_28 = tpu.memref_slice %arg3[%add3A, %dma_start3A, %dma_start3A_27] : memref<32x160x64xi32, #tpu.memory_space<hbm>> -> memref<1x1x64xi32, #tpu.memory_space<hbm>>
    %dma_start3A_29 = tpu.memref_squeeze %dma_start3A_28 : memref<1x1x64xi32, #tpu.memory_space<hbm>> -> memref<64xi32, #tpu.memory_space<hbm>>
    %dma_start3A_30 = arith.constant 0 : i32
    %dma_start3A_31 = tpu.memref_slice %arg3[%add3A, %dma_start3A, %dma_start3A_30] : memref<32x160x64xi32, #tpu.memory_space<hbm>> -> memref<1x1x64xi32, #tpu.memory_space<hbm>>
    %dma_start3A_32 = tpu.memref_squeeze %dma_start3A_31 : memref<1x1x64xi32, #tpu.memory_space<hbm>> -> memref<64xi32, #tpu.memory_space<hbm>>
    tpu.enqueue_dma source(%dma_start3A_32 : memref<64xi32, #tpu.memory_space<hbm>>) target(%arg12 : memref<64xi32, #tpu.memory_space<vmem>>) target_semaphore(%arg32 : memref<!tpu.dma_semaphore, #tpu.memory_space<semaphore_mem>>)
    %dma_start3A_33 = arith.constant 0 : i32
    %dma_start3A_34 = arith.constant 0 : i32
    %dma_start3A_35 = tpu.memref_slice %arg4[%add3A, %dma_start3A_33, %dma_start3A_34] : memref<32x160x64xi32, #tpu.memory_space<hbm>> -> memref<1x1x64xi32, #tpu.memory_space<hbm>>
    %dma_start3A_36 = tpu.memref_squeeze %dma_start3A_35 : memref<1x1x64xi32, #tpu.memory_space<hbm>> -> memref<64xi32, #tpu.memory_space<hbm>>
    %dma_start3A_37 = arith.constant 0 : i32
    %dma_start3A_38 = tpu.memref_slice %arg4[%add3A, %dma_start3A_33, %dma_start3A_37] : memref<32x160x64xi32, #tpu.memory_space<hbm>> -> memref<1x1x64xi32, #tpu.memory_space<hbm>>
    %dma_start3A_39 = tpu.memref_squeeze %dma_start3A_38 : memref<1x1x64xi32, #tpu.memory_space<hbm>> -> memref<64xi32, #tpu.memory_space<hbm>>
    tpu.enqueue_dma source(%dma_start3A_39 : memref<64xi32, #tpu.memory_space<hbm>>) target(%arg16 : memref<64xi32, #tpu.memory_space<vmem>>) target_semaphore(%arg32 : memref<!tpu.dma_semaphore, #tpu.memory_space<semaphore_mem>>)
    %dma_start3A_40 = arith.constant 0 : i32
    %dma_start3A_41 = arith.constant 0 : i32
    %dma_start3A_42 = tpu.memref_slice %arg5[%add3A, %dma_start3A_40, %dma_start3A_41] : memref<32x160x64xf32, #tpu.memory_space<hbm>> -> memref<1x1x64xf32, #tpu.memory_space<hbm>>
    %dma_start3A_43 = tpu.memref_squeeze %dma_start3A_42 : memref<1x1x64xf32, #tpu.memory_space<hbm>> -> memref<64xf32, #tpu.memory_space<hbm>>
    %dma_start3A_44 = arith.constant 0 : i32
    %dma_start3A_45 = tpu.memref_slice %arg5[%add3A, %dma_start3A_40, %dma_start3A_44] : memref<32x160x64xf32, #tpu.memory_space<hbm>> -> memref<1x1x64xf32, #tpu.memory_space<hbm>>
    %dma_start3A_46 = tpu.memref_squeeze %dma_start3A_45 : memref<1x1x64xf32, #tpu.memory_space<hbm>> -> memref<64xf32, #tpu.memory_space<hbm>>
    tpu.enqueue_dma source(%dma_start3A_46 : memref<64xf32, #tpu.memory_space<hbm>>) target(%arg20 : memref<64xf32, #tpu.memory_space<vmem>>) target_semaphore(%arg32 : memref<!tpu.dma_semaphore, #tpu.memory_space<semaphore_mem>>)
    %dma_start3A_47 = arith.constant 1 : i32
    %dma_start3A_48 = arith.constant 0 : i32
    %dma_start3A_49 = tpu.memref_slice %arg3[%add3A, %dma_start3A_47, %dma_start3A_48] : memref<32x160x64xi32, #tpu.memory_space<hbm>> -> memref<1x1x64xi32, #tpu.memory_space<hbm>>
    %dma_start3A_50 = tpu.memref_squeeze %dma_start3A_49 : memref<1x1x64xi32, #tpu.memory_space<hbm>> -> memref<64xi32, #tpu.memory_space<hbm>>
    %dma_start3A_51 = arith.constant 0 : i32
    %dma_start3A_52 = tpu.memref_slice %arg3[%add3A, %dma_start3A_47, %dma_start3A_51] : memref<32x160x64xi32, #tpu.memory_space<hbm>> -> memref<1x1x64xi32, #tpu.memory_space<hbm>>
    %dma_start3A_53 = tpu.memref_squeeze %dma_start3A_52 : memref<1x1x64xi32, #tpu.memory_space<hbm>> -> memref<64xi32, #tpu.memory_space<hbm>>
    tpu.enqueue_dma source(%dma_start3A_53 : memref<64xi32, #tpu.memory_space<hbm>>) target(%arg13 : memref<64xi32, #tpu.memory_space<vmem>>) target_semaphore(%arg33 : memref<!tpu.dma_semaphore, #tpu.memory_space<semaphore_mem>>)
    %dma_start3A_54 = arith.constant 1 : i32
    %dma_start3A_55 = arith.constant 0 : i32
    %dma_start3A_56 = tpu.memref_slice %arg4[%add3A, %dma_start3A_54, %dma_start3A_55] : memref<32x160x64xi32, #tpu.memory_space<hbm>> -> memref<1x1x64xi32, #tpu.memory_space<hbm>>
    %dma_start3A_57 = tpu.memref_squeeze %dma_start3A_56 : memref<1x1x64xi32, #tpu.memory_space<hbm>> -> memref<64xi32, #tpu.memory_space<hbm>>
    %dma_start3A_58 = arith.constant 0 : i32
    %dma_start3A_59 = tpu.memref_slice %arg4[%add3A, %dma_start3A_54, %dma_start3A_58] : memref<32x160x64xi32, #tpu.memory_space<hbm>> -> memref<1x1x64xi32, #tpu.memory_space<hbm>>
    %dma_start3A_60 = tpu.memref_squeeze %dma_start3A_59 : memref<1x1x64xi32, #tpu.memory_space<hbm>> -> memref<64xi32, #tpu.memory_space<hbm>>
    tpu.enqueue_dma source(%dma_start3A_60 : memref<64xi32, #tpu.memory_space<hbm>>) target(%arg17 : memref<64xi32, #tpu.memory_space<vmem>>) target_semaphore(%arg33 : memref<!tpu.dma_semaphore, #tpu.memory_space<semaphore_mem>>)
    %dma_start3A_61 = arith.constant 1 : i32
    %dma_start3A_62 = arith.constant 0 : i32
    %dma_start3A_63 = tpu.memref_slice %arg5[%add3A, %dma_start3A_61, %dma_start3A_62] : memref<32x160x64xf32, #tpu.memory_space<hbm>> -> memref<1x1x64xf32, #tpu.memory_space<hbm>>
    %dma_start3A_64 = tpu.memref_squeeze %dma_start3A_63 : memref<1x1x64xf32, #tpu.memory_space<hbm>> -> memref<64xf32, #tpu.memory_space<hbm>>
    %dma_start3A_65 = arith.constant 0 : i32
    %dma_start3A_66 = tpu.memref_slice %arg5[%add3A, %dma_start3A_61, %dma_start3A_65] : memref<32x160x64xf32, #tpu.memory_space<hbm>> -> memref<1x1x64xf32, #tpu.memory_space<hbm>>
    %dma_start3A_67 = tpu.memref_squeeze %dma_start3A_66 : memref<1x1x64xf32, #tpu.memory_space<hbm>> -> memref<64xf32, #tpu.memory_space<hbm>>
    tpu.enqueue_dma source(%dma_start3A_67 : memref<64xf32, #tpu.memory_space<hbm>>) target(%arg21 : memref<64xf32, #tpu.memory_space<vmem>>) target_semaphore(%arg33 : memref<!tpu.dma_semaphore, #tpu.memory_space<semaphore_mem>>)
    %dma_wait3A = arith.constant 0 : i32
    %dma_wait3A_68 = arith.constant 0 : i32
    %dma_wait3A_69 = tpu.memref_slice %arg3[%add3A, %dma_wait3A, %dma_wait3A_68] : memref<32x160x64xi32, #tpu.memory_space<hbm>> -> memref<1x1x64xi32, #tpu.memory_space<hbm>>
    %dma_wait3A_70 = tpu.memref_squeeze %dma_wait3A_69 : memref<1x1x64xi32, #tpu.memory_space<hbm>> -> memref<64xi32, #tpu.memory_space<hbm>>
    %dma_wait3A_71 = arith.constant 0 : i32
    %dma_wait3A_72 = tpu.memref_slice %arg3[%add3A, %dma_wait3A, %dma_wait3A_71] : memref<32x160x64xi32, #tpu.memory_space<hbm>> -> memref<1x1x64xi32, #tpu.memory_space<hbm>>
    %dma_wait3A_73 = tpu.memref_squeeze %dma_wait3A_72 : memref<1x1x64xi32, #tpu.memory_space<hbm>> -> memref<64xi32, #tpu.memory_space<hbm>>
    tpu.wait_dma2 semaphore(%arg32 : memref<!tpu.dma_semaphore, #tpu.memory_space<semaphore_mem>>) src(%dma_wait3A_73 : memref<64xi32, #tpu.memory_space<hbm>>) dst(%arg12 : memref<64xi32, #tpu.memory_space<vmem>>)
    %dma_wait3A_74 = arith.constant 0 : i32
    %dma_wait3A_75 = arith.constant 0 : i32
    %dma_wait3A_76 = tpu.memref_slice %arg4[%add3A, %dma_wait3A_74, %dma_wait3A_75] : memref<32x160x64xi32, #tpu.memory_space<hbm>> -> memref<1x1x64xi32, #tpu.memory_space<hbm>>
    %dma_wait3A_77 = tpu.memref_squeeze %dma_wait3A_76 : memref<1x1x64xi32, #tpu.memory_space<hbm>> -> memref<64xi32, #tpu.memory_space<hbm>>
    %dma_wait3A_78 = arith.constant 0 : i32
    %dma_wait3A_79 = tpu.memref_slice %arg4[%add3A, %dma_wait3A_74, %dma_wait3A_78] : memref<32x160x64xi32, #tpu.memory_space<hbm>> -> memref<1x1x64xi32, #tpu.memory_space<hbm>>
    %dma_wait3A_80 = tpu.memref_squeeze %dma_wait3A_79 : memref<1x1x64xi32, #tpu.memory_space<hbm>> -> memref<64xi32, #tpu.memory_space<hbm>>
    tpu.wait_dma2 semaphore(%arg32 : memref<!tpu.dma_semaphore, #tpu.memory_space<semaphore_mem>>) src(%dma_wait3A_80 : memref<64xi32, #tpu.memory_space<hbm>>) dst(%arg16 : memref<64xi32, #tpu.memory_space<vmem>>)
    %dma_wait3A_81 = arith.constant 0 : i32
    %dma_wait3A_82 = arith.constant 0 : i32
    %dma_wait3A_83 = tpu.memref_slice %arg5[%add3A, %dma_wait3A_81, %dma_wait3A_82] : memref<32x160x64xf32, #tpu.memory_space<hbm>> -> memref<1x1x64xf32, #tpu.memory_space<hbm>>
    %dma_wait3A_84 = tpu.memref_squeeze %dma_wait3A_83 : memref<1x1x64xf32, #tpu.memory_space<hbm>> -> memref<64xf32, #tpu.memory_space<hbm>>
    %dma_wait3A_85 = arith.constant 0 : i32
    %dma_wait3A_86 = tpu.memref_slice %arg5[%add3A, %dma_wait3A_81, %dma_wait3A_85] : memref<32x160x64xf32, #tpu.memory_space<hbm>> -> memref<1x1x64xf32, #tpu.memory_space<hbm>>
    %dma_wait3A_87 = tpu.memref_squeeze %dma_wait3A_86 : memref<1x1x64xf32, #tpu.memory_space<hbm>> -> memref<64xf32, #tpu.memory_space<hbm>>
    tpu.wait_dma2 semaphore(%arg32 : memref<!tpu.dma_semaphore, #tpu.memory_space<semaphore_mem>>) src(%dma_wait3A_87 : memref<64xf32, #tpu.memory_space<hbm>>) dst(%arg20 : memref<64xf32, #tpu.memory_space<vmem>>)
    %dma_start3A_88 = arith.constant 0 : i32
    %dma_start3A_89 = arith.constant 0 : i32
    %dma_start3A_90 = tpu.memref_slice %arg2[%dma_start3A_88, %dma_start3A_89] : memref<10000x128xf32, #tpu.memory_space<hbm>> -> memref<10000x128xf32, #tpu.memory_space<hbm>>
    tpu.enqueue_indirect_dma source(%dma_start3A_90 : memref<10000x128xf32, #tpu.memory_space<hbm>>) target(%arg8 : memref<64x128xf32, #tpu.memory_space<vmem>>) offsets(%arg12 : memref<64xi32, #tpu.memory_space<vmem>>) semaphore(%arg24 : memref<!tpu.dma_semaphore, #tpu.memory_space<semaphore_mem>>)
    %dma_wait3A_91 = arith.constant 1 : i32
    %dma_wait3A_92 = arith.constant 0 : i32
    %dma_wait3A_93 = tpu.memref_slice %arg3[%add3A, %dma_wait3A_91, %dma_wait3A_92] : memref<32x160x64xi32, #tpu.memory_space<hbm>> -> memref<1x1x64xi32, #tpu.memory_space<hbm>>
    %dma_wait3A_94 = tpu.memref_squeeze %dma_wait3A_93 : memref<1x1x64xi32, #tpu.memory_space<hbm>> -> memref<64xi32, #tpu.memory_space<hbm>>
    %dma_wait3A_95 = arith.constant 0 : i32
    %dma_wait3A_96 = tpu.memref_slice %arg3[%add3A, %dma_wait3A_91, %dma_wait3A_95] : memref<32x160x64xi32, #tpu.memory_space<hbm>> -> memref<1x1x64xi32, #tpu.memory_space<hbm>>
    %dma_wait3A_97 = tpu.memref_squeeze %dma_wait3A_96 : memref<1x1x64xi32, #tpu.memory_space<hbm>> -> memref<64xi32, #tpu.memory_space<hbm>>
    tpu.wait_dma2 semaphore(%arg33 : memref<!tpu.dma_semaphore, #tpu.memory_space<semaphore_mem>>) src(%dma_wait3A_97 : memref<64xi32, #tpu.memory_space<hbm>>) dst(%arg13 : memref<64xi32, #tpu.memory_space<vmem>>)
    %dma_wait3A_98 = arith.constant 1 : i32
    %dma_wait3A_99 = arith.constant 0 : i32
    %dma_wait3A_100 = tpu.memref_slice %arg4[%add3A, %dma_wait3A_98, %dma_wait3A_99] : memref<32x160x64xi32, #tpu.memory_space<hbm>> -> memref<1x1x64xi32, #tpu.memory_space<hbm>>
    %dma_wait3A_101 = tpu.memref_squeeze %dma_wait3A_100 : memref<1x1x64xi32, #tpu.memory_space<hbm>> -> memref<64xi32, #tpu.memory_space<hbm>>
    %dma_wait3A_102 = arith.constant 0 : i32
    %dma_wait3A_103 = tpu.memref_slice %arg4[%add3A, %dma_wait3A_98, %dma_wait3A_102] : memref<32x160x64xi32, #tpu.memory_space<hbm>> -> memref<1x1x64xi32, #tpu.memory_space<hbm>>
    %dma_wait3A_104 = tpu.memref_squeeze %dma_wait3A_103 : memref<1x1x64xi32, #tpu.memory_space<hbm>> -> memref<64xi32, #tpu.memory_space<hbm>>
    tpu.wait_dma2 semaphore(%arg33 : memref<!tpu.dma_semaphore, #tpu.memory_space<semaphore_mem>>) src(%dma_wait3A_104 : memref<64xi32, #tpu.memory_space<hbm>>) dst(%arg17 : memref<64xi32, #tpu.memory_space<vmem>>)
    %dma_wait3A_105 = arith.constant 1 : i32
    %dma_wait3A_106 = arith.constant 0 : i32
    %dma_wait3A_107 = tpu.memref_slice %arg5[%add3A, %dma_wait3A_105, %dma_wait3A_106] : memref<32x160x64xf32, #tpu.memory_space<hbm>> -> memref<1x1x64xf32, #tpu.memory_space<hbm>>
    %dma_wait3A_108 = tpu.memref_squeeze %dma_wait3A_107 : memref<1x1x64xf32, #tpu.memory_space<hbm>> -> memref<64xf32, #tpu.memory_space<hbm>>
    %dma_wait3A_109 = arith.constant 0 : i32
    %dma_wait3A_110 = tpu.memref_slice %arg5[%add3A, %dma_wait3A_105, %dma_wait3A_109] : memref<32x160x64xf32, #tpu.memory_space<hbm>> -> memref<1x1x64xf32, #tpu.memory_space<hbm>>
    %dma_wait3A_111 = tpu.memref_squeeze %dma_wait3A_110 : memref<1x1x64xf32, #tpu.memory_space<hbm>> -> memref<64xf32, #tpu.memory_space<hbm>>
    tpu.wait_dma2 semaphore(%arg33 : memref<!tpu.dma_semaphore, #tpu.memory_space<semaphore_mem>>) src(%dma_wait3A_111 : memref<64xf32, #tpu.memory_space<hbm>>) dst(%arg21 : memref<64xf32, #tpu.memory_space<vmem>>)
    %dma_start3A_112 = arith.constant 0 : i32
    %dma_start3A_113 = arith.constant 0 : i32
    %dma_start3A_114 = tpu.memref_slice %arg2[%dma_start3A_112, %dma_start3A_113] : memref<10000x128xf32, #tpu.memory_space<hbm>> -> memref<10000x128xf32, #tpu.memory_space<hbm>>
    tpu.enqueue_indirect_dma source(%dma_start3A_114 : memref<10000x128xf32, #tpu.memory_space<hbm>>) target(%arg9 : memref<64x128xf32, #tpu.memory_space<vmem>>) offsets(%arg13 : memref<64xi32, #tpu.memory_space<vmem>>) semaphore(%arg25 : memref<!tpu.dma_semaphore, #tpu.memory_space<semaphore_mem>>)
    %scan3A_115 = arith.constant 0 : i32
    %scan3A_116 = arith.constant 40 : i32
    %scan3A_117 = arith.addi %scan3A_115, %scan3A_116 : i32
    %scan3A_118 = arith.constant 1 : i32
    scf.for %scan3A_127 = %scan3A_115 to %scan3A_117 step %scan3A_118  : i32 {
      %mul3A_128 = arith.constant 4 : i32
      %mul3A_129 = arith.muli %scan3A_127, %mul3A_128 : i32
      %add3A_130 = arith.constant 0 : i32
      %add3A_131 = arith.addi %add3A_130, %mul3A_129 : i32
      %add3A_132 = arith.constant 0 : i32
      %add3A_133 = arith.addi %add3A_131, %add3A_132 : i32
      %dma_wait3A_134 = arith.constant 0 : i32
      %dma_wait3A_135 = arith.constant 0 : i32
      %dma_wait3A_136 = tpu.memref_slice %arg2[%dma_wait3A_134, %dma_wait3A_135] : memref<10000x128xf32, #tpu.memory_space<hbm>> -> memref<10000x128xf32, #tpu.memory_space<hbm>>
      tpu.wait_indirect_dma semaphore(%arg24 : memref<!tpu.dma_semaphore, #tpu.memory_space<semaphore_mem>>) src(%dma_wait3A_136 : memref<10000x128xf32, #tpu.memory_space<hbm>>) dst(%arg8 : memref<64x128xf32, #tpu.memory_space<vmem>>)
      %ge3A = arith.constant 2 : i32
      %ge3A_137 = arith.cmpi sge, %add3A_133, %ge3A : i32
      %convert_element_type3A = arith.extui %ge3A_137 : i1 to i32
      %cond3A = arith.constant 0 : i32
      %cond3A_138 = arith.cmpi ne, %convert_element_type3A, %cond3A : i32
      scf.if %cond3A_138 {
        %dma_wait3A_256 = arith.constant 0 : i32
        %dma_wait3A_257 = arith.constant 0 : i32
        %dma_wait3A_258 = tpu.memref_slice %arg7[%dma_wait3A_256, %dma_wait3A_257] : memref<10240x128xf32, #tpu.memory_space<vmem_shared>> -> memref<10240x128xf32, #tpu.memory_space<vmem_shared>>
        tpu.wait_indirect_dma semaphore(%arg30 : memref<!tpu.dma_semaphore, #tpu.memory_space<semaphore_mem>>) src(%arg10 : memref<64x128xf32, #tpu.memory_space<vmem>>) dst(%dma_wait3A_258 : memref<10240x128xf32, #tpu.memory_space<vmem_shared>>)
      } else {
      }
      %add3A_139 = arith.constant 2 : i32
      %add3A_140 = arith.addi %add3A_133, %add3A_139 : i32
      %lt3A = arith.constant 160 : i32
      %lt3A_141 = arith.cmpi slt, %add3A_140, %lt3A : i32
      %convert_element_type3A_142 = arith.extui %lt3A_141 : i1 to i32
      %cond3A_143 = arith.constant 0 : i32
      %cond3A_144 = arith.cmpi ne, %convert_element_type3A_142, %cond3A_143 : i32
      scf.if %cond3A_144 {
        %add3A_256 = arith.constant 2 : i32
        %add3A_257 = arith.addi %add3A_133, %add3A_256 : i32
        %dma_start3A_258 = arith.constant 0 : i32
        %dma_start3A_259 = tpu.memref_slice %arg3[%add3A, %add3A_257, %dma_start3A_258] : memref<32x160x64xi32, #tpu.memory_space<hbm>> -> memref<1x1x64xi32, #tpu.memory_space<hbm>>
        %dma_start3A_260 = tpu.memref_squeeze %dma_start3A_259 : memref<1x1x64xi32, #tpu.memory_space<hbm>> -> memref<64xi32, #tpu.memory_space<hbm>>
        %dma_start3A_261 = arith.constant 0 : i32
        %dma_start3A_262 = tpu.memref_slice %arg3[%add3A, %add3A_257, %dma_start3A_261] : memref<32x160x64xi32, #tpu.memory_space<hbm>> -> memref<1x1x64xi32, #tpu.memory_space<hbm>>
        %dma_start3A_263 = tpu.memref_squeeze %dma_start3A_262 : memref<1x1x64xi32, #tpu.memory_space<hbm>> -> memref<64xi32, #tpu.memory_space<hbm>>
        tpu.enqueue_dma source(%dma_start3A_263 : memref<64xi32, #tpu.memory_space<hbm>>) target(%arg14 : memref<64xi32, #tpu.memory_space<vmem>>) target_semaphore(%arg34 : memref<!tpu.dma_semaphore, #tpu.memory_space<semaphore_mem>>)
        %dma_start3A_264 = arith.constant 0 : i32
        %dma_start3A_265 = tpu.memref_slice %arg4[%add3A, %add3A_257, %dma_start3A_264] : memref<32x160x64xi32, #tpu.memory_space<hbm>> -> memref<1x1x64xi32, #tpu.memory_space<hbm>>
        %dma_start3A_266 = tpu.memref_squeeze %dma_start3A_265 : memref<1x1x64xi32, #tpu.memory_space<hbm>> -> memref<64xi32, #tpu.memory_space<hbm>>
        %dma_start3A_267 = arith.constant 0 : i32
        %dma_start3A_268 = tpu.memref_slice %arg4[%add3A, %add3A_257, %dma_start3A_267] : memref<32x160x64xi32, #tpu.memory_space<hbm>> -> memref<1x1x64xi32, #tpu.memory_space<hbm>>
        %dma_start3A_269 = tpu.memref_squeeze %dma_start3A_268 : memref<1x1x64xi32, #tpu.memory_space<hbm>> -> memref<64xi32, #tpu.memory_space<hbm>>
        tpu.enqueue_dma source(%dma_start3A_269 : memref<64xi32, #tpu.memory_space<hbm>>) target(%arg18 : memref<64xi32, #tpu.memory_space<vmem>>) target_semaphore(%arg34 : memref<!tpu.dma_semaphore, #tpu.memory_space<semaphore_mem>>)
        %dma_start3A_270 = arith.constant 0 : i32
        %dma_start3A_271 = tpu.memref_slice %arg5[%add3A, %add3A_257, %dma_start3A_270] : memref<32x160x64xf32, #tpu.memory_space<hbm>> -> memref<1x1x64xf32, #tpu.memory_space<hbm>>
        %dma_start3A_272 = tpu.memref_squeeze %dma_start3A_271 : memref<1x1x64xf32, #tpu.memory_space<hbm>> -> memref<64xf32, #tpu.memory_space<hbm>>
        %dma_start3A_273 = arith.constant 0 : i32
        %dma_start3A_274 = tpu.memref_slice %arg5[%add3A, %add3A_257, %dma_start3A_273] : memref<32x160x64xf32, #tpu.memory_space<hbm>> -> memref<1x1x64xf32, #tpu.memory_space<hbm>>
        %dma_start3A_275 = tpu.memref_squeeze %dma_start3A_274 : memref<1x1x64xf32, #tpu.memory_space<hbm>> -> memref<64xf32, #tpu.memory_space<hbm>>
        tpu.enqueue_dma source(%dma_start3A_275 : memref<64xf32, #tpu.memory_space<hbm>>) target(%arg22 : memref<64xf32, #tpu.memory_space<vmem>>) target_semaphore(%arg34 : memref<!tpu.dma_semaphore, #tpu.memory_space<semaphore_mem>>)
      } else {
      }
      %scan3A_145 = arith.constant 0 : i32
      %scan3A_146 = arith.constant 64 : i32
      %scan3A_147 = arith.addi %scan3A_145, %scan3A_146 : i32
      %scan3A_148 = arith.constant 1 : i32
      scf.for %scan3A_256 = %scan3A_145 to %scan3A_147 step %scan3A_148  : i32 {
        %mul3A_257 = arith.constant 1 : i32
        %mul3A_258 = arith.muli %scan3A_256, %mul3A_257 : i32
        %add3A_259 = arith.constant 0 : i32
        %add3A_260 = arith.addi %add3A_259, %mul3A_258 : i32
        %broadcast_in_dim3A = vector.broadcast %add3A_260 : i32 to vector<16xi32>
        %gather3A = tpu.vector_load_idx %arg20[%broadcast_in_dim3A] : memref<64xf32, #tpu.memory_space<vmem>>[vector<16xi32>], vector<16xf32>,
        %get3A = arith.index_cast %add3A_260 : i32 to index
        %get3A_261 = arith.constant 0 : index
        %get3A_262 = tpu.vector_load %arg8[%get3A, %get3A_261] {strides = array<i32>} : memref<64x128xf32, #tpu.memory_space<vmem>>, vector<16xf32>,
        %mul3A_263 = arith.mulf %get3A_262, %gather3A : vector<16xf32>
        %swap3A = arith.index_cast %add3A_260 : i32 to index
        %swap3A_264 = arith.constant 0 : index
        %swap3A_265 = tpu.vector_load %arg8[%swap3A, %swap3A_264] {strides = array<i32>} : memref<64x128xf32, #tpu.memory_space<vmem>>, vector<16xf32>,
        tpu.vector_store %arg8[%swap3A, %swap3A_264], %mul3A_263 {strides = array<i32>} : memref<64x128xf32, #tpu.memory_space<vmem>>, vector<16xf32>,
        %get3A_266 = arith.index_cast %add3A_260 : i32 to index
        %get3A_267 = arith.constant 16 : index
        %get3A_268 = tpu.vector_load %arg8[%get3A_266, %get3A_267] {strides = array<i32>} : memref<64x128xf32, #tpu.memory_space<vmem>>, vector<16xf32>,
        %mul3A_269 = arith.mulf %get3A_268, %gather3A : vector<16xf32>
        %swap3A_270 = arith.index_cast %add3A_260 : i32 to index
        %swap3A_271 = arith.constant 16 : index
        %swap3A_272 = tpu.vector_load %arg8[%swap3A_270, %swap3A_271] {strides = array<i32>} : memref<64x128xf32, #tpu.memory_space<vmem>>, vector<16xf32>,
        tpu.vector_store %arg8[%swap3A_270, %swap3A_271], %mul3A_269 {strides = array<i32>} : memref<64x128xf32, #tpu.memory_space<vmem>>, vector<16xf32>,
        %get3A_273 = arith.index_cast %add3A_260 : i32 to index
        %get3A_274 = arith.constant 32 : index
        %get3A_275 = tpu.vector_load %arg8[%get3A_273, %get3A_274] {strides = array<i32>} : memref<64x128xf32, #tpu.memory_space<vmem>>, vector<16xf32>,
        %mul3A_276 = arith.mulf %get3A_275, %gather3A : vector<16xf32>
        %swap3A_277 = arith.index_cast %add3A_260 : i32 to index
        %swap3A_278 = arith.constant 32 : index
        %swap3A_279 = tpu.vector_load %arg8[%swap3A_277, %swap3A_278] {strides = array<i32>} : memref<64x128xf32, #tpu.memory_space<vmem>>, vector<16xf32>,
        tpu.vector_store %arg8[%swap3A_277, %swap3A_278], %mul3A_276 {strides = array<i32>} : memref<64x128xf32, #tpu.memory_space<vmem>>, vector<16xf32>,
        %get3A_280 = arith.index_cast %add3A_260 : i32 to index
        %get3A_281 = arith.constant 48 : index
        %get3A_282 = tpu.vector_load %arg8[%get3A_280, %get3A_281] {strides = array<i32>} : memref<64x128xf32, #tpu.memory_space<vmem>>, vector<16xf32>,
        %mul3A_283 = arith.mulf %get3A_282, %gather3A : vector<16xf32>
        %swap3A_284 = arith.index_cast %add3A_260 : i32 to index
        %swap3A_285 = arith.constant 48 : index
        %swap3A_286 = tpu.vector_load %arg8[%swap3A_284, %swap3A_285] {strides = array<i32>} : memref<64x128xf32, #tpu.memory_space<vmem>>, vector<16xf32>,
        tpu.vector_store %arg8[%swap3A_284, %swap3A_285], %mul3A_283 {strides = array<i32>} : memref<64x128xf32, #tpu.memory_space<vmem>>, vector<16xf32>,
        %get3A_287 = arith.index_cast %add3A_260 : i32 to index
        %get3A_288 = arith.constant 64 : index
        %get3A_289 = tpu.vector_load %arg8[%get3A_287, %get3A_288] {strides = array<i32>} : memref<64x128xf32, #tpu.memory_space<vmem>>, vector<16xf32>,
        %mul3A_290 = arith.mulf %get3A_289, %gather3A : vector<16xf32>
        %swap3A_291 = arith.index_cast %add3A_260 : i32 to index
        %swap3A_292 = arith.constant 64 : index
        %swap3A_293 = tpu.vector_load %arg8[%swap3A_291, %swap3A_292] {strides = array<i32>} : memref<64x128xf32, #tpu.memory_space<vmem>>, vector<16xf32>,
        tpu.vector_store %arg8[%swap3A_291, %swap3A_292], %mul3A_290 {strides = array<i32>} : memref<64x128xf32, #tpu.memory_space<vmem>>, vector<16xf32>,
        %get3A_294 = arith.index_cast %add3A_260 : i32 to index
        %get3A_295 = arith.constant 80 : index
        %get3A_296 = tpu.vector_load %arg8[%get3A_294, %get3A_295] {strides = array<i32>} : memref<64x128xf32, #tpu.memory_space<vmem>>, vector<16xf32>,
        %mul3A_297 = arith.mulf %get3A_296, %gather3A : vector<16xf32>
        %swap3A_298 = arith.index_cast %add3A_260 : i32 to index
        %swap3A_299 = arith.constant 80 : index
        %swap3A_300 = tpu.vector_load %arg8[%swap3A_298, %swap3A_299] {strides = array<i32>} : memref<64x128xf32, #tpu.memory_space<vmem>>, vector<16xf32>,
        tpu.vector_store %arg8[%swap3A_298, %swap3A_299], %mul3A_297 {strides = array<i32>} : memref<64x128xf32, #tpu.memory_space<vmem>>, vector<16xf32>,
        %get3A_301 = arith.index_cast %add3A_260 : i32 to index
        %get3A_302 = arith.constant 96 : index
        %get3A_303 = tpu.vector_load %arg8[%get3A_301, %get3A_302] {strides = array<i32>} : memref<64x128xf32, #tpu.memory_space<vmem>>, vector<16xf32>,
        %mul3A_304 = arith.mulf %get3A_303, %gather3A : vector<16xf32>
        %swap3A_305 = arith.index_cast %add3A_260 : i32 to index
        %swap3A_306 = arith.constant 96 : index
        %swap3A_307 = tpu.vector_load %arg8[%swap3A_305, %swap3A_306] {strides = array<i32>} : memref<64x128xf32, #tpu.memory_space<vmem>>, vector<16xf32>,
        tpu.vector_store %arg8[%swap3A_305, %swap3A_306], %mul3A_304 {strides = array<i32>} : memref<64x128xf32, #tpu.memory_space<vmem>>, vector<16xf32>,
        %get3A_308 = arith.index_cast %add3A_260 : i32 to index
        %get3A_309 = arith.constant 112 : index
        %get3A_310 = tpu.vector_load %arg8[%get3A_308, %get3A_309] {strides = array<i32>} : memref<64x128xf32, #tpu.memory_space<vmem>>, vector<16xf32>,
        %mul3A_311 = arith.mulf %get3A_310, %gather3A : vector<16xf32>
        %swap3A_312 = arith.index_cast %add3A_260 : i32 to index
        %swap3A_313 = arith.constant 112 : index
        %swap3A_314 = tpu.vector_load %arg8[%swap3A_312, %swap3A_313] {strides = array<i32>} : memref<64x128xf32, #tpu.memory_space<vmem>>, vector<16xf32>,
        tpu.vector_store %arg8[%swap3A_312, %swap3A_313], %mul3A_311 {strides = array<i32>} : memref<64x128xf32, #tpu.memory_space<vmem>>, vector<16xf32>,
      }
      %scan3A_149 = arith.constant 64 : i32
      %add3A_150 = arith.constant 2 : i32
      %add3A_151 = arith.addi %add3A_133, %add3A_150 : i32
      %lt3A_152 = arith.constant 160 : i32
      %lt3A_153 = arith.cmpi slt, %add3A_151, %lt3A_152 : i32
      %convert_element_type3A_154 = arith.extui %lt3A_153 : i1 to i32
      %cond3A_155 = arith.constant 0 : i32
      %cond3A_156 = arith.cmpi ne, %convert_element_type3A_154, %cond3A_155 : i32
      scf.if %cond3A_156 {
        %add3A_256 = arith.constant 2 : i32
        %add3A_257 = arith.addi %add3A_133, %add3A_256 : i32
        %dma_wait3A_258 = arith.constant 0 : i32
        %dma_wait3A_259 = tpu.memref_slice %arg3[%add3A, %add3A_257, %dma_wait3A_258] : memref<32x160x64xi32, #tpu.memory_space<hbm>> -> memref<1x1x64xi32, #tpu.memory_space<hbm>>
        %dma_wait3A_260 = tpu.memref_squeeze %dma_wait3A_259 : memref<1x1x64xi32, #tpu.memory_space<hbm>> -> memref<64xi32, #tpu.memory_space<hbm>>
        %dma_wait3A_261 = arith.constant 0 : i32
        %dma_wait3A_262 = tpu.memref_slice %arg3[%add3A, %add3A_257, %dma_wait3A_261] : memref<32x160x64xi32, #tpu.memory_space<hbm>> -> memref<1x1x64xi32, #tpu.memory_space<hbm>>
        %dma_wait3A_263 = tpu.memref_squeeze %dma_wait3A_262 : memref<1x1x64xi32, #tpu.memory_space<hbm>> -> memref<64xi32, #tpu.memory_space<hbm>>
        tpu.wait_dma2 semaphore(%arg34 : memref<!tpu.dma_semaphore, #tpu.memory_space<semaphore_mem>>) src(%dma_wait3A_263 : memref<64xi32, #tpu.memory_space<hbm>>) dst(%arg14 : memref<64xi32, #tpu.memory_space<vmem>>)
        %dma_wait3A_264 = arith.constant 0 : i32
        %dma_wait3A_265 = tpu.memref_slice %arg4[%add3A, %add3A_257, %dma_wait3A_264] : memref<32x160x64xi32, #tpu.memory_space<hbm>> -> memref<1x1x64xi32, #tpu.memory_space<hbm>>
        %dma_wait3A_266 = tpu.memref_squeeze %dma_wait3A_265 : memref<1x1x64xi32, #tpu.memory_space<hbm>> -> memref<64xi32, #tpu.memory_space<hbm>>
        %dma_wait3A_267 = arith.constant 0 : i32
        %dma_wait3A_268 = tpu.memref_slice %arg4[%add3A, %add3A_257, %dma_wait3A_267] : memref<32x160x64xi32, #tpu.memory_space<hbm>> -> memref<1x1x64xi32, #tpu.memory_space<hbm>>
        %dma_wait3A_269 = tpu.memref_squeeze %dma_wait3A_268 : memref<1x1x64xi32, #tpu.memory_space<hbm>> -> memref<64xi32, #tpu.memory_space<hbm>>
        tpu.wait_dma2 semaphore(%arg34 : memref<!tpu.dma_semaphore, #tpu.memory_space<semaphore_mem>>) src(%dma_wait3A_269 : memref<64xi32, #tpu.memory_space<hbm>>) dst(%arg18 : memref<64xi32, #tpu.memory_space<vmem>>)
        %dma_wait3A_270 = arith.constant 0 : i32
        %dma_wait3A_271 = tpu.memref_slice %arg5[%add3A, %add3A_257, %dma_wait3A_270] : memref<32x160x64xf32, #tpu.memory_space<hbm>> -> memref<1x1x64xf32, #tpu.memory_space<hbm>>
        %dma_wait3A_272 = tpu.memref_squeeze %dma_wait3A_271 : memref<1x1x64xf32, #tpu.memory_space<hbm>> -> memref<64xf32, #tpu.memory_space<hbm>>
        %dma_wait3A_273 = arith.constant 0 : i32
        %dma_wait3A_274 = tpu.memref_slice %arg5[%add3A, %add3A_257, %dma_wait3A_273] : memref<32x160x64xf32, #tpu.memory_space<hbm>> -> memref<1x1x64xf32, #tpu.memory_space<hbm>>
        %dma_wait3A_275 = tpu.memref_squeeze %dma_wait3A_274 : memref<1x1x64xf32, #tpu.memory_space<hbm>> -> memref<64xf32, #tpu.memory_space<hbm>>
        tpu.wait_dma2 semaphore(%arg34 : memref<!tpu.dma_semaphore, #tpu.memory_space<semaphore_mem>>) src(%dma_wait3A_275 : memref<64xf32, #tpu.memory_space<hbm>>) dst(%arg22 : memref<64xf32, #tpu.memory_space<vmem>>)
        %dma_start3A_276 = arith.constant 0 : i32
        %dma_start3A_277 = arith.constant 0 : i32
        %dma_start3A_278 = tpu.memref_slice %arg2[%dma_start3A_276, %dma_start3A_277] : memref<10000x128xf32, #tpu.memory_space<hbm>> -> memref<10000x128xf32, #tpu.memory_space<hbm>>
        tpu.enqueue_indirect_dma source(%dma_start3A_278 : memref<10000x128xf32, #tpu.memory_space<hbm>>) target(%arg10 : memref<64x128xf32, #tpu.memory_space<vmem>>) offsets(%arg14 : memref<64xi32, #tpu.memory_space<vmem>>) semaphore(%arg26 : memref<!tpu.dma_semaphore, #tpu.memory_space<semaphore_mem>>)
      } else {
      }
      %dma_start3A_157 = arith.constant 0 : i32
      %dma_start3A_158 = arith.constant 0 : i32
      %dma_start3A_159 = tpu.memref_slice %arg7[%dma_start3A_157, %dma_start3A_158] : memref<10240x128xf32, #tpu.memory_space<vmem_shared>> -> memref<10240x128xf32, #tpu.memory_space<vmem_shared>>
      tpu.enqueue_indirect_dma source(%arg8 : memref<64x128xf32, #tpu.memory_space<vmem>>) target(%dma_start3A_159 : memref<10240x128xf32, #tpu.memory_space<vmem_shared>>) offsets(%arg16 : memref<64xi32, #tpu.memory_space<vmem>>) semaphore(%arg28 : memref<!tpu.dma_semaphore, #tpu.memory_space<semaphore_mem>>) {add = true}
      %add3A_160 = arith.constant 1 : i32
      %add3A_161 = arith.addi %add3A_131, %add3A_160 : i32
      %dma_wait3A_162 = arith.constant 0 : i32
      %dma_wait3A_163 = arith.constant 0 : i32
      %dma_wait3A_164 = tpu.memref_slice %arg2[%dma_wait3A_162, %dma_wait3A_163] : memref<10000x128xf32, #tpu.memory_space<hbm>> -> memref<10000x128xf32, #tpu.memory_space<hbm>>
      tpu.wait_indirect_dma semaphore(%arg25 : memref<!tpu.dma_semaphore, #tpu.memory_space<semaphore_mem>>) src(%dma_wait3A_164 : memref<10000x128xf32, #tpu.memory_space<hbm>>) dst(%arg9 : memref<64x128xf32, #tpu.memory_space<vmem>>)
      %ge3A_165 = arith.constant 2 : i32
      %ge3A_166 = arith.cmpi sge, %add3A_161, %ge3A_165 : i32
      %convert_element_type3A_167 = arith.extui %ge3A_166 : i1 to i32
      %cond3A_168 = arith.constant 0 : i32
      %cond3A_169 = arith.cmpi ne, %convert_element_type3A_167, %cond3A_168 : i32
      scf.if %cond3A_169 {
        %dma_wait3A_256 = arith.constant 0 : i32
        %dma_wait3A_257 = arith.constant 0 : i32
        %dma_wait3A_258 = tpu.memref_slice %arg7[%dma_wait3A_256, %dma_wait3A_257] : memref<10240x128xf32, #tpu.memory_space<vmem_shared>> -> memref<10240x128xf32, #tpu.memory_space<vmem_shared>>
        tpu.wait_indirect_dma semaphore(%arg31 : memref<!tpu.dma_semaphore, #tpu.memory_space<semaphore_mem>>) src(%arg11 : memref<64x128xf32, #tpu.memory_space<vmem>>) dst(%dma_wait3A_258 : memref<10240x128xf32, #tpu.memory_space<vmem_shared>>)
      } else {
      }
      %add3A_170 = arith.constant 2 : i32
      %add3A_171 = arith.addi %add3A_161, %add3A_170 : i32
      %lt3A_172 = arith.constant 160 : i32
      %lt3A_173 = arith.cmpi slt, %add3A_171, %lt3A_172 : i32
      %convert_element_type3A_174 = arith.extui %lt3A_173 : i1 to i32
      %cond3A_175 = arith.constant 0 : i32
      %cond3A_176 = arith.cmpi ne, %convert_element_type3A_174, %cond3A_175 : i32
      scf.if %cond3A_176 {
        %add3A_256 = arith.constant 2 : i32
        %add3A_257 = arith.addi %add3A_161, %add3A_256 : i32
        %dma_start3A_258 = arith.constant 0 : i32
        %dma_start3A_259 = tpu.memref_slice %arg3[%add3A, %add3A_257, %dma_start3A_258] : memref<32x160x64xi32, #tpu.memory_space<hbm>> -> memref<1x1x64xi32, #tpu.memory_space<hbm>>
        %dma_start3A_260 = tpu.memref_squeeze %dma_start3A_259 : memref<1x1x64xi32, #tpu.memory_space<hbm>> -> memref<64xi32, #tpu.memory_space<hbm>>
        %dma_start3A_261 = arith.constant 0 : i32
        %dma_start3A_262 = tpu.memref_slice %arg3[%add3A, %add3A_257, %dma_start3A_261] : memref<32x160x64xi32, #tpu.memory_space<hbm>> -> memref<1x1x64xi32, #tpu.memory_space<hbm>>
        %dma_start3A_263 = tpu.memref_squeeze %dma_start3A_262 : memref<1x1x64xi32, #tpu.memory_space<hbm>> -> memref<64xi32, #tpu.memory_space<hbm>>
        tpu.enqueue_dma source(%dma_start3A_263 : memref<64xi32, #tpu.memory_space<hbm>>) target(%arg15 : memref<64xi32, #tpu.memory_space<vmem>>) target_semaphore(%arg35 : memref<!tpu.dma_semaphore, #tpu.memory_space<semaphore_mem>>)
        %dma_start3A_264 = arith.constant 0 : i32
        %dma_start3A_265 = tpu.memref_slice %arg4[%add3A, %add3A_257, %dma_start3A_264] : memref<32x160x64xi32, #tpu.memory_space<hbm>> -> memref<1x1x64xi32, #tpu.memory_space<hbm>>
        %dma_start3A_266 = tpu.memref_squeeze %dma_start3A_265 : memref<1x1x64xi32, #tpu.memory_space<hbm>> -> memref<64xi32, #tpu.memory_space<hbm>>
        %dma_start3A_267 = arith.constant 0 : i32
        %dma_start3A_268 = tpu.memref_slice %arg4[%add3A, %add3A_257, %dma_start3A_267] : memref<32x160x64xi32, #tpu.memory_space<hbm>> -> memref<1x1x64xi32, #tpu.memory_space<hbm>>
        %dma_start3A_269 = tpu.memref_squeeze %dma_start3A_268 : memref<1x1x64xi32, #tpu.memory_space<hbm>> -> memref<64xi32, #tpu.memory_space<hbm>>
        tpu.enqueue_dma source(%dma_start3A_269 : memref<64xi32, #tpu.memory_space<hbm>>) target(%arg19 : memref<64xi32, #tpu.memory_space<vmem>>) target_semaphore(%arg35 : memref<!tpu.dma_semaphore, #tpu.memory_space<semaphore_mem>>)
        %dma_start3A_270 = arith.constant 0 : i32
        %dma_start3A_271 = tpu.memref_slice %arg5[%add3A, %add3A_257, %dma_start3A_270] : memref<32x160x64xf32, #tpu.memory_space<hbm>> -> memref<1x1x64xf32, #tpu.memory_space<hbm>>
        %dma_start3A_272 = tpu.memref_squeeze %dma_start3A_271 : memref<1x1x64xf32, #tpu.memory_space<hbm>> -> memref<64xf32, #tpu.memory_space<hbm>>
        %dma_start3A_273 = arith.constant 0 : i32
        %dma_start3A_274 = tpu.memref_slice %arg5[%add3A, %add3A_257, %dma_start3A_273] : memref<32x160x64xf32, #tpu.memory_space<hbm>> -> memref<1x1x64xf32, #tpu.memory_space<hbm>>
        %dma_start3A_275 = tpu.memref_squeeze %dma_start3A_274 : memref<1x1x64xf32, #tpu.memory_space<hbm>> -> memref<64xf32, #tpu.memory_space<hbm>>
        tpu.enqueue_dma source(%dma_start3A_275 : memref<64xf32, #tpu.memory_space<hbm>>) target(%arg23 : memref<64xf32, #tpu.memory_space<vmem>>) target_semaphore(%arg35 : memref<!tpu.dma_semaphore, #tpu.memory_space<semaphore_mem>>)
      } else {
      }
      %scan3A_177 = arith.constant 0 : i32
      %scan3A_178 = arith.constant 64 : i32
      %scan3A_179 = arith.addi %scan3A_177, %scan3A_178 : i32
      %scan3A_180 = arith.constant 1 : i32
      scf.for %scan3A_256 = %scan3A_177 to %scan3A_179 step %scan3A_180  : i32 {
        %mul3A_257 = arith.constant 1 : i32
        %mul3A_258 = arith.muli %scan3A_256, %mul3A_257 : i32
        %add3A_259 = arith.constant 0 : i32
        %add3A_260 = arith.addi %add3A_259, %mul3A_258 : i32
        %broadcast_in_dim3A = vector.broadcast %add3A_260 : i32 to vector<16xi32>
        %gather3A = tpu.vector_load_idx %arg21[%broadcast_in_dim3A] : memref<64xf32, #tpu.memory_space<vmem>>[vector<16xi32>], vector<16xf32>,
        %get3A = arith.index_cast %add3A_260 : i32 to index
        %get3A_261 = arith.constant 0 : index
        %get3A_262 = tpu.vector_load %arg9[%get3A, %get3A_261] {strides = array<i32>} : memref<64x128xf32, #tpu.memory_space<vmem>>, vector<16xf32>,
        %mul3A_263 = arith.mulf %get3A_262, %gather3A : vector<16xf32>
        %swap3A = arith.index_cast %add3A_260 : i32 to index
        %swap3A_264 = arith.constant 0 : index
        %swap3A_265 = tpu.vector_load %arg9[%swap3A, %swap3A_264] {strides = array<i32>} : memref<64x128xf32, #tpu.memory_space<vmem>>, vector<16xf32>,
        tpu.vector_store %arg9[%swap3A, %swap3A_264], %mul3A_263 {strides = array<i32>} : memref<64x128xf32, #tpu.memory_space<vmem>>, vector<16xf32>,
        %get3A_266 = arith.index_cast %add3A_260 : i32 to index
        %get3A_267 = arith.constant 16 : index
        %get3A_268 = tpu.vector_load %arg9[%get3A_266, %get3A_267] {strides = array<i32>} : memref<64x128xf32, #tpu.memory_space<vmem>>, vector<16xf32>,
        %mul3A_269 = arith.mulf %get3A_268, %gather3A : vector<16xf32>
        %swap3A_270 = arith.index_cast %add3A_260 : i32 to index
        %swap3A_271 = arith.constant 16 : index
        %swap3A_272 = tpu.vector_load %arg9[%swap3A_270, %swap3A_271] {strides = array<i32>} : memref<64x128xf32, #tpu.memory_space<vmem>>, vector<16xf32>,
        tpu.vector_store %arg9[%swap3A_270, %swap3A_271], %mul3A_269 {strides = array<i32>} : memref<64x128xf32, #tpu.memory_space<vmem>>, vector<16xf32>,
        %get3A_273 = arith.index_cast %add3A_260 : i32 to index
        %get3A_274 = arith.constant 32 : index
        %get3A_275 = tpu.vector_load %arg9[%get3A_273, %get3A_274] {strides = array<i32>} : memref<64x128xf32, #tpu.memory_space<vmem>>, vector<16xf32>,
        %mul3A_276 = arith.mulf %get3A_275, %gather3A : vector<16xf32>
        %swap3A_277 = arith.index_cast %add3A_260 : i32 to index
        %swap3A_278 = arith.constant 32 : index
        %swap3A_279 = tpu.vector_load %arg9[%swap3A_277, %swap3A_278] {strides = array<i32>} : memref<64x128xf32, #tpu.memory_space<vmem>>, vector<16xf32>,
        tpu.vector_store %arg9[%swap3A_277, %swap3A_278], %mul3A_276 {strides = array<i32>} : memref<64x128xf32, #tpu.memory_space<vmem>>, vector<16xf32>,
        %get3A_280 = arith.index_cast %add3A_260 : i32 to index
        %get3A_281 = arith.constant 48 : index
        %get3A_282 = tpu.vector_load %arg9[%get3A_280, %get3A_281] {strides = array<i32>} : memref<64x128xf32, #tpu.memory_space<vmem>>, vector<16xf32>,
        %mul3A_283 = arith.mulf %get3A_282, %gather3A : vector<16xf32>
        %swap3A_284 = arith.index_cast %add3A_260 : i32 to index
        %swap3A_285 = arith.constant 48 : index
        %swap3A_286 = tpu.vector_load %arg9[%swap3A_284, %swap3A_285] {strides = array<i32>} : memref<64x128xf32, #tpu.memory_space<vmem>>, vector<16xf32>,
        tpu.vector_store %arg9[%swap3A_284, %swap3A_285], %mul3A_283 {strides = array<i32>} : memref<64x128xf32, #tpu.memory_space<vmem>>, vector<16xf32>,
        %get3A_287 = arith.index_cast %add3A_260 : i32 to index
        %get3A_288 = arith.constant 64 : index
        %get3A_289 = tpu.vector_load %arg9[%get3A_287, %get3A_288] {strides = array<i32>} : memref<64x128xf32, #tpu.memory_space<vmem>>, vector<16xf32>,
        %mul3A_290 = arith.mulf %get3A_289, %gather3A : vector<16xf32>
        %swap3A_291 = arith.index_cast %add3A_260 : i32 to index
        %swap3A_292 = arith.constant 64 : index
        %swap3A_293 = tpu.vector_load %arg9[%swap3A_291, %swap3A_292] {strides = array<i32>} : memref<64x128xf32, #tpu.memory_space<vmem>>, vector<16xf32>,
        tpu.vector_store %arg9[%swap3A_291, %swap3A_292], %mul3A_290 {strides = array<i32>} : memref<64x128xf32, #tpu.memory_space<vmem>>, vector<16xf32>,
        %get3A_294 = arith.index_cast %add3A_260 : i32 to index
        %get3A_295 = arith.constant 80 : index
        %get3A_296 = tpu.vector_load %arg9[%get3A_294, %get3A_295] {strides = array<i32>} : memref<64x128xf32, #tpu.memory_space<vmem>>, vector<16xf32>,
        %mul3A_297 = arith.mulf %get3A_296, %gather3A : vector<16xf32>
        %swap3A_298 = arith.index_cast %add3A_260 : i32 to index
        %swap3A_299 = arith.constant 80 : index
        %swap3A_300 = tpu.vector_load %arg9[%swap3A_298, %swap3A_299] {strides = array<i32>} : memref<64x128xf32, #tpu.memory_space<vmem>>, vector<16xf32>,
        tpu.vector_store %arg9[%swap3A_298, %swap3A_299], %mul3A_297 {strides = array<i32>} : memref<64x128xf32, #tpu.memory_space<vmem>>, vector<16xf32>,
        %get3A_301 = arith.index_cast %add3A_260 : i32 to index
        %get3A_302 = arith.constant 96 : index
        %get3A_303 = tpu.vector_load %arg9[%get3A_301, %get3A_302] {strides = array<i32>} : memref<64x128xf32, #tpu.memory_space<vmem>>, vector<16xf32>,
        %mul3A_304 = arith.mulf %get3A_303, %gather3A : vector<16xf32>
        %swap3A_305 = arith.index_cast %add3A_260 : i32 to index
        %swap3A_306 = arith.constant 96 : index
        %swap3A_307 = tpu.vector_load %arg9[%swap3A_305, %swap3A_306] {strides = array<i32>} : memref<64x128xf32, #tpu.memory_space<vmem>>, vector<16xf32>,
        tpu.vector_store %arg9[%swap3A_305, %swap3A_306], %mul3A_304 {strides = array<i32>} : memref<64x128xf32, #tpu.memory_space<vmem>>, vector<16xf32>,
        %get3A_308 = arith.index_cast %add3A_260 : i32 to index
        %get3A_309 = arith.constant 112 : index
        %get3A_310 = tpu.vector_load %arg9[%get3A_308, %get3A_309] {strides = array<i32>} : memref<64x128xf32, #tpu.memory_space<vmem>>, vector<16xf32>,
        %mul3A_311 = arith.mulf %get3A_310, %gather3A : vector<16xf32>
        %swap3A_312 = arith.index_cast %add3A_260 : i32 to index
        %swap3A_313 = arith.constant 112 : index
        %swap3A_314 = tpu.vector_load %arg9[%swap3A_312, %swap3A_313] {strides = array<i32>} : memref<64x128xf32, #tpu.memory_space<vmem>>, vector<16xf32>,
        tpu.vector_store %arg9[%swap3A_312, %swap3A_313], %mul3A_311 {strides = array<i32>} : memref<64x128xf32, #tpu.memory_space<vmem>>, vector<16xf32>,
      }
      %scan3A_181 = arith.constant 64 : i32
      %add3A_182 = arith.constant 2 : i32
      %add3A_183 = arith.addi %add3A_161, %add3A_182 : i32
      %lt3A_184 = arith.constant 160 : i32
      %lt3A_185 = arith.cmpi slt, %add3A_183, %lt3A_184 : i32
      %convert_element_type3A_186 = arith.extui %lt3A_185 : i1 to i32
      %cond3A_187 = arith.constant 0 : i32
      %cond3A_188 = arith.cmpi ne, %convert_element_type3A_186, %cond3A_187 : i32
      scf.if %cond3A_188 {
        %add3A_256 = arith.constant 2 : i32
        %add3A_257 = arith.addi %add3A_161, %add3A_256 : i32
        %dma_wait3A_258 = arith.constant 0 : i32
        %dma_wait3A_259 = tpu.memref_slice %arg3[%add3A, %add3A_257, %dma_wait3A_258] : memref<32x160x64xi32, #tpu.memory_space<hbm>> -> memref<1x1x64xi32, #tpu.memory_space<hbm>>
        %dma_wait3A_260 = tpu.memref_squeeze %dma_wait3A_259 : memref<1x1x64xi32, #tpu.memory_space<hbm>> -> memref<64xi32, #tpu.memory_space<hbm>>
        %dma_wait3A_261 = arith.constant 0 : i32
        %dma_wait3A_262 = tpu.memref_slice %arg3[%add3A, %add3A_257, %dma_wait3A_261] : memref<32x160x64xi32, #tpu.memory_space<hbm>> -> memref<1x1x64xi32, #tpu.memory_space<hbm>>
        %dma_wait3A_263 = tpu.memref_squeeze %dma_wait3A_262 : memref<1x1x64xi32, #tpu.memory_space<hbm>> -> memref<64xi32, #tpu.memory_space<hbm>>
        tpu.wait_dma2 semaphore(%arg35 : memref<!tpu.dma_semaphore, #tpu.memory_space<semaphore_mem>>) src(%dma_wait3A_263 : memref<64xi32, #tpu.memory_space<hbm>>) dst(%arg15 : memref<64xi32, #tpu.memory_space<vmem>>)
        %dma_wait3A_264 = arith.constant 0 : i32
        %dma_wait3A_265 = tpu.memref_slice %arg4[%add3A, %add3A_257, %dma_wait3A_264] : memref<32x160x64xi32, #tpu.memory_space<hbm>> -> memref<1x1x64xi32, #tpu.memory_space<hbm>>
        %dma_wait3A_266 = tpu.memref_squeeze %dma_wait3A_265 : memref<1x1x64xi32, #tpu.memory_space<hbm>> -> memref<64xi32, #tpu.memory_space<hbm>>
        %dma_wait3A_267 = arith.constant 0 : i32
        %dma_wait3A_268 = tpu.memref_slice %arg4[%add3A, %add3A_257, %dma_wait3A_267] : memref<32x160x64xi32, #tpu.memory_space<hbm>> -> memref<1x1x64xi32, #tpu.memory_space<hbm>>
        %dma_wait3A_269 = tpu.memref_squeeze %dma_wait3A_268 : memref<1x1x64xi32, #tpu.memory_space<hbm>> -> memref<64xi32, #tpu.memory_space<hbm>>
        tpu.wait_dma2 semaphore(%arg35 : memref<!tpu.dma_semaphore, #tpu.memory_space<semaphore_mem>>) src(%dma_wait3A_269 : memref<64xi32, #tpu.memory_space<hbm>>) dst(%arg19 : memref<64xi32, #tpu.memory_space<vmem>>)
        %dma_wait3A_270 = arith.constant 0 : i32
        %dma_wait3A_271 = tpu.memref_slice %arg5[%add3A, %add3A_257, %dma_wait3A_270] : memref<32x160x64xf32, #tpu.memory_space<hbm>> -> memref<1x1x64xf32, #tpu.memory_space<hbm>>
        %dma_wait3A_272 = tpu.memref_squeeze %dma_wait3A_271 : memref<1x1x64xf32, #tpu.memory_space<hbm>> -> memref<64xf32, #tpu.memory_space<hbm>>
        %dma_wait3A_273 = arith.constant 0 : i32
        %dma_wait3A_274 = tpu.memref_slice %arg5[%add3A, %add3A_257, %dma_wait3A_273] : memref<32x160x64xf32, #tpu.memory_space<hbm>> -> memref<1x1x64xf32, #tpu.memory_space<hbm>>
        %dma_wait3A_275 = tpu.memref_squeeze %dma_wait3A_274 : memref<1x1x64xf32, #tpu.memory_space<hbm>> -> memref<64xf32, #tpu.memory_space<hbm>>
        tpu.wait_dma2 semaphore(%arg35 : memref<!tpu.dma_semaphore, #tpu.memory_space<semaphore_mem>>) src(%dma_wait3A_275 : memref<64xf32, #tpu.memory_space<hbm>>) dst(%arg23 : memref<64xf32, #tpu.memory_space<vmem>>)
        %dma_start3A_276 = arith.constant 0 : i32
        %dma_start3A_277 = arith.constant 0 : i32
        %dma_start3A_278 = tpu.memref_slice %arg2[%dma_start3A_276, %dma_start3A_277] : memref<10000x128xf32, #tpu.memory_space<hbm>> -> memref<10000x128xf32, #tpu.memory_space<hbm>>
        tpu.enqueue_indirect_dma source(%dma_start3A_278 : memref<10000x128xf32, #tpu.memory_space<hbm>>) target(%arg11 : memref<64x128xf32, #tpu.memory_space<vmem>>) offsets(%arg15 : memref<64xi32, #tpu.memory_space<vmem>>) semaphore(%arg27 : memref<!tpu.dma_semaphore, #tpu.memory_space<semaphore_mem>>)
      } else {
      }
      %dma_start3A_189 = arith.constant 0 : i32
      %dma_start3A_190 = arith.constant 0 : i32
      %dma_start3A_191 = tpu.memref_slice %arg7[%dma_start3A_189, %dma_start3A_190] : memref<10240x128xf32, #tpu.memory_space<vmem_shared>> -> memref<10240x128xf32, #tpu.memory_space<vmem_shared>>
      tpu.enqueue_indirect_dma source(%arg9 : memref<64x128xf32, #tpu.memory_space<vmem>>) target(%dma_start3A_191 : memref<10240x128xf32, #tpu.memory_space<vmem_shared>>) offsets(%arg17 : memref<64xi32, #tpu.memory_space<vmem>>) semaphore(%arg29 : memref<!tpu.dma_semaphore, #tpu.memory_space<semaphore_mem>>) {add = true}
      %add3A_192 = arith.constant 2 : i32
      %add3A_193 = arith.addi %add3A_131, %add3A_192 : i32
      %dma_wait3A_194 = arith.constant 0 : i32
      %dma_wait3A_195 = arith.constant 0 : i32
      %dma_wait3A_196 = tpu.memref_slice %arg2[%dma_wait3A_194, %dma_wait3A_195] : memref<10000x128xf32, #tpu.memory_space<hbm>> -> memref<10000x128xf32, #tpu.memory_space<hbm>>
      tpu.wait_indirect_dma semaphore(%arg26 : memref<!tpu.dma_semaphore, #tpu.memory_space<semaphore_mem>>) src(%dma_wait3A_196 : memref<10000x128xf32, #tpu.memory_space<hbm>>) dst(%arg10 : memref<64x128xf32, #tpu.memory_space<vmem>>)
      %ge3A_197 = arith.constant 2 : i32
      %ge3A_198 = arith.cmpi sge, %add3A_193, %ge3A_197 : i32
      %convert_element_type3A_199 = arith.extui %ge3A_198 : i1 to i32
      %cond3A_200 = arith.constant 0 : i32
      %cond3A_201 = arith.cmpi ne, %convert_element_type3A_199, %cond3A_200 : i32
      scf.if %cond3A_201 {
        %dma_wait3A_256 = arith.constant 0 : i32
        %dma_wait3A_257 = arith.constant 0 : i32
        %dma_wait3A_258 = tpu.memref_slice %arg7[%dma_wait3A_256, %dma_wait3A_257] : memref<10240x128xf32, #tpu.memory_space<vmem_shared>> -> memref<10240x128xf32, #tpu.memory_space<vmem_shared>>
        tpu.wait_indirect_dma semaphore(%arg28 : memref<!tpu.dma_semaphore, #tpu.memory_space<semaphore_mem>>) src(%arg8 : memref<64x128xf32, #tpu.memory_space<vmem>>) dst(%dma_wait3A_258 : memref<10240x128xf32, #tpu.memory_space<vmem_shared>>)
      } else {
      }
      %add3A_202 = arith.constant 2 : i32
      %add3A_203 = arith.addi %add3A_193, %add3A_202 : i32
      %lt3A_204 = arith.constant 160 : i32
      %lt3A_205 = arith.cmpi slt, %add3A_203, %lt3A_204 : i32
      %convert_element_type3A_206 = arith.extui %lt3A_205 : i1 to i32
      %cond3A_207 = arith.constant 0 : i32
      %cond3A_208 = arith.cmpi ne, %convert_element_type3A_206, %cond3A_207 : i32
      scf.if %cond3A_208 {
        %add3A_256 = arith.constant 2 : i32
        %add3A_257 = arith.addi %add3A_193, %add3A_256 : i32
        %dma_start3A_258 = arith.constant 0 : i32
        %dma_start3A_259 = tpu.memref_slice %arg3[%add3A, %add3A_257, %dma_start3A_258] : memref<32x160x64xi32, #tpu.memory_space<hbm>> -> memref<1x1x64xi32, #tpu.memory_space<hbm>>
        %dma_start3A_260 = tpu.memref_squeeze %dma_start3A_259 : memref<1x1x64xi32, #tpu.memory_space<hbm>> -> memref<64xi32, #tpu.memory_space<hbm>>
        %dma_start3A_261 = arith.constant 0 : i32
        %dma_start3A_262 = tpu.memref_slice %arg3[%add3A, %add3A_257, %dma_start3A_261] : memref<32x160x64xi32, #tpu.memory_space<hbm>> -> memref<1x1x64xi32, #tpu.memory_space<hbm>>
        %dma_start3A_263 = tpu.memref_squeeze %dma_start3A_262 : memref<1x1x64xi32, #tpu.memory_space<hbm>> -> memref<64xi32, #tpu.memory_space<hbm>>
        tpu.enqueue_dma source(%dma_start3A_263 : memref<64xi32, #tpu.memory_space<hbm>>) target(%arg12 : memref<64xi32, #tpu.memory_space<vmem>>) target_semaphore(%arg32 : memref<!tpu.dma_semaphore, #tpu.memory_space<semaphore_mem>>)
        %dma_start3A_264 = arith.constant 0 : i32
        %dma_start3A_265 = tpu.memref_slice %arg4[%add3A, %add3A_257, %dma_start3A_264] : memref<32x160x64xi32, #tpu.memory_space<hbm>> -> memref<1x1x64xi32, #tpu.memory_space<hbm>>
        %dma_start3A_266 = tpu.memref_squeeze %dma_start3A_265 : memref<1x1x64xi32, #tpu.memory_space<hbm>> -> memref<64xi32, #tpu.memory_space<hbm>>
        %dma_start3A_267 = arith.constant 0 : i32
        %dma_start3A_268 = tpu.memref_slice %arg4[%add3A, %add3A_257, %dma_start3A_267] : memref<32x160x64xi32, #tpu.memory_space<hbm>> -> memref<1x1x64xi32, #tpu.memory_space<hbm>>
        %dma_start3A_269 = tpu.memref_squeeze %dma_start3A_268 : memref<1x1x64xi32, #tpu.memory_space<hbm>> -> memref<64xi32, #tpu.memory_space<hbm>>
        tpu.enqueue_dma source(%dma_start3A_269 : memref<64xi32, #tpu.memory_space<hbm>>) target(%arg16 : memref<64xi32, #tpu.memory_space<vmem>>) target_semaphore(%arg32 : memref<!tpu.dma_semaphore, #tpu.memory_space<semaphore_mem>>)
        %dma_start3A_270 = arith.constant 0 : i32
        %dma_start3A_271 = tpu.memref_slice %arg5[%add3A, %add3A_257, %dma_start3A_270] : memref<32x160x64xf32, #tpu.memory_space<hbm>> -> memref<1x1x64xf32, #tpu.memory_space<hbm>>
        %dma_start3A_272 = tpu.memref_squeeze %dma_start3A_271 : memref<1x1x64xf32, #tpu.memory_space<hbm>> -> memref<64xf32, #tpu.memory_space<hbm>>
        %dma_start3A_273 = arith.constant 0 : i32
        %dma_start3A_274 = tpu.memref_slice %arg5[%add3A, %add3A_257, %dma_start3A_273] : memref<32x160x64xf32, #tpu.memory_space<hbm>> -> memref<1x1x64xf32, #tpu.memory_space<hbm>>
        %dma_start3A_275 = tpu.memref_squeeze %dma_start3A_274 : memref<1x1x64xf32, #tpu.memory_space<hbm>> -> memref<64xf32, #tpu.memory_space<hbm>>
        tpu.enqueue_dma source(%dma_start3A_275 : memref<64xf32, #tpu.memory_space<hbm>>) target(%arg20 : memref<64xf32, #tpu.memory_space<vmem>>) target_semaphore(%arg32 : memref<!tpu.dma_semaphore, #tpu.memory_space<semaphore_mem>>)
      } else {
      }
      %scan3A_209 = arith.constant 0 : i32
      %scan3A_210 = arith.constant 64 : i32
      %scan3A_211 = arith.addi %scan3A_209, %scan3A_210 : i32
      %scan3A_212 = arith.constant 1 : i32
      scf.for %scan3A_256 = %scan3A_209 to %scan3A_211 step %scan3A_212  : i32 {
        %mul3A_257 = arith.constant 1 : i32
        %mul3A_258 = arith.muli %scan3A_256, %mul3A_257 : i32
        %add3A_259 = arith.constant 0 : i32
        %add3A_260 = arith.addi %add3A_259, %mul3A_258 : i32
        %broadcast_in_dim3A = vector.broadcast %add3A_260 : i32 to vector<16xi32>
        %gather3A = tpu.vector_load_idx %arg22[%broadcast_in_dim3A] : memref<64xf32, #tpu.memory_space<vmem>>[vector<16xi32>], vector<16xf32>,
        %get3A = arith.index_cast %add3A_260 : i32 to index
        %get3A_261 = arith.constant 0 : index
        %get3A_262 = tpu.vector_load %arg10[%get3A, %get3A_261] {strides = array<i32>} : memref<64x128xf32, #tpu.memory_space<vmem>>, vector<16xf32>,
        %mul3A_263 = arith.mulf %get3A_262, %gather3A : vector<16xf32>
        %swap3A = arith.index_cast %add3A_260 : i32 to index
        %swap3A_264 = arith.constant 0 : index
        %swap3A_265 = tpu.vector_load %arg10[%swap3A, %swap3A_264] {strides = array<i32>} : memref<64x128xf32, #tpu.memory_space<vmem>>, vector<16xf32>,
        tpu.vector_store %arg10[%swap3A, %swap3A_264], %mul3A_263 {strides = array<i32>} : memref<64x128xf32, #tpu.memory_space<vmem>>, vector<16xf32>,
        %get3A_266 = arith.index_cast %add3A_260 : i32 to index
        %get3A_267 = arith.constant 16 : index
        %get3A_268 = tpu.vector_load %arg10[%get3A_266, %get3A_267] {strides = array<i32>} : memref<64x128xf32, #tpu.memory_space<vmem>>, vector<16xf32>,
        %mul3A_269 = arith.mulf %get3A_268, %gather3A : vector<16xf32>
        %swap3A_270 = arith.index_cast %add3A_260 : i32 to index
        %swap3A_271 = arith.constant 16 : index
        %swap3A_272 = tpu.vector_load %arg10[%swap3A_270, %swap3A_271] {strides = array<i32>} : memref<64x128xf32, #tpu.memory_space<vmem>>, vector<16xf32>,
        tpu.vector_store %arg10[%swap3A_270, %swap3A_271], %mul3A_269 {strides = array<i32>} : memref<64x128xf32, #tpu.memory_space<vmem>>, vector<16xf32>,
        %get3A_273 = arith.index_cast %add3A_260 : i32 to index
        %get3A_274 = arith.constant 32 : index
        %get3A_275 = tpu.vector_load %arg10[%get3A_273, %get3A_274] {strides = array<i32>} : memref<64x128xf32, #tpu.memory_space<vmem>>, vector<16xf32>,
        %mul3A_276 = arith.mulf %get3A_275, %gather3A : vector<16xf32>
        %swap3A_277 = arith.index_cast %add3A_260 : i32 to index
        %swap3A_278 = arith.constant 32 : index
        %swap3A_279 = tpu.vector_load %arg10[%swap3A_277, %swap3A_278] {strides = array<i32>} : memref<64x128xf32, #tpu.memory_space<vmem>>, vector<16xf32>,
        tpu.vector_store %arg10[%swap3A_277, %swap3A_278], %mul3A_276 {strides = array<i32>} : memref<64x128xf32, #tpu.memory_space<vmem>>, vector<16xf32>,
        %get3A_280 = arith.index_cast %add3A_260 : i32 to index
        %get3A_281 = arith.constant 48 : index
        %get3A_282 = tpu.vector_load %arg10[%get3A_280, %get3A_281] {strides = array<i32>} : memref<64x128xf32, #tpu.memory_space<vmem>>, vector<16xf32>,
        %mul3A_283 = arith.mulf %get3A_282, %gather3A : vector<16xf32>
        %swap3A_284 = arith.index_cast %add3A_260 : i32 to index
        %swap3A_285 = arith.constant 48 : index
        %swap3A_286 = tpu.vector_load %arg10[%swap3A_284, %swap3A_285] {strides = array<i32>} : memref<64x128xf32, #tpu.memory_space<vmem>>, vector<16xf32>,
        tpu.vector_store %arg10[%swap3A_284, %swap3A_285], %mul3A_283 {strides = array<i32>} : memref<64x128xf32, #tpu.memory_space<vmem>>, vector<16xf32>,
        %get3A_287 = arith.index_cast %add3A_260 : i32 to index
        %get3A_288 = arith.constant 64 : index
        %get3A_289 = tpu.vector_load %arg10[%get3A_287, %get3A_288] {strides = array<i32>} : memref<64x128xf32, #tpu.memory_space<vmem>>, vector<16xf32>,
        %mul3A_290 = arith.mulf %get3A_289, %gather3A : vector<16xf32>
        %swap3A_291 = arith.index_cast %add3A_260 : i32 to index
        %swap3A_292 = arith.constant 64 : index
        %swap3A_293 = tpu.vector_load %arg10[%swap3A_291, %swap3A_292] {strides = array<i32>} : memref<64x128xf32, #tpu.memory_space<vmem>>, vector<16xf32>,
        tpu.vector_store %arg10[%swap3A_291, %swap3A_292], %mul3A_290 {strides = array<i32>} : memref<64x128xf32, #tpu.memory_space<vmem>>, vector<16xf32>,
        %get3A_294 = arith.index_cast %add3A_260 : i32 to index
        %get3A_295 = arith.constant 80 : index
        %get3A_296 = tpu.vector_load %arg10[%get3A_294, %get3A_295] {strides = array<i32>} : memref<64x128xf32, #tpu.memory_space<vmem>>, vector<16xf32>,
        %mul3A_297 = arith.mulf %get3A_296, %gather3A : vector<16xf32>
        %swap3A_298 = arith.index_cast %add3A_260 : i32 to index
        %swap3A_299 = arith.constant 80 : index
        %swap3A_300 = tpu.vector_load %arg10[%swap3A_298, %swap3A_299] {strides = array<i32>} : memref<64x128xf32, #tpu.memory_space<vmem>>, vector<16xf32>,
        tpu.vector_store %arg10[%swap3A_298, %swap3A_299], %mul3A_297 {strides = array<i32>} : memref<64x128xf32, #tpu.memory_space<vmem>>, vector<16xf32>,
        %get3A_301 = arith.index_cast %add3A_260 : i32 to index
        %get3A_302 = arith.constant 96 : index
        %get3A_303 = tpu.vector_load %arg10[%get3A_301, %get3A_302] {strides = array<i32>} : memref<64x128xf32, #tpu.memory_space<vmem>>, vector<16xf32>,
        %mul3A_304 = arith.mulf %get3A_303, %gather3A : vector<16xf32>
        %swap3A_305 = arith.index_cast %add3A_260 : i32 to index
        %swap3A_306 = arith.constant 96 : index
        %swap3A_307 = tpu.vector_load %arg10[%swap3A_305, %swap3A_306] {strides = array<i32>} : memref<64x128xf32, #tpu.memory_space<vmem>>, vector<16xf32>,
        tpu.vector_store %arg10[%swap3A_305, %swap3A_306], %mul3A_304 {strides = array<i32>} : memref<64x128xf32, #tpu.memory_space<vmem>>, vector<16xf32>,
        %get3A_308 = arith.index_cast %add3A_260 : i32 to index
        %get3A_309 = arith.constant 112 : index
        %get3A_310 = tpu.vector_load %arg10[%get3A_308, %get3A_309] {strides = array<i32>} : memref<64x128xf32, #tpu.memory_space<vmem>>, vector<16xf32>,
        %mul3A_311 = arith.mulf %get3A_310, %gather3A : vector<16xf32>
        %swap3A_312 = arith.index_cast %add3A_260 : i32 to index
        %swap3A_313 = arith.constant 112 : index
        %swap3A_314 = tpu.vector_load %arg10[%swap3A_312, %swap3A_313] {strides = array<i32>} : memref<64x128xf32, #tpu.memory_space<vmem>>, vector<16xf32>,
        tpu.vector_store %arg10[%swap3A_312, %swap3A_313], %mul3A_311 {strides = array<i32>} : memref<64x128xf32, #tpu.memory_space<vmem>>, vector<16xf32>,
      }
      %scan3A_213 = arith.constant 64 : i32
      %add3A_214 = arith.constant 2 : i32
      %add3A_215 = arith.addi %add3A_193, %add3A_214 : i32
      %lt3A_216 = arith.constant 160 : i32
      %lt3A_217 = arith.cmpi slt, %add3A_215, %lt3A_216 : i32
      %convert_element_type3A_218 = arith.extui %lt3A_217 : i1 to i32
      %cond3A_219 = arith.constant 0 : i32
      %cond3A_220 = arith.cmpi ne, %convert_element_type3A_218, %cond3A_219 : i32
      scf.if %cond3A_220 {
        %add3A_256 = arith.constant 2 : i32
        %add3A_257 = arith.addi %add3A_193, %add3A_256 : i32
        %dma_wait3A_258 = arith.constant 0 : i32
        %dma_wait3A_259 = tpu.memref_slice %arg3[%add3A, %add3A_257, %dma_wait3A_258] : memref<32x160x64xi32, #tpu.memory_space<hbm>> -> memref<1x1x64xi32, #tpu.memory_space<hbm>>
        %dma_wait3A_260 = tpu.memref_squeeze %dma_wait3A_259 : memref<1x1x64xi32, #tpu.memory_space<hbm>> -> memref<64xi32, #tpu.memory_space<hbm>>
        %dma_wait3A_261 = arith.constant 0 : i32
        %dma_wait3A_262 = tpu.memref_slice %arg3[%add3A, %add3A_257, %dma_wait3A_261] : memref<32x160x64xi32, #tpu.memory_space<hbm>> -> memref<1x1x64xi32, #tpu.memory_space<hbm>>
        %dma_wait3A_263 = tpu.memref_squeeze %dma_wait3A_262 : memref<1x1x64xi32, #tpu.memory_space<hbm>> -> memref<64xi32, #tpu.memory_space<hbm>>
        tpu.wait_dma2 semaphore(%arg32 : memref<!tpu.dma_semaphore, #tpu.memory_space<semaphore_mem>>) src(%dma_wait3A_263 : memref<64xi32, #tpu.memory_space<hbm>>) dst(%arg12 : memref<64xi32, #tpu.memory_space<vmem>>)
        %dma_wait3A_264 = arith.constant 0 : i32
        %dma_wait3A_265 = tpu.memref_slice %arg4[%add3A, %add3A_257, %dma_wait3A_264] : memref<32x160x64xi32, #tpu.memory_space<hbm>> -> memref<1x1x64xi32, #tpu.memory_space<hbm>>
        %dma_wait3A_266 = tpu.memref_squeeze %dma_wait3A_265 : memref<1x1x64xi32, #tpu.memory_space<hbm>> -> memref<64xi32, #tpu.memory_space<hbm>>
        %dma_wait3A_267 = arith.constant 0 : i32
        %dma_wait3A_268 = tpu.memref_slice %arg4[%add3A, %add3A_257, %dma_wait3A_267] : memref<32x160x64xi32, #tpu.memory_space<hbm>> -> memref<1x1x64xi32, #tpu.memory_space<hbm>>
        %dma_wait3A_269 = tpu.memref_squeeze %dma_wait3A_268 : memref<1x1x64xi32, #tpu.memory_space<hbm>> -> memref<64xi32, #tpu.memory_space<hbm>>
        tpu.wait_dma2 semaphore(%arg32 : memref<!tpu.dma_semaphore, #tpu.memory_space<semaphore_mem>>) src(%dma_wait3A_269 : memref<64xi32, #tpu.memory_space<hbm>>) dst(%arg16 : memref<64xi32, #tpu.memory_space<vmem>>)
        %dma_wait3A_270 = arith.constant 0 : i32
        %dma_wait3A_271 = tpu.memref_slice %arg5[%add3A, %add3A_257, %dma_wait3A_270] : memref<32x160x64xf32, #tpu.memory_space<hbm>> -> memref<1x1x64xf32, #tpu.memory_space<hbm>>
        %dma_wait3A_272 = tpu.memref_squeeze %dma_wait3A_271 : memref<1x1x64xf32, #tpu.memory_space<hbm>> -> memref<64xf32, #tpu.memory_space<hbm>>
        %dma_wait3A_273 = arith.constant 0 : i32
        %dma_wait3A_274 = tpu.memref_slice %arg5[%add3A, %add3A_257, %dma_wait3A_273] : memref<32x160x64xf32, #tpu.memory_space<hbm>> -> memref<1x1x64xf32, #tpu.memory_space<hbm>>
        %dma_wait3A_275 = tpu.memref_squeeze %dma_wait3A_274 : memref<1x1x64xf32, #tpu.memory_space<hbm>> -> memref<64xf32, #tpu.memory_space<hbm>>
        tpu.wait_dma2 semaphore(%arg32 : memref<!tpu.dma_semaphore, #tpu.memory_space<semaphore_mem>>) src(%dma_wait3A_275 : memref<64xf32, #tpu.memory_space<hbm>>) dst(%arg20 : memref<64xf32, #tpu.memory_space<vmem>>)
        %dma_start3A_276 = arith.constant 0 : i32
        %dma_start3A_277 = arith.constant 0 : i32
        %dma_start3A_278 = tpu.memref_slice %arg2[%dma_start3A_276, %dma_start3A_277] : memref<10000x128xf32, #tpu.memory_space<hbm>> -> memref<10000x128xf32, #tpu.memory_space<hbm>>
        tpu.enqueue_indirect_dma source(%dma_start3A_278 : memref<10000x128xf32, #tpu.memory_space<hbm>>) target(%arg8 : memref<64x128xf32, #tpu.memory_space<vmem>>) offsets(%arg12 : memref<64xi32, #tpu.memory_space<vmem>>) semaphore(%arg24 : memref<!tpu.dma_semaphore, #tpu.memory_space<semaphore_mem>>)
      } else {
      }
      %dma_start3A_221 = arith.constant 0 : i32
      %dma_start3A_222 = arith.constant 0 : i32
      %dma_start3A_223 = tpu.memref_slice %arg7[%dma_start3A_221, %dma_start3A_222] : memref<10240x128xf32, #tpu.memory_space<vmem_shared>> -> memref<10240x128xf32, #tpu.memory_space<vmem_shared>>
      tpu.enqueue_indirect_dma source(%arg10 : memref<64x128xf32, #tpu.memory_space<vmem>>) target(%dma_start3A_223 : memref<10240x128xf32, #tpu.memory_space<vmem_shared>>) offsets(%arg18 : memref<64xi32, #tpu.memory_space<vmem>>) semaphore(%arg30 : memref<!tpu.dma_semaphore, #tpu.memory_space<semaphore_mem>>) {add = true}
      %add3A_224 = arith.constant 3 : i32
      %add3A_225 = arith.addi %add3A_131, %add3A_224 : i32
      %dma_wait3A_226 = arith.constant 0 : i32
      %dma_wait3A_227 = arith.constant 0 : i32
      %dma_wait3A_228 = tpu.memref_slice %arg2[%dma_wait3A_226, %dma_wait3A_227] : memref<10000x128xf32, #tpu.memory_space<hbm>> -> memref<10000x128xf32, #tpu.memory_space<hbm>>
      tpu.wait_indirect_dma semaphore(%arg27 : memref<!tpu.dma_semaphore, #tpu.memory_space<semaphore_mem>>) src(%dma_wait3A_228 : memref<10000x128xf32, #tpu.memory_space<hbm>>) dst(%arg11 : memref<64x128xf32, #tpu.memory_space<vmem>>)
      %ge3A_229 = arith.constant 2 : i32
      %ge3A_230 = arith.cmpi sge, %add3A_225, %ge3A_229 : i32
      %convert_element_type3A_231 = arith.extui %ge3A_230 : i1 to i32
      %cond3A_232 = arith.constant 0 : i32
      %cond3A_233 = arith.cmpi ne, %convert_element_type3A_231, %cond3A_232 : i32
      scf.if %cond3A_233 {
        %dma_wait3A_256 = arith.constant 0 : i32
        %dma_wait3A_257 = arith.constant 0 : i32
        %dma_wait3A_258 = tpu.memref_slice %arg7[%dma_wait3A_256, %dma_wait3A_257] : memref<10240x128xf32, #tpu.memory_space<vmem_shared>> -> memref<10240x128xf32, #tpu.memory_space<vmem_shared>>
        tpu.wait_indirect_dma semaphore(%arg29 : memref<!tpu.dma_semaphore, #tpu.memory_space<semaphore_mem>>) src(%arg9 : memref<64x128xf32, #tpu.memory_space<vmem>>) dst(%dma_wait3A_258 : memref<10240x128xf32, #tpu.memory_space<vmem_shared>>)
      } else {
      }
      %add3A_234 = arith.constant 2 : i32
      %add3A_235 = arith.addi %add3A_225, %add3A_234 : i32
      %lt3A_236 = arith.constant 160 : i32
      %lt3A_237 = arith.cmpi slt, %add3A_235, %lt3A_236 : i32
      %convert_element_type3A_238 = arith.extui %lt3A_237 : i1 to i32
      %cond3A_239 = arith.constant 0 : i32
      %cond3A_240 = arith.cmpi ne, %convert_element_type3A_238, %cond3A_239 : i32
      scf.if %cond3A_240 {
        %add3A_256 = arith.constant 2 : i32
        %add3A_257 = arith.addi %add3A_225, %add3A_256 : i32
        %dma_start3A_258 = arith.constant 0 : i32
        %dma_start3A_259 = tpu.memref_slice %arg3[%add3A, %add3A_257, %dma_start3A_258] : memref<32x160x64xi32, #tpu.memory_space<hbm>> -> memref<1x1x64xi32, #tpu.memory_space<hbm>>
        %dma_start3A_260 = tpu.memref_squeeze %dma_start3A_259 : memref<1x1x64xi32, #tpu.memory_space<hbm>> -> memref<64xi32, #tpu.memory_space<hbm>>
        %dma_start3A_261 = arith.constant 0 : i32
        %dma_start3A_262 = tpu.memref_slice %arg3[%add3A, %add3A_257, %dma_start3A_261] : memref<32x160x64xi32, #tpu.memory_space<hbm>> -> memref<1x1x64xi32, #tpu.memory_space<hbm>>
        %dma_start3A_263 = tpu.memref_squeeze %dma_start3A_262 : memref<1x1x64xi32, #tpu.memory_space<hbm>> -> memref<64xi32, #tpu.memory_space<hbm>>
        tpu.enqueue_dma source(%dma_start3A_263 : memref<64xi32, #tpu.memory_space<hbm>>) target(%arg13 : memref<64xi32, #tpu.memory_space<vmem>>) target_semaphore(%arg33 : memref<!tpu.dma_semaphore, #tpu.memory_space<semaphore_mem>>)
        %dma_start3A_264 = arith.constant 0 : i32
        %dma_start3A_265 = tpu.memref_slice %arg4[%add3A, %add3A_257, %dma_start3A_264] : memref<32x160x64xi32, #tpu.memory_space<hbm>> -> memref<1x1x64xi32, #tpu.memory_space<hbm>>
        %dma_start3A_266 = tpu.memref_squeeze %dma_start3A_265 : memref<1x1x64xi32, #tpu.memory_space<hbm>> -> memref<64xi32, #tpu.memory_space<hbm>>
        %dma_start3A_267 = arith.constant 0 : i32
        %dma_start3A_268 = tpu.memref_slice %arg4[%add3A, %add3A_257, %dma_start3A_267] : memref<32x160x64xi32, #tpu.memory_space<hbm>> -> memref<1x1x64xi32, #tpu.memory_space<hbm>>
        %dma_start3A_269 = tpu.memref_squeeze %dma_start3A_268 : memref<1x1x64xi32, #tpu.memory_space<hbm>> -> memref<64xi32, #tpu.memory_space<hbm>>
        tpu.enqueue_dma source(%dma_start3A_269 : memref<64xi32, #tpu.memory_space<hbm>>) target(%arg17 : memref<64xi32, #tpu.memory_space<vmem>>) target_semaphore(%arg33 : memref<!tpu.dma_semaphore, #tpu.memory_space<semaphore_mem>>)
        %dma_start3A_270 = arith.constant 0 : i32
        %dma_start3A_271 = tpu.memref_slice %arg5[%add3A, %add3A_257, %dma_start3A_270] : memref<32x160x64xf32, #tpu.memory_space<hbm>> -> memref<1x1x64xf32, #tpu.memory_space<hbm>>
        %dma_start3A_272 = tpu.memref_squeeze %dma_start3A_271 : memref<1x1x64xf32, #tpu.memory_space<hbm>> -> memref<64xf32, #tpu.memory_space<hbm>>
        %dma_start3A_273 = arith.constant 0 : i32
        %dma_start3A_274 = tpu.memref_slice %arg5[%add3A, %add3A_257, %dma_start3A_273] : memref<32x160x64xf32, #tpu.memory_space<hbm>> -> memref<1x1x64xf32, #tpu.memory_space<hbm>>
        %dma_start3A_275 = tpu.memref_squeeze %dma_start3A_274 : memref<1x1x64xf32, #tpu.memory_space<hbm>> -> memref<64xf32, #tpu.memory_space<hbm>>
        tpu.enqueue_dma source(%dma_start3A_275 : memref<64xf32, #tpu.memory_space<hbm>>) target(%arg21 : memref<64xf32, #tpu.memory_space<vmem>>) target_semaphore(%arg33 : memref<!tpu.dma_semaphore, #tpu.memory_space<semaphore_mem>>)
      } else {
      }
      %scan3A_241 = arith.constant 0 : i32
      %scan3A_242 = arith.constant 64 : i32
      %scan3A_243 = arith.addi %scan3A_241, %scan3A_242 : i32
      %scan3A_244 = arith.constant 1 : i32
      scf.for %scan3A_256 = %scan3A_241 to %scan3A_243 step %scan3A_244  : i32 {
        %mul3A_257 = arith.constant 1 : i32
        %mul3A_258 = arith.muli %scan3A_256, %mul3A_257 : i32
        %add3A_259 = arith.constant 0 : i32
        %add3A_260 = arith.addi %add3A_259, %mul3A_258 : i32
        %broadcast_in_dim3A = vector.broadcast %add3A_260 : i32 to vector<16xi32>
        %gather3A = tpu.vector_load_idx %arg23[%broadcast_in_dim3A] : memref<64xf32, #tpu.memory_space<vmem>>[vector<16xi32>], vector<16xf32>,
        %get3A = arith.index_cast %add3A_260 : i32 to index
        %get3A_261 = arith.constant 0 : index
        %get3A_262 = tpu.vector_load %arg11[%get3A, %get3A_261] {strides = array<i32>} : memref<64x128xf32, #tpu.memory_space<vmem>>, vector<16xf32>,
        %mul3A_263 = arith.mulf %get3A_262, %gather3A : vector<16xf32>
        %swap3A = arith.index_cast %add3A_260 : i32 to index
        %swap3A_264 = arith.constant 0 : index
        %swap3A_265 = tpu.vector_load %arg11[%swap3A, %swap3A_264] {strides = array<i32>} : memref<64x128xf32, #tpu.memory_space<vmem>>, vector<16xf32>,
        tpu.vector_store %arg11[%swap3A, %swap3A_264], %mul3A_263 {strides = array<i32>} : memref<64x128xf32, #tpu.memory_space<vmem>>, vector<16xf32>,
        %get3A_266 = arith.index_cast %add3A_260 : i32 to index
        %get3A_267 = arith.constant 16 : index
        %get3A_268 = tpu.vector_load %arg11[%get3A_266, %get3A_267] {strides = array<i32>} : memref<64x128xf32, #tpu.memory_space<vmem>>, vector<16xf32>,
        %mul3A_269 = arith.mulf %get3A_268, %gather3A : vector<16xf32>
        %swap3A_270 = arith.index_cast %add3A_260 : i32 to index
        %swap3A_271 = arith.constant 16 : index
        %swap3A_272 = tpu.vector_load %arg11[%swap3A_270, %swap3A_271] {strides = array<i32>} : memref<64x128xf32, #tpu.memory_space<vmem>>, vector<16xf32>,
        tpu.vector_store %arg11[%swap3A_270, %swap3A_271], %mul3A_269 {strides = array<i32>} : memref<64x128xf32, #tpu.memory_space<vmem>>, vector<16xf32>,
        %get3A_273 = arith.index_cast %add3A_260 : i32 to index
        %get3A_274 = arith.constant 32 : index
        %get3A_275 = tpu.vector_load %arg11[%get3A_273, %get3A_274] {strides = array<i32>} : memref<64x128xf32, #tpu.memory_space<vmem>>, vector<16xf32>,
        %mul3A_276 = arith.mulf %get3A_275, %gather3A : vector<16xf32>
        %swap3A_277 = arith.index_cast %add3A_260 : i32 to index
        %swap3A_278 = arith.constant 32 : index
        %swap3A_279 = tpu.vector_load %arg11[%swap3A_277, %swap3A_278] {strides = array<i32>} : memref<64x128xf32, #tpu.memory_space<vmem>>, vector<16xf32>,
        tpu.vector_store %arg11[%swap3A_277, %swap3A_278], %mul3A_276 {strides = array<i32>} : memref<64x128xf32, #tpu.memory_space<vmem>>, vector<16xf32>,
        %get3A_280 = arith.index_cast %add3A_260 : i32 to index
        %get3A_281 = arith.constant 48 : index
        %get3A_282 = tpu.vector_load %arg11[%get3A_280, %get3A_281] {strides = array<i32>} : memref<64x128xf32, #tpu.memory_space<vmem>>, vector<16xf32>,
        %mul3A_283 = arith.mulf %get3A_282, %gather3A : vector<16xf32>
        %swap3A_284 = arith.index_cast %add3A_260 : i32 to index
        %swap3A_285 = arith.constant 48 : index
        %swap3A_286 = tpu.vector_load %arg11[%swap3A_284, %swap3A_285] {strides = array<i32>} : memref<64x128xf32, #tpu.memory_space<vmem>>, vector<16xf32>,
        tpu.vector_store %arg11[%swap3A_284, %swap3A_285], %mul3A_283 {strides = array<i32>} : memref<64x128xf32, #tpu.memory_space<vmem>>, vector<16xf32>,
        %get3A_287 = arith.index_cast %add3A_260 : i32 to index
        %get3A_288 = arith.constant 64 : index
        %get3A_289 = tpu.vector_load %arg11[%get3A_287, %get3A_288] {strides = array<i32>} : memref<64x128xf32, #tpu.memory_space<vmem>>, vector<16xf32>,
        %mul3A_290 = arith.mulf %get3A_289, %gather3A : vector<16xf32>
        %swap3A_291 = arith.index_cast %add3A_260 : i32 to index
        %swap3A_292 = arith.constant 64 : index
        %swap3A_293 = tpu.vector_load %arg11[%swap3A_291, %swap3A_292] {strides = array<i32>} : memref<64x128xf32, #tpu.memory_space<vmem>>, vector<16xf32>,
        tpu.vector_store %arg11[%swap3A_291, %swap3A_292], %mul3A_290 {strides = array<i32>} : memref<64x128xf32, #tpu.memory_space<vmem>>, vector<16xf32>,
        %get3A_294 = arith.index_cast %add3A_260 : i32 to index
        %get3A_295 = arith.constant 80 : index
        %get3A_296 = tpu.vector_load %arg11[%get3A_294, %get3A_295] {strides = array<i32>} : memref<64x128xf32, #tpu.memory_space<vmem>>, vector<16xf32>,
        %mul3A_297 = arith.mulf %get3A_296, %gather3A : vector<16xf32>
        %swap3A_298 = arith.index_cast %add3A_260 : i32 to index
        %swap3A_299 = arith.constant 80 : index
        %swap3A_300 = tpu.vector_load %arg11[%swap3A_298, %swap3A_299] {strides = array<i32>} : memref<64x128xf32, #tpu.memory_space<vmem>>, vector<16xf32>,
        tpu.vector_store %arg11[%swap3A_298, %swap3A_299], %mul3A_297 {strides = array<i32>} : memref<64x128xf32, #tpu.memory_space<vmem>>, vector<16xf32>,
        %get3A_301 = arith.index_cast %add3A_260 : i32 to index
        %get3A_302 = arith.constant 96 : index
        %get3A_303 = tpu.vector_load %arg11[%get3A_301, %get3A_302] {strides = array<i32>} : memref<64x128xf32, #tpu.memory_space<vmem>>, vector<16xf32>,
        %mul3A_304 = arith.mulf %get3A_303, %gather3A : vector<16xf32>
        %swap3A_305 = arith.index_cast %add3A_260 : i32 to index
        %swap3A_306 = arith.constant 96 : index
        %swap3A_307 = tpu.vector_load %arg11[%swap3A_305, %swap3A_306] {strides = array<i32>} : memref<64x128xf32, #tpu.memory_space<vmem>>, vector<16xf32>,
        tpu.vector_store %arg11[%swap3A_305, %swap3A_306], %mul3A_304 {strides = array<i32>} : memref<64x128xf32, #tpu.memory_space<vmem>>, vector<16xf32>,
        %get3A_308 = arith.index_cast %add3A_260 : i32 to index
        %get3A_309 = arith.constant 112 : index
        %get3A_310 = tpu.vector_load %arg11[%get3A_308, %get3A_309] {strides = array<i32>} : memref<64x128xf32, #tpu.memory_space<vmem>>, vector<16xf32>,
        %mul3A_311 = arith.mulf %get3A_310, %gather3A : vector<16xf32>
        %swap3A_312 = arith.index_cast %add3A_260 : i32 to index
        %swap3A_313 = arith.constant 112 : index
        %swap3A_314 = tpu.vector_load %arg11[%swap3A_312, %swap3A_313] {strides = array<i32>} : memref<64x128xf32, #tpu.memory_space<vmem>>, vector<16xf32>,
        tpu.vector_store %arg11[%swap3A_312, %swap3A_313], %mul3A_311 {strides = array<i32>} : memref<64x128xf32, #tpu.memory_space<vmem>>, vector<16xf32>,
      }
      %scan3A_245 = arith.constant 64 : i32
      %add3A_246 = arith.constant 2 : i32
      %add3A_247 = arith.addi %add3A_225, %add3A_246 : i32
      %lt3A_248 = arith.constant 160 : i32
      %lt3A_249 = arith.cmpi slt, %add3A_247, %lt3A_248 : i32
      %convert_element_type3A_250 = arith.extui %lt3A_249 : i1 to i32
      %cond3A_251 = arith.constant 0 : i32
      %cond3A_252 = arith.cmpi ne, %convert_element_type3A_250, %cond3A_251 : i32
      scf.if %cond3A_252 {
        %add3A_256 = arith.constant 2 : i32
        %add3A_257 = arith.addi %add3A_225, %add3A_256 : i32
        %dma_wait3A_258 = arith.constant 0 : i32
        %dma_wait3A_259 = tpu.memref_slice %arg3[%add3A, %add3A_257, %dma_wait3A_258] : memref<32x160x64xi32, #tpu.memory_space<hbm>> -> memref<1x1x64xi32, #tpu.memory_space<hbm>>
        %dma_wait3A_260 = tpu.memref_squeeze %dma_wait3A_259 : memref<1x1x64xi32, #tpu.memory_space<hbm>> -> memref<64xi32, #tpu.memory_space<hbm>>
        %dma_wait3A_261 = arith.constant 0 : i32
        %dma_wait3A_262 = tpu.memref_slice %arg3[%add3A, %add3A_257, %dma_wait3A_261] : memref<32x160x64xi32, #tpu.memory_space<hbm>> -> memref<1x1x64xi32, #tpu.memory_space<hbm>>
        %dma_wait3A_263 = tpu.memref_squeeze %dma_wait3A_262 : memref<1x1x64xi32, #tpu.memory_space<hbm>> -> memref<64xi32, #tpu.memory_space<hbm>>
        tpu.wait_dma2 semaphore(%arg33 : memref<!tpu.dma_semaphore, #tpu.memory_space<semaphore_mem>>) src(%dma_wait3A_263 : memref<64xi32, #tpu.memory_space<hbm>>) dst(%arg13 : memref<64xi32, #tpu.memory_space<vmem>>)
        %dma_wait3A_264 = arith.constant 0 : i32
        %dma_wait3A_265 = tpu.memref_slice %arg4[%add3A, %add3A_257, %dma_wait3A_264] : memref<32x160x64xi32, #tpu.memory_space<hbm>> -> memref<1x1x64xi32, #tpu.memory_space<hbm>>
        %dma_wait3A_266 = tpu.memref_squeeze %dma_wait3A_265 : memref<1x1x64xi32, #tpu.memory_space<hbm>> -> memref<64xi32, #tpu.memory_space<hbm>>
        %dma_wait3A_267 = arith.constant 0 : i32
        %dma_wait3A_268 = tpu.memref_slice %arg4[%add3A, %add3A_257, %dma_wait3A_267] : memref<32x160x64xi32, #tpu.memory_space<hbm>> -> memref<1x1x64xi32, #tpu.memory_space<hbm>>
        %dma_wait3A_269 = tpu.memref_squeeze %dma_wait3A_268 : memref<1x1x64xi32, #tpu.memory_space<hbm>> -> memref<64xi32, #tpu.memory_space<hbm>>
        tpu.wait_dma2 semaphore(%arg33 : memref<!tpu.dma_semaphore, #tpu.memory_space<semaphore_mem>>) src(%dma_wait3A_269 : memref<64xi32, #tpu.memory_space<hbm>>) dst(%arg17 : memref<64xi32, #tpu.memory_space<vmem>>)
        %dma_wait3A_270 = arith.constant 0 : i32
        %dma_wait3A_271 = tpu.memref_slice %arg5[%add3A, %add3A_257, %dma_wait3A_270] : memref<32x160x64xf32, #tpu.memory_space<hbm>> -> memref<1x1x64xf32, #tpu.memory_space<hbm>>
        %dma_wait3A_272 = tpu.memref_squeeze %dma_wait3A_271 : memref<1x1x64xf32, #tpu.memory_space<hbm>> -> memref<64xf32, #tpu.memory_space<hbm>>
        %dma_wait3A_273 = arith.constant 0 : i32
        %dma_wait3A_274 = tpu.memref_slice %arg5[%add3A, %add3A_257, %dma_wait3A_273] : memref<32x160x64xf32, #tpu.memory_space<hbm>> -> memref<1x1x64xf32, #tpu.memory_space<hbm>>
        %dma_wait3A_275 = tpu.memref_squeeze %dma_wait3A_274 : memref<1x1x64xf32, #tpu.memory_space<hbm>> -> memref<64xf32, #tpu.memory_space<hbm>>
        tpu.wait_dma2 semaphore(%arg33 : memref<!tpu.dma_semaphore, #tpu.memory_space<semaphore_mem>>) src(%dma_wait3A_275 : memref<64xf32, #tpu.memory_space<hbm>>) dst(%arg21 : memref<64xf32, #tpu.memory_space<vmem>>)
        %dma_start3A_276 = arith.constant 0 : i32
        %dma_start3A_277 = arith.constant 0 : i32
        %dma_start3A_278 = tpu.memref_slice %arg2[%dma_start3A_276, %dma_start3A_277] : memref<10000x128xf32, #tpu.memory_space<hbm>> -> memref<10000x128xf32, #tpu.memory_space<hbm>>
        tpu.enqueue_indirect_dma source(%dma_start3A_278 : memref<10000x128xf32, #tpu.memory_space<hbm>>) target(%arg9 : memref<64x128xf32, #tpu.memory_space<vmem>>) offsets(%arg13 : memref<64xi32, #tpu.memory_space<vmem>>) semaphore(%arg25 : memref<!tpu.dma_semaphore, #tpu.memory_space<semaphore_mem>>)
      } else {
      }
      %dma_start3A_253 = arith.constant 0 : i32
      %dma_start3A_254 = arith.constant 0 : i32
      %dma_start3A_255 = tpu.memref_slice %arg7[%dma_start3A_253, %dma_start3A_254] : memref<10240x128xf32, #tpu.memory_space<vmem_shared>> -> memref<10240x128xf32, #tpu.memory_space<vmem_shared>>
      tpu.enqueue_indirect_dma source(%arg11 : memref<64x128xf32, #tpu.memory_space<vmem>>) target(%dma_start3A_255 : memref<10240x128xf32, #tpu.memory_space<vmem_shared>>) offsets(%arg19 : memref<64xi32, #tpu.memory_space<vmem>>) semaphore(%arg31 : memref<!tpu.dma_semaphore, #tpu.memory_space<semaphore_mem>>) {add = true}
    }
    %scan3A_119 = arith.constant 40 : i32
    %dma_wait3A_120 = arith.constant 0 : i32
    %dma_wait3A_121 = arith.constant 0 : i32
    %dma_wait3A_122 = tpu.memref_slice %arg7[%dma_wait3A_120, %dma_wait3A_121] : memref<10240x128xf32, #tpu.memory_space<vmem_shared>> -> memref<10240x128xf32, #tpu.memory_space<vmem_shared>>
    tpu.wait_indirect_dma semaphore(%arg30 : memref<!tpu.dma_semaphore, #tpu.memory_space<semaphore_mem>>) src(%arg10 : memref<64x128xf32, #tpu.memory_space<vmem>>) dst(%dma_wait3A_122 : memref<10240x128xf32, #tpu.memory_space<vmem_shared>>)
    %dma_wait3A_123 = arith.constant 0 : i32
    %dma_wait3A_124 = arith.constant 0 : i32
    %dma_wait3A_125 = tpu.memref_slice %arg7[%dma_wait3A_123, %dma_wait3A_124] : memref<10240x128xf32, #tpu.memory_space<vmem_shared>> -> memref<10240x128xf32, #tpu.memory_space<vmem_shared>>
    tpu.wait_indirect_dma semaphore(%arg31 : memref<!tpu.dma_semaphore, #tpu.memory_space<semaphore_mem>>) src(%arg11 : memref<64x128xf32, #tpu.memory_space<vmem>>) dst(%dma_wait3A_125 : memref<10240x128xf32, #tpu.memory_space<vmem_shared>>)
    %barrier3A_126 = arith.constant 0 : index
    tpu.barrier barrier_id(%barrier3A_126)
    "tpu.region"() ({
      %run_scoped3A = tpu.sem_alloc : memref<!tpu.dma_semaphore, #tpu.memory_space<semaphore_mem>>
      %dma_start3A_127 = arith.constant 0 : i32
      %dma_start3A_128 = tpu.memref_slice %arg6[%arg0, %mul3A_6, %dma_start3A_127] : memref<2x10240x128xf32, #tpu.memory_space<hbm>> -> memref<1x640x128xf32, #tpu.memory_space<hbm>>
      %dma_start3A_129 = tpu.memref_squeeze %dma_start3A_128 : memref<1x640x128xf32, #tpu.memory_space<hbm>> -> memref<640x128xf32, #tpu.memory_space<hbm>>
      %dma_start3A_130 = arith.constant 0 : i32
      %dma_start3A_131 = tpu.memref_slice %arg7[%mul3A_6, %dma_start3A_130] : memref<10240x128xf32, #tpu.memory_space<vmem_shared>> -> memref<640x128xf32, #tpu.memory_space<vmem_shared>>
      tpu.enqueue_dma source(%dma_start3A_131 : memref<640x128xf32, #tpu.memory_space<vmem_shared>>) target(%dma_start3A_129 : memref<640x128xf32, #tpu.memory_space<hbm>>) target_semaphore(%run_scoped3A : memref<!tpu.dma_semaphore, #tpu.memory_space<semaphore_mem>>)
      %dma_wait3A_132 = arith.constant 0 : i32
      %dma_wait3A_133 = tpu.memref_slice %arg6[%arg0, %mul3A_6, %dma_wait3A_132] : memref<2x10240x128xf32, #tpu.memory_space<hbm>> -> memref<1x640x128xf32, #tpu.memory_space<hbm>>
      %dma_wait3A_134 = tpu.memref_squeeze %dma_wait3A_133 : memref<1x640x128xf32, #tpu.memory_space<hbm>> -> memref<640x128xf32, #tpu.memory_space<hbm>>
      %dma_wait3A_135 = arith.constant 0 : i32
      %dma_wait3A_136 = tpu.memref_slice %arg7[%mul3A_6, %dma_wait3A_135] : memref<10240x128xf32, #tpu.memory_space<vmem_shared>> -> memref<640x128xf32, #tpu.memory_space<vmem_shared>>
      tpu.wait_dma2 semaphore(%run_scoped3A : memref<!tpu.dma_semaphore, #tpu.memory_space<semaphore_mem>>) src(%dma_wait3A_136 : memref<640x128xf32, #tpu.memory_space<vmem_shared>>) dst(%dma_wait3A_134 : memref<640x128xf32, #tpu.memory_space<hbm>>)
      tpu.yield
    }) : () -> ()
    return
  }
}

module attributes {stable_mosaic.version = 14 : i64} {
  func.func @body(%arg0: i32, %arg1: memref<1000x128xf32, #tpu.memory_space<vmem>>, %arg2: memref<1000x128xf32, #tpu.memory_space<vmem>>, %arg3: memref<1000x128xf32, #tpu.memory_space<vmem>>, %arg4: memref<1000x128xf32, #tpu.memory_space<vmem>>, %arg5: memref<1000x128xf32, #tpu.memory_space<vmem>>, %arg6: memref<1000x128xf32, #tpu.memory_space<vmem>>) attributes {dimension_semantics = [#tpu.dimension_semantics<arbitrary>], iteration_bounds = array<i64: 10>, scalar_prefetch = 0 : i64, scratch_operands = 0 : i64, tpu.core_type = #tpu.core_type<tc>, window_params = [{transform_indices = @transform_0, window_bounds = array<i64: 1000, 128>}, {transform_indices = @transform_1, window_bounds = array<i64: 1000, 128>}, {transform_indices = @transform_2, window_bounds = array<i64: 1000, 128>}, {transform_indices = @transform_3, window_bounds = array<i64: 1000, 128>}, {transform_indices = @transform_4, window_bounds = array<i64: 1000, 128>}, {transform_indices = @transform_5, window_bounds = array<i64: 1000, 128>}]} {
    %get3A = arith.constant 0 : index
    %get3A_0 = arith.constant 0 : index
    %get3A_1 = vector.load %arg1[%get3A, %get3A_0] : memref<1000x128xf32, #tpu.memory_space<vmem>>, vector<1000x128xf32>
    %get3A_2 = arith.constant 0 : index
    %get3A_3 = arith.constant 0 : index
    %get3A_4 = vector.load %arg2[%get3A_2, %get3A_3] : memref<1000x128xf32, #tpu.memory_space<vmem>>, vector<1000x128xf32>
    %add3A = arith.addf %get3A_1, %get3A_4 : vector<1000x128xf32>
    %get3A_5 = arith.constant 0 : index
    %get3A_6 = arith.constant 0 : index
    %get3A_7 = vector.load %arg3[%get3A_5, %get3A_6] : memref<1000x128xf32, #tpu.memory_space<vmem>>, vector<1000x128xf32>
    %add3A_8 = arith.addf %add3A, %get3A_7 : vector<1000x128xf32>
    %swap3A = arith.constant 0 : index
    %swap3A_9 = arith.constant 0 : index
    %swap3A_10 = vector.load %arg5[%swap3A, %swap3A_9] : memref<1000x128xf32, #tpu.memory_space<vmem>>, vector<1000x128xf32>
    tpu.vector_store %arg5[%swap3A, %swap3A_9], %add3A_8 {strides = array<i32>} : memref<1000x128xf32, #tpu.memory_space<vmem>>, vector<1000x128xf32>,
    %get3A_11 = arith.constant 0 : index
    %get3A_12 = arith.constant 0 : index
    %get3A_13 = vector.load %arg4[%get3A_11, %get3A_12] : memref<1000x128xf32, #tpu.memory_space<vmem>>, vector<1000x128xf32>
    %add3A_14 = arith.addf %get3A_13, %add3A_8 : vector<1000x128xf32>
    %mul3A = arith.constant 1.000000e+00 : f32
    %mul3A_15 = vector.broadcast %mul3A : f32 to vector<1000x128xf32>
    %mul3A_16 = arith.mulf %add3A_14, %mul3A_15 : vector<1000x128xf32>
    %swap3A_17 = arith.constant 0 : index
    %swap3A_18 = arith.constant 0 : index
    %swap3A_19 = vector.load %arg6[%swap3A_17, %swap3A_18] : memref<1000x128xf32, #tpu.memory_space<vmem>>, vector<1000x128xf32>
    tpu.vector_store %arg6[%swap3A_17, %swap3A_18], %mul3A_16 {strides = array<i32>} : memref<1000x128xf32, #tpu.memory_space<vmem>>, vector<1000x128xf32>,
    return
  }
  func.func @transform_0(%arg0: i32) -> (i32, i32) {
    %c0_i32 = arith.constant 0 : i32
    %c0_i32_0 = arith.constant 0 : i32
    return %arg0, %c0_i32 : i32, i32
  }
  func.func @transform_1(%arg0: i32) -> (i32, i32) {
    %c0_i32 = arith.constant 0 : i32
    %c0_i32_0 = arith.constant 0 : i32
    return %arg0, %c0_i32 : i32, i32
  }
  func.func @transform_2(%arg0: i32) -> (i32, i32) {
    %c0_i32 = arith.constant 0 : i32
    %c0_i32_0 = arith.constant 0 : i32
    return %arg0, %c0_i32 : i32, i32
  }
  func.func @transform_3(%arg0: i32) -> (i32, i32) {
    %c0_i32 = arith.constant 0 : i32
    %c0_i32_0 = arith.constant 0 : i32
    return %arg0, %c0_i32 : i32, i32
  }
  func.func @transform_4(%arg0: i32) -> (i32, i32) {
    %c0_i32 = arith.constant 0 : i32
    %c0_i32_0 = arith.constant 0 : i32
    return %arg0, %c0_i32 : i32, i32
  }
  func.func @transform_5(%arg0: i32) -> (i32, i32) {
    %c0_i32 = arith.constant 0 : i32
    %c0_i32_0 = arith.constant 0 : i32
    return %arg0, %c0_i32 : i32, i32
  }
}

module attributes {stable_mosaic.version = 14 : i64} {
  func.func @body(%arg0: i32, %arg1: memref<1000x128xf32, #tpu.memory_space<vmem>>, %arg2: memref<1000x128xf32, #tpu.memory_space<vmem>>, %arg3: memref<1000x128xf32, #tpu.memory_space<vmem>>, %arg4: memref<1000x128xf32, #tpu.memory_space<vmem>>, %arg5: memref<1000x128xf32, #tpu.memory_space<vmem>>, %arg6: memref<1000x128xf32, #tpu.memory_space<vmem>>) attributes {dimension_semantics = [#tpu.dimension_semantics<arbitrary>], iteration_bounds = array<i64: 10>, scalar_prefetch = 0 : i64, scratch_operands = 0 : i64, tpu.core_type = #tpu.core_type<tc>, window_params = [{transform_indices = @transform_0, window_bounds = array<i64: 1000, 128>}, {transform_indices = @transform_1, window_bounds = array<i64: 1000, 128>}, {transform_indices = @transform_2, window_bounds = array<i64: 1000, 128>}, {transform_indices = @transform_3, window_bounds = array<i64: 1000, 128>}, {transform_indices = @transform_4, window_bounds = array<i64: 1000, 128>}, {transform_indices = @transform_5, window_bounds = array<i64: 1000, 128>}]} {
    %get3A = arith.constant 0 : index
    %get3A_0 = arith.constant 0 : index
    %get3A_1 = vector.load %arg1[%get3A, %get3A_0] : memref<1000x128xf32, #tpu.memory_space<vmem>>, vector<1000x128xf32>
    %get3A_2 = arith.constant 0 : index
    %get3A_3 = arith.constant 0 : index
    %get3A_4 = vector.load %arg2[%get3A_2, %get3A_3] : memref<1000x128xf32, #tpu.memory_space<vmem>>, vector<1000x128xf32>
    %add3A = arith.addf %get3A_1, %get3A_4 : vector<1000x128xf32>
    %get3A_5 = arith.constant 0 : index
    %get3A_6 = arith.constant 0 : index
    %get3A_7 = vector.load %arg3[%get3A_5, %get3A_6] : memref<1000x128xf32, #tpu.memory_space<vmem>>, vector<1000x128xf32>
    %add3A_8 = arith.addf %add3A, %get3A_7 : vector<1000x128xf32>
    %swap3A = arith.constant 0 : index
    %swap3A_9 = arith.constant 0 : index
    %swap3A_10 = vector.load %arg5[%swap3A, %swap3A_9] : memref<1000x128xf32, #tpu.memory_space<vmem>>, vector<1000x128xf32>
    tpu.vector_store %arg5[%swap3A, %swap3A_9], %add3A_8 {strides = array<i32>} : memref<1000x128xf32, #tpu.memory_space<vmem>>, vector<1000x128xf32>,
    %get3A_11 = arith.constant 0 : index
    %get3A_12 = arith.constant 0 : index
    %get3A_13 = vector.load %arg4[%get3A_11, %get3A_12] : memref<1000x128xf32, #tpu.memory_space<vmem>>, vector<1000x128xf32>
    %add3A_14 = arith.addf %get3A_13, %add3A_8 : vector<1000x128xf32>
    %mul3A = arith.constant 2.500000e-01 : f32
    %mul3A_15 = vector.broadcast %mul3A : f32 to vector<1000x128xf32>
    %mul3A_16 = arith.mulf %add3A_14, %mul3A_15 : vector<1000x128xf32>
    %swap3A_17 = arith.constant 0 : index
    %swap3A_18 = arith.constant 0 : index
    %swap3A_19 = vector.load %arg6[%swap3A_17, %swap3A_18] : memref<1000x128xf32, #tpu.memory_space<vmem>>, vector<1000x128xf32>
    tpu.vector_store %arg6[%swap3A_17, %swap3A_18], %mul3A_16 {strides = array<i32>} : memref<1000x128xf32, #tpu.memory_space<vmem>>, vector<1000x128xf32>,
    return
  }
  func.func @transform_0(%arg0: i32) -> (i32, i32) {
    %c0_i32 = arith.constant 0 : i32
    %c0_i32_0 = arith.constant 0 : i32
    return %arg0, %c0_i32 : i32, i32
  }
  func.func @transform_1(%arg0: i32) -> (i32, i32) {
    %c0_i32 = arith.constant 0 : i32
    %c0_i32_0 = arith.constant 0 : i32
    return %arg0, %c0_i32 : i32, i32
  }
  func.func @transform_2(%arg0: i32) -> (i32, i32) {
    %c0_i32 = arith.constant 0 : i32
    %c0_i32_0 = arith.constant 0 : i32
    return %arg0, %c0_i32 : i32, i32
  }
  func.func @transform_3(%arg0: i32) -> (i32, i32) {
    %c0_i32 = arith.constant 0 : i32
    %c0_i32_0 = arith.constant 0 : i32
    return %arg0, %c0_i32 : i32, i32
  }
  func.func @transform_4(%arg0: i32) -> (i32, i32) {
    %c0_i32 = arith.constant 0 : i32
    %c0_i32_0 = arith.constant 0 : i32
    return %arg0, %c0_i32 : i32, i32
  }
  func.func @transform_5(%arg0: i32) -> (i32, i32) {
    %c0_i32 = arith.constant 0 : i32
    %c0_i32_0 = arith.constant 0 : i32
    return %arg0, %c0_i32 : i32, i32
  }
}

</mosaic_0001>

<sc_bundles>
// kernel: kernel.11.cloned.1.call-start
scs
__scs_entry_jumppad:
0x0: {  	(pc) =	sbr.rel $0x88, $3  }
0x1: {  	(tag) =	ssettag $0x0;
	lr =	simm.s32 $0x1  }
0x2: {  	[smem:$0x3F9E] =	sst lr;
	_ =	strace $0xD0000000  }
0x3: {  	_ = 	snop  }
0x4: {  	_ = 	snop  }
0x5: {  	_ = 	snop  }
0x6: {  	_ = 	snop  }
0x7: {  	_ = 	snop  }
__scs_overlays_trampoline_lowered:
0x8: {  	[smem:$0x3FAD] =	sst s0  }
0x9: {  	[smem:$0x3FAE] =	sst s1  }
0xa: {  	[smem:$0x3FAF] =	sst s2  }
0xb: {  	[smem:$0x3FB0] =	sst s3  }
0xc: {  	[smem:$0x3FB1] =	sst s4  }
0xd: {  	[smem:$0x3FB2] =	sst s5  }
0xe: {  	[smem:$0x3FB3] =	sst s6  }
0xf: {  	[smem:$0x3FB4] =	sst s7  }
0x10: {  	[smem:$0x3FB5] =	sst s8  }
0x11: {  	[smem:$0x3FB6] =	sst s9;
	s0 =	simm.s32 @!p0 $0x0  }
0x12: {  	s1 =	sld [smem:$0x3F9C];
	s0 =	simm.s32 @p0 $0x1  }
0x13: {  	[smem:$0x3FB7] =	sst s0;
	s0 =	simm.s32 @!p1 $0x0  }
0x14: {  	s2 =	sld [smem:$0x3F9B];
	s0 =	simm.s32 @p1 $0x1  }
0x15: {  	[smem:$0x3FB8] =	sst s0;
	s0 =	simm.s32 @!p2 $0x0  }
0x16: {  	s3 =	sld [smem:$0x3FDB];
	s0 =	simm.s32 @p2 $0x1  }
0x17: {  	s4 =	simm.s32 $0x1BF5;
	[smem:$0x3FBA] =	sst s0  }
0x18: {  	s0 =	sld [smem:$0x3F9D];
	_ =	swait.ge [sflag:s4], $0x0  }
0x19: {  	s7 =	sld [smem:$0x3F9E]  }
0x1a: {  	s8 =	sadd.s32 $0xFFFFE003, lr  }
0x1b: {  	s9 =	sadd.s32 $0xFFFFFEF7, lr;
	s5 =	simm.s32 $0xFFFFFFFF;
	p2 =	slt.u32 s8, $0xFFFFF086  }
0x1c: {  	p1 =	slt.u32 s9, $0xF7A;
	s5 =	simm.s32 @!p2 $0x0  }
0x1d: {  	s5 =	simm.s32 @p1 $0x1;
	p0 =	seq.s32 s7, s2  }
0x1e: {  	s7 =	smul.u32 @!p0 $0xF7A, s2;
	p2 =	seq.s32 @!p0 s5, $0x0  }
0x1f: {  	s9 =	smul.u32 $0xF7A, s1;
	s8 =	simm.s32 @!p0 $0x1BF5;
	p2 =	por !p2, p0  }
0x20: {  	[sflag:s8] =	ssyncset.s32 @!p0 $0xFFFFF086;
	s6 =	sadd.s32 @!p0 s3, s7;
	s7 =	simm.s32 @!p0 $0x108  }
0x21: {  	s3 =	sadd.s32 s3, s9;
	s6 =	sadd.s32 @!p0 $0x88, s6;
	s7 =	simm.s32 @p2 $0x1082  }
0x22: {  	[simem:s7], [sflag:s8] =	dma.local @!p0 [hbm:s6], $0xF7A  }
0x23: {  	s9 =	sor.u32 $0xD0000000, s2;
	s6 =	simm.s32 $0x108;
	_ =	swait.ge @!p0 [sflag:s8], $0x0  }
0x24: {  	s3 =	sadd.s32 $0x88, s3;
	s6 =	simm.s32 @!p1 $0x1082;
	[sflag:s4] =	ssyncset.s32 $0xFFFFF086  }
0x25: {  	[simem:s6], [sflag:s4] =	dma.local [hbm:s3], $0xF7A  }
0x26: {  	[smem:$0x3F9E] =	sst s1;
	(tag) =	ssettag s2;
	_ =	strace s9  }
0x27: {  	s1 =	sld [smem:$0x3FAE]  }
0x28: {  	s2 =	sld [smem:$0x3FAF]  }
0x29: {  	s4 =	sld [smem:$0x3FB1]  }
0x2a: {  	p0 =	seq.s32 s5, $0x0;
	s5 =	sld [smem:$0x3FB2]  }
0x2b: {  	s6 =	sld [smem:$0x3FB3]  }
0x2c: {  	s7 =	sld [smem:$0x3FB4]  }
0x2d: {  	s3 =	simm.s32 $0x108;
	s8 =	sld [smem:$0x3FB5]  }
0x2e: {  	s3 =	simm.s32 @!p0 $0x1082;
	s9 =	sld [smem:$0x3FB6]  }
0x2f: {  	lr =	sadd.s32 s0, s3;
	s0 =	sld [smem:$0x3FAD]  }
0x30: {  	s3 =	sld [smem:$0x3FB0]  }
0x31: {  	[smem:$0x3FB9] =	sst s10  }
0x32: {  	s10 =	sld [smem:$0x3FB7];
	_ =	sdelay $0x3  }
0x33: {  	p0 =	seq.s32 s10, $0x1;
	s10 =	sld [smem:$0x3FB9];
	_ =	sdelay $0x3  }
0x34: {  	[smem:$0x3FB9] =	sst s10  }
0x35: {  	s10 =	sld [smem:$0x3FB8];
	_ =	sdelay $0x3  }
0x36: {  	p1 =	seq.s32 s10, $0x1;
	s10 =	sld [smem:$0x3FB9];
	_ =	sdelay $0x3  }
0x37: {  	[smem:$0x3FB9] =	sst s10  }
0x38: {  	s10 =	sld [smem:$0x3FBA]  }
0x39: {  	_ = 	snop;
	(pc) =	sbr.ind lr, $3  }
0x3a: {  	_ = 	snop  }
0x3b: {  	_ = 	snop  }
0x3c: {  	p2 =	seq.s32 s10, $0x1;
	s10 =	sld [smem:$0x3FB9]  }
0x3d: {  	_ =	shalt  }
0x3e: {  	_ =	shalt  }
0x3f: {  	_ =	shalt  }
0x40: {  	_ =	shalt  }
0x41: {  	_ =	shalt  }
0x42: {  	_ =	shalt  }
0x43: {  	_ =	shalt  }
0x44: {  	_ =	shalt  }
0x45: {  	_ =	shalt  }
0x46: {  	_ =	shalt  }
0x47: {  	_ =	shalt  }
0x48: {  	_ =	shalt  }
0x49: {  	_ =	shalt  }
0x4a: {  	_ =	shalt  }
0x4b: {  	_ =	shalt  }
0x4c: {  	_ =	shalt  }
0x4d: {  	_ =	shalt  }
0x4e: {  	_ =	shalt  }
0x4f: {  	_ =	shalt  }
0x50: {  	_ =	shalt  }
0x51: {  	_ =	shalt  }
0x52: {  	_ =	shalt  }
0x53: {  	_ =	shalt  }
0x54: {  	_ =	shalt  }
0x55: {  	_ =	shalt  }
0x56: {  	_ =	shalt  }
0x57: {  	_ =	shalt  }
0x58: {  	_ =	shalt  }
0x59: {  	_ =	shalt  }
0x5a: {  	_ =	shalt  }
0x5b: {  	_ =	shalt  }
0x5c: {  	_ =	shalt  }
0x5d: {  	_ =	shalt  }
0x5e: {  	_ =	shalt  }
0x5f: {  	_ =	shalt  }
0x60: {  	_ =	shalt  }
0x61: {  	_ =	shalt  }
0x62: {  	_ =	shalt  }
0x63: {  	_ =	shalt  }
0x64: {  	_ =	shalt  }
0x65: {  	_ =	shalt  }
0x66: {  	_ =	shalt  }
0x67: {  	_ =	shalt  }
0x68: {  	_ =	shalt  }
0x69: {  	_ =	shalt  }
0x6a: {  	_ =	shalt  }
0x6b: {  	_ =	shalt  }
0x6c: {  	_ =	shalt  }
0x6d: {  	_ =	shalt  }
0x6e: {  	_ =	shalt  }
0x6f: {  	_ =	shalt  }
0x70: {  	_ =	shalt  }
0x71: {  	_ =	shalt  }
0x72: {  	_ =	shalt  }
0x73: {  	_ =	shalt  }
0x74: {  	_ =	shalt  }
0x75: {  	_ =	shalt  }
0x76: {  	_ =	shalt  }
0x77: {  	_ =	shalt  }
0x78: {  	_ =	shalt  }
0x79: {  	_ =	shalt  }
0x7a: {  	_ =	shalt  }
0x7b: {  	_ =	shalt  }
0x7c: {  	_ =	shalt  }
0x7d: {  	_ =	shalt  }
0x7e: {  	_ =	shalt  }
0x7f: {  	_ =	shalt  }
0x80: {  	_ =	shalt  }
0x81: {  	_ =	shalt  }
0x82: {  	_ =	shalt  }
0x83: {  	_ =	shalt  }
0x84: {  	_ =	shalt  }
0x85: {  	_ =	shalt  }
0x86: {  	_ =	shalt  }
0x87: {  	_ =	shalt  }
.Lfunc_end0:
.L_simem_size_0:
called_computation.1_lowered:
.L_overlay_start_0:
0x88: {  	s2 =	sld [smem:$0x3FD9]  }
0x89: {  	s3 =	sld [smem:$0x3FFE];
	_ =	sdelay $0x1  }
0x8a: {  	s1 =	srdreg.scid  }
0x8b: {  	s0 =	sand.u32 $0x1, s1  }
0x8c: {  	s17 =	sshll.u32 s0, $0xA;
	s2 =	sadd.s32 s3, s2  }
0x8d: {  	s2 =	sadd.s32 s2, s17  }
0x8e: {  	[smem:$0x3FC5] =	sst s2  }
0x8f: {  	_ = 	snop  }
0x90: {  	s2 =	sld [smem:$0x3FD0];
	(tm) =	ssettm $0x1  }
0x91: {  	s18 =	sld [smem:$0x3FFB];
	_ =	sdelay $0x3  }
0x92: {  	_ =	strace s18  }
0x93: {  	s3 =	sld [smem:$0x3FFC];
	_ =	sdelay $0x3  }
0x94: {  	_ =	strace s3  }
0x95: {  	s3 =	sld [smem:$0x3FFD];
	_ =	sdelay $0x3  }
0x96: {  	_ =	strace s3  }
0x97: {  	_ =	strace $0x8FFFFFFF  }
0x98: {  	s19 =	sld [smem:$0x3FDB];
	_ =	sdelay $0x1  }
0x99: {  	s4 =	simm.s32 $_scs_section_size  }
0x9a: {  	s5 =	simm.s32 $_size__tile_overlayer_lowered;
	s6 =	simm.s32 $_tile_overlayer_lowered  }
0x9b: {  	s22 =	simm.s32 $0x1BFF;
	s21 =	sshll.u32 s6, $0x1;
	s3 =	sadd.s32 s4, s19  }
0x9c: {  	s7 =	simm.s32 $0x0;
	s20 =	sshll.u32 s5, $0x1;
	s5 =	sadd.s32 s21, s3  }
0x9d: {  	[timem:s7], [sflag:s22] =	dma.local [hbm:s5], s20  }
0x9e: {  	_ =	swait.ge [sflag:s22], s20  }
0x9f: {  	s4 =	ssub.s32 $0x0, s20;
	[sflag:s22] =	ssyncset.done $0x0  }
0xa0: {  	[sflag:s22] =	ssyncadd.s32 s4;
	_ =	sdelay $0x1  }
0xa1: {  	s23 =	simm.s32 $0x1B8B  }
0xa2: {  	_ =	swait.ge [sflag:s23], $0x1  }
0xa3: {  	[sflag:s23] =	ssyncset.done $0x0  }
0xa4: {  	s25 =	simm.s32 $0x1B8E;
	s24 =	sld [smem:$0x3FFE];
	[sflag:s23] =	ssyncadd.s32 $0xFFFFFFFF  }
0xa5: {  	s26 =	simm.s32 $execute0_lowered;
	[smem:$0x3FD2] =	sst s25  }
0xa6: {  	s5 =	sshll.u32 s26, $0x1;
	_ =	strace $0x80000049;
	[dreg:$0x1] =	wrdreg $0xFFFFFFFF  }
0xa7: {  	s28 =	simm.s32 $_size_execute0_lowered;
	s3 =	sadd.s32 s3, s5;
	[dreg:$0x0] =	wrdreg $0x0  }
0xa8: {  	s5 =	sshll.u32 s28, $0x1;
	[dreg:$0x2] =	wrdreg s3  }
0xa9: {  	[dreg:$0x3] =	wrdreg s5  }
0xaa: {  	[dreg:$0x4] =	wrdreg $0xC0  }
0xab: {  	_ =	task [dreg:s7], $0x5FFFF  }
0xac: {  	[dreg:$0x1] =	wrdreg $0xFFFFFFFF  }
0xad: {  	[dreg:$0x0] =	wrdreg $0x60  }
0xae: {  	[dreg:$0x2] =	wrdreg s2  }
0xaf: {  	[dreg:$0x3] =	wrdreg s24  }
0xb0: {  	[dreg:$0x4] =	wrdreg $0x0  }
0xb1: {  	[dreg:$0x5] =	wrdreg $0x9  }
0xb2: {  	_ =	task.clear_ibuf [dreg:s7], $0x6FFFF;
	_ =	strace $0x90000049  }
0xb3: {  	s29 =	simm.s32 $0x9;
	_ =	strace $0x8000004B  }
0xb4: {  	_ =	swait.ge [sflag:s29], $0x1  }
0xb5: {  	[sflag:s29] =	ssyncadd.s32 $0xFFFFFFFF  }
0xb6: {  	_ =	strace $0x9000004B  }
0xb7: {  	_ =	sfence  }
0xb8: {  	s30 =	sld [smem:$0x0];
	_ =	sdelay $0x2  }
0xb9: {  	s31 =	sshll.u32 s1, $0xD;
	s1 =	sshrl.u32 s1, $0x2  }
0xba: {  	s3 =	sand.u32 $0x4000, s31;
	s1 =	sadd.s32 s1, s30  }
0xbb: {  	s0 =	sor.u32 s3, s0;
	s1 =	sshll.u32 s1, $0x11  }
0xbc: {  	s0 =	sor.u32 s1, s0  }
0xbd: {  	s0 =	sadd.s32 $0x8F2B, s0  }
0xbe: {  	[sflag:s0] =	ssyncadd.remote.s32 $0x1  }
0xbf: {  	_ =	sfence.sel $0xFFFF  }
0xc0: {  	[dreg:$0x0] =	wrdreg $0xFFFFFFFF;
	(pc) =	sbr.abs _section_cstart, $3  }
0xc1: {  	[dreg:$0x1] =	wrdreg $0xFFFFFFFF  }
0xc2: {  	_ =	task.clear_ibuf [dreg:s7], $0x2FFFF;
	_ =	strace $0x9FFFFFFF  }
0xc3: {  	(tm) =	ssettm $0x7FFFFFFF  }
tec
execute0_lowered:
.L_overlay_start_1:
0x0: {  	(tag) =	ssettag $0x1  }
0x1: {  	s0 =	rddreg [dreg:$0x0]  }
0x2: {  	s1 =	rddreg [dreg:$0x1];
	s2 =	srdreg.scid  }
0x3: {  	s3 =	rddreg [dreg:$0x2];
	s10 =	stileid.u32  }
0x4: {  	s18 =	simm.s32 $0x0;
	s2 =	sand.u32 $0x1, s2;
	s6 =	smul.u32 $0x14000, s10  }
0x5: {  	[smem:$0x7FF] =	sst s18;
	s4 =	smul.u32 $0x140000, s2  }
0x6: {  	s5 =	sadd.s32 $0x15C00, s1;
	s8 =	smul.u32 $0x50000, s10;
	s12 =	ssub.s32 $0x2, s2  }
0x7: {  	s7 =	sadd.s32 $0x1C00, s1;
	s9 =	sshrl.u32 s12, $0x1;
	s4 =	sadd.s32 s6, s4  }
0x8: {  	s8 =	sshrl.u32 s8, $0x2;
	s6 =	sadd.s32 $0x29C00, s1;
	s4 =	sshrl.u32 s4, $0x3  }
0x9: {  	s1 =	sadd.s32 s4, s1;
	s4 =	ssub.s32 s12, s9;
	s9 =	sadd.s32 s8, s3  }
0xa: {  	_ =	strace $0x8000004A;
	s8 =	sadd.s32 $0x2000, s9;
	[dreg:$0x5] =	wrdreg s9  }
0xb: {  	s13 =	sadd.s32 $0x4000, s9;
	[dreg:$0x6] =	wrdreg s8  }
0xc: {  	s14 =	sadd.s32 $0x6000, s9;
	[dreg:$0x7] =	wrdreg s13  }
0xd: {  	s2 =	sshll.u32 s2, $0x4;
	s15 =	sadd.s32 $0x8000, s9;
	[dreg:$0x8] =	wrdreg s14  }
0xe: {  	s2 =	sor.u32 s10, s2;
	s16 =	sadd.s32 $0xA000, s9;
	[dreg:$0x9] =	wrdreg s15  }
0xf: {  	s11 =	smul.u32 $0x5000, s2;
	s17 =	sadd.s32 $0xC000, s9;
	[dreg:$0xa] =	wrdreg s16  }
0x10: {  	s19 =	sadd.s32 $0xE000, s9;
	[dreg:$0xb] =	wrdreg s17  }
0x11: {  	s20 =	sshrl.u32 s11, $0x3;
	s21 =	sadd.s32 $0x10000, s9;
	[dreg:$0xc] =	wrdreg s19  }
0x12: {  	s30 =	simm.s32 $0xB;
	s22 =	sadd.s32 s5, s20;
	[dreg:$0xd] =	wrdreg s21  }
0x13: {  	s10 =	simm.s32 $0x1C480;
	s24 =	sadd.s32 s6, s20;
	[dreg:$0xe] =	wrdreg s22  }
0x14: {  	s12 =	simm.s32 $0x5;
	s2 =	sadd.s32 s7, s20;
	[dreg:$0xf] =	wrdreg s24  }
0x15: {  	s23 =	sor.u32 $0x10, s20;
	s1 =	sadd.s32 $0x64E00, s1;
	[dreg:$0x10] =	wrdreg s2  }
0x16: {  	s29 =	smax.u32 s4, $0x1;
	s31 =	sadd.s32 $0x12000, s9;
	[dreg:$0x14] =	wrdreg s1  }
0x17: {  	s20 =	simm.s32 $0xD;
	s25 =	sadd.s32 s5, s23;
	[dreg:$0x15] =	wrdreg s29  }
0x18: {  	s26 =	sadd.s32 s6, s23;
	s28 =	sadd.s32 s7, s23;
	[dreg:$0x16] =	wrdreg s31  }
0x19: {  	s1 =	simm.s32 $0x1C400;
	s13 =	simm.s32 $0x40;
	s14 =	simm.s32 $0xA  }
.Ltmp0:
0x1a: {  	s15 =	simm.s32 $0x16000;
	s16 =	simm.s32 $0x1;
	(pc) =	sbr.rel .LBB2_1-.Ltmp0, $4  }
0x1b: {  	s17 =	simm.s32 $0x1C100;
	s19 =	simm.s32 $0x1C500;
	s21 =	simm.s32 $0x2  }
0x1c: {  	s22 =	simm.s32 $0x1C180;
	s23 =	simm.s32 $0x1C380;
	[dreg:$0x11] =	wrdreg s25  }
0x1d: {  	s24 =	simm.s32 $0x1C580;
	s8 =	simm.s32 $0x3;
	[dreg:$0x12] =	wrdreg s26  }
0x1e: {  	v0 =	vimm.f32 $0.0e+00;
	[dreg:$0x13] =	wrdreg s28;
	s25 =	simm.s32 $0xC;
	s26 =	simm.s32 $0x1A000  }
.LBB2_14:
0x1f: {  	[spmem:s3] =	stream.indirect.scatter.add.f32 [tilespmem:s26], [sflag:$0x8], $0x80, s23, s13, $0xb8;
	[tilespmem:$0x1C600] =	vst v63  }
0x20: {  	s2 =	simm.s32 $0x7  }
0x21: {  	_ =	swait.ge [sflag:s2], $0x2000  }
0x22: {  	[sflag:s2] =	ssyncset.done $0x0  }
0x23: {  	s20 =	simm.s32 $0x8;
	[sflag:s2] =	ssyncadd.s32 $0xFFFFE000  }
0x24: {  	_ =	swait.ge [sflag:s20], $0x2000  }
0x25: {  	[sflag:s20] =	ssyncset.done $0x0  }
0x26: {  	s28 =	stileid.u32;
	[sflag:s20] =	ssyncadd.s32 $0xFFFFE000  }
0x27: {  	s2 =	sshll.u32 s28, $0x6;
	[bflag:$0x0] =	sbarrier.arrive $0xFFFF  }
0x28: {  	s2 =	sor.u32 $0x1C0D, s2;
	s9 =	rddreg [dreg:$0x5]  }
0x29: {  	s20 =	simm.s32 $0xD;
	s18 =	rddreg [dreg:$0x14];
	s4 =	sshrl.u32 s9, $0x3  }
0x2a: {  	[hbm:s18], [sflag:s2] =	dma.local [spmem:s4], $0x2800  }
0x2b: {  	_ =	swait.ge [sflag:s20], $0x2800  }
0x2c: {  	s29 =	rddreg [dreg:$0x4]  }
0x2d: {  	s31 =	rddreg [dreg:$0x15];
	s18 =	sadd.s32 $0x1, s29  }
0x2e: {  	p0 =	sne.s32 s18, s31  }
.Ltmp1:
0x2f: {  	_ = 	snop;
	(pc) =	sbr.rel @!p0 .LBB2_15-.Ltmp1, $3  }
0x30: {  	_ =	sdelay $0x1  }
0x31: {  	[sflag:s20] =	ssyncset.done $0x0  }
0x32: {  	[sflag:s20] =	ssyncadd.s32 $0xFFFFD800  }
.LBB2_1:
0x33: {  	[dreg:$0x4] =	wrdreg s18;
	s2 =	simm.s32 $0x0;
	s4 =	simm.s32 $0x200  }
.LBB2_2:
0x34: {  	p0 =	sne.s32 s4, $0x7E00;
	[tilespmem:s2+$0x14070] =	vst v0  }
0x35: {  	[tilespmem:s2+$0x14000] =	vst v0  }
0x36: {  	[tilespmem:s2+$0x14010] =	vst v0  }
.Ltmp2:
0x37: {  	[tilespmem:s2+$0x14020] =	vst v0;
	(pc) =	sbr.rel @p0 .LBB2_2-.Ltmp2, $4  }
0x38: {  	[tilespmem:s2+$0x14030] =	vst v0  }
0x39: {  	[tilespmem:s2+$0x14040] =	vst v0  }
0x3a: {  	[tilespmem:s2+$0x14050] =	vst v0  }
0x3b: {  	[tilespmem:s2+$0x14060] =	vst v0;
	s2 =	sshra.s32 s4, $0x2;
	s4 =	sadd.s32 $0x200, s4  }
0x3c: {  	[tilespmem:s2+$0x14070] =	vst v0  }
0x3d: {  	[tilespmem:s2+$0x14000] =	vst v0  }
0x3e: {  	[tilespmem:s2+$0x14010] =	vst v0  }
0x3f: {  	[tilespmem:s2+$0x14020] =	vst v0  }
0x40: {  	[tilespmem:s2+$0x14030] =	vst v0  }
0x41: {  	[tilespmem:s2+$0x14040] =	vst v0  }
0x42: {  	[tilespmem:s2+$0x14050] =	vst v0  }
0x43: {  	[tilespmem:s2+$0x14060] =	vst v0;
	s18 =	simm.s32 $0x14000  }
0x44: {  	[spmem:s9] =	stream.linear.scatter [tilespmem:s18], [sflag:$0xD], $0x2000, $0x38;
	[tilespmem:$0x1C600] =	vst v63  }
0x45: {  	_ =	swait.ge [sflag:s20], $0x2000  }
0x46: {  	[sflag:s20] =	ssyncset.done $0x0  }
0x47: {  	s29 =	rddreg [dreg:$0x6];
	[sflag:s20] =	ssyncadd.s32 $0xFFFFE000  }
0x48: {  	[spmem:s29] =	stream.linear.scatter [tilespmem:s18], [sflag:$0xD], $0x2000, $0x38;
	[tilespmem:$0x1C600] =	vst v63  }
0x49: {  	_ =	swait.ge [sflag:s20], $0x2000  }
0x4a: {  	[sflag:s20] =	ssyncset.done $0x0  }
0x4b: {  	s31 =	rddreg [dreg:$0x7];
	[sflag:s20] =	ssyncadd.s32 $0xFFFFE000  }
0x4c: {  	[spmem:s31] =	stream.linear.scatter [tilespmem:s18], [sflag:$0xD], $0x2000, $0x38;
	[tilespmem:$0x1C600] =	vst v63  }
0x4d: {  	_ =	swait.ge [sflag:s20], $0x2000  }
0x4e: {  	[sflag:s20] =	ssyncset.done $0x0  }
0x4f: {  	s4 =	rddreg [dreg:$0x8];
	[sflag:s20] =	ssyncadd.s32 $0xFFFFE000  }
0x50: {  	[spmem:s4] =	stream.linear.scatter [tilespmem:s18], [sflag:$0xD], $0x2000, $0x38;
	[tilespmem:$0x1C600] =	vst v63  }
0x51: {  	_ =	swait.ge [sflag:s20], $0x2000  }
0x52: {  	[sflag:s20] =	ssyncset.done $0x0  }
0x53: {  	s9 =	rddreg [dreg:$0x9];
	[sflag:s20] =	ssyncadd.s32 $0xFFFFE000  }
0x54: {  	[spmem:s9] =	stream.linear.scatter [tilespmem:s18], [sflag:$0xD], $0x2000, $0x38;
	[tilespmem:$0x1C600] =	vst v63  }
0x55: {  	_ =	swait.ge [sflag:s20], $0x2000  }
0x56: {  	[sflag:s20] =	ssyncset.done $0x0  }
0x57: {  	s28 =	rddreg [dreg:$0xa];
	[sflag:s20] =	ssyncadd.s32 $0xFFFFE000  }
0x58: {  	[spmem:s28] =	stream.linear.scatter [tilespmem:s18], [sflag:$0xD], $0x2000, $0x38;
	[tilespmem:$0x1C600] =	vst v63  }
0x59: {  	_ =	swait.ge [sflag:s20], $0x2000  }
0x5a: {  	[sflag:s20] =	ssyncset.done $0x0  }
0x5b: {  	s29 =	rddreg [dreg:$0xb];
	[sflag:s20] =	ssyncadd.s32 $0xFFFFE000  }
0x5c: {  	[spmem:s29] =	stream.linear.scatter [tilespmem:s18], [sflag:$0xD], $0x2000, $0x38;
	[tilespmem:$0x1C600] =	vst v63  }
0x5d: {  	_ =	swait.ge [sflag:s20], $0x2000  }
0x5e: {  	[sflag:s20] =	ssyncset.done $0x0  }
0x5f: {  	s31 =	rddreg [dreg:$0xc];
	[sflag:s20] =	ssyncadd.s32 $0xFFFFE000  }
0x60: {  	[spmem:s31] =	stream.linear.scatter [tilespmem:s18], [sflag:$0xD], $0x2000, $0x38;
	[tilespmem:$0x1C600] =	vst v63  }
0x61: {  	_ =	swait.ge [sflag:s20], $0x2000  }
0x62: {  	[sflag:s20] =	ssyncset.done $0x0  }
0x63: {  	s4 =	rddreg [dreg:$0xd];
	[sflag:s20] =	ssyncadd.s32 $0xFFFFE000  }
0x64: {  	[spmem:s4] =	stream.linear.scatter [tilespmem:s18], [sflag:$0xD], $0x2000, $0x38;
	[tilespmem:$0x1C600] =	vst v63  }
0x65: {  	_ =	swait.ge [sflag:s20], $0x2000  }
0x66: {  	[sflag:s20] =	ssyncset.done $0x0  }
0x67: {  	s9 =	rddreg [dreg:$0x16];
	[sflag:s20] =	ssyncadd.s32 $0xFFFFE000  }
0x68: {  	[spmem:s9] =	stream.linear.scatter [tilespmem:s18], [sflag:$0xD], $0x2000, $0x38;
	[tilespmem:$0x1C600] =	vst v63  }
0x69: {  	_ =	swait.ge [sflag:s20], $0x2000  }
0x6a: {  	[sflag:s20] =	ssyncset.done $0x0  }
0x6b: {  	[sflag:s20] =	ssyncadd.s32 $0xFFFFE000  }
0x6c: {  	[bflag:$0x0] =	sbarrier.arrive $0xFFFF  }
0x6d: {  	s4 =	simm.s32 $0x0;
	s9 =	simm.s32 $0x1C000;
	s28 =	rddreg [dreg:$0xe]  }
0x6e: {  	[tilespmem:s9], [sflag:$0x9] =	stream.linear.gather [hbm4b:s28+s4], $0x80, $0x38;
	[tilespmem:$0x1C600] =	vst v63  }
0x6f: {  	s31 =	simm.s32 $0x1C200;
	s29 =	rddreg [dreg:$0xf]  }
0x70: {  	[tilespmem:s31], [sflag:$0x9] =	stream.linear.gather [hbm4b:s29+s4], $0x80, $0x38;
	[tilespmem:$0x1C600] =	vst v63  }
0x71: {  	s28 =	rddreg [dreg:$0x10]  }
0x72: {  	[tilespmem:s1], [sflag:$0x9] =	stream.linear.gather [hbm4b:s28+s4], $0x80, $0x38;
	[tilespmem:$0x1C600] =	vst v63  }
0x73: {  	s20 =	simm.s32 $0x1C080;
	s29 =	rddreg [dreg:$0x11]  }
0x74: {  	[tilespmem:s20], [sflag:$0xA] =	stream.linear.gather [hbm4b:s29+s4], $0x80, $0x38;
	[tilespmem:$0x1C600] =	vst v63  }
0x75: {  	s31 =	rddreg [dreg:$0x12];
	s28 =	simm.s32 $0x1C280  }
0x76: {  	[tilespmem:s28], [sflag:$0xA] =	stream.linear.gather [hbm4b:s31+s4], $0x80, $0x38;
	[tilespmem:$0x1C600] =	vst v63  }
0x77: {  	s29 =	rddreg [dreg:$0x13];
	s31 =	simm.s32 $0x9  }
0x78: {  	[tilespmem:s10], [sflag:$0xA] =	stream.linear.gather [hbm4b:s29+s4], $0x80, $0x38;
	[tilespmem:$0x1C600] =	vst v63  }
0x79: {  	_ =	swait.ge [sflag:s31], $0x80  }
0x7a: {  	[sflag:s31] =	ssyncset.done $0x0  }
0x7b: {  	[sflag:s31] =	ssyncadd.s32 $0xFFFFFF80  }
0x7c: {  	_ =	swait.ge [sflag:s31], $0x80  }
0x7d: {  	[sflag:s31] =	ssyncset.done $0x0  }
0x7e: {  	[sflag:s31] =	ssyncadd.s32 $0xFFFFFF80  }
0x7f: {  	_ =	swait.ge [sflag:s31], $0x80  }
0x80: {  	[sflag:s31] =	ssyncset.done $0x0  }
0x81: {  	[sflag:s31] =	ssyncadd.s32 $0xFFFFFF80  }
0x82: {  	[tilespmem:s18], [sflag:$0x1] =	stream.indirect.gather [hbm4b:s0+s13], $0x80, s9, s13, $0xb8;
	[tilespmem:$0x1C600] =	vst v63  }
0x83: {  	_ =	swait.ge [sflag:s14], $0x80  }
0x84: {  	[sflag:s14] =	ssyncset.done $0x0  }
0x85: {  	[sflag:s14] =	ssyncadd.s32 $0xFFFFFF80  }
0x86: {  	_ =	swait.ge [sflag:s14], $0x80  }
0x87: {  	[sflag:s14] =	ssyncset.done $0x0  }
0x88: {  	[sflag:s14] =	ssyncadd.s32 $0xFFFFFF80  }
0x89: {  	_ =	swait.ge [sflag:s14], $0x80  }
0x8a: {  	[sflag:s14] =	ssyncset.done $0x0  }
0x8b: {  	s18 =	simm.s32 $0x0;
	[sflag:s14] =	ssyncadd.s32 $0xFFFFFF80  }
0x8c: {  	[tilespmem:s15], [sflag:$0x2] =	stream.indirect.gather [hbm4b:s0+s13], $0x80, s20, s13, $0xb8;
	[tilespmem:$0x1C600] =	vst v63  }
.LBB2_4:
0x8d: {  	s20 =	sshll.u32 s18, $0x9  }
0x8e: {  	_ =	swait.ge [sflag:s16], $0x2000;
	p0 =	seq.s32 s18, $0x0;
	s2 =	sand.u32 $0x7C00, s20  }
0x8f: {  	[sflag:s16] =	ssyncset.done $0x0;
	s9 =	sand.u32 $0x200, s20;
	s2 =	sadd.s32 s11, s2  }
0x90: {  	s31 =	simm.s32 @!p0 $0x7;
	[sflag:s16] =	ssyncadd.s32 $0xFFFFE000;
	s2 =	sor.u32 s9, s2  }
0x91: {  	_ =	swait.ge @!p0 [sflag:s31], $0x2000;
	s29 =	sshrl.u32 s2, $0x3  }
0x92: {  	[sflag:s31] =	ssyncset.done @!p0 $0x0;
	s2 =	sor.u32 $0x20, s29  }
0x93: {  	[sflag:s31] =	ssyncadd.s32 @!p0 $0xFFFFE000;
	s28 =	sadd.s32 s5, s2  }
0x94: {  	[tilespmem:s17], [sflag:$0xB] =	stream.linear.gather [hbm4b:s28+s4], $0x80, $0x38;
	[tilespmem:$0x1C600] =	vst v63  }
0x95: {  	s9 =	sadd.s32 s6, s2;
	s28 =	simm.s32 $0x1C300  }
0x96: {  	[tilespmem:s28], [sflag:$0xB] =	stream.linear.gather [hbm4b:s9+s4], $0x80, $0x38;
	[tilespmem:$0x1C600] =	vst v63  }
0x97: {  	v1 =	vmov s4;
	s31 =	simm.s32 $0x14040;
	s2 =	sadd.s32 s7, s2  }
0x98: {  	[tilespmem:s19], [sflag:$0xB] =	stream.linear.gather [hbm4b:s2+s4], $0x80, $0x38;
	[tilespmem:$0x1C600] =	vst v63  }
0x99: {  	v5 =	vld [tilespmem:s31+$0x30]  }
0x9a: {  	v8 =	vld [tilespmem:s31+$0x10]  }
0x9b: {  	v6 =	vld [tilespmem:s31+$0xFFFFFFC0]  }
0x9c: {  	v2 =	vld.idx.msk [tilespmem:v1+s1+$0x0], $0xffff  }
0x9d: {  	v10 =	vld [tilespmem:s31+$0xFFFFFFE0]  }
0x9e: {  	v1 =	vld [tilespmem:s31+$0xFFFFFFF0]  }
0x9f: {  	v3 =	vld [tilespmem:s31+$0x20]  }
0xa0: {  	v4 =	vld [tilespmem:s31+$0xFFFFFFD0]  }
0xa1: {  	v9 =	vmul.f32 v5, v2;
	v5 =	vld [tilespmem:s31+$0x0]  }
0xa2: {  	v7 =	vmul.f32 v6, v2  }
0xa3: {  	s9 =	simm.s32 $0x14040;
	s2 =	simm.s32 $0x1;
	v6 =	vmul.f32 v10, v2;
	v8 =	vmul.f32 v8, v2  }
.LBB2_5:
0xa4: {  	p1 =	sne.s32 s2, $0x3F  }
0xa5: {  	v4 =	vmul.f32 v4, v2;
	v3 =	vmul.f32 v3, v2;
	[tilespmem:s31+$0x30] =	vst v9;
	s9 =	sadd.s32 $0x80, s9;
	s28 =	smov.u32 s2;
	s2 =	sadd.s32 $0x1, s2  }
0xa6: {  	[tilespmem:s31+$0xFFFFFFC0] =	vst v7;
	v7 =	vmul.f32 v1, v2;
	v2 =	vmul.f32 v5, v2  }
0xa7: {  	[tilespmem:s31+$0x10] =	vst v8  }
0xa8: {  	v5 =	vmov s28;
	[tilespmem:s31+$0xFFFFFFE0] =	vst v6  }
0xa9: {  	v1 =	vld [tilespmem:s9+$0xFFFFFFF0];
	[tilespmem:s31+$0xFFFFFFF0] =	vst v7  }
0xaa: {  	v6 =	vld [tilespmem:s9+$0x30];
	[tilespmem:s31+$0x0] =	vst v2  }
0xab: {  	v8 =	vld [tilespmem:s9+$0x10];
	[tilespmem:s31+$0x20] =	vst v3  }
0xac: {  	v7 =	vld [tilespmem:s9+$0xFFFFFFC0];
	[tilespmem:s31+$0xFFFFFFD0] =	vst v4;
	s31 =	smov.u32 s9  }
0xad: {  	v2 =	vld.idx.msk [tilespmem:v5+s1+$0x0], $0xffff  }
0xae: {  	v10 =	vld [tilespmem:s9+$0xFFFFFFE0]  }
0xaf: {  	v3 =	vld [tilespmem:s9+$0x20]  }
.Ltmp3:
0xb0: {  	v4 =	vld [tilespmem:s9+$0xFFFFFFD0];
	(pc) =	sbr.rel @p1 .LBB2_5-.Ltmp3, $3  }
0xb1: {  	v5 =	vld [tilespmem:s9+$0x0];
	_ =	sdelay $0x1  }
0xb2: {  	v7 =	vmul.f32 v7, v2;
	v9 =	vmul.f32 v6, v2  }
0xb3: {  	v8 =	vmul.f32 v8, v2;
	v6 =	vmul.f32 v10, v2  }
0xb4: {  	[tilespmem:s31+$0x30] =	vst v9  }
0xb5: {  	[tilespmem:s31+$0xFFFFFFC0] =	vst v7  }
0xb6: {  	v1 =	vmul.f32 v1, v2;
	[tilespmem:s31+$0x10] =	vst v8  }
0xb7: {  	v3 =	vmul.f32 v3, v2;
	[tilespmem:s31+$0xFFFFFFE0] =	vst v6  }
0xb8: {  	v5 =	vmul.f32 v5, v2;
	[tilespmem:s31+$0xFFFFFFF0] =	vst v1  }
0xb9: {  	v1 =	vmul.f32 v4, v2;
	[tilespmem:s31+$0x20] =	vst v3  }
0xba: {  	[tilespmem:s31+$0x0] =	vst v5  }
0xbb: {  	[tilespmem:s31+$0xFFFFFFD0] =	vst v1  }
0xbc: {  	_ =	swait.ge [sflag:s30], $0x80  }
0xbd: {  	[sflag:s30] =	ssyncset.done $0x0  }
0xbe: {  	[sflag:s30] =	ssyncadd.s32 $0xFFFFFF80  }
0xbf: {  	_ =	swait.ge [sflag:s30], $0x80  }
0xc0: {  	[sflag:s30] =	ssyncset.done $0x0  }
0xc1: {  	[sflag:s30] =	ssyncadd.s32 $0xFFFFFF80  }
0xc2: {  	_ =	swait.ge [sflag:s30], $0x80  }
0xc3: {  	[sflag:s30] =	ssyncset.done $0x0  }
0xc4: {  	s2 =	simm.s32 $0x18000;
	[sflag:s30] =	ssyncadd.s32 $0xFFFFFF80  }
0xc5: {  	[tilespmem:s2], [sflag:$0x3] =	stream.indirect.gather [hbm4b:s0+s13], $0x80, s17, s13, $0xb8;
	[tilespmem:$0x1C600] =	vst v63  }
0xc6: {  	s28 =	simm.s32 $0x14000;
	s9 =	simm.s32 $0x1C200  }
0xc7: {  	[spmem:s3] =	stream.indirect.scatter.add.f32 [tilespmem:s28], [sflag:$0x5], $0x80, s9, s13, $0xb8;
	[tilespmem:$0x1C600] =	vst v63  }
0xc8: {  	_ =	swait.ge [sflag:s21], $0x2000  }
0xc9: {  	[sflag:s21] =	ssyncset.done $0x0  }
0xca: {  	s2 =	simm.s32 @!p0 $0x8;
	[sflag:s21] =	ssyncadd.s32 $0xFFFFE000  }
0xcb: {  	_ =	swait.ge @!p0 [sflag:s2], $0x2000  }
0xcc: {  	s9 =	sor.u32 $0x30, s29;
	[sflag:s2] =	ssyncset.done @!p0 $0x0  }
0xcd: {  	s28 =	simm.s32 $0x0;
	s31 =	sadd.s32 s5, s9;
	[sflag:s2] =	ssyncadd.s32 @!p0 $0xFFFFE000  }
0xce: {  	[tilespmem:s22], [sflag:$0xC] =	stream.linear.gather [hbm4b:s31+s28], $0x80, $0x38;
	[tilespmem:$0x1C600] =	vst v63  }
0xcf: {  	s31 =	sadd.s32 s6, s9  }
0xd0: {  	[tilespmem:s23], [sflag:$0xC] =	stream.linear.gather [hbm4b:s31+s28], $0x80, $0x38;
	[tilespmem:$0x1C600] =	vst v63  }
0xd1: {  	s29 =	simm.s32 $0x16040;
	v1 =	vmov s28;
	s31 =	sadd.s32 s7, s9  }
0xd2: {  	[tilespmem:s24], [sflag:$0xC] =	stream.linear.gather [hbm4b:s31+s28], $0x80, $0x38;
	[tilespmem:$0x1C600] =	vst v63  }
0xd3: {  	v5 =	vld [tilespmem:s29+$0x30]  }
0xd4: {  	v8 =	vld [tilespmem:s29+$0x10]  }
0xd5: {  	v6 =	vld [tilespmem:s29+$0xFFFFFFC0]  }
0xd6: {  	v2 =	vld.idx.msk [tilespmem:v1+s10+$0x0], $0xffff  }
0xd7: {  	v10 =	vld [tilespmem:s29+$0xFFFFFFE0]  }
0xd8: {  	v1 =	vld [tilespmem:s29+$0xFFFFFFF0]  }
0xd9: {  	v3 =	vld [tilespmem:s29+$0x20]  }
0xda: {  	v4 =	vld [tilespmem:s29+$0xFFFFFFD0]  }
0xdb: {  	v9 =	vmul.f32 v5, v2;
	v5 =	vld [tilespmem:s29+$0x0]  }
0xdc: {  	v7 =	vmul.f32 v6, v2  }
0xdd: {  	s2 =	simm.s32 $0x1;
	s9 =	simm.s32 $0x16040;
	v6 =	vmul.f32 v10, v2;
	v8 =	vmul.f32 v8, v2  }
.LBB2_7:
0xde: {  	p0 =	sne.s32 s2, $0x3F  }
0xdf: {  	v4 =	vmul.f32 v4, v2;
	v3 =	vmul.f32 v3, v2;
	[tilespmem:s29+$0x30] =	vst v9;
	s9 =	sadd.s32 $0x80, s9;
	s28 =	smov.u32 s2;
	s2 =	sadd.s32 $0x1, s2  }
0xe0: {  	[tilespmem:s29+$0xFFFFFFC0] =	vst v7;
	v7 =	vmul.f32 v1, v2;
	v2 =	vmul.f32 v5, v2  }
0xe1: {  	[tilespmem:s29+$0x10] =	vst v8  }
0xe2: {  	v5 =	vmov s28;
	[tilespmem:s29+$0xFFFFFFE0] =	vst v6  }
0xe3: {  	v1 =	vld [tilespmem:s9+$0xFFFFFFF0];
	[tilespmem:s29+$0xFFFFFFF0] =	vst v7  }
0xe4: {  	v6 =	vld [tilespmem:s9+$0x30];
	[tilespmem:s29+$0x0] =	vst v2  }
0xe5: {  	v8 =	vld [tilespmem:s9+$0x10];
	[tilespmem:s29+$0x20] =	vst v3  }
0xe6: {  	v7 =	vld [tilespmem:s9+$0xFFFFFFC0];
	[tilespmem:s29+$0xFFFFFFD0] =	vst v4;
	s29 =	smov.u32 s9  }
0xe7: {  	v2 =	vld.idx.msk [tilespmem:v5+s10+$0x0], $0xffff  }
0xe8: {  	v10 =	vld [tilespmem:s9+$0xFFFFFFE0]  }
0xe9: {  	v3 =	vld [tilespmem:s9+$0x20]  }
.Ltmp4:
0xea: {  	v4 =	vld [tilespmem:s9+$0xFFFFFFD0];
	(pc) =	sbr.rel @p0 .LBB2_7-.Ltmp4, $3  }
0xeb: {  	v5 =	vld [tilespmem:s9+$0x0];
	_ =	sdelay $0x1  }
0xec: {  	v7 =	vmul.f32 v7, v2;
	v9 =	vmul.f32 v6, v2  }
0xed: {  	v8 =	vmul.f32 v8, v2;
	v6 =	vmul.f32 v10, v2  }
0xee: {  	[tilespmem:s29+$0x30] =	vst v9  }
0xef: {  	[tilespmem:s29+$0xFFFFFFC0] =	vst v7  }
0xf0: {  	v1 =	vmul.f32 v1, v2;
	[tilespmem:s29+$0x10] =	vst v8  }
0xf1: {  	v3 =	vmul.f32 v3, v2;
	[tilespmem:s29+$0xFFFFFFE0] =	vst v6  }
0xf2: {  	v5 =	vmul.f32 v5, v2;
	[tilespmem:s29+$0xFFFFFFF0] =	vst v1  }
0xf3: {  	v1 =	vmul.f32 v4, v2;
	[tilespmem:s29+$0x20] =	vst v3  }
0xf4: {  	[tilespmem:s29+$0x0] =	vst v5  }
0xf5: {  	[tilespmem:s29+$0xFFFFFFD0] =	vst v1  }
0xf6: {  	_ =	swait.ge [sflag:s25], $0x80  }
0xf7: {  	[sflag:s25] =	ssyncset.done $0x0  }
0xf8: {  	[sflag:s25] =	ssyncadd.s32 $0xFFFFFF80  }
0xf9: {  	_ =	swait.ge [sflag:s25], $0x80  }
0xfa: {  	[sflag:s25] =	ssyncset.done $0x0  }
0xfb: {  	[sflag:s25] =	ssyncadd.s32 $0xFFFFFF80  }
0xfc: {  	_ =	swait.ge [sflag:s25], $0x80  }
0xfd: {  	[sflag:s25] =	ssyncset.done $0x0  }
0xfe: {  	[sflag:s25] =	ssyncadd.s32 $0xFFFFFF80  }
0xff: {  	[tilespmem:s26], [sflag:$0x4] =	stream.indirect.gather [hbm4b:s0+s13], $0x80, s22, s13, $0xb8;
	[tilespmem:$0x1C600] =	vst v63  }
0x100: {  	s2 =	simm.s32 $0x1C280;
	p0 =	seq.s32 s18, $0x27  }
0x101: {  	[spmem:s3] =	stream.indirect.scatter.add.f32 [tilespmem:s15], [sflag:$0x6], $0x80, s2, s13, $0xb8;
	[tilespmem:$0x1C600] =	vst v63  }
0x102: {  	s2 =	sadd.s32 @!p0 $0x200, s20;
	_ =	swait.ge [sflag:s8], $0x2000  }
0x103: {  	s9 =	sand.u32 @!p0 $0xFC00, s2;
	[sflag:s8] =	ssyncset.done $0x0  }
0x104: {  	s2 =	sand.u32 @!p0 $0x200, s2;
	s9 =	sadd.s32 @!p0 s11, s9;
	[sflag:s8] =	ssyncadd.s32 $0xFFFFE000  }
0x105: {  	s2 =	sor.u32 @!p0 s2, s9;
	_ =	swait.ge [sflag:s12], $0x2000  }
0x106: {  	s28 =	simm.s32 @!p0 $0x0;
	s2 =	sshrl.u32 @!p0 s2, $0x3;
	[sflag:s12] =	ssyncset.done $0x0  }
0x107: {  	s29 =	simm.s32 @!p0 $0x1C000;
	s9 =	sadd.s32 @!p0 s5, s2;
	[sflag:s12] =	ssyncadd.s32 $0xFFFFE000  }
0x108: {  	[tilespmem:s29], [sflag:$0x9] =	stream.linear.gather @!p0 [hbm4b:s9+s28], $0x80, $0x38;
	[tilespmem:$0x1C600] =	vst v63  }
0x109: {  	s9 =	sadd.s32 @!p0 s6, s2;
	s29 =	simm.s32 @!p0 $0x1C200  }
0x10a: {  	[tilespmem:s29], [sflag:$0x9] =	stream.linear.gather @!p0 [hbm4b:s9+s28], $0x80, $0x38;
	[tilespmem:$0x1C600] =	vst v63  }
0x10b: {  	s29 =	simm.s32 $0x0  }
0x10c: {  	s2 =	sadd.s32 @!p0 s7, s2;
	s9 =	simm.s32 @!p0 $0x1C400;
	v1 =	vmov s29;
	s29 =	simm.s32 $0x18040  }
0x10d: {  	[tilespmem:s9], [sflag:$0x9] =	stream.linear.gather @!p0 [hbm4b:s2+s28], $0x80, $0x38;
	[tilespmem:$0x1C600] =	vst v63  }
0x10e: {  	v5 =	vld [tilespmem:s29+$0x30]  }
0x10f: {  	v8 =	vld [tilespmem:s29+$0x10]  }
0x110: {  	v6 =	vld [tilespmem:s29+$0xFFFFFFC0]  }
0x111: {  	v2 =	vld.idx.msk [tilespmem:v1+s19+$0x0], $0xffff  }
0x112: {  	v10 =	vld [tilespmem:s29+$0xFFFFFFE0]  }
0x113: {  	v3 =	vld [tilespmem:s29+$0x20]  }
0x114: {  	v4 =	vld [tilespmem:s29+$0xFFFFFFD0]  }
0x115: {  	v1 =	vld [tilespmem:s29+$0xFFFFFFF0]  }
0x116: {  	v9 =	vmul.f32 v5, v2;
	v5 =	vld [tilespmem:s29+$0x0]  }
0x117: {  	v7 =	vmul.f32 v6, v2  }
0x118: {  	s2 =	simm.s32 $0x1;
	s9 =	simm.s32 $0x18040;
	v6 =	vmul.f32 v10, v2;
	v8 =	vmul.f32 v8, v2  }
.LBB2_9:
0x119: {  	p1 =	sne.s32 s2, $0x3F  }
0x11a: {  	v4 =	vmul.f32 v4, v2;
	v3 =	vmul.f32 v3, v2;
	[tilespmem:s29+$0x30] =	vst v9;
	s9 =	sadd.s32 $0x80, s9;
	s28 =	smov.u32 s2;
	s2 =	sadd.s32 $0x1, s2  }
0x11b: {  	[tilespmem:s29+$0xFFFFFFC0] =	vst v7;
	v7 =	vmul.f32 v1, v2;
	v2 =	vmul.f32 v5, v2  }
0x11c: {  	[tilespmem:s29+$0x10] =	vst v8  }
0x11d: {  	v5 =	vmov s28;
	[tilespmem:s29+$0xFFFFFFE0] =	vst v6  }
0x11e: {  	v1 =	vld [tilespmem:s9+$0xFFFFFFF0];
	[tilespmem:s29+$0xFFFFFFF0] =	vst v7  }
0x11f: {  	v6 =	vld [tilespmem:s9+$0x30];
	[tilespmem:s29+$0x0] =	vst v2  }
0x120: {  	v8 =	vld [tilespmem:s9+$0x10];
	[tilespmem:s29+$0x20] =	vst v3  }
0x121: {  	v7 =	vld [tilespmem:s9+$0xFFFFFFC0];
	[tilespmem:s29+$0xFFFFFFD0] =	vst v4;
	s29 =	smov.u32 s9  }
0x122: {  	v2 =	vld.idx.msk [tilespmem:v5+s19+$0x0], $0xffff  }
0x123: {  	v10 =	vld [tilespmem:s9+$0xFFFFFFE0]  }
0x124: {  	v3 =	vld [tilespmem:s9+$0x20]  }
.Ltmp5:
0x125: {  	v4 =	vld [tilespmem:s9+$0xFFFFFFD0];
	(pc) =	sbr.rel @p1 .LBB2_9-.Ltmp5, $3  }
0x126: {  	v5 =	vld [tilespmem:s9+$0x0];
	_ =	sdelay $0x1  }
0x127: {  	v7 =	vmul.f32 v7, v2;
	v9 =	vmul.f32 v6, v2  }
0x128: {  	v8 =	vmul.f32 v8, v2;
	v6 =	vmul.f32 v10, v2  }
0x129: {  	[tilespmem:s29+$0x30] =	vst v9  }
0x12a: {  	[tilespmem:s29+$0xFFFFFFC0] =	vst v7  }
0x12b: {  	v1 =	vmul.f32 v1, v2;
	[tilespmem:s29+$0x10] =	vst v8  }
0x12c: {  	v3 =	vmul.f32 v3, v2;
	[tilespmem:s29+$0xFFFFFFE0] =	vst v6  }
0x12d: {  	v5 =	vmul.f32 v5, v2;
	[tilespmem:s29+$0xFFFFFFF0] =	vst v1  }
0x12e: {  	v1 =	vmul.f32 v4, v2;
	[tilespmem:s29+$0x20] =	vst v3  }
0x12f: {  	[tilespmem:s29+$0x0] =	vst v5  }
0x130: {  	s2 =	simm.s32 @p0 $0x40;
	s9 =	simm.s32 @p0 $0x1C300;
	s28 =	simm.s32 @p0 $0x18000;
	[tilespmem:s29+$0xFFFFFFD0] =	vst v1  }
0x131: {  	[spmem:s3] =	stream.indirect.scatter.add.f32 @p0 [tilespmem:s28], [sflag:$0x7], $0x80, s9, s2, $0xb8;
	[tilespmem:$0x1C600] =	vst v63  }
0x132: {  	s2 =	simm.s32 @p0 $0x4  }
0x133: {  	_ =	swait.ge @p0 [sflag:s2], $0x2000  }
0x134: {  	[sflag:s2] =	ssyncset.done @p0 $0x0  }
0x135: {  	[sflag:s2] =	ssyncadd.s32 @p0 $0xFFFFE000;
	s2 =	simm.s32 @p0 $0x6  }
0x136: {  	_ =	swait.ge @p0 [sflag:s2], $0x2000  }
0x137: {  	[sflag:s2] =	ssyncset.done @p0 $0x0  }
0x138: {  	[sflag:s2] =	ssyncadd.s32 @p0 $0xFFFFE000;
	s2 =	simm.s32 @!p0 $0x9  }
0x139: {  	_ =	swait.ge @!p0 [sflag:s2], $0x80  }
0x13a: {  	[sflag:s2] =	ssyncset.done @!p0 $0x0  }
0x13b: {  	[sflag:s2] =	ssyncadd.s32 @!p0 $0xFFFFFF80  }
0x13c: {  	_ =	swait.ge @!p0 [sflag:s2], $0x80  }
0x13d: {  	[sflag:s2] =	ssyncset.done @!p0 $0x0  }
0x13e: {  	[sflag:s2] =	ssyncadd.s32 @!p0 $0xFFFFFF80  }
0x13f: {  	_ =	swait.ge @!p0 [sflag:s2], $0x80  }
0x140: {  	s9 =	simm.s32 @!p0 $0x1C000;
	[sflag:s2] =	ssyncset.done @!p0 $0x0  }
0x141: {  	s28 =	simm.s32 @!p0 $0x14000;
	[sflag:s2] =	ssyncadd.s32 @!p0 $0xFFFFFF80;
	s2 =	simm.s32 @!p0 $0x40  }
0x142: {  	[tilespmem:s28], [sflag:$0x1] =	stream.indirect.gather @!p0 [hbm4b:s0+s2], $0x80, s9, s2, $0xb8;
	[tilespmem:$0x1C600] =	vst v63  }
0x143: {  	s9 =	simm.s32 @!p0 $0x1C300;
	s28 =	simm.s32 @!p0 $0x18000  }
0x144: {  	[spmem:s3] =	stream.indirect.scatter.add.f32 @!p0 [tilespmem:s28], [sflag:$0x7], $0x80, s9, s2, $0xb8;
	[tilespmem:$0x1C600] =	vst v63  }
0x145: {  	s2 =	simm.s32 @!p0 $0x4  }
0x146: {  	_ =	swait.ge @!p0 [sflag:s2], $0x2000  }
0x147: {  	s9 =	sadd.s32 @!p0 $0x280, s20;
	[sflag:s2] =	ssyncset.done @!p0 $0x0  }
0x148: {  	s20 =	sand.u32 @!p0 $0xFC00, s9;
	[sflag:s2] =	ssyncadd.s32 @!p0 $0xFFFFE000;
	s2 =	simm.s32 @!p0 $0x6  }
0x149: {  	s9 =	sand.u32 @!p0 $0x280, s9;
	s20 =	sadd.s32 @!p0 s11, s20;
	_ =	swait.ge @!p0 [sflag:s2], $0x2000  }
0x14a: {  	s9 =	sor.u32 @!p0 s9, s20;
	[sflag:s2] =	ssyncset.done @!p0 $0x0  }
0x14b: {  	[sflag:s2] =	ssyncadd.s32 @!p0 $0xFFFFE000;
	s2 =	sshrl.u32 @!p0 s9, $0x3  }
0x14c: {  	s28 =	simm.s32 @!p0 $0x1C080;
	s20 =	simm.s32 @!p0 $0x0;
	s9 =	sadd.s32 @!p0 s5, s2  }
0x14d: {  	[tilespmem:s28], [sflag:$0xA] =	stream.linear.gather @!p0 [hbm4b:s9+s20], $0x80, $0x38;
	[tilespmem:$0x1C600] =	vst v63  }
0x14e: {  	s9 =	sadd.s32 @!p0 s6, s2;
	s28 =	simm.s32 @!p0 $0x1C280  }
0x14f: {  	[tilespmem:s28], [sflag:$0xA] =	stream.linear.gather @!p0 [hbm4b:s9+s20], $0x80, $0x38;
	[tilespmem:$0x1C600] =	vst v63  }
0x150: {  	s31 =	simm.s32 $0x0;
	s2 =	sadd.s32 @!p0 s7, s2;
	s9 =	simm.s32 @!p0 $0x1C480  }
0x151: {  	v1 =	vmov s31;
	[tilespmem:s9], [sflag:$0xA] =	stream.linear.gather @!p0 [hbm4b:s2+s20], $0x80, $0x38;
	[tilespmem:$0x1C600] =	vst v63  }
0x152: {  	s20 =	simm.s32 $0x1A040  }
0x153: {  	v5 =	vld [tilespmem:s20+$0x30]  }
0x154: {  	v8 =	vld [tilespmem:s20+$0x10]  }
0x155: {  	v6 =	vld [tilespmem:s20+$0xFFFFFFC0]  }
0x156: {  	v2 =	vld.idx.msk [tilespmem:v1+s24+$0x0], $0xffff  }
0x157: {  	v10 =	vld [tilespmem:s20+$0xFFFFFFE0]  }
0x158: {  	v1 =	vld [tilespmem:s20+$0xFFFFFFF0]  }
0x159: {  	v3 =	vld [tilespmem:s20+$0x20]  }
0x15a: {  	v4 =	vld [tilespmem:s20+$0xFFFFFFD0]  }
0x15b: {  	v9 =	vmul.f32 v5, v2;
	v5 =	vld [tilespmem:s20+$0x0]  }
0x15c: {  	v7 =	vmul.f32 v6, v2  }
0x15d: {  	s2 =	simm.s32 $0x1;
	s9 =	simm.s32 $0x1A040;
	v6 =	vmul.f32 v10, v2;
	v8 =	vmul.f32 v8, v2  }
.LBB2_11:
0x15e: {  	p1 =	sne.s32 s2, $0x3F  }
0x15f: {  	v4 =	vmul.f32 v4, v2;
	v3 =	vmul.f32 v3, v2;
	[tilespmem:s20+$0x30] =	vst v9;
	s9 =	sadd.s32 $0x80, s9;
	s28 =	smov.u32 s2;
	s2 =	sadd.s32 $0x1, s2  }
0x160: {  	[tilespmem:s20+$0xFFFFFFC0] =	vst v7;
	v7 =	vmul.f32 v1, v2;
	v2 =	vmul.f32 v5, v2  }
0x161: {  	[tilespmem:s20+$0x10] =	vst v8  }
0x162: {  	v5 =	vmov s28;
	[tilespmem:s20+$0xFFFFFFE0] =	vst v6  }
0x163: {  	v1 =	vld [tilespmem:s9+$0xFFFFFFF0];
	[tilespmem:s20+$0xFFFFFFF0] =	vst v7  }
0x164: {  	v6 =	vld [tilespmem:s9+$0x30];
	[tilespmem:s20+$0x0] =	vst v2  }
0x165: {  	v8 =	vld [tilespmem:s9+$0x10];
	[tilespmem:s20+$0x20] =	vst v3  }
0x166: {  	v7 =	vld [tilespmem:s9+$0xFFFFFFC0];
	[tilespmem:s20+$0xFFFFFFD0] =	vst v4;
	s20 =	smov.u32 s9  }
0x167: {  	v2 =	vld.idx.msk [tilespmem:v5+s24+$0x0], $0xffff  }
0x168: {  	v10 =	vld [tilespmem:s9+$0xFFFFFFE0]  }
0x169: {  	v3 =	vld [tilespmem:s9+$0x20]  }
.Ltmp6:
0x16a: {  	v4 =	vld [tilespmem:s9+$0xFFFFFFD0];
	(pc) =	sbr.rel @p1 .LBB2_11-.Ltmp6, $3  }
0x16b: {  	v5 =	vld [tilespmem:s9+$0x0];
	_ =	sdelay $0x1  }
0x16c: {  	v7 =	vmul.f32 v7, v2;
	v9 =	vmul.f32 v6, v2  }
0x16d: {  	v8 =	vmul.f32 v8, v2;
	v6 =	vmul.f32 v10, v2  }
0x16e: {  	[tilespmem:s20+$0x30] =	vst v9  }
0x16f: {  	[tilespmem:s20+$0xFFFFFFC0] =	vst v7  }
0x170: {  	v1 =	vmul.f32 v1, v2;
	[tilespmem:s20+$0x10] =	vst v8  }
.Ltmp7:
0x171: {  	v3 =	vmul.f32 v3, v2;
	[tilespmem:s20+$0xFFFFFFE0] =	vst v6;
	(pc) =	sbr.rel @p0 .LBB2_14-.Ltmp7, $4  }
0x172: {  	v5 =	vmul.f32 v5, v2;
	[tilespmem:s20+$0xFFFFFFF0] =	vst v1  }
0x173: {  	v1 =	vmul.f32 v4, v2;
	[tilespmem:s20+$0x20] =	vst v3  }
0x174: {  	[tilespmem:s20+$0x0] =	vst v5  }
0x175: {  	[tilespmem:s20+$0xFFFFFFD0] =	vst v1  }
0x176: {  	_ =	swait.ge [sflag:s14], $0x80  }
0x177: {  	[sflag:s14] =	ssyncset.done $0x0  }
0x178: {  	[sflag:s14] =	ssyncadd.s32 $0xFFFFFF80  }
0x179: {  	_ =	swait.ge [sflag:s14], $0x80  }
0x17a: {  	[sflag:s14] =	ssyncset.done $0x0  }
0x17b: {  	[sflag:s14] =	ssyncadd.s32 $0xFFFFFF80  }
0x17c: {  	_ =	swait.ge [sflag:s14], $0x80  }
.Ltmp8:
0x17d: {  	[sflag:s14] =	ssyncset.done $0x0;
	(pc) =	sbr.rel .LBB2_4-.Ltmp8, $4  }
0x17e: {  	s2 =	simm.s32 $0x1C080;
	[sflag:s14] =	ssyncadd.s32 $0xFFFFFF80  }
0x17f: {  	[tilespmem:s15], [sflag:$0x2] =	stream.indirect.gather [hbm4b:s0+s13], $0x80, s2, s13, $0xb8;
	[tilespmem:$0x1C600] =	vst v63  }
0x180: {  	s18 =	sadd.s32 $0x1, s18  }
0x181: {  	[spmem:s3] =	stream.indirect.scatter.add.f32 [tilespmem:s26], [sflag:$0x8], $0x80, s23, s13, $0xb8;
	[tilespmem:$0x1C600] =	vst v63  }
.LBB2_15:
0x182: {  	_ =	sfence.sel $0x180000  }
0x183: {  	[bflag:$0x0] =	sbarrier.arrive $0xFFFF  }
0x184: {  	_ =	strace $0x9000004A  }
0x185: {  	s0 =	stileid.u32;
	[bflag:$0x2] =	sbarrier.arrive $0xFFFF  }
0x186: {  	p0 =	sne.s32 s0, $0x0;
	s0 =	rddreg [dreg:$0x3]  }
0x187: {  	s0 =	sadd.s32 @!p0 $0x100000, s0  }
0x188: {  	[sflag:s0] =	ssyncadd.tile.s32 @!p0 $0x1;
	_ =	shalt  }
.Lfunc_end2:
_tile_overlayer_lowered:
.L_overlay_start_2:
0x189: {  	(tag) =	ssettag $0x2  }
0x18a: {  	s0 =	rddreg [dreg:$0x0];
	s2 =	stileid.u32  }
0x18b: {  	s1 =	rddreg [dreg:$0x1];
	p0 =	sne.s32 s2, $0x0  }
0x18c: {  	s3 =	rddreg [dreg:$0x2];
	[bflag:$0x3] =	sbarrier.arrive $0xFFFF;
	s2 =	simm.s32 @!p0 $0x1C0D  }
0x18d: {  	[timem:s3], [sflag:s2] =	dma.local @!p0 [hbm:s0], s1  }
0x18e: {  	s0 =	simm.s32 @!p0 $0xD  }
0x18f: {  	_ =	swait.ge @!p0 [sflag:s0], s1  }
0x190: {  	s1 =	ssub.s32 @!p0 $0x0, s1;
	[sflag:s0] =	ssyncset.done @!p0 $0x0  }
0x191: {  	[sflag:s0] =	ssyncadd.s32 @!p0 s1  }
0x192: {  	[bflag:$0x3] =	sbarrier.arrive $0xFFFF  }
0x193: {  	_ =	shalt  }

// kernel: kernel.14.cloned.1.call-start
scs
__scs_entry_jumppad:
0x0: {  	(pc) =	sbr.rel $0x88, $3  }
0x1: {  	(tag) =	ssettag $0x0;
	lr =	simm.s32 $0x1  }
0x2: {  	[smem:$0x3F9E] =	sst lr;
	_ =	strace $0xD0000000  }
0x3: {  	_ = 	snop  }
0x4: {  	_ = 	snop  }
0x5: {  	_ = 	snop  }
0x6: {  	_ = 	snop  }
0x7: {  	_ = 	snop  }
__scs_overlays_trampoline_lowered:
0x8: {  	[smem:$0x3FAD] =	sst s0  }
0x9: {  	[smem:$0x3FAE] =	sst s1  }
0xa: {  	[smem:$0x3FAF] =	sst s2  }
0xb: {  	[smem:$0x3FB0] =	sst s3  }
0xc: {  	[smem:$0x3FB1] =	sst s4  }
0xd: {  	[smem:$0x3FB2] =	sst s5  }
0xe: {  	[smem:$0x3FB3] =	sst s6  }
0xf: {  	[smem:$0x3FB4] =	sst s7  }
0x10: {  	[smem:$0x3FB5] =	sst s8  }
0x11: {  	[smem:$0x3FB6] =	sst s9;
	s0 =	simm.s32 @!p0 $0x0  }
0x12: {  	s1 =	sld [smem:$0x3F9C];
	s0 =	simm.s32 @p0 $0x1  }
0x13: {  	[smem:$0x3FB7] =	sst s0;
	s0 =	simm.s32 @!p1 $0x0  }
0x14: {  	s2 =	sld [smem:$0x3F9B];
	s0 =	simm.s32 @p1 $0x1  }
0x15: {  	[smem:$0x3FB8] =	sst s0;
	s0 =	simm.s32 @!p2 $0x0  }
0x16: {  	s3 =	sld [smem:$0x3FDB];
	s0 =	simm.s32 @p2 $0x1  }
0x17: {  	s4 =	simm.s32 $0x1BF5;
	[smem:$0x3FBA] =	sst s0  }
0x18: {  	s0 =	sld [smem:$0x3F9D];
	_ =	swait.ge [sflag:s4], $0x0  }
0x19: {  	s7 =	sld [smem:$0x3F9E]  }
0x1a: {  	s8 =	sadd.s32 $0xFFFFE003, lr  }
0x1b: {  	s9 =	sadd.s32 $0xFFFFFEF7, lr;
	s5 =	simm.s32 $0xFFFFFFFF;
	p2 =	slt.u32 s8, $0xFFFFF086  }
0x1c: {  	p1 =	slt.u32 s9, $0xF7A;
	s5 =	simm.s32 @!p2 $0x0  }
0x1d: {  	s5 =	simm.s32 @p1 $0x1;
	p0 =	seq.s32 s7, s2  }
0x1e: {  	s7 =	smul.u32 @!p0 $0xF7A, s2;
	p2 =	seq.s32 @!p0 s5, $0x0  }
0x1f: {  	s9 =	smul.u32 $0xF7A, s1;
	s8 =	simm.s32 @!p0 $0x1BF5;
	p2 =	por !p2, p0  }
0x20: {  	[sflag:s8] =	ssyncset.s32 @!p0 $0xFFFFF086;
	s6 =	sadd.s32 @!p0 s3, s7;
	s7 =	simm.s32 @!p0 $0x108  }
0x21: {  	s3 =	sadd.s32 s3, s9;
	s6 =	sadd.s32 @!p0 $0x88, s6;
	s7 =	simm.s32 @p2 $0x1082  }
0x22: {  	[simem:s7], [sflag:s8] =	dma.local @!p0 [hbm:s6], $0xF7A  }
0x23: {  	s9 =	sor.u32 $0xD0000000, s2;
	s6 =	simm.s32 $0x108;
	_ =	swait.ge @!p0 [sflag:s8], $0x0  }
0x24: {  	s3 =	sadd.s32 $0x88, s3;
	s6 =	simm.s32 @!p1 $0x1082;
	[sflag:s4] =	ssyncset.s32 $0xFFFFF086  }
0x25: {  	[simem:s6], [sflag:s4] =	dma.local [hbm:s3], $0xF7A  }
0x26: {  	[smem:$0x3F9E] =	sst s1;
	(tag) =	ssettag s2;
	_ =	strace s9  }
0x27: {  	s1 =	sld [smem:$0x3FAE]  }
0x28: {  	s2 =	sld [smem:$0x3FAF]  }
0x29: {  	s4 =	sld [smem:$0x3FB1]  }
0x2a: {  	p0 =	seq.s32 s5, $0x0;
	s5 =	sld [smem:$0x3FB2]  }
0x2b: {  	s6 =	sld [smem:$0x3FB3]  }
0x2c: {  	s7 =	sld [smem:$0x3FB4]  }
0x2d: {  	s3 =	simm.s32 $0x108;
	s8 =	sld [smem:$0x3FB5]  }
0x2e: {  	s3 =	simm.s32 @!p0 $0x1082;
	s9 =	sld [smem:$0x3FB6]  }
0x2f: {  	lr =	sadd.s32 s0, s3;
	s0 =	sld [smem:$0x3FAD]  }
0x30: {  	s3 =	sld [smem:$0x3FB0]  }
0x31: {  	[smem:$0x3FB9] =	sst s10  }
0x32: {  	s10 =	sld [smem:$0x3FB7];
	_ =	sdelay $0x3  }
0x33: {  	p0 =	seq.s32 s10, $0x1;
	s10 =	sld [smem:$0x3FB9];
	_ =	sdelay $0x3  }
0x34: {  	[smem:$0x3FB9] =	sst s10  }
0x35: {  	s10 =	sld [smem:$0x3FB8];
	_ =	sdelay $0x3  }
0x36: {  	p1 =	seq.s32 s10, $0x1;
	s10 =	sld [smem:$0x3FB9];
	_ =	sdelay $0x3  }
0x37: {  	[smem:$0x3FB9] =	sst s10  }
0x38: {  	s10 =	sld [smem:$0x3FBA]  }
0x39: {  	_ = 	snop;
	(pc) =	sbr.ind lr, $3  }
0x3a: {  	_ = 	snop  }
0x3b: {  	_ = 	snop  }
0x3c: {  	p2 =	seq.s32 s10, $0x1;
	s10 =	sld [smem:$0x3FB9]  }
0x3d: {  	_ =	shalt  }
0x3e: {  	_ =	shalt  }
0x3f: {  	_ =	shalt  }
0x40: {  	_ =	shalt  }
0x41: {  	_ =	shalt  }
0x42: {  	_ =	shalt  }
0x43: {  	_ =	shalt  }
0x44: {  	_ =	shalt  }
0x45: {  	_ =	shalt  }
0x46: {  	_ =	shalt  }
0x47: {  	_ =	shalt  }
0x48: {  	_ =	shalt  }
0x49: {  	_ =	shalt  }
0x4a: {  	_ =	shalt  }
0x4b: {  	_ =	shalt  }
0x4c: {  	_ =	shalt  }
0x4d: {  	_ =	shalt  }
0x4e: {  	_ =	shalt  }
0x4f: {  	_ =	shalt  }
0x50: {  	_ =	shalt  }
0x51: {  	_ =	shalt  }
0x52: {  	_ =	shalt  }
0x53: {  	_ =	shalt  }
0x54: {  	_ =	shalt  }
0x55: {  	_ =	shalt  }
0x56: {  	_ =	shalt  }
0x57: {  	_ =	shalt  }
0x58: {  	_ =	shalt  }
0x59: {  	_ =	shalt  }
0x5a: {  	_ =	shalt  }
0x5b: {  	_ =	shalt  }
0x5c: {  	_ =	shalt  }
0x5d: {  	_ =	shalt  }
0x5e: {  	_ =	shalt  }
0x5f: {  	_ =	shalt  }
0x60: {  	_ =	shalt  }
0x61: {  	_ =	shalt  }
0x62: {  	_ =	shalt  }
0x63: {  	_ =	shalt  }
0x64: {  	_ =	shalt  }
0x65: {  	_ =	shalt  }
0x66: {  	_ =	shalt  }
0x67: {  	_ =	shalt  }
0x68: {  	_ =	shalt  }
0x69: {  	_ =	shalt  }
0x6a: {  	_ =	shalt  }
0x6b: {  	_ =	shalt  }
0x6c: {  	_ =	shalt  }
0x6d: {  	_ =	shalt  }
0x6e: {  	_ =	shalt  }
0x6f: {  	_ =	shalt  }
0x70: {  	_ =	shalt  }
0x71: {  	_ =	shalt  }
0x72: {  	_ =	shalt  }
0x73: {  	_ =	shalt  }
0x74: {  	_ =	shalt  }
0x75: {  	_ =	shalt  }
0x76: {  	_ =	shalt  }
0x77: {  	_ =	shalt  }
0x78: {  	_ =	shalt  }
0x79: {  	_ =	shalt  }
0x7a: {  	_ =	shalt  }
0x7b: {  	_ =	shalt  }
0x7c: {  	_ =	shalt  }
0x7d: {  	_ =	shalt  }
0x7e: {  	_ =	shalt  }
0x7f: {  	_ =	shalt  }
0x80: {  	_ =	shalt  }
0x81: {  	_ =	shalt  }
0x82: {  	_ =	shalt  }
0x83: {  	_ =	shalt  }
0x84: {  	_ =	shalt  }
0x85: {  	_ =	shalt  }
0x86: {  	_ =	shalt  }
0x87: {  	_ =	shalt  }
.Lfunc_end0:
.L_simem_size_0:
called_computation.2_lowered:
.L_overlay_start_0:
0x88: {  	s2 =	sld [smem:$0x3FD9]  }
0x89: {  	s3 =	sld [smem:$0x3FFE];
	_ =	sdelay $0x1  }
0x8a: {  	s1 =	srdreg.scid  }
0x8b: {  	s0 =	sand.u32 $0x1, s1  }
0x8c: {  	s17 =	sshll.u32 s0, $0xA;
	s2 =	sadd.s32 s3, s2  }
0x8d: {  	s2 =	sadd.s32 s2, s17  }
0x8e: {  	[smem:$0x3FC5] =	sst s2  }
0x8f: {  	_ = 	snop  }
0x90: {  	s2 =	sld [smem:$0x3FD0];
	(tm) =	ssettm $0x1  }
0x91: {  	s18 =	sld [smem:$0x3FFB];
	_ =	sdelay $0x3  }
0x92: {  	_ =	strace s18  }
0x93: {  	s3 =	sld [smem:$0x3FFC];
	_ =	sdelay $0x3  }
0x94: {  	_ =	strace s3  }
0x95: {  	s3 =	sld [smem:$0x3FFD];
	_ =	sdelay $0x3  }
0x96: {  	_ =	strace s3  }
0x97: {  	_ =	strace $0x8FFFFFFF  }
0x98: {  	s19 =	sld [smem:$0x3FDB];
	_ =	sdelay $0x1  }
0x99: {  	s4 =	simm.s32 $_scs_section_size  }
0x9a: {  	s5 =	simm.s32 $_size__tile_overlayer_lowered;
	s6 =	simm.s32 $_tile_overlayer_lowered  }
0x9b: {  	s22 =	simm.s32 $0x1BFF;
	s21 =	sshll.u32 s6, $0x1;
	s3 =	sadd.s32 s4, s19  }
0x9c: {  	s7 =	simm.s32 $0x0;
	s20 =	sshll.u32 s5, $0x1;
	s5 =	sadd.s32 s21, s3  }
0x9d: {  	[timem:s7], [sflag:s22] =	dma.local [hbm:s5], s20  }
0x9e: {  	_ =	swait.ge [sflag:s22], s20  }
0x9f: {  	s4 =	ssub.s32 $0x0, s20;
	[sflag:s22] =	ssyncset.done $0x0  }
0xa0: {  	[sflag:s22] =	ssyncadd.s32 s4;
	_ =	sdelay $0x1  }
0xa1: {  	s23 =	simm.s32 $0x1B8B  }
0xa2: {  	_ =	swait.ge [sflag:s23], $0x1  }
0xa3: {  	[sflag:s23] =	ssyncset.done $0x0  }
0xa4: {  	s25 =	simm.s32 $0x1B8E;
	s24 =	sld [smem:$0x3FFE];
	[sflag:s23] =	ssyncadd.s32 $0xFFFFFFFF  }
0xa5: {  	s26 =	simm.s32 $execute0_lowered;
	[smem:$0x3FD2] =	sst s25  }
0xa6: {  	s5 =	sshll.u32 s26, $0x1;
	_ =	strace $0x8000004C;
	[dreg:$0x1] =	wrdreg $0xFFFFFFFF  }
0xa7: {  	s28 =	simm.s32 $_size_execute0_lowered;
	s3 =	sadd.s32 s3, s5;
	[dreg:$0x0] =	wrdreg $0x0  }
0xa8: {  	s5 =	sshll.u32 s28, $0x1;
	[dreg:$0x2] =	wrdreg s3  }
0xa9: {  	[dreg:$0x3] =	wrdreg s5  }
0xaa: {  	[dreg:$0x4] =	wrdreg $0xC0  }
0xab: {  	_ =	task [dreg:s7], $0x5FFFF  }
0xac: {  	[dreg:$0x1] =	wrdreg $0xFFFFFFFF  }
0xad: {  	[dreg:$0x0] =	wrdreg $0x60  }
0xae: {  	[dreg:$0x2] =	wrdreg s2  }
0xaf: {  	[dreg:$0x3] =	wrdreg s24  }
0xb0: {  	[dreg:$0x4] =	wrdreg $0x0  }
0xb1: {  	[dreg:$0x5] =	wrdreg $0x9  }
0xb2: {  	_ =	task.clear_ibuf [dreg:s7], $0x6FFFF;
	_ =	strace $0x9000004C  }
0xb3: {  	s29 =	simm.s32 $0x9;
	_ =	strace $0x8000004E  }
0xb4: {  	_ =	swait.ge [sflag:s29], $0x1  }
0xb5: {  	[sflag:s29] =	ssyncadd.s32 $0xFFFFFFFF  }
0xb6: {  	_ =	strace $0x9000004E  }
0xb7: {  	_ =	sfence  }
0xb8: {  	s30 =	sld [smem:$0x0];
	_ =	sdelay $0x2  }
0xb9: {  	s31 =	sshll.u32 s1, $0xD;
	s1 =	sshrl.u32 s1, $0x2  }
0xba: {  	s3 =	sand.u32 $0x4000, s31;
	s1 =	sadd.s32 s1, s30  }
0xbb: {  	s0 =	sor.u32 s3, s0;
	s1 =	sshll.u32 s1, $0x11  }
0xbc: {  	s0 =	sor.u32 s1, s0  }
0xbd: {  	s0 =	sadd.s32 $0x8F2B, s0  }
0xbe: {  	[sflag:s0] =	ssyncadd.remote.s32 $0x1  }
0xbf: {  	_ =	sfence.sel $0xFFFF  }
0xc0: {  	[dreg:$0x0] =	wrdreg $0xFFFFFFFF;
	(pc) =	sbr.abs _section_cstart, $3  }
0xc1: {  	[dreg:$0x1] =	wrdreg $0xFFFFFFFF  }
0xc2: {  	_ =	task.clear_ibuf [dreg:s7], $0x2FFFF;
	_ =	strace $0x9FFFFFFF  }
0xc3: {  	(tm) =	ssettm $0x7FFFFFFF  }
tec
execute0_lowered:
.L_overlay_start_1:
0x0: {  	(tag) =	ssettag $0x1  }
0x1: {  	s0 =	rddreg [dreg:$0x0]  }
0x2: {  	s1 =	rddreg [dreg:$0x1];
	s2 =	srdreg.scid  }
0x3: {  	s3 =	rddreg [dreg:$0x2];
	s10 =	stileid.u32  }
0x4: {  	s18 =	simm.s32 $0x0;
	s2 =	sand.u32 $0x1, s2;
	s6 =	smul.u32 $0x14000, s10  }
0x5: {  	[smem:$0x7FF] =	sst s18;
	s4 =	smul.u32 $0x140000, s2  }
0x6: {  	s5 =	sadd.s32 $0x15C00, s1;
	s8 =	smul.u32 $0x50000, s10;
	s12 =	ssub.s32 $0x2, s2  }
0x7: {  	s7 =	sadd.s32 $0x1C00, s1;
	s9 =	sshrl.u32 s12, $0x1;
	s4 =	sadd.s32 s6, s4  }
0x8: {  	s8 =	sshrl.u32 s8, $0x2;
	s6 =	sadd.s32 $0x29C00, s1;
	s4 =	sshrl.u32 s4, $0x3  }
0x9: {  	s1 =	sadd.s32 s4, s1;
	s4 =	ssub.s32 s12, s9;
	s9 =	sadd.s32 s8, s3  }
0xa: {  	_ =	strace $0x8000004D;
	s8 =	sadd.s32 $0x2000, s9;
	[dreg:$0x5] =	wrdreg s9  }
0xb: {  	s13 =	sadd.s32 $0x4000, s9;
	[dreg:$0x6] =	wrdreg s8  }
0xc: {  	s14 =	sadd.s32 $0x6000, s9;
	[dreg:$0x7] =	wrdreg s13  }
0xd: {  	s2 =	sshll.u32 s2, $0x4;
	s15 =	sadd.s32 $0x8000, s9;
	[dreg:$0x8] =	wrdreg s14  }
0xe: {  	s2 =	sor.u32 s10, s2;
	s16 =	sadd.s32 $0xA000, s9;
	[dreg:$0x9] =	wrdreg s15  }
0xf: {  	s11 =	smul.u32 $0x5000, s2;
	s17 =	sadd.s32 $0xC000, s9;
	[dreg:$0xa] =	wrdreg s16  }
0x10: {  	s19 =	sadd.s32 $0xE000, s9;
	[dreg:$0xb] =	wrdreg s17  }
0x11: {  	s20 =	sshrl.u32 s11, $0x3;
	s21 =	sadd.s32 $0x10000, s9;
	[dreg:$0xc] =	wrdreg s19  }
0x12: {  	s30 =	simm.s32 $0xB;
	s22 =	sadd.s32 s5, s20;
	[dreg:$0xd] =	wrdreg s21  }
0x13: {  	s10 =	simm.s32 $0x1C480;
	s24 =	sadd.s32 s6, s20;
	[dreg:$0xe] =	wrdreg s22  }
0x14: {  	s12 =	simm.s32 $0x5;
	s2 =	sadd.s32 s7, s20;
	[dreg:$0xf] =	wrdreg s24  }
0x15: {  	s23 =	sor.u32 $0x10, s20;
	s1 =	sadd.s32 $0x64E00, s1;
	[dreg:$0x10] =	wrdreg s2  }
0x16: {  	s29 =	smax.u32 s4, $0x1;
	s31 =	sadd.s32 $0x12000, s9;
	[dreg:$0x14] =	wrdreg s1  }
0x17: {  	s20 =	simm.s32 $0xD;
	s25 =	sadd.s32 s5, s23;
	[dreg:$0x15] =	wrdreg s29  }
0x18: {  	s26 =	sadd.s32 s6, s23;
	s28 =	sadd.s32 s7, s23;
	[dreg:$0x16] =	wrdreg s31  }
0x19: {  	s1 =	simm.s32 $0x1C400;
	s13 =	simm.s32 $0x40;
	s14 =	simm.s32 $0xA  }
.Ltmp0:
0x1a: {  	s15 =	simm.s32 $0x16000;
	s16 =	simm.s32 $0x1;
	(pc) =	sbr.rel .LBB2_1-.Ltmp0, $4  }
0x1b: {  	s17 =	simm.s32 $0x1C100;
	s19 =	simm.s32 $0x1C500;
	s21 =	simm.s32 $0x2  }
0x1c: {  	s22 =	simm.s32 $0x1C180;
	s23 =	simm.s32 $0x1C380;
	[dreg:$0x11] =	wrdreg s25  }
0x1d: {  	s24 =	simm.s32 $0x1C580;
	s8 =	simm.s32 $0x3;
	[dreg:$0x12] =	wrdreg s26  }
0x1e: {  	v0 =	vimm.f32 $0.0e+00;
	[dreg:$0x13] =	wrdreg s28;
	s25 =	simm.s32 $0xC;
	s26 =	simm.s32 $0x1A000  }
.LBB2_14:
0x1f: {  	[spmem:s3] =	stream.indirect.scatter.add.f32 [tilespmem:s26], [sflag:$0x8], $0x80, s23, s13, $0xb8;
	[tilespmem:$0x1C600] =	vst v63  }
0x20: {  	s2 =	simm.s32 $0x7  }
0x21: {  	_ =	swait.ge [sflag:s2], $0x2000  }
0x22: {  	[sflag:s2] =	ssyncset.done $0x0  }
0x23: {  	s20 =	simm.s32 $0x8;
	[sflag:s2] =	ssyncadd.s32 $0xFFFFE000  }
0x24: {  	_ =	swait.ge [sflag:s20], $0x2000  }
0x25: {  	[sflag:s20] =	ssyncset.done $0x0  }
0x26: {  	s28 =	stileid.u32;
	[sflag:s20] =	ssyncadd.s32 $0xFFFFE000  }
0x27: {  	s2 =	sshll.u32 s28, $0x6;
	[bflag:$0x0] =	sbarrier.arrive $0xFFFF  }
0x28: {  	s2 =	sor.u32 $0x1C0D, s2;
	s9 =	rddreg [dreg:$0x5]  }
0x29: {  	s20 =	simm.s32 $0xD;
	s18 =	rddreg [dreg:$0x14];
	s4 =	sshrl.u32 s9, $0x3  }
0x2a: {  	[hbm:s18], [sflag:s2] =	dma.local [spmem:s4], $0x2800  }
0x2b: {  	_ =	swait.ge [sflag:s20], $0x2800  }
0x2c: {  	s29 =	rddreg [dreg:$0x4]  }
0x2d: {  	s31 =	rddreg [dreg:$0x15];
	s18 =	sadd.s32 $0x1, s29  }
0x2e: {  	p0 =	sne.s32 s18, s31  }
.Ltmp1:
0x2f: {  	_ = 	snop;
	(pc) =	sbr.rel @!p0 .LBB2_15-.Ltmp1, $3  }
0x30: {  	_ =	sdelay $0x1  }
0x31: {  	[sflag:s20] =	ssyncset.done $0x0  }
0x32: {  	[sflag:s20] =	ssyncadd.s32 $0xFFFFD800  }
.LBB2_1:
0x33: {  	[dreg:$0x4] =	wrdreg s18;
	s2 =	simm.s32 $0x0;
	s4 =	simm.s32 $0x200  }
.LBB2_2:
0x34: {  	p0 =	sne.s32 s4, $0x7E00;
	[tilespmem:s2+$0x14070] =	vst v0  }
0x35: {  	[tilespmem:s2+$0x14000] =	vst v0  }
0x36: {  	[tilespmem:s2+$0x14010] =	vst v0  }
.Ltmp2:
0x37: {  	[tilespmem:s2+$0x14020] =	vst v0;
	(pc) =	sbr.rel @p0 .LBB2_2-.Ltmp2, $4  }
0x38: {  	[tilespmem:s2+$0x14030] =	vst v0  }
0x39: {  	[tilespmem:s2+$0x14040] =	vst v0  }
0x3a: {  	[tilespmem:s2+$0x14050] =	vst v0  }
0x3b: {  	[tilespmem:s2+$0x14060] =	vst v0;
	s2 =	sshra.s32 s4, $0x2;
	s4 =	sadd.s32 $0x200, s4  }
0x3c: {  	[tilespmem:s2+$0x14070] =	vst v0  }
0x3d: {  	[tilespmem:s2+$0x14000] =	vst v0  }
0x3e: {  	[tilespmem:s2+$0x14010] =	vst v0  }
0x3f: {  	[tilespmem:s2+$0x14020] =	vst v0  }
0x40: {  	[tilespmem:s2+$0x14030] =	vst v0  }
0x41: {  	[tilespmem:s2+$0x14040] =	vst v0  }
0x42: {  	[tilespmem:s2+$0x14050] =	vst v0  }
0x43: {  	[tilespmem:s2+$0x14060] =	vst v0;
	s18 =	simm.s32 $0x14000  }
0x44: {  	[spmem:s9] =	stream.linear.scatter [tilespmem:s18], [sflag:$0xD], $0x2000, $0x38;
	[tilespmem:$0x1C600] =	vst v63  }
0x45: {  	_ =	swait.ge [sflag:s20], $0x2000  }
0x46: {  	[sflag:s20] =	ssyncset.done $0x0  }
0x47: {  	s29 =	rddreg [dreg:$0x6];
	[sflag:s20] =	ssyncadd.s32 $0xFFFFE000  }
0x48: {  	[spmem:s29] =	stream.linear.scatter [tilespmem:s18], [sflag:$0xD], $0x2000, $0x38;
	[tilespmem:$0x1C600] =	vst v63  }
0x49: {  	_ =	swait.ge [sflag:s20], $0x2000  }
0x4a: {  	[sflag:s20] =	ssyncset.done $0x0  }
0x4b: {  	s31 =	rddreg [dreg:$0x7];
	[sflag:s20] =	ssyncadd.s32 $0xFFFFE000  }
0x4c: {  	[spmem:s31] =	stream.linear.scatter [tilespmem:s18], [sflag:$0xD], $0x2000, $0x38;
	[tilespmem:$0x1C600] =	vst v63  }
0x4d: {  	_ =	swait.ge [sflag:s20], $0x2000  }
0x4e: {  	[sflag:s20] =	ssyncset.done $0x0  }
0x4f: {  	s4 =	rddreg [dreg:$0x8];
	[sflag:s20] =	ssyncadd.s32 $0xFFFFE000  }
0x50: {  	[spmem:s4] =	stream.linear.scatter [tilespmem:s18], [sflag:$0xD], $0x2000, $0x38;
	[tilespmem:$0x1C600] =	vst v63  }
0x51: {  	_ =	swait.ge [sflag:s20], $0x2000  }
0x52: {  	[sflag:s20] =	ssyncset.done $0x0  }
0x53: {  	s9 =	rddreg [dreg:$0x9];
	[sflag:s20] =	ssyncadd.s32 $0xFFFFE000  }
0x54: {  	[spmem:s9] =	stream.linear.scatter [tilespmem:s18], [sflag:$0xD], $0x2000, $0x38;
	[tilespmem:$0x1C600] =	vst v63  }
0x55: {  	_ =	swait.ge [sflag:s20], $0x2000  }
0x56: {  	[sflag:s20] =	ssyncset.done $0x0  }
0x57: {  	s28 =	rddreg [dreg:$0xa];
	[sflag:s20] =	ssyncadd.s32 $0xFFFFE000  }
0x58: {  	[spmem:s28] =	stream.linear.scatter [tilespmem:s18], [sflag:$0xD], $0x2000, $0x38;
	[tilespmem:$0x1C600] =	vst v63  }
0x59: {  	_ =	swait.ge [sflag:s20], $0x2000  }
0x5a: {  	[sflag:s20] =	ssyncset.done $0x0  }
0x5b: {  	s29 =	rddreg [dreg:$0xb];
	[sflag:s20] =	ssyncadd.s32 $0xFFFFE000  }
0x5c: {  	[spmem:s29] =	stream.linear.scatter [tilespmem:s18], [sflag:$0xD], $0x2000, $0x38;
	[tilespmem:$0x1C600] =	vst v63  }
0x5d: {  	_ =	swait.ge [sflag:s20], $0x2000  }
0x5e: {  	[sflag:s20] =	ssyncset.done $0x0  }
0x5f: {  	s31 =	rddreg [dreg:$0xc];
	[sflag:s20] =	ssyncadd.s32 $0xFFFFE000  }
0x60: {  	[spmem:s31] =	stream.linear.scatter [tilespmem:s18], [sflag:$0xD], $0x2000, $0x38;
	[tilespmem:$0x1C600] =	vst v63  }
0x61: {  	_ =	swait.ge [sflag:s20], $0x2000  }
0x62: {  	[sflag:s20] =	ssyncset.done $0x0  }
0x63: {  	s4 =	rddreg [dreg:$0xd];
	[sflag:s20] =	ssyncadd.s32 $0xFFFFE000  }
0x64: {  	[spmem:s4] =	stream.linear.scatter [tilespmem:s18], [sflag:$0xD], $0x2000, $0x38;
	[tilespmem:$0x1C600] =	vst v63  }
0x65: {  	_ =	swait.ge [sflag:s20], $0x2000  }
0x66: {  	[sflag:s20] =	ssyncset.done $0x0  }
0x67: {  	s9 =	rddreg [dreg:$0x16];
	[sflag:s20] =	ssyncadd.s32 $0xFFFFE000  }
0x68: {  	[spmem:s9] =	stream.linear.scatter [tilespmem:s18], [sflag:$0xD], $0x2000, $0x38;
	[tilespmem:$0x1C600] =	vst v63  }
0x69: {  	_ =	swait.ge [sflag:s20], $0x2000  }
0x6a: {  	[sflag:s20] =	ssyncset.done $0x0  }
0x6b: {  	[sflag:s20] =	ssyncadd.s32 $0xFFFFE000  }
0x6c: {  	[bflag:$0x0] =	sbarrier.arrive $0xFFFF  }
0x6d: {  	s4 =	simm.s32 $0x0;
	s9 =	simm.s32 $0x1C000;
	s28 =	rddreg [dreg:$0xe]  }
0x6e: {  	[tilespmem:s9], [sflag:$0x9] =	stream.linear.gather [hbm4b:s28+s4], $0x80, $0x38;
	[tilespmem:$0x1C600] =	vst v63  }
0x6f: {  	s31 =	simm.s32 $0x1C200;
	s29 =	rddreg [dreg:$0xf]  }
0x70: {  	[tilespmem:s31], [sflag:$0x9] =	stream.linear.gather [hbm4b:s29+s4], $0x80, $0x38;
	[tilespmem:$0x1C600] =	vst v63  }
0x71: {  	s28 =	rddreg [dreg:$0x10]  }
0x72: {  	[tilespmem:s1], [sflag:$0x9] =	stream.linear.gather [hbm4b:s28+s4], $0x80, $0x38;
	[tilespmem:$0x1C600] =	vst v63  }
0x73: {  	s20 =	simm.s32 $0x1C080;
	s29 =	rddreg [dreg:$0x11]  }
0x74: {  	[tilespmem:s20], [sflag:$0xA] =	stream.linear.gather [hbm4b:s29+s4], $0x80, $0x38;
	[tilespmem:$0x1C600] =	vst v63  }
0x75: {  	s31 =	rddreg [dreg:$0x12];
	s28 =	simm.s32 $0x1C280  }
0x76: {  	[tilespmem:s28], [sflag:$0xA] =	stream.linear.gather [hbm4b:s31+s4], $0x80, $0x38;
	[tilespmem:$0x1C600] =	vst v63  }
0x77: {  	s29 =	rddreg [dreg:$0x13];
	s31 =	simm.s32 $0x9  }
0x78: {  	[tilespmem:s10], [sflag:$0xA] =	stream.linear.gather [hbm4b:s29+s4], $0x80, $0x38;
	[tilespmem:$0x1C600] =	vst v63  }
0x79: {  	_ =	swait.ge [sflag:s31], $0x80  }
0x7a: {  	[sflag:s31] =	ssyncset.done $0x0  }
0x7b: {  	[sflag:s31] =	ssyncadd.s32 $0xFFFFFF80  }
0x7c: {  	_ =	swait.ge [sflag:s31], $0x80  }
0x7d: {  	[sflag:s31] =	ssyncset.done $0x0  }
0x7e: {  	[sflag:s31] =	ssyncadd.s32 $0xFFFFFF80  }
0x7f: {  	_ =	swait.ge [sflag:s31], $0x80  }
0x80: {  	[sflag:s31] =	ssyncset.done $0x0  }
0x81: {  	[sflag:s31] =	ssyncadd.s32 $0xFFFFFF80  }
0x82: {  	[tilespmem:s18], [sflag:$0x1] =	stream.indirect.gather [hbm4b:s0+s13], $0x80, s9, s13, $0xb8;
	[tilespmem:$0x1C600] =	vst v63  }
0x83: {  	_ =	swait.ge [sflag:s14], $0x80  }
0x84: {  	[sflag:s14] =	ssyncset.done $0x0  }
0x85: {  	[sflag:s14] =	ssyncadd.s32 $0xFFFFFF80  }
0x86: {  	_ =	swait.ge [sflag:s14], $0x80  }
0x87: {  	[sflag:s14] =	ssyncset.done $0x0  }
0x88: {  	[sflag:s14] =	ssyncadd.s32 $0xFFFFFF80  }
0x89: {  	_ =	swait.ge [sflag:s14], $0x80  }
0x8a: {  	[sflag:s14] =	ssyncset.done $0x0  }
0x8b: {  	s18 =	simm.s32 $0x0;
	[sflag:s14] =	ssyncadd.s32 $0xFFFFFF80  }
0x8c: {  	[tilespmem:s15], [sflag:$0x2] =	stream.indirect.gather [hbm4b:s0+s13], $0x80, s20, s13, $0xb8;
	[tilespmem:$0x1C600] =	vst v63  }
.LBB2_4:
0x8d: {  	s20 =	sshll.u32 s18, $0x9  }
0x8e: {  	_ =	swait.ge [sflag:s16], $0x2000;
	p0 =	seq.s32 s18, $0x0;
	s2 =	sand.u32 $0x7C00, s20  }
0x8f: {  	[sflag:s16] =	ssyncset.done $0x0;
	s9 =	sand.u32 $0x200, s20;
	s2 =	sadd.s32 s11, s2  }
0x90: {  	s31 =	simm.s32 @!p0 $0x7;
	[sflag:s16] =	ssyncadd.s32 $0xFFFFE000;
	s2 =	sor.u32 s9, s2  }
0x91: {  	_ =	swait.ge @!p0 [sflag:s31], $0x2000;
	s29 =	sshrl.u32 s2, $0x3  }
0x92: {  	[sflag:s31] =	ssyncset.done @!p0 $0x0;
	s2 =	sor.u32 $0x20, s29  }
0x93: {  	[sflag:s31] =	ssyncadd.s32 @!p0 $0xFFFFE000;
	s28 =	sadd.s32 s5, s2  }
0x94: {  	[tilespmem:s17], [sflag:$0xB] =	stream.linear.gather [hbm4b:s28+s4], $0x80, $0x38;
	[tilespmem:$0x1C600] =	vst v63  }
0x95: {  	s9 =	sadd.s32 s6, s2;
	s28 =	simm.s32 $0x1C300  }
0x96: {  	[tilespmem:s28], [sflag:$0xB] =	stream.linear.gather [hbm4b:s9+s4], $0x80, $0x38;
	[tilespmem:$0x1C600] =	vst v63  }
0x97: {  	v1 =	vmov s4;
	s31 =	simm.s32 $0x14040;
	s2 =	sadd.s32 s7, s2  }
0x98: {  	[tilespmem:s19], [sflag:$0xB] =	stream.linear.gather [hbm4b:s2+s4], $0x80, $0x38;
	[tilespmem:$0x1C600] =	vst v63  }
0x99: {  	v5 =	vld [tilespmem:s31+$0x30]  }
0x9a: {  	v8 =	vld [tilespmem:s31+$0x10]  }
0x9b: {  	v6 =	vld [tilespmem:s31+$0xFFFFFFC0]  }
0x9c: {  	v2 =	vld.idx.msk [tilespmem:v1+s1+$0x0], $0xffff  }
0x9d: {  	v10 =	vld [tilespmem:s31+$0xFFFFFFE0]  }
0x9e: {  	v1 =	vld [tilespmem:s31+$0xFFFFFFF0]  }
0x9f: {  	v3 =	vld [tilespmem:s31+$0x20]  }
0xa0: {  	v4 =	vld [tilespmem:s31+$0xFFFFFFD0]  }
0xa1: {  	v9 =	vmul.f32 v5, v2;
	v5 =	vld [tilespmem:s31+$0x0]  }
0xa2: {  	v7 =	vmul.f32 v6, v2  }
0xa3: {  	s9 =	simm.s32 $0x14040;
	s2 =	simm.s32 $0x1;
	v6 =	vmul.f32 v10, v2;
	v8 =	vmul.f32 v8, v2  }
.LBB2_5:
0xa4: {  	p1 =	sne.s32 s2, $0x3F  }
0xa5: {  	v4 =	vmul.f32 v4, v2;
	v3 =	vmul.f32 v3, v2;
	[tilespmem:s31+$0x30] =	vst v9;
	s9 =	sadd.s32 $0x80, s9;
	s28 =	smov.u32 s2;
	s2 =	sadd.s32 $0x1, s2  }
0xa6: {  	[tilespmem:s31+$0xFFFFFFC0] =	vst v7;
	v7 =	vmul.f32 v1, v2;
	v2 =	vmul.f32 v5, v2  }
0xa7: {  	[tilespmem:s31+$0x10] =	vst v8  }
0xa8: {  	v5 =	vmov s28;
	[tilespmem:s31+$0xFFFFFFE0] =	vst v6  }
0xa9: {  	v1 =	vld [tilespmem:s9+$0xFFFFFFF0];
	[tilespmem:s31+$0xFFFFFFF0] =	vst v7  }
0xaa: {  	v6 =	vld [tilespmem:s9+$0x30];
	[tilespmem:s31+$0x0] =	vst v2  }
0xab: {  	v8 =	vld [tilespmem:s9+$0x10];
	[tilespmem:s31+$0x20] =	vst v3  }
0xac: {  	v7 =	vld [tilespmem:s9+$0xFFFFFFC0];
	[tilespmem:s31+$0xFFFFFFD0] =	vst v4;
	s31 =	smov.u32 s9  }
0xad: {  	v2 =	vld.idx.msk [tilespmem:v5+s1+$0x0], $0xffff  }
0xae: {  	v10 =	vld [tilespmem:s9+$0xFFFFFFE0]  }
0xaf: {  	v3 =	vld [tilespmem:s9+$0x20]  }
.Ltmp3:
0xb0: {  	v4 =	vld [tilespmem:s9+$0xFFFFFFD0];
	(pc) =	sbr.rel @p1 .LBB2_5-.Ltmp3, $3  }
0xb1: {  	v5 =	vld [tilespmem:s9+$0x0];
	_ =	sdelay $0x1  }
0xb2: {  	v7 =	vmul.f32 v7, v2;
	v9 =	vmul.f32 v6, v2  }
0xb3: {  	v8 =	vmul.f32 v8, v2;
	v6 =	vmul.f32 v10, v2  }
0xb4: {  	[tilespmem:s31+$0x30] =	vst v9  }
0xb5: {  	[tilespmem:s31+$0xFFFFFFC0] =	vst v7  }
0xb6: {  	v1 =	vmul.f32 v1, v2;
	[tilespmem:s31+$0x10] =	vst v8  }
0xb7: {  	v3 =	vmul.f32 v3, v2;
	[tilespmem:s31+$0xFFFFFFE0] =	vst v6  }
0xb8: {  	v5 =	vmul.f32 v5, v2;
	[tilespmem:s31+$0xFFFFFFF0] =	vst v1  }
0xb9: {  	v1 =	vmul.f32 v4, v2;
	[tilespmem:s31+$0x20] =	vst v3  }
0xba: {  	[tilespmem:s31+$0x0] =	vst v5  }
0xbb: {  	[tilespmem:s31+$0xFFFFFFD0] =	vst v1  }
0xbc: {  	_ =	swait.ge [sflag:s30], $0x80  }
0xbd: {  	[sflag:s30] =	ssyncset.done $0x0  }
0xbe: {  	[sflag:s30] =	ssyncadd.s32 $0xFFFFFF80  }
0xbf: {  	_ =	swait.ge [sflag:s30], $0x80  }
0xc0: {  	[sflag:s30] =	ssyncset.done $0x0  }
0xc1: {  	[sflag:s30] =	ssyncadd.s32 $0xFFFFFF80  }
0xc2: {  	_ =	swait.ge [sflag:s30], $0x80  }
0xc3: {  	[sflag:s30] =	ssyncset.done $0x0  }
0xc4: {  	s2 =	simm.s32 $0x18000;
	[sflag:s30] =	ssyncadd.s32 $0xFFFFFF80  }
0xc5: {  	[tilespmem:s2], [sflag:$0x3] =	stream.indirect.gather [hbm4b:s0+s13], $0x80, s17, s13, $0xb8;
	[tilespmem:$0x1C600] =	vst v63  }
0xc6: {  	s28 =	simm.s32 $0x14000;
	s9 =	simm.s32 $0x1C200  }
0xc7: {  	[spmem:s3] =	stream.indirect.scatter.add.f32 [tilespmem:s28], [sflag:$0x5], $0x80, s9, s13, $0xb8;
	[tilespmem:$0x1C600] =	vst v63  }
0xc8: {  	_ =	swait.ge [sflag:s21], $0x2000  }
0xc9: {  	[sflag:s21] =	ssyncset.done $0x0  }
0xca: {  	s2 =	simm.s32 @!p0 $0x8;
	[sflag:s21] =	ssyncadd.s32 $0xFFFFE000  }
0xcb: {  	_ =	swait.ge @!p0 [sflag:s2], $0x2000  }
0xcc: {  	s9 =	sor.u32 $0x30, s29;
	[sflag:s2] =	ssyncset.done @!p0 $0x0  }
0xcd: {  	s28 =	simm.s32 $0x0;
	s31 =	sadd.s32 s5, s9;
	[sflag:s2] =	ssyncadd.s32 @!p0 $0xFFFFE000  }
0xce: {  	[tilespmem:s22], [sflag:$0xC] =	stream.linear.gather [hbm4b:s31+s28], $0x80, $0x38;
	[tilespmem:$0x1C600] =	vst v63  }
0xcf: {  	s31 =	sadd.s32 s6, s9  }
0xd0: {  	[tilespmem:s23], [sflag:$0xC] =	stream.linear.gather [hbm4b:s31+s28], $0x80, $0x38;
	[tilespmem:$0x1C600] =	vst v63  }
0xd1: {  	s29 =	simm.s32 $0x16040;
	v1 =	vmov s28;
	s31 =	sadd.s32 s7, s9  }
0xd2: {  	[tilespmem:s24], [sflag:$0xC] =	stream.linear.gather [hbm4b:s31+s28], $0x80, $0x38;
	[tilespmem:$0x1C600] =	vst v63  }
0xd3: {  	v5 =	vld [tilespmem:s29+$0x30]  }
0xd4: {  	v8 =	vld [tilespmem:s29+$0x10]  }
0xd5: {  	v6 =	vld [tilespmem:s29+$0xFFFFFFC0]  }
0xd6: {  	v2 =	vld.idx.msk [tilespmem:v1+s10+$0x0], $0xffff  }
0xd7: {  	v10 =	vld [tilespmem:s29+$0xFFFFFFE0]  }
0xd8: {  	v1 =	vld [tilespmem:s29+$0xFFFFFFF0]  }
0xd9: {  	v3 =	vld [tilespmem:s29+$0x20]  }
0xda: {  	v4 =	vld [tilespmem:s29+$0xFFFFFFD0]  }
0xdb: {  	v9 =	vmul.f32 v5, v2;
	v5 =	vld [tilespmem:s29+$0x0]  }
0xdc: {  	v7 =	vmul.f32 v6, v2  }
0xdd: {  	s2 =	simm.s32 $0x1;
	s9 =	simm.s32 $0x16040;
	v6 =	vmul.f32 v10, v2;
	v8 =	vmul.f32 v8, v2  }
.LBB2_7:
0xde: {  	p0 =	sne.s32 s2, $0x3F  }
0xdf: {  	v4 =	vmul.f32 v4, v2;
	v3 =	vmul.f32 v3, v2;
	[tilespmem:s29+$0x30] =	vst v9;
	s9 =	sadd.s32 $0x80, s9;
	s28 =	smov.u32 s2;
	s2 =	sadd.s32 $0x1, s2  }
0xe0: {  	[tilespmem:s29+$0xFFFFFFC0] =	vst v7;
	v7 =	vmul.f32 v1, v2;
	v2 =	vmul.f32 v5, v2  }
0xe1: {  	[tilespmem:s29+$0x10] =	vst v8  }
0xe2: {  	v5 =	vmov s28;
	[tilespmem:s29+$0xFFFFFFE0] =	vst v6  }
0xe3: {  	v1 =	vld [tilespmem:s9+$0xFFFFFFF0];
	[tilespmem:s29+$0xFFFFFFF0] =	vst v7  }
0xe4: {  	v6 =	vld [tilespmem:s9+$0x30];
	[tilespmem:s29+$0x0] =	vst v2  }
0xe5: {  	v8 =	vld [tilespmem:s9+$0x10];
	[tilespmem:s29+$0x20] =	vst v3  }
0xe6: {  	v7 =	vld [tilespmem:s9+$0xFFFFFFC0];
	[tilespmem:s29+$0xFFFFFFD0] =	vst v4;
	s29 =	smov.u32 s9  }
0xe7: {  	v2 =	vld.idx.msk [tilespmem:v5+s10+$0x0], $0xffff  }
0xe8: {  	v10 =	vld [tilespmem:s9+$0xFFFFFFE0]  }
0xe9: {  	v3 =	vld [tilespmem:s9+$0x20]  }
.Ltmp4:
0xea: {  	v4 =	vld [tilespmem:s9+$0xFFFFFFD0];
	(pc) =	sbr.rel @p0 .LBB2_7-.Ltmp4, $3  }
0xeb: {  	v5 =	vld [tilespmem:s9+$0x0];
	_ =	sdelay $0x1  }
0xec: {  	v7 =	vmul.f32 v7, v2;
	v9 =	vmul.f32 v6, v2  }
0xed: {  	v8 =	vmul.f32 v8, v2;
	v6 =	vmul.f32 v10, v2  }
0xee: {  	[tilespmem:s29+$0x30] =	vst v9  }
0xef: {  	[tilespmem:s29+$0xFFFFFFC0] =	vst v7  }
0xf0: {  	v1 =	vmul.f32 v1, v2;
	[tilespmem:s29+$0x10] =	vst v8  }
0xf1: {  	v3 =	vmul.f32 v3, v2;
	[tilespmem:s29+$0xFFFFFFE0] =	vst v6  }
0xf2: {  	v5 =	vmul.f32 v5, v2;
	[tilespmem:s29+$0xFFFFFFF0] =	vst v1  }
0xf3: {  	v1 =	vmul.f32 v4, v2;
	[tilespmem:s29+$0x20] =	vst v3  }
0xf4: {  	[tilespmem:s29+$0x0] =	vst v5  }
0xf5: {  	[tilespmem:s29+$0xFFFFFFD0] =	vst v1  }
0xf6: {  	_ =	swait.ge [sflag:s25], $0x80  }
0xf7: {  	[sflag:s25] =	ssyncset.done $0x0  }
0xf8: {  	[sflag:s25] =	ssyncadd.s32 $0xFFFFFF80  }
0xf9: {  	_ =	swait.ge [sflag:s25], $0x80  }
0xfa: {  	[sflag:s25] =	ssyncset.done $0x0  }
0xfb: {  	[sflag:s25] =	ssyncadd.s32 $0xFFFFFF80  }
0xfc: {  	_ =	swait.ge [sflag:s25], $0x80  }
0xfd: {  	[sflag:s25] =	ssyncset.done $0x0  }
0xfe: {  	[sflag:s25] =	ssyncadd.s32 $0xFFFFFF80  }
0xff: {  	[tilespmem:s26], [sflag:$0x4] =	stream.indirect.gather [hbm4b:s0+s13], $0x80, s22, s13, $0xb8;
	[tilespmem:$0x1C600] =	vst v63  }
0x100: {  	s2 =	simm.s32 $0x1C280;
	p0 =	seq.s32 s18, $0x27  }
0x101: {  	[spmem:s3] =	stream.indirect.scatter.add.f32 [tilespmem:s15], [sflag:$0x6], $0x80, s2, s13, $0xb8;
	[tilespmem:$0x1C600] =	vst v63  }
0x102: {  	s2 =	sadd.s32 @!p0 $0x200, s20;
	_ =	swait.ge [sflag:s8], $0x2000  }
0x103: {  	s9 =	sand.u32 @!p0 $0xFC00, s2;
	[sflag:s8] =	ssyncset.done $0x0  }
0x104: {  	s2 =	sand.u32 @!p0 $0x200, s2;
	s9 =	sadd.s32 @!p0 s11, s9;
	[sflag:s8] =	ssyncadd.s32 $0xFFFFE000  }
0x105: {  	s2 =	sor.u32 @!p0 s2, s9;
	_ =	swait.ge [sflag:s12], $0x2000  }
0x106: {  	s28 =	simm.s32 @!p0 $0x0;
	s2 =	sshrl.u32 @!p0 s2, $0x3;
	[sflag:s12] =	ssyncset.done $0x0  }
0x107: {  	s29 =	simm.s32 @!p0 $0x1C000;
	s9 =	sadd.s32 @!p0 s5, s2;
	[sflag:s12] =	ssyncadd.s32 $0xFFFFE000  }
0x108: {  	[tilespmem:s29], [sflag:$0x9] =	stream.linear.gather @!p0 [hbm4b:s9+s28], $0x80, $0x38;
	[tilespmem:$0x1C600] =	vst v63  }
0x109: {  	s9 =	sadd.s32 @!p0 s6, s2;
	s29 =	simm.s32 @!p0 $0x1C200  }
0x10a: {  	[tilespmem:s29], [sflag:$0x9] =	stream.linear.gather @!p0 [hbm4b:s9+s28], $0x80, $0x38;
	[tilespmem:$0x1C600] =	vst v63  }
0x10b: {  	s29 =	simm.s32 $0x0  }
0x10c: {  	s2 =	sadd.s32 @!p0 s7, s2;
	s9 =	simm.s32 @!p0 $0x1C400;
	v1 =	vmov s29;
	s29 =	simm.s32 $0x18040  }
0x10d: {  	[tilespmem:s9], [sflag:$0x9] =	stream.linear.gather @!p0 [hbm4b:s2+s28], $0x80, $0x38;
	[tilespmem:$0x1C600] =	vst v63  }
0x10e: {  	v5 =	vld [tilespmem:s29+$0x30]  }
0x10f: {  	v8 =	vld [tilespmem:s29+$0x10]  }
0x110: {  	v6 =	vld [tilespmem:s29+$0xFFFFFFC0]  }
0x111: {  	v2 =	vld.idx.msk [tilespmem:v1+s19+$0x0], $0xffff  }
0x112: {  	v10 =	vld [tilespmem:s29+$0xFFFFFFE0]  }
0x113: {  	v3 =	vld [tilespmem:s29+$0x20]  }
0x114: {  	v4 =	vld [tilespmem:s29+$0xFFFFFFD0]  }
0x115: {  	v1 =	vld [tilespmem:s29+$0xFFFFFFF0]  }
0x116: {  	v9 =	vmul.f32 v5, v2;
	v5 =	vld [tilespmem:s29+$0x0]  }
0x117: {  	v7 =	vmul.f32 v6, v2  }
0x118: {  	s2 =	simm.s32 $0x1;
	s9 =	simm.s32 $0x18040;
	v6 =	vmul.f32 v10, v2;
	v8 =	vmul.f32 v8, v2  }
.LBB2_9:
0x119: {  	p1 =	sne.s32 s2, $0x3F  }
0x11a: {  	v4 =	vmul.f32 v4, v2;
	v3 =	vmul.f32 v3, v2;
	[tilespmem:s29+$0x30] =	vst v9;
	s9 =	sadd.s32 $0x80, s9;
	s28 =	smov.u32 s2;
	s2 =	sadd.s32 $0x1, s2  }
0x11b: {  	[tilespmem:s29+$0xFFFFFFC0] =	vst v7;
	v7 =	vmul.f32 v1, v2;
	v2 =	vmul.f32 v5, v2  }
0x11c: {  	[tilespmem:s29+$0x10] =	vst v8  }
0x11d: {  	v5 =	vmov s28;
	[tilespmem:s29+$0xFFFFFFE0] =	vst v6  }
0x11e: {  	v1 =	vld [tilespmem:s9+$0xFFFFFFF0];
	[tilespmem:s29+$0xFFFFFFF0] =	vst v7  }
0x11f: {  	v6 =	vld [tilespmem:s9+$0x30];
	[tilespmem:s29+$0x0] =	vst v2  }
0x120: {  	v8 =	vld [tilespmem:s9+$0x10];
	[tilespmem:s29+$0x20] =	vst v3  }
0x121: {  	v7 =	vld [tilespmem:s9+$0xFFFFFFC0];
	[tilespmem:s29+$0xFFFFFFD0] =	vst v4;
	s29 =	smov.u32 s9  }
0x122: {  	v2 =	vld.idx.msk [tilespmem:v5+s19+$0x0], $0xffff  }
0x123: {  	v10 =	vld [tilespmem:s9+$0xFFFFFFE0]  }
0x124: {  	v3 =	vld [tilespmem:s9+$0x20]  }
.Ltmp5:
0x125: {  	v4 =	vld [tilespmem:s9+$0xFFFFFFD0];
	(pc) =	sbr.rel @p1 .LBB2_9-.Ltmp5, $3  }
0x126: {  	v5 =	vld [tilespmem:s9+$0x0];
	_ =	sdelay $0x1  }
0x127: {  	v7 =	vmul.f32 v7, v2;
	v9 =	vmul.f32 v6, v2  }
0x128: {  	v8 =	vmul.f32 v8, v2;
	v6 =	vmul.f32 v10, v2  }
0x129: {  	[tilespmem:s29+$0x30] =	vst v9  }
0x12a: {  	[tilespmem:s29+$0xFFFFFFC0] =	vst v7  }
0x12b: {  	v1 =	vmul.f32 v1, v2;
	[tilespmem:s29+$0x10] =	vst v8  }
0x12c: {  	v3 =	vmul.f32 v3, v2;
	[tilespmem:s29+$0xFFFFFFE0] =	vst v6  }
0x12d: {  	v5 =	vmul.f32 v5, v2;
	[tilespmem:s29+$0xFFFFFFF0] =	vst v1  }
0x12e: {  	v1 =	vmul.f32 v4, v2;
	[tilespmem:s29+$0x20] =	vst v3  }
0x12f: {  	[tilespmem:s29+$0x0] =	vst v5  }
0x130: {  	s2 =	simm.s32 @p0 $0x40;
	s9 =	simm.s32 @p0 $0x1C300;
	s28 =	simm.s32 @p0 $0x18000;
	[tilespmem:s29+$0xFFFFFFD0] =	vst v1  }
0x131: {  	[spmem:s3] =	stream.indirect.scatter.add.f32 @p0 [tilespmem:s28], [sflag:$0x7], $0x80, s9, s2, $0xb8;
	[tilespmem:$0x1C600] =	vst v63  }
0x132: {  	s2 =	simm.s32 @p0 $0x4  }
0x133: {  	_ =	swait.ge @p0 [sflag:s2], $0x2000  }
0x134: {  	[sflag:s2] =	ssyncset.done @p0 $0x0  }
0x135: {  	[sflag:s2] =	ssyncadd.s32 @p0 $0xFFFFE000;
	s2 =	simm.s32 @p0 $0x6  }
0x136: {  	_ =	swait.ge @p0 [sflag:s2], $0x2000  }
0x137: {  	[sflag:s2] =	ssyncset.done @p0 $0x0  }
0x138: {  	[sflag:s2] =	ssyncadd.s32 @p0 $0xFFFFE000;
	s2 =	simm.s32 @!p0 $0x9  }
0x139: {  	_ =	swait.ge @!p0 [sflag:s2], $0x80  }
0x13a: {  	[sflag:s2] =	ssyncset.done @!p0 $0x0  }
0x13b: {  	[sflag:s2] =	ssyncadd.s32 @!p0 $0xFFFFFF80  }
0x13c: {  	_ =	swait.ge @!p0 [sflag:s2], $0x80  }
0x13d: {  	[sflag:s2] =	ssyncset.done @!p0 $0x0  }
0x13e: {  	[sflag:s2] =	ssyncadd.s32 @!p0 $0xFFFFFF80  }
0x13f: {  	_ =	swait.ge @!p0 [sflag:s2], $0x80  }
0x140: {  	s9 =	simm.s32 @!p0 $0x1C000;
	[sflag:s2] =	ssyncset.done @!p0 $0x0  }
0x141: {  	s28 =	simm.s32 @!p0 $0x14000;
	[sflag:s2] =	ssyncadd.s32 @!p0 $0xFFFFFF80;
	s2 =	simm.s32 @!p0 $0x40  }
0x142: {  	[tilespmem:s28], [sflag:$0x1] =	stream.indirect.gather @!p0 [hbm4b:s0+s2], $0x80, s9, s2, $0xb8;
	[tilespmem:$0x1C600] =	vst v63  }
0x143: {  	s9 =	simm.s32 @!p0 $0x1C300;
	s28 =	simm.s32 @!p0 $0x18000  }
0x144: {  	[spmem:s3] =	stream.indirect.scatter.add.f32 @!p0 [tilespmem:s28], [sflag:$0x7], $0x80, s9, s2, $0xb8;
	[tilespmem:$0x1C600] =	vst v63  }
0x145: {  	s2 =	simm.s32 @!p0 $0x4  }
0x146: {  	_ =	swait.ge @!p0 [sflag:s2], $0x2000  }
0x147: {  	s9 =	sadd.s32 @!p0 $0x280, s20;
	[sflag:s2] =	ssyncset.done @!p0 $0x0  }
0x148: {  	s20 =	sand.u32 @!p0 $0xFC00, s9;
	[sflag:s2] =	ssyncadd.s32 @!p0 $0xFFFFE000;
	s2 =	simm.s32 @!p0 $0x6  }
0x149: {  	s9 =	sand.u32 @!p0 $0x280, s9;
	s20 =	sadd.s32 @!p0 s11, s20;
	_ =	swait.ge @!p0 [sflag:s2], $0x2000  }
0x14a: {  	s9 =	sor.u32 @!p0 s9, s20;
	[sflag:s2] =	ssyncset.done @!p0 $0x0  }
0x14b: {  	[sflag:s2] =	ssyncadd.s32 @!p0 $0xFFFFE000;
	s2 =	sshrl.u32 @!p0 s9, $0x3  }
0x14c: {  	s28 =	simm.s32 @!p0 $0x1C080;
	s20 =	simm.s32 @!p0 $0x0;
	s9 =	sadd.s32 @!p0 s5, s2  }
0x14d: {  	[tilespmem:s28], [sflag:$0xA] =	stream.linear.gather @!p0 [hbm4b:s9+s20], $0x80, $0x38;
	[tilespmem:$0x1C600] =	vst v63  }
0x14e: {  	s9 =	sadd.s32 @!p0 s6, s2;
	s28 =	simm.s32 @!p0 $0x1C280  }
0x14f: {  	[tilespmem:s28], [sflag:$0xA] =	stream.linear.gather @!p0 [hbm4b:s9+s20], $0x80, $0x38;
	[tilespmem:$0x1C600] =	vst v63  }
0x150: {  	s31 =	simm.s32 $0x0;
	s2 =	sadd.s32 @!p0 s7, s2;
	s9 =	simm.s32 @!p0 $0x1C480  }
0x151: {  	v1 =	vmov s31;
	[tilespmem:s9], [sflag:$0xA] =	stream.linear.gather @!p0 [hbm4b:s2+s20], $0x80, $0x38;
	[tilespmem:$0x1C600] =	vst v63  }
0x152: {  	s20 =	simm.s32 $0x1A040  }
0x153: {  	v5 =	vld [tilespmem:s20+$0x30]  }
0x154: {  	v8 =	vld [tilespmem:s20+$0x10]  }
0x155: {  	v6 =	vld [tilespmem:s20+$0xFFFFFFC0]  }
0x156: {  	v2 =	vld.idx.msk [tilespmem:v1+s24+$0x0], $0xffff  }
0x157: {  	v10 =	vld [tilespmem:s20+$0xFFFFFFE0]  }
0x158: {  	v1 =	vld [tilespmem:s20+$0xFFFFFFF0]  }
0x159: {  	v3 =	vld [tilespmem:s20+$0x20]  }
0x15a: {  	v4 =	vld [tilespmem:s20+$0xFFFFFFD0]  }
0x15b: {  	v9 =	vmul.f32 v5, v2;
	v5 =	vld [tilespmem:s20+$0x0]  }
0x15c: {  	v7 =	vmul.f32 v6, v2  }
0x15d: {  	s2 =	simm.s32 $0x1;
	s9 =	simm.s32 $0x1A040;
	v6 =	vmul.f32 v10, v2;
	v8 =	vmul.f32 v8, v2  }
.LBB2_11:
0x15e: {  	p1 =	sne.s32 s2, $0x3F  }
0x15f: {  	v4 =	vmul.f32 v4, v2;
	v3 =	vmul.f32 v3, v2;
	[tilespmem:s20+$0x30] =	vst v9;
	s9 =	sadd.s32 $0x80, s9;
	s28 =	smov.u32 s2;
	s2 =	sadd.s32 $0x1, s2  }
0x160: {  	[tilespmem:s20+$0xFFFFFFC0] =	vst v7;
	v7 =	vmul.f32 v1, v2;
	v2 =	vmul.f32 v5, v2  }
0x161: {  	[tilespmem:s20+$0x10] =	vst v8  }
0x162: {  	v5 =	vmov s28;
	[tilespmem:s20+$0xFFFFFFE0] =	vst v6  }
0x163: {  	v1 =	vld [tilespmem:s9+$0xFFFFFFF0];
	[tilespmem:s20+$0xFFFFFFF0] =	vst v7  }
0x164: {  	v6 =	vld [tilespmem:s9+$0x30];
	[tilespmem:s20+$0x0] =	vst v2  }
0x165: {  	v8 =	vld [tilespmem:s9+$0x10];
	[tilespmem:s20+$0x20] =	vst v3  }
0x166: {  	v7 =	vld [tilespmem:s9+$0xFFFFFFC0];
	[tilespmem:s20+$0xFFFFFFD0] =	vst v4;
	s20 =	smov.u32 s9  }
0x167: {  	v2 =	vld.idx.msk [tilespmem:v5+s24+$0x0], $0xffff  }
0x168: {  	v10 =	vld [tilespmem:s9+$0xFFFFFFE0]  }
0x169: {  	v3 =	vld [tilespmem:s9+$0x20]  }
.Ltmp6:
0x16a: {  	v4 =	vld [tilespmem:s9+$0xFFFFFFD0];
	(pc) =	sbr.rel @p1 .LBB2_11-.Ltmp6, $3  }
0x16b: {  	v5 =	vld [tilespmem:s9+$0x0];
	_ =	sdelay $0x1  }
0x16c: {  	v7 =	vmul.f32 v7, v2;
	v9 =	vmul.f32 v6, v2  }
0x16d: {  	v8 =	vmul.f32 v8, v2;
	v6 =	vmul.f32 v10, v2  }
0x16e: {  	[tilespmem:s20+$0x30] =	vst v9  }
0x16f: {  	[tilespmem:s20+$0xFFFFFFC0] =	vst v7  }
0x170: {  	v1 =	vmul.f32 v1, v2;
	[tilespmem:s20+$0x10] =	vst v8  }
.Ltmp7:
0x171: {  	v3 =	vmul.f32 v3, v2;
	[tilespmem:s20+$0xFFFFFFE0] =	vst v6;
	(pc) =	sbr.rel @p0 .LBB2_14-.Ltmp7, $4  }
0x172: {  	v5 =	vmul.f32 v5, v2;
	[tilespmem:s20+$0xFFFFFFF0] =	vst v1  }
0x173: {  	v1 =	vmul.f32 v4, v2;
	[tilespmem:s20+$0x20] =	vst v3  }
0x174: {  	[tilespmem:s20+$0x0] =	vst v5  }
0x175: {  	[tilespmem:s20+$0xFFFFFFD0] =	vst v1  }
0x176: {  	_ =	swait.ge [sflag:s14], $0x80  }
0x177: {  	[sflag:s14] =	ssyncset.done $0x0  }
0x178: {  	[sflag:s14] =	ssyncadd.s32 $0xFFFFFF80  }
0x179: {  	_ =	swait.ge [sflag:s14], $0x80  }
0x17a: {  	[sflag:s14] =	ssyncset.done $0x0  }
0x17b: {  	[sflag:s14] =	ssyncadd.s32 $0xFFFFFF80  }
0x17c: {  	_ =	swait.ge [sflag:s14], $0x80  }
.Ltmp8:
0x17d: {  	[sflag:s14] =	ssyncset.done $0x0;
	(pc) =	sbr.rel .LBB2_4-.Ltmp8, $4  }
0x17e: {  	s2 =	simm.s32 $0x1C080;
	[sflag:s14] =	ssyncadd.s32 $0xFFFFFF80  }
0x17f: {  	[tilespmem:s15], [sflag:$0x2] =	stream.indirect.gather [hbm4b:s0+s13], $0x80, s2, s13, $0xb8;
	[tilespmem:$0x1C600] =	vst v63  }
0x180: {  	s18 =	sadd.s32 $0x1, s18  }
0x181: {  	[spmem:s3] =	stream.indirect.scatter.add.f32 [tilespmem:s26], [sflag:$0x8], $0x80, s23, s13, $0xb8;
	[tilespmem:$0x1C600] =	vst v63  }
.LBB2_15:
0x182: {  	_ =	sfence.sel $0x180000  }
0x183: {  	[bflag:$0x0] =	sbarrier.arrive $0xFFFF  }
0x184: {  	_ =	strace $0x9000004D  }
0x185: {  	s0 =	stileid.u32;
	[bflag:$0x2] =	sbarrier.arrive $0xFFFF  }
0x186: {  	p0 =	sne.s32 s0, $0x0;
	s0 =	rddreg [dreg:$0x3]  }
0x187: {  	s0 =	sadd.s32 @!p0 $0x100000, s0  }
0x188: {  	[sflag:s0] =	ssyncadd.tile.s32 @!p0 $0x1;
	_ =	shalt  }
.Lfunc_end2:
_tile_overlayer_lowered:
.L_overlay_start_2:
0x189: {  	(tag) =	ssettag $0x2  }
0x18a: {  	s0 =	rddreg [dreg:$0x0];
	s2 =	stileid.u32  }
0x18b: {  	s1 =	rddreg [dreg:$0x1];
	p0 =	sne.s32 s2, $0x0  }
0x18c: {  	s3 =	rddreg [dreg:$0x2];
	[bflag:$0x3] =	sbarrier.arrive $0xFFFF;
	s2 =	simm.s32 @!p0 $0x1C0D  }
0x18d: {  	[timem:s3], [sflag:s2] =	dma.local @!p0 [hbm:s0], s1  }
0x18e: {  	s0 =	simm.s32 @!p0 $0xD  }
0x18f: {  	_ =	swait.ge @!p0 [sflag:s0], s1  }
0x190: {  	s1 =	ssub.s32 @!p0 $0x0, s1;
	[sflag:s0] =	ssyncset.done @!p0 $0x0  }
0x191: {  	[sflag:s0] =	ssyncadd.s32 @!p0 s1  }
0x192: {  	[bflag:$0x3] =	sbarrier.arrive $0xFFFF  }
0x193: {  	_ =	shalt  }

// kernel: kernel.8.cloned.1.call-start
scs
__scs_entry_jumppad:
0x0: {  	(pc) =	sbr.rel $0x88, $3  }
0x1: {  	(tag) =	ssettag $0x0;
	lr =	simm.s32 $0x1  }
0x2: {  	[smem:$0x3F9E] =	sst lr;
	_ =	strace $0xD0000000  }
0x3: {  	_ = 	snop  }
0x4: {  	_ = 	snop  }
0x5: {  	_ = 	snop  }
0x6: {  	_ = 	snop  }
0x7: {  	_ = 	snop  }
__scs_overlays_trampoline_lowered:
0x8: {  	[smem:$0x3FAD] =	sst s0  }
0x9: {  	[smem:$0x3FAE] =	sst s1  }
0xa: {  	[smem:$0x3FAF] =	sst s2  }
0xb: {  	[smem:$0x3FB0] =	sst s3  }
0xc: {  	[smem:$0x3FB1] =	sst s4  }
0xd: {  	[smem:$0x3FB2] =	sst s5  }
0xe: {  	[smem:$0x3FB3] =	sst s6  }
0xf: {  	[smem:$0x3FB4] =	sst s7  }
0x10: {  	[smem:$0x3FB5] =	sst s8  }
0x11: {  	[smem:$0x3FB6] =	sst s9;
	s0 =	simm.s32 @!p0 $0x0  }
0x12: {  	s1 =	sld [smem:$0x3F9C];
	s0 =	simm.s32 @p0 $0x1  }
0x13: {  	[smem:$0x3FB7] =	sst s0;
	s0 =	simm.s32 @!p1 $0x0  }
0x14: {  	s2 =	sld [smem:$0x3F9B];
	s0 =	simm.s32 @p1 $0x1  }
0x15: {  	[smem:$0x3FB8] =	sst s0;
	s0 =	simm.s32 @!p2 $0x0  }
0x16: {  	s3 =	sld [smem:$0x3FDB];
	s0 =	simm.s32 @p2 $0x1  }
0x17: {  	s4 =	simm.s32 $0x1BF5;
	[smem:$0x3FBA] =	sst s0  }
0x18: {  	s0 =	sld [smem:$0x3F9D];
	_ =	swait.ge [sflag:s4], $0x0  }
0x19: {  	s7 =	sld [smem:$0x3F9E]  }
0x1a: {  	s8 =	sadd.s32 $0xFFFFE003, lr  }
0x1b: {  	s9 =	sadd.s32 $0xFFFFFEF7, lr;
	s5 =	simm.s32 $0xFFFFFFFF;
	p2 =	slt.u32 s8, $0xFFFFF086  }
0x1c: {  	p1 =	slt.u32 s9, $0xF7A;
	s5 =	simm.s32 @!p2 $0x0  }
0x1d: {  	s5 =	simm.s32 @p1 $0x1;
	p0 =	seq.s32 s7, s2  }
0x1e: {  	s7 =	smul.u32 @!p0 $0xF7A, s2;
	p2 =	seq.s32 @!p0 s5, $0x0  }
0x1f: {  	s9 =	smul.u32 $0xF7A, s1;
	s8 =	simm.s32 @!p0 $0x1BF5;
	p2 =	por !p2, p0  }
0x20: {  	[sflag:s8] =	ssyncset.s32 @!p0 $0xFFFFF086;
	s6 =	sadd.s32 @!p0 s3, s7;
	s7 =	simm.s32 @!p0 $0x108  }
0x21: {  	s3 =	sadd.s32 s3, s9;
	s6 =	sadd.s32 @!p0 $0x88, s6;
	s7 =	simm.s32 @p2 $0x1082  }
0x22: {  	[simem:s7], [sflag:s8] =	dma.local @!p0 [hbm:s6], $0xF7A  }
0x23: {  	s9 =	sor.u32 $0xD0000000, s2;
	s6 =	simm.s32 $0x108;
	_ =	swait.ge @!p0 [sflag:s8], $0x0  }
0x24: {  	s3 =	sadd.s32 $0x88, s3;
	s6 =	simm.s32 @!p1 $0x1082;
	[sflag:s4] =	ssyncset.s32 $0xFFFFF086  }
0x25: {  	[simem:s6], [sflag:s4] =	dma.local [hbm:s3], $0xF7A  }
0x26: {  	[smem:$0x3F9E] =	sst s1;
	(tag) =	ssettag s2;
	_ =	strace s9  }
0x27: {  	s1 =	sld [smem:$0x3FAE]  }
0x28: {  	s2 =	sld [smem:$0x3FAF]  }
0x29: {  	s4 =	sld [smem:$0x3FB1]  }
0x2a: {  	p0 =	seq.s32 s5, $0x0;
	s5 =	sld [smem:$0x3FB2]  }
0x2b: {  	s6 =	sld [smem:$0x3FB3]  }
0x2c: {  	s7 =	sld [smem:$0x3FB4]  }
0x2d: {  	s3 =	simm.s32 $0x108;
	s8 =	sld [smem:$0x3FB5]  }
0x2e: {  	s3 =	simm.s32 @!p0 $0x1082;
	s9 =	sld [smem:$0x3FB6]  }
0x2f: {  	lr =	sadd.s32 s0, s3;
	s0 =	sld [smem:$0x3FAD]  }
0x30: {  	s3 =	sld [smem:$0x3FB0]  }
0x31: {  	[smem:$0x3FB9] =	sst s10  }
0x32: {  	s10 =	sld [smem:$0x3FB7];
	_ =	sdelay $0x3  }
0x33: {  	p0 =	seq.s32 s10, $0x1;
	s10 =	sld [smem:$0x3FB9];
	_ =	sdelay $0x3  }
0x34: {  	[smem:$0x3FB9] =	sst s10  }
0x35: {  	s10 =	sld [smem:$0x3FB8];
	_ =	sdelay $0x3  }
0x36: {  	p1 =	seq.s32 s10, $0x1;
	s10 =	sld [smem:$0x3FB9];
	_ =	sdelay $0x3  }
0x37: {  	[smem:$0x3FB9] =	sst s10  }
0x38: {  	s10 =	sld [smem:$0x3FBA]  }
0x39: {  	_ = 	snop;
	(pc) =	sbr.ind lr, $3  }
0x3a: {  	_ = 	snop  }
0x3b: {  	_ = 	snop  }
0x3c: {  	p2 =	seq.s32 s10, $0x1;
	s10 =	sld [smem:$0x3FB9]  }
0x3d: {  	_ =	shalt  }
0x3e: {  	_ =	shalt  }
0x3f: {  	_ =	shalt  }
0x40: {  	_ =	shalt  }
0x41: {  	_ =	shalt  }
0x42: {  	_ =	shalt  }
0x43: {  	_ =	shalt  }
0x44: {  	_ =	shalt  }
0x45: {  	_ =	shalt  }
0x46: {  	_ =	shalt  }
0x47: {  	_ =	shalt  }
0x48: {  	_ =	shalt  }
0x49: {  	_ =	shalt  }
0x4a: {  	_ =	shalt  }
0x4b: {  	_ =	shalt  }
0x4c: {  	_ =	shalt  }
0x4d: {  	_ =	shalt  }
0x4e: {  	_ =	shalt  }
0x4f: {  	_ =	shalt  }
0x50: {  	_ =	shalt  }
0x51: {  	_ =	shalt  }
0x52: {  	_ =	shalt  }
0x53: {  	_ =	shalt  }
0x54: {  	_ =	shalt  }
0x55: {  	_ =	shalt  }
0x56: {  	_ =	shalt  }
0x57: {  	_ =	shalt  }
0x58: {  	_ =	shalt  }
0x59: {  	_ =	shalt  }
0x5a: {  	_ =	shalt  }
0x5b: {  	_ =	shalt  }
0x5c: {  	_ =	shalt  }
0x5d: {  	_ =	shalt  }
0x5e: {  	_ =	shalt  }
0x5f: {  	_ =	shalt  }
0x60: {  	_ =	shalt  }
0x61: {  	_ =	shalt  }
0x62: {  	_ =	shalt  }
0x63: {  	_ =	shalt  }
0x64: {  	_ =	shalt  }
0x65: {  	_ =	shalt  }
0x66: {  	_ =	shalt  }
0x67: {  	_ =	shalt  }
0x68: {  	_ =	shalt  }
0x69: {  	_ =	shalt  }
0x6a: {  	_ =	shalt  }
0x6b: {  	_ =	shalt  }
0x6c: {  	_ =	shalt  }
0x6d: {  	_ =	shalt  }
0x6e: {  	_ =	shalt  }
0x6f: {  	_ =	shalt  }
0x70: {  	_ =	shalt  }
0x71: {  	_ =	shalt  }
0x72: {  	_ =	shalt  }
0x73: {  	_ =	shalt  }
0x74: {  	_ =	shalt  }
0x75: {  	_ =	shalt  }
0x76: {  	_ =	shalt  }
0x77: {  	_ =	shalt  }
0x78: {  	_ =	shalt  }
0x79: {  	_ =	shalt  }
0x7a: {  	_ =	shalt  }
0x7b: {  	_ =	shalt  }
0x7c: {  	_ =	shalt  }
0x7d: {  	_ =	shalt  }
0x7e: {  	_ =	shalt  }
0x7f: {  	_ =	shalt  }
0x80: {  	_ =	shalt  }
0x81: {  	_ =	shalt  }
0x82: {  	_ =	shalt  }
0x83: {  	_ =	shalt  }
0x84: {  	_ =	shalt  }
0x85: {  	_ =	shalt  }
0x86: {  	_ =	shalt  }
0x87: {  	_ =	shalt  }
.Lfunc_end0:
.L_simem_size_0:
called_computation_lowered:
.L_overlay_start_0:
0x88: {  	s2 =	sld [smem:$0x3FD9]  }
0x89: {  	s3 =	sld [smem:$0x3FFE];
	_ =	sdelay $0x1  }
0x8a: {  	s1 =	srdreg.scid  }
0x8b: {  	s0 =	sand.u32 $0x1, s1  }
0x8c: {  	s17 =	sshll.u32 s0, $0xA;
	s2 =	sadd.s32 s3, s2  }
0x8d: {  	s2 =	sadd.s32 s2, s17  }
0x8e: {  	[smem:$0x3FC5] =	sst s2  }
0x8f: {  	_ = 	snop  }
0x90: {  	s2 =	sld [smem:$0x3FC9];
	(tm) =	ssettm $0x1  }
0x91: {  	s18 =	sld [smem:$0x3FFB];
	_ =	sdelay $0x3  }
0x92: {  	_ =	strace s18  }
0x93: {  	s3 =	sld [smem:$0x3FFC];
	_ =	sdelay $0x3  }
0x94: {  	_ =	strace s3  }
0x95: {  	s3 =	sld [smem:$0x3FFD];
	_ =	sdelay $0x3  }
0x96: {  	_ =	strace s3  }
0x97: {  	_ =	strace $0x8FFFFFFF  }
0x98: {  	s19 =	sld [smem:$0x3FDB];
	_ =	sdelay $0x1  }
0x99: {  	s4 =	simm.s32 $_scs_section_size  }
0x9a: {  	s5 =	simm.s32 $_size__tile_overlayer_lowered;
	s6 =	simm.s32 $_tile_overlayer_lowered  }
0x9b: {  	s22 =	simm.s32 $0x1BFF;
	s21 =	sshll.u32 s6, $0x1;
	s3 =	sadd.s32 s4, s19  }
0x9c: {  	s7 =	simm.s32 $0x0;
	s20 =	sshll.u32 s5, $0x1;
	s5 =	sadd.s32 s21, s3  }
0x9d: {  	[timem:s7], [sflag:s22] =	dma.local [hbm:s5], s20  }
0x9e: {  	_ =	swait.ge [sflag:s22], s20  }
0x9f: {  	s4 =	ssub.s32 $0x0, s20;
	[sflag:s22] =	ssyncset.done $0x0  }
0xa0: {  	[sflag:s22] =	ssyncadd.s32 s4;
	_ =	sdelay $0x1  }
0xa1: {  	s23 =	simm.s32 $0x1B8B  }
0xa2: {  	_ =	swait.ge [sflag:s23], $0x1  }
0xa3: {  	[sflag:s23] =	ssyncset.done $0x0  }
0xa4: {  	s25 =	simm.s32 $0x1B8E;
	s24 =	sld [smem:$0x3FFE];
	[sflag:s23] =	ssyncadd.s32 $0xFFFFFFFF  }
0xa5: {  	s26 =	simm.s32 $execute0_lowered;
	[smem:$0x3FD2] =	sst s25  }
0xa6: {  	s5 =	sshll.u32 s26, $0x1;
	_ =	strace $0x80000046;
	[dreg:$0x1] =	wrdreg $0xFFFFFFFF  }
0xa7: {  	s28 =	simm.s32 $_size_execute0_lowered;
	s3 =	sadd.s32 s3, s5;
	[dreg:$0x0] =	wrdreg $0x0  }
0xa8: {  	s5 =	sshll.u32 s28, $0x1;
	[dreg:$0x2] =	wrdreg s3  }
0xa9: {  	[dreg:$0x3] =	wrdreg s5  }
0xaa: {  	[dreg:$0x4] =	wrdreg $0xC0  }
0xab: {  	_ =	task [dreg:s7], $0x5FFFF  }
0xac: {  	[dreg:$0x1] =	wrdreg $0xFFFFFFFF  }
0xad: {  	[dreg:$0x0] =	wrdreg $0x60  }
0xae: {  	[dreg:$0x2] =	wrdreg s2  }
0xaf: {  	[dreg:$0x3] =	wrdreg s24  }
0xb0: {  	[dreg:$0x4] =	wrdreg $0x0  }
0xb1: {  	[dreg:$0x5] =	wrdreg $0x9  }
0xb2: {  	_ =	task.clear_ibuf [dreg:s7], $0x6FFFF;
	_ =	strace $0x90000046  }
0xb3: {  	s29 =	simm.s32 $0x9;
	_ =	strace $0x80000048  }
0xb4: {  	_ =	swait.ge [sflag:s29], $0x1  }
0xb5: {  	[sflag:s29] =	ssyncadd.s32 $0xFFFFFFFF  }
0xb6: {  	_ =	strace $0x90000048  }
0xb7: {  	_ =	sfence  }
0xb8: {  	s30 =	sld [smem:$0x0];
	_ =	sdelay $0x2  }
0xb9: {  	s31 =	sshll.u32 s1, $0xD;
	s1 =	sshrl.u32 s1, $0x2  }
0xba: {  	s3 =	sand.u32 $0x4000, s31;
	s1 =	sadd.s32 s1, s30  }
0xbb: {  	s0 =	sor.u32 s3, s0;
	s1 =	sshll.u32 s1, $0x11  }
0xbc: {  	s0 =	sor.u32 s1, s0  }
0xbd: {  	s0 =	sadd.s32 $0x8F2B, s0  }
0xbe: {  	[sflag:s0] =	ssyncadd.remote.s32 $0x1  }
0xbf: {  	_ =	sfence.sel $0xFFFF  }
0xc0: {  	[dreg:$0x0] =	wrdreg $0xFFFFFFFF;
	(pc) =	sbr.abs _section_cstart, $3  }
0xc1: {  	[dreg:$0x1] =	wrdreg $0xFFFFFFFF  }
0xc2: {  	_ =	task.clear_ibuf [dreg:s7], $0x2FFFF;
	_ =	strace $0x9FFFFFFF  }
0xc3: {  	(tm) =	ssettm $0x7FFFFFFF  }
tec
execute0_lowered:
.L_overlay_start_1:
0x0: {  	(tag) =	ssettag $0x1  }
0x1: {  	s0 =	rddreg [dreg:$0x0]  }
0x2: {  	s1 =	rddreg [dreg:$0x1];
	s2 =	srdreg.scid  }
0x3: {  	s3 =	rddreg [dreg:$0x2];
	s10 =	stileid.u32  }
0x4: {  	s18 =	simm.s32 $0x0;
	s2 =	sand.u32 $0x1, s2;
	s6 =	smul.u32 $0x14000, s10  }
0x5: {  	[smem:$0x7FF] =	sst s18;
	s4 =	smul.u32 $0x140000, s2  }
0x6: {  	s5 =	sadd.s32 $0x15C00, s1;
	s8 =	smul.u32 $0x50000, s10;
	s12 =	ssub.s32 $0x2, s2  }
0x7: {  	s7 =	sadd.s32 $0x1C00, s1;
	s9 =	sshrl.u32 s12, $0x1;
	s4 =	sadd.s32 s6, s4  }
0x8: {  	s8 =	sshrl.u32 s8, $0x2;
	s6 =	sadd.s32 $0x29C00, s1;
	s4 =	sshrl.u32 s4, $0x3  }
0x9: {  	s1 =	sadd.s32 s4, s1;
	s4 =	ssub.s32 s12, s9;
	s9 =	sadd.s32 s8, s3  }
0xa: {  	_ =	strace $0x80000047;
	s8 =	sadd.s32 $0x2000, s9;
	[dreg:$0x5] =	wrdreg s9  }
0xb: {  	s13 =	sadd.s32 $0x4000, s9;
	[dreg:$0x6] =	wrdreg s8  }
0xc: {  	s14 =	sadd.s32 $0x6000, s9;
	[dreg:$0x7] =	wrdreg s13  }
0xd: {  	s2 =	sshll.u32 s2, $0x4;
	s15 =	sadd.s32 $0x8000, s9;
	[dreg:$0x8] =	wrdreg s14  }
0xe: {  	s2 =	sor.u32 s10, s2;
	s16 =	sadd.s32 $0xA000, s9;
	[dreg:$0x9] =	wrdreg s15  }
0xf: {  	s11 =	smul.u32 $0x5000, s2;
	s17 =	sadd.s32 $0xC000, s9;
	[dreg:$0xa] =	wrdreg s16  }
0x10: {  	s19 =	sadd.s32 $0xE000, s9;
	[dreg:$0xb] =	wrdreg s17  }
0x11: {  	s20 =	sshrl.u32 s11, $0x3;
	s21 =	sadd.s32 $0x10000, s9;
	[dreg:$0xc] =	wrdreg s19  }
0x12: {  	s30 =	simm.s32 $0xB;
	s22 =	sadd.s32 s5, s20;
	[dreg:$0xd] =	wrdreg s21  }
0x13: {  	s10 =	simm.s32 $0x1C480;
	s24 =	sadd.s32 s6, s20;
	[dreg:$0xe] =	wrdreg s22  }
0x14: {  	s12 =	simm.s32 $0x5;
	s2 =	sadd.s32 s7, s20;
	[dreg:$0xf] =	wrdreg s24  }
0x15: {  	s23 =	sor.u32 $0x10, s20;
	s1 =	sadd.s32 $0x3DC00, s1;
	[dreg:$0x10] =	wrdreg s2  }
0x16: {  	s29 =	smax.u32 s4, $0x1;
	s31 =	sadd.s32 $0x12000, s9;
	[dreg:$0x14] =	wrdreg s1  }
0x17: {  	s20 =	simm.s32 $0xD;
	s25 =	sadd.s32 s5, s23;
	[dreg:$0x15] =	wrdreg s29  }
0x18: {  	s26 =	sadd.s32 s6, s23;
	s28 =	sadd.s32 s7, s23;
	[dreg:$0x16] =	wrdreg s31  }
0x19: {  	s1 =	simm.s32 $0x1C400;
	s13 =	simm.s32 $0x40;
	s14 =	simm.s32 $0xA  }
.Ltmp0:
0x1a: {  	s15 =	simm.s32 $0x16000;
	s16 =	simm.s32 $0x1;
	(pc) =	sbr.rel .LBB2_1-.Ltmp0, $4  }
0x1b: {  	s17 =	simm.s32 $0x1C100;
	s19 =	simm.s32 $0x1C500;
	s21 =	simm.s32 $0x2  }
0x1c: {  	s22 =	simm.s32 $0x1C180;
	s23 =	simm.s32 $0x1C380;
	[dreg:$0x11] =	wrdreg s25  }
0x1d: {  	s24 =	simm.s32 $0x1C580;
	s8 =	simm.s32 $0x3;
	[dreg:$0x12] =	wrdreg s26  }
0x1e: {  	v0 =	vimm.f32 $0.0e+00;
	[dreg:$0x13] =	wrdreg s28;
	s25 =	simm.s32 $0xC;
	s26 =	simm.s32 $0x1A000  }
.LBB2_14:
0x1f: {  	[spmem:s3] =	stream.indirect.scatter.add.f32 [tilespmem:s26], [sflag:$0x8], $0x80, s23, s13, $0xb8;
	[tilespmem:$0x1C600] =	vst v63  }
0x20: {  	s2 =	simm.s32 $0x7  }
0x21: {  	_ =	swait.ge [sflag:s2], $0x2000  }
0x22: {  	[sflag:s2] =	ssyncset.done $0x0  }
0x23: {  	s20 =	simm.s32 $0x8;
	[sflag:s2] =	ssyncadd.s32 $0xFFFFE000  }
0x24: {  	_ =	swait.ge [sflag:s20], $0x2000  }
0x25: {  	[sflag:s20] =	ssyncset.done $0x0  }
0x26: {  	s28 =	stileid.u32;
	[sflag:s20] =	ssyncadd.s32 $0xFFFFE000  }
0x27: {  	s2 =	sshll.u32 s28, $0x6;
	[bflag:$0x0] =	sbarrier.arrive $0xFFFF  }
0x28: {  	s2 =	sor.u32 $0x1C0D, s2;
	s9 =	rddreg [dreg:$0x5]  }
0x29: {  	s20 =	simm.s32 $0xD;
	s18 =	rddreg [dreg:$0x14];
	s4 =	sshrl.u32 s9, $0x3  }
0x2a: {  	[hbm:s18], [sflag:s2] =	dma.local [spmem:s4], $0x2800  }
0x2b: {  	_ =	swait.ge [sflag:s20], $0x2800  }
0x2c: {  	s29 =	rddreg [dreg:$0x4]  }
0x2d: {  	s31 =	rddreg [dreg:$0x15];
	s18 =	sadd.s32 $0x1, s29  }
0x2e: {  	p0 =	sne.s32 s18, s31  }
.Ltmp1:
0x2f: {  	_ = 	snop;
	(pc) =	sbr.rel @!p0 .LBB2_15-.Ltmp1, $3  }
0x30: {  	_ =	sdelay $0x1  }
0x31: {  	[sflag:s20] =	ssyncset.done $0x0  }
0x32: {  	[sflag:s20] =	ssyncadd.s32 $0xFFFFD800  }
.LBB2_1:
0x33: {  	[dreg:$0x4] =	wrdreg s18;
	s2 =	simm.s32 $0x0;
	s4 =	simm.s32 $0x200  }
.LBB2_2:
0x34: {  	p0 =	sne.s32 s4, $0x7E00;
	[tilespmem:s2+$0x14070] =	vst v0  }
0x35: {  	[tilespmem:s2+$0x14000] =	vst v0  }
0x36: {  	[tilespmem:s2+$0x14010] =	vst v0  }
.Ltmp2:
0x37: {  	[tilespmem:s2+$0x14020] =	vst v0;
	(pc) =	sbr.rel @p0 .LBB2_2-.Ltmp2, $4  }
0x38: {  	[tilespmem:s2+$0x14030] =	vst v0  }
0x39: {  	[tilespmem:s2+$0x14040] =	vst v0  }
0x3a: {  	[tilespmem:s2+$0x14050] =	vst v0  }
0x3b: {  	[tilespmem:s2+$0x14060] =	vst v0;
	s2 =	sshra.s32 s4, $0x2;
	s4 =	sadd.s32 $0x200, s4  }
0x3c: {  	[tilespmem:s2+$0x14070] =	vst v0  }
0x3d: {  	[tilespmem:s2+$0x14000] =	vst v0  }
0x3e: {  	[tilespmem:s2+$0x14010] =	vst v0  }
0x3f: {  	[tilespmem:s2+$0x14020] =	vst v0  }
0x40: {  	[tilespmem:s2+$0x14030] =	vst v0  }
0x41: {  	[tilespmem:s2+$0x14040] =	vst v0  }
0x42: {  	[tilespmem:s2+$0x14050] =	vst v0  }
0x43: {  	[tilespmem:s2+$0x14060] =	vst v0;
	s18 =	simm.s32 $0x14000  }
0x44: {  	[spmem:s9] =	stream.linear.scatter [tilespmem:s18], [sflag:$0xD], $0x2000, $0x38;
	[tilespmem:$0x1C600] =	vst v63  }
0x45: {  	_ =	swait.ge [sflag:s20], $0x2000  }
0x46: {  	[sflag:s20] =	ssyncset.done $0x0  }
0x47: {  	s29 =	rddreg [dreg:$0x6];
	[sflag:s20] =	ssyncadd.s32 $0xFFFFE000  }
0x48: {  	[spmem:s29] =	stream.linear.scatter [tilespmem:s18], [sflag:$0xD], $0x2000, $0x38;
	[tilespmem:$0x1C600] =	vst v63  }
0x49: {  	_ =	swait.ge [sflag:s20], $0x2000  }
0x4a: {  	[sflag:s20] =	ssyncset.done $0x0  }
0x4b: {  	s31 =	rddreg [dreg:$0x7];
	[sflag:s20] =	ssyncadd.s32 $0xFFFFE000  }
0x4c: {  	[spmem:s31] =	stream.linear.scatter [tilespmem:s18], [sflag:$0xD], $0x2000, $0x38;
	[tilespmem:$0x1C600] =	vst v63  }
0x4d: {  	_ =	swait.ge [sflag:s20], $0x2000  }
0x4e: {  	[sflag:s20] =	ssyncset.done $0x0  }
0x4f: {  	s4 =	rddreg [dreg:$0x8];
	[sflag:s20] =	ssyncadd.s32 $0xFFFFE000  }
0x50: {  	[spmem:s4] =	stream.linear.scatter [tilespmem:s18], [sflag:$0xD], $0x2000, $0x38;
	[tilespmem:$0x1C600] =	vst v63  }
0x51: {  	_ =	swait.ge [sflag:s20], $0x2000  }
0x52: {  	[sflag:s20] =	ssyncset.done $0x0  }
0x53: {  	s9 =	rddreg [dreg:$0x9];
	[sflag:s20] =	ssyncadd.s32 $0xFFFFE000  }
0x54: {  	[spmem:s9] =	stream.linear.scatter [tilespmem:s18], [sflag:$0xD], $0x2000, $0x38;
	[tilespmem:$0x1C600] =	vst v63  }
0x55: {  	_ =	swait.ge [sflag:s20], $0x2000  }
0x56: {  	[sflag:s20] =	ssyncset.done $0x0  }
0x57: {  	s28 =	rddreg [dreg:$0xa];
	[sflag:s20] =	ssyncadd.s32 $0xFFFFE000  }
0x58: {  	[spmem:s28] =	stream.linear.scatter [tilespmem:s18], [sflag:$0xD], $0x2000, $0x38;
	[tilespmem:$0x1C600] =	vst v63  }
0x59: {  	_ =	swait.ge [sflag:s20], $0x2000  }
0x5a: {  	[sflag:s20] =	ssyncset.done $0x0  }
0x5b: {  	s29 =	rddreg [dreg:$0xb];
	[sflag:s20] =	ssyncadd.s32 $0xFFFFE000  }
0x5c: {  	[spmem:s29] =	stream.linear.scatter [tilespmem:s18], [sflag:$0xD], $0x2000, $0x38;
	[tilespmem:$0x1C600] =	vst v63  }
0x5d: {  	_ =	swait.ge [sflag:s20], $0x2000  }
0x5e: {  	[sflag:s20] =	ssyncset.done $0x0  }
0x5f: {  	s31 =	rddreg [dreg:$0xc];
	[sflag:s20] =	ssyncadd.s32 $0xFFFFE000  }
0x60: {  	[spmem:s31] =	stream.linear.scatter [tilespmem:s18], [sflag:$0xD], $0x2000, $0x38;
	[tilespmem:$0x1C600] =	vst v63  }
0x61: {  	_ =	swait.ge [sflag:s20], $0x2000  }
0x62: {  	[sflag:s20] =	ssyncset.done $0x0  }
0x63: {  	s4 =	rddreg [dreg:$0xd];
	[sflag:s20] =	ssyncadd.s32 $0xFFFFE000  }
0x64: {  	[spmem:s4] =	stream.linear.scatter [tilespmem:s18], [sflag:$0xD], $0x2000, $0x38;
	[tilespmem:$0x1C600] =	vst v63  }
0x65: {  	_ =	swait.ge [sflag:s20], $0x2000  }
0x66: {  	[sflag:s20] =	ssyncset.done $0x0  }
0x67: {  	s9 =	rddreg [dreg:$0x16];
	[sflag:s20] =	ssyncadd.s32 $0xFFFFE000  }
0x68: {  	[spmem:s9] =	stream.linear.scatter [tilespmem:s18], [sflag:$0xD], $0x2000, $0x38;
	[tilespmem:$0x1C600] =	vst v63  }
0x69: {  	_ =	swait.ge [sflag:s20], $0x2000  }
0x6a: {  	[sflag:s20] =	ssyncset.done $0x0  }
0x6b: {  	[sflag:s20] =	ssyncadd.s32 $0xFFFFE000  }
0x6c: {  	[bflag:$0x0] =	sbarrier.arrive $0xFFFF  }
0x6d: {  	s4 =	simm.s32 $0x0;
	s9 =	simm.s32 $0x1C000;
	s28 =	rddreg [dreg:$0xe]  }
0x6e: {  	[tilespmem:s9], [sflag:$0x9] =	stream.linear.gather [hbm4b:s28+s4], $0x80, $0x38;
	[tilespmem:$0x1C600] =	vst v63  }
0x6f: {  	s31 =	simm.s32 $0x1C200;
	s29 =	rddreg [dreg:$0xf]  }
0x70: {  	[tilespmem:s31], [sflag:$0x9] =	stream.linear.gather [hbm4b:s29+s4], $0x80, $0x38;
	[tilespmem:$0x1C600] =	vst v63  }
0x71: {  	s28 =	rddreg [dreg:$0x10]  }
0x72: {  	[tilespmem:s1], [sflag:$0x9] =	stream.linear.gather [hbm4b:s28+s4], $0x80, $0x38;
	[tilespmem:$0x1C600] =	vst v63  }
0x73: {  	s20 =	simm.s32 $0x1C080;
	s29 =	rddreg [dreg:$0x11]  }
0x74: {  	[tilespmem:s20], [sflag:$0xA] =	stream.linear.gather [hbm4b:s29+s4], $0x80, $0x38;
	[tilespmem:$0x1C600] =	vst v63  }
0x75: {  	s31 =	rddreg [dreg:$0x12];
	s28 =	simm.s32 $0x1C280  }
0x76: {  	[tilespmem:s28], [sflag:$0xA] =	stream.linear.gather [hbm4b:s31+s4], $0x80, $0x38;
	[tilespmem:$0x1C600] =	vst v63  }
0x77: {  	s29 =	rddreg [dreg:$0x13];
	s31 =	simm.s32 $0x9  }
0x78: {  	[tilespmem:s10], [sflag:$0xA] =	stream.linear.gather [hbm4b:s29+s4], $0x80, $0x38;
	[tilespmem:$0x1C600] =	vst v63  }
0x79: {  	_ =	swait.ge [sflag:s31], $0x80  }
0x7a: {  	[sflag:s31] =	ssyncset.done $0x0  }
0x7b: {  	[sflag:s31] =	ssyncadd.s32 $0xFFFFFF80  }
0x7c: {  	_ =	swait.ge [sflag:s31], $0x80  }
0x7d: {  	[sflag:s31] =	ssyncset.done $0x0  }
0x7e: {  	[sflag:s31] =	ssyncadd.s32 $0xFFFFFF80  }
0x7f: {  	_ =	swait.ge [sflag:s31], $0x80  }
0x80: {  	[sflag:s31] =	ssyncset.done $0x0  }
0x81: {  	[sflag:s31] =	ssyncadd.s32 $0xFFFFFF80  }
0x82: {  	[tilespmem:s18], [sflag:$0x1] =	stream.indirect.gather [hbm4b:s0+s13], $0x80, s9, s13, $0xb8;
	[tilespmem:$0x1C600] =	vst v63  }
0x83: {  	_ =	swait.ge [sflag:s14], $0x80  }
0x84: {  	[sflag:s14] =	ssyncset.done $0x0  }
0x85: {  	[sflag:s14] =	ssyncadd.s32 $0xFFFFFF80  }
0x86: {  	_ =	swait.ge [sflag:s14], $0x80  }
0x87: {  	[sflag:s14] =	ssyncset.done $0x0  }
0x88: {  	[sflag:s14] =	ssyncadd.s32 $0xFFFFFF80  }
0x89: {  	_ =	swait.ge [sflag:s14], $0x80  }
0x8a: {  	[sflag:s14] =	ssyncset.done $0x0  }
0x8b: {  	s18 =	simm.s32 $0x0;
	[sflag:s14] =	ssyncadd.s32 $0xFFFFFF80  }
0x8c: {  	[tilespmem:s15], [sflag:$0x2] =	stream.indirect.gather [hbm4b:s0+s13], $0x80, s20, s13, $0xb8;
	[tilespmem:$0x1C600] =	vst v63  }
.LBB2_4:
0x8d: {  	s20 =	sshll.u32 s18, $0x9  }
0x8e: {  	_ =	swait.ge [sflag:s16], $0x2000;
	p0 =	seq.s32 s18, $0x0;
	s2 =	sand.u32 $0x7C00, s20  }
0x8f: {  	[sflag:s16] =	ssyncset.done $0x0;
	s9 =	sand.u32 $0x200, s20;
	s2 =	sadd.s32 s11, s2  }
0x90: {  	s31 =	simm.s32 @!p0 $0x7;
	[sflag:s16] =	ssyncadd.s32 $0xFFFFE000;
	s2 =	sor.u32 s9, s2  }
0x91: {  	_ =	swait.ge @!p0 [sflag:s31], $0x2000;
	s29 =	sshrl.u32 s2, $0x3  }
0x92: {  	[sflag:s31] =	ssyncset.done @!p0 $0x0;
	s2 =	sor.u32 $0x20, s29  }
0x93: {  	[sflag:s31] =	ssyncadd.s32 @!p0 $0xFFFFE000;
	s28 =	sadd.s32 s5, s2  }
0x94: {  	[tilespmem:s17], [sflag:$0xB] =	stream.linear.gather [hbm4b:s28+s4], $0x80, $0x38;
	[tilespmem:$0x1C600] =	vst v63  }
0x95: {  	s9 =	sadd.s32 s6, s2;
	s28 =	simm.s32 $0x1C300  }
0x96: {  	[tilespmem:s28], [sflag:$0xB] =	stream.linear.gather [hbm4b:s9+s4], $0x80, $0x38;
	[tilespmem:$0x1C600] =	vst v63  }
0x97: {  	v1 =	vmov s4;
	s31 =	simm.s32 $0x14040;
	s2 =	sadd.s32 s7, s2  }
0x98: {  	[tilespmem:s19], [sflag:$0xB] =	stream.linear.gather [hbm4b:s2+s4], $0x80, $0x38;
	[tilespmem:$0x1C600] =	vst v63  }
0x99: {  	v5 =	vld [tilespmem:s31+$0x30]  }
0x9a: {  	v8 =	vld [tilespmem:s31+$0x10]  }
0x9b: {  	v6 =	vld [tilespmem:s31+$0xFFFFFFC0]  }
0x9c: {  	v2 =	vld.idx.msk [tilespmem:v1+s1+$0x0], $0xffff  }
0x9d: {  	v10 =	vld [tilespmem:s31+$0xFFFFFFE0]  }
0x9e: {  	v1 =	vld [tilespmem:s31+$0xFFFFFFF0]  }
0x9f: {  	v3 =	vld [tilespmem:s31+$0x20]  }
0xa0: {  	v4 =	vld [tilespmem:s31+$0xFFFFFFD0]  }
0xa1: {  	v9 =	vmul.f32 v5, v2;
	v5 =	vld [tilespmem:s31+$0x0]  }
0xa2: {  	v7 =	vmul.f32 v6, v2  }
0xa3: {  	s9 =	simm.s32 $0x14040;
	s2 =	simm.s32 $0x1;
	v6 =	vmul.f32 v10, v2;
	v8 =	vmul.f32 v8, v2  }
.LBB2_5:
0xa4: {  	p1 =	sne.s32 s2, $0x3F  }
0xa5: {  	v4 =	vmul.f32 v4, v2;
	v3 =	vmul.f32 v3, v2;
	[tilespmem:s31+$0x30] =	vst v9;
	s9 =	sadd.s32 $0x80, s9;
	s28 =	smov.u32 s2;
	s2 =	sadd.s32 $0x1, s2  }
0xa6: {  	[tilespmem:s31+$0xFFFFFFC0] =	vst v7;
	v7 =	vmul.f32 v1, v2;
	v2 =	vmul.f32 v5, v2  }
0xa7: {  	[tilespmem:s31+$0x10] =	vst v8  }
0xa8: {  	v5 =	vmov s28;
	[tilespmem:s31+$0xFFFFFFE0] =	vst v6  }
0xa9: {  	v1 =	vld [tilespmem:s9+$0xFFFFFFF0];
	[tilespmem:s31+$0xFFFFFFF0] =	vst v7  }
0xaa: {  	v6 =	vld [tilespmem:s9+$0x30];
	[tilespmem:s31+$0x0] =	vst v2  }
0xab: {  	v8 =	vld [tilespmem:s9+$0x10];
	[tilespmem:s31+$0x20] =	vst v3  }
0xac: {  	v7 =	vld [tilespmem:s9+$0xFFFFFFC0];
	[tilespmem:s31+$0xFFFFFFD0] =	vst v4;
	s31 =	smov.u32 s9  }
0xad: {  	v2 =	vld.idx.msk [tilespmem:v5+s1+$0x0], $0xffff  }
0xae: {  	v10 =	vld [tilespmem:s9+$0xFFFFFFE0]  }
0xaf: {  	v3 =	vld [tilespmem:s9+$0x20]  }
.Ltmp3:
0xb0: {  	v4 =	vld [tilespmem:s9+$0xFFFFFFD0];
	(pc) =	sbr.rel @p1 .LBB2_5-.Ltmp3, $3  }
0xb1: {  	v5 =	vld [tilespmem:s9+$0x0];
	_ =	sdelay $0x1  }
0xb2: {  	v7 =	vmul.f32 v7, v2;
	v9 =	vmul.f32 v6, v2  }
0xb3: {  	v8 =	vmul.f32 v8, v2;
	v6 =	vmul.f32 v10, v2  }
0xb4: {  	[tilespmem:s31+$0x30] =	vst v9  }
0xb5: {  	[tilespmem:s31+$0xFFFFFFC0] =	vst v7  }
0xb6: {  	v1 =	vmul.f32 v1, v2;
	[tilespmem:s31+$0x10] =	vst v8  }
0xb7: {  	v3 =	vmul.f32 v3, v2;
	[tilespmem:s31+$0xFFFFFFE0] =	vst v6  }
0xb8: {  	v5 =	vmul.f32 v5, v2;
	[tilespmem:s31+$0xFFFFFFF0] =	vst v1  }
0xb9: {  	v1 =	vmul.f32 v4, v2;
	[tilespmem:s31+$0x20] =	vst v3  }
0xba: {  	[tilespmem:s31+$0x0] =	vst v5  }
0xbb: {  	[tilespmem:s31+$0xFFFFFFD0] =	vst v1  }
0xbc: {  	_ =	swait.ge [sflag:s30], $0x80  }
0xbd: {  	[sflag:s30] =	ssyncset.done $0x0  }
0xbe: {  	[sflag:s30] =	ssyncadd.s32 $0xFFFFFF80  }
0xbf: {  	_ =	swait.ge [sflag:s30], $0x80  }
0xc0: {  	[sflag:s30] =	ssyncset.done $0x0  }
0xc1: {  	[sflag:s30] =	ssyncadd.s32 $0xFFFFFF80  }
0xc2: {  	_ =	swait.ge [sflag:s30], $0x80  }
0xc3: {  	[sflag:s30] =	ssyncset.done $0x0  }
0xc4: {  	s2 =	simm.s32 $0x18000;
	[sflag:s30] =	ssyncadd.s32 $0xFFFFFF80  }
0xc5: {  	[tilespmem:s2], [sflag:$0x3] =	stream.indirect.gather [hbm4b:s0+s13], $0x80, s17, s13, $0xb8;
	[tilespmem:$0x1C600] =	vst v63  }
0xc6: {  	s28 =	simm.s32 $0x14000;
	s9 =	simm.s32 $0x1C200  }
0xc7: {  	[spmem:s3] =	stream.indirect.scatter.add.f32 [tilespmem:s28], [sflag:$0x5], $0x80, s9, s13, $0xb8;
	[tilespmem:$0x1C600] =	vst v63  }
0xc8: {  	_ =	swait.ge [sflag:s21], $0x2000  }
0xc9: {  	[sflag:s21] =	ssyncset.done $0x0  }
0xca: {  	s2 =	simm.s32 @!p0 $0x8;
	[sflag:s21] =	ssyncadd.s32 $0xFFFFE000  }
0xcb: {  	_ =	swait.ge @!p0 [sflag:s2], $0x2000  }
0xcc: {  	s9 =	sor.u32 $0x30, s29;
	[sflag:s2] =	ssyncset.done @!p0 $0x0  }
0xcd: {  	s28 =	simm.s32 $0x0;
	s31 =	sadd.s32 s5, s9;
	[sflag:s2] =	ssyncadd.s32 @!p0 $0xFFFFE000  }
0xce: {  	[tilespmem:s22], [sflag:$0xC] =	stream.linear.gather [hbm4b:s31+s28], $0x80, $0x38;
	[tilespmem:$0x1C600] =	vst v63  }
0xcf: {  	s31 =	sadd.s32 s6, s9  }
0xd0: {  	[tilespmem:s23], [sflag:$0xC] =	stream.linear.gather [hbm4b:s31+s28], $0x80, $0x38;
	[tilespmem:$0x1C600] =	vst v63  }
0xd1: {  	s29 =	simm.s32 $0x16040;
	v1 =	vmov s28;
	s31 =	sadd.s32 s7, s9  }
0xd2: {  	[tilespmem:s24], [sflag:$0xC] =	stream.linear.gather [hbm4b:s31+s28], $0x80, $0x38;
	[tilespmem:$0x1C600] =	vst v63  }
0xd3: {  	v5 =	vld [tilespmem:s29+$0x30]  }
0xd4: {  	v8 =	vld [tilespmem:s29+$0x10]  }
0xd5: {  	v6 =	vld [tilespmem:s29+$0xFFFFFFC0]  }
0xd6: {  	v2 =	vld.idx.msk [tilespmem:v1+s10+$0x0], $0xffff  }
0xd7: {  	v10 =	vld [tilespmem:s29+$0xFFFFFFE0]  }
0xd8: {  	v1 =	vld [tilespmem:s29+$0xFFFFFFF0]  }
0xd9: {  	v3 =	vld [tilespmem:s29+$0x20]  }
0xda: {  	v4 =	vld [tilespmem:s29+$0xFFFFFFD0]  }
0xdb: {  	v9 =	vmul.f32 v5, v2;
	v5 =	vld [tilespmem:s29+$0x0]  }
0xdc: {  	v7 =	vmul.f32 v6, v2  }
0xdd: {  	s2 =	simm.s32 $0x1;
	s9 =	simm.s32 $0x16040;
	v6 =	vmul.f32 v10, v2;
	v8 =	vmul.f32 v8, v2  }
.LBB2_7:
0xde: {  	p0 =	sne.s32 s2, $0x3F  }
0xdf: {  	v4 =	vmul.f32 v4, v2;
	v3 =	vmul.f32 v3, v2;
	[tilespmem:s29+$0x30] =	vst v9;
	s9 =	sadd.s32 $0x80, s9;
	s28 =	smov.u32 s2;
	s2 =	sadd.s32 $0x1, s2  }
0xe0: {  	[tilespmem:s29+$0xFFFFFFC0] =	vst v7;
	v7 =	vmul.f32 v1, v2;
	v2 =	vmul.f32 v5, v2  }
0xe1: {  	[tilespmem:s29+$0x10] =	vst v8  }
0xe2: {  	v5 =	vmov s28;
	[tilespmem:s29+$0xFFFFFFE0] =	vst v6  }
0xe3: {  	v1 =	vld [tilespmem:s9+$0xFFFFFFF0];
	[tilespmem:s29+$0xFFFFFFF0] =	vst v7  }
0xe4: {  	v6 =	vld [tilespmem:s9+$0x30];
	[tilespmem:s29+$0x0] =	vst v2  }
0xe5: {  	v8 =	vld [tilespmem:s9+$0x10];
	[tilespmem:s29+$0x20] =	vst v3  }
0xe6: {  	v7 =	vld [tilespmem:s9+$0xFFFFFFC0];
	[tilespmem:s29+$0xFFFFFFD0] =	vst v4;
	s29 =	smov.u32 s9  }
0xe7: {  	v2 =	vld.idx.msk [tilespmem:v5+s10+$0x0], $0xffff  }
0xe8: {  	v10 =	vld [tilespmem:s9+$0xFFFFFFE0]  }
0xe9: {  	v3 =	vld [tilespmem:s9+$0x20]  }
.Ltmp4:
0xea: {  	v4 =	vld [tilespmem:s9+$0xFFFFFFD0];
	(pc) =	sbr.rel @p0 .LBB2_7-.Ltmp4, $3  }
0xeb: {  	v5 =	vld [tilespmem:s9+$0x0];
	_ =	sdelay $0x1  }
0xec: {  	v7 =	vmul.f32 v7, v2;
	v9 =	vmul.f32 v6, v2  }
0xed: {  	v8 =	vmul.f32 v8, v2;
	v6 =	vmul.f32 v10, v2  }
0xee: {  	[tilespmem:s29+$0x30] =	vst v9  }
0xef: {  	[tilespmem:s29+$0xFFFFFFC0] =	vst v7  }
0xf0: {  	v1 =	vmul.f32 v1, v2;
	[tilespmem:s29+$0x10] =	vst v8  }
0xf1: {  	v3 =	vmul.f32 v3, v2;
	[tilespmem:s29+$0xFFFFFFE0] =	vst v6  }
0xf2: {  	v5 =	vmul.f32 v5, v2;
	[tilespmem:s29+$0xFFFFFFF0] =	vst v1  }
0xf3: {  	v1 =	vmul.f32 v4, v2;
	[tilespmem:s29+$0x20] =	vst v3  }
0xf4: {  	[tilespmem:s29+$0x0] =	vst v5  }
0xf5: {  	[tilespmem:s29+$0xFFFFFFD0] =	vst v1  }
0xf6: {  	_ =	swait.ge [sflag:s25], $0x80  }
0xf7: {  	[sflag:s25] =	ssyncset.done $0x0  }
0xf8: {  	[sflag:s25] =	ssyncadd.s32 $0xFFFFFF80  }
0xf9: {  	_ =	swait.ge [sflag:s25], $0x80  }
0xfa: {  	[sflag:s25] =	ssyncset.done $0x0  }
0xfb: {  	[sflag:s25] =	ssyncadd.s32 $0xFFFFFF80  }
0xfc: {  	_ =	swait.ge [sflag:s25], $0x80  }
0xfd: {  	[sflag:s25] =	ssyncset.done $0x0  }
0xfe: {  	[sflag:s25] =	ssyncadd.s32 $0xFFFFFF80  }
0xff: {  	[tilespmem:s26], [sflag:$0x4] =	stream.indirect.gather [hbm4b:s0+s13], $0x80, s22, s13, $0xb8;
	[tilespmem:$0x1C600] =	vst v63  }
0x100: {  	s2 =	simm.s32 $0x1C280;
	p0 =	seq.s32 s18, $0x27  }
0x101: {  	[spmem:s3] =	stream.indirect.scatter.add.f32 [tilespmem:s15], [sflag:$0x6], $0x80, s2, s13, $0xb8;
	[tilespmem:$0x1C600] =	vst v63  }
0x102: {  	s2 =	sadd.s32 @!p0 $0x200, s20;
	_ =	swait.ge [sflag:s8], $0x2000  }
0x103: {  	s9 =	sand.u32 @!p0 $0xFC00, s2;
	[sflag:s8] =	ssyncset.done $0x0  }
0x104: {  	s2 =	sand.u32 @!p0 $0x200, s2;
	s9 =	sadd.s32 @!p0 s11, s9;
	[sflag:s8] =	ssyncadd.s32 $0xFFFFE000  }
0x105: {  	s2 =	sor.u32 @!p0 s2, s9;
	_ =	swait.ge [sflag:s12], $0x2000  }
0x106: {  	s28 =	simm.s32 @!p0 $0x0;
	s2 =	sshrl.u32 @!p0 s2, $0x3;
	[sflag:s12] =	ssyncset.done $0x0  }
0x107: {  	s29 =	simm.s32 @!p0 $0x1C000;
	s9 =	sadd.s32 @!p0 s5, s2;
	[sflag:s12] =	ssyncadd.s32 $0xFFFFE000  }
0x108: {  	[tilespmem:s29], [sflag:$0x9] =	stream.linear.gather @!p0 [hbm4b:s9+s28], $0x80, $0x38;
	[tilespmem:$0x1C600] =	vst v63  }
0x109: {  	s9 =	sadd.s32 @!p0 s6, s2;
	s29 =	simm.s32 @!p0 $0x1C200  }
0x10a: {  	[tilespmem:s29], [sflag:$0x9] =	stream.linear.gather @!p0 [hbm4b:s9+s28], $0x80, $0x38;
	[tilespmem:$0x1C600] =	vst v63  }
0x10b: {  	s29 =	simm.s32 $0x0  }
0x10c: {  	s2 =	sadd.s32 @!p0 s7, s2;
	s9 =	simm.s32 @!p0 $0x1C400;
	v1 =	vmov s29;
	s29 =	simm.s32 $0x18040  }
0x10d: {  	[tilespmem:s9], [sflag:$0x9] =	stream.linear.gather @!p0 [hbm4b:s2+s28], $0x80, $0x38;
	[tilespmem:$0x1C600] =	vst v63  }
0x10e: {  	v5 =	vld [tilespmem:s29+$0x30]  }
0x10f: {  	v8 =	vld [tilespmem:s29+$0x10]  }
0x110: {  	v6 =	vld [tilespmem:s29+$0xFFFFFFC0]  }
0x111: {  	v2 =	vld.idx.msk [tilespmem:v1+s19+$0x0], $0xffff  }
0x112: {  	v10 =	vld [tilespmem:s29+$0xFFFFFFE0]  }
0x113: {  	v3 =	vld [tilespmem:s29+$0x20]  }
0x114: {  	v4 =	vld [tilespmem:s29+$0xFFFFFFD0]  }
0x115: {  	v1 =	vld [tilespmem:s29+$0xFFFFFFF0]  }
0x116: {  	v9 =	vmul.f32 v5, v2;
	v5 =	vld [tilespmem:s29+$0x0]  }
0x117: {  	v7 =	vmul.f32 v6, v2  }
0x118: {  	s2 =	simm.s32 $0x1;
	s9 =	simm.s32 $0x18040;
	v6 =	vmul.f32 v10, v2;
	v8 =	vmul.f32 v8, v2  }
.LBB2_9:
0x119: {  	p1 =	sne.s32 s2, $0x3F  }
0x11a: {  	v4 =	vmul.f32 v4, v2;
	v3 =	vmul.f32 v3, v2;
	[tilespmem:s29+$0x30] =	vst v9;
	s9 =	sadd.s32 $0x80, s9;
	s28 =	smov.u32 s2;
	s2 =	sadd.s32 $0x1, s2  }
0x11b: {  	[tilespmem:s29+$0xFFFFFFC0] =	vst v7;
	v7 =	vmul.f32 v1, v2;
	v2 =	vmul.f32 v5, v2  }
0x11c: {  	[tilespmem:s29+$0x10] =	vst v8  }
0x11d: {  	v5 =	vmov s28;
	[tilespmem:s29+$0xFFFFFFE0] =	vst v6  }
0x11e: {  	v1 =	vld [tilespmem:s9+$0xFFFFFFF0];
	[tilespmem:s29+$0xFFFFFFF0] =	vst v7  }
0x11f: {  	v6 =	vld [tilespmem:s9+$0x30];
	[tilespmem:s29+$0x0] =	vst v2  }
0x120: {  	v8 =	vld [tilespmem:s9+$0x10];
	[tilespmem:s29+$0x20] =	vst v3  }
0x121: {  	v7 =	vld [tilespmem:s9+$0xFFFFFFC0];
	[tilespmem:s29+$0xFFFFFFD0] =	vst v4;
	s29 =	smov.u32 s9  }
0x122: {  	v2 =	vld.idx.msk [tilespmem:v5+s19+$0x0], $0xffff  }
0x123: {  	v10 =	vld [tilespmem:s9+$0xFFFFFFE0]  }
0x124: {  	v3 =	vld [tilespmem:s9+$0x20]  }
.Ltmp5:
0x125: {  	v4 =	vld [tilespmem:s9+$0xFFFFFFD0];
	(pc) =	sbr.rel @p1 .LBB2_9-.Ltmp5, $3  }
0x126: {  	v5 =	vld [tilespmem:s9+$0x0];
	_ =	sdelay $0x1  }
0x127: {  	v7 =	vmul.f32 v7, v2;
	v9 =	vmul.f32 v6, v2  }
0x128: {  	v8 =	vmul.f32 v8, v2;
	v6 =	vmul.f32 v10, v2  }
0x129: {  	[tilespmem:s29+$0x30] =	vst v9  }
0x12a: {  	[tilespmem:s29+$0xFFFFFFC0] =	vst v7  }
0x12b: {  	v1 =	vmul.f32 v1, v2;
	[tilespmem:s29+$0x10] =	vst v8  }
0x12c: {  	v3 =	vmul.f32 v3, v2;
	[tilespmem:s29+$0xFFFFFFE0] =	vst v6  }
0x12d: {  	v5 =	vmul.f32 v5, v2;
	[tilespmem:s29+$0xFFFFFFF0] =	vst v1  }
0x12e: {  	v1 =	vmul.f32 v4, v2;
	[tilespmem:s29+$0x20] =	vst v3  }
0x12f: {  	[tilespmem:s29+$0x0] =	vst v5  }
0x130: {  	s2 =	simm.s32 @p0 $0x40;
	s9 =	simm.s32 @p0 $0x1C300;
	s28 =	simm.s32 @p0 $0x18000;
	[tilespmem:s29+$0xFFFFFFD0] =	vst v1  }
0x131: {  	[spmem:s3] =	stream.indirect.scatter.add.f32 @p0 [tilespmem:s28], [sflag:$0x7], $0x80, s9, s2, $0xb8;
	[tilespmem:$0x1C600] =	vst v63  }
0x132: {  	s2 =	simm.s32 @p0 $0x4  }
0x133: {  	_ =	swait.ge @p0 [sflag:s2], $0x2000  }
0x134: {  	[sflag:s2] =	ssyncset.done @p0 $0x0  }
0x135: {  	[sflag:s2] =	ssyncadd.s32 @p0 $0xFFFFE000;
	s2 =	simm.s32 @p0 $0x6  }
0x136: {  	_ =	swait.ge @p0 [sflag:s2], $0x2000  }
0x137: {  	[sflag:s2] =	ssyncset.done @p0 $0x0  }
0x138: {  	[sflag:s2] =	ssyncadd.s32 @p0 $0xFFFFE000;
	s2 =	simm.s32 @!p0 $0x9  }
0x139: {  	_ =	swait.ge @!p0 [sflag:s2], $0x80  }
0x13a: {  	[sflag:s2] =	ssyncset.done @!p0 $0x0  }
0x13b: {  	[sflag:s2] =	ssyncadd.s32 @!p0 $0xFFFFFF80  }
0x13c: {  	_ =	swait.ge @!p0 [sflag:s2], $0x80  }
0x13d: {  	[sflag:s2] =	ssyncset.done @!p0 $0x0  }
0x13e: {  	[sflag:s2] =	ssyncadd.s32 @!p0 $0xFFFFFF80  }
0x13f: {  	_ =	swait.ge @!p0 [sflag:s2], $0x80  }
0x140: {  	s9 =	simm.s32 @!p0 $0x1C000;
	[sflag:s2] =	ssyncset.done @!p0 $0x0  }
0x141: {  	s28 =	simm.s32 @!p0 $0x14000;
	[sflag:s2] =	ssyncadd.s32 @!p0 $0xFFFFFF80;
	s2 =	simm.s32 @!p0 $0x40  }
0x142: {  	[tilespmem:s28], [sflag:$0x1] =	stream.indirect.gather @!p0 [hbm4b:s0+s2], $0x80, s9, s2, $0xb8;
	[tilespmem:$0x1C600] =	vst v63  }
0x143: {  	s9 =	simm.s32 @!p0 $0x1C300;
	s28 =	simm.s32 @!p0 $0x18000  }
0x144: {  	[spmem:s3] =	stream.indirect.scatter.add.f32 @!p0 [tilespmem:s28], [sflag:$0x7], $0x80, s9, s2, $0xb8;
	[tilespmem:$0x1C600] =	vst v63  }
0x145: {  	s2 =	simm.s32 @!p0 $0x4  }
0x146: {  	_ =	swait.ge @!p0 [sflag:s2], $0x2000  }
0x147: {  	s9 =	sadd.s32 @!p0 $0x280, s20;
	[sflag:s2] =	ssyncset.done @!p0 $0x0  }
0x148: {  	s20 =	sand.u32 @!p0 $0xFC00, s9;
	[sflag:s2] =	ssyncadd.s32 @!p0 $0xFFFFE000;
	s2 =	simm.s32 @!p0 $0x6  }
0x149: {  	s9 =	sand.u32 @!p0 $0x280, s9;
	s20 =	sadd.s32 @!p0 s11, s20;
	_ =	swait.ge @!p0 [sflag:s2], $0x2000  }
0x14a: {  	s9 =	sor.u32 @!p0 s9, s20;
	[sflag:s2] =	ssyncset.done @!p0 $0x0  }
0x14b: {  	[sflag:s2] =	ssyncadd.s32 @!p0 $0xFFFFE000;
	s2 =	sshrl.u32 @!p0 s9, $0x3  }
0x14c: {  	s28 =	simm.s32 @!p0 $0x1C080;
	s20 =	simm.s32 @!p0 $0x0;
	s9 =	sadd.s32 @!p0 s5, s2  }
0x14d: {  	[tilespmem:s28], [sflag:$0xA] =	stream.linear.gather @!p0 [hbm4b:s9+s20], $0x80, $0x38;
	[tilespmem:$0x1C600] =	vst v63  }
0x14e: {  	s9 =	sadd.s32 @!p0 s6, s2;
	s28 =	simm.s32 @!p0 $0x1C280  }
0x14f: {  	[tilespmem:s28], [sflag:$0xA] =	stream.linear.gather @!p0 [hbm4b:s9+s20], $0x80, $0x38;
	[tilespmem:$0x1C600] =	vst v63  }
0x150: {  	s31 =	simm.s32 $0x0;
	s2 =	sadd.s32 @!p0 s7, s2;
	s9 =	simm.s32 @!p0 $0x1C480  }
0x151: {  	v1 =	vmov s31;
	[tilespmem:s9], [sflag:$0xA] =	stream.linear.gather @!p0 [hbm4b:s2+s20], $0x80, $0x38;
	[tilespmem:$0x1C600] =	vst v63  }
0x152: {  	s20 =	simm.s32 $0x1A040  }
0x153: {  	v5 =	vld [tilespmem:s20+$0x30]  }
0x154: {  	v8 =	vld [tilespmem:s20+$0x10]  }
0x155: {  	v6 =	vld [tilespmem:s20+$0xFFFFFFC0]  }
0x156: {  	v2 =	vld.idx.msk [tilespmem:v1+s24+$0x0], $0xffff  }
0x157: {  	v10 =	vld [tilespmem:s20+$0xFFFFFFE0]  }
0x158: {  	v1 =	vld [tilespmem:s20+$0xFFFFFFF0]  }
0x159: {  	v3 =	vld [tilespmem:s20+$0x20]  }
0x15a: {  	v4 =	vld [tilespmem:s20+$0xFFFFFFD0]  }
0x15b: {  	v9 =	vmul.f32 v5, v2;
	v5 =	vld [tilespmem:s20+$0x0]  }
0x15c: {  	v7 =	vmul.f32 v6, v2  }
0x15d: {  	s2 =	simm.s32 $0x1;
	s9 =	simm.s32 $0x1A040;
	v6 =	vmul.f32 v10, v2;
	v8 =	vmul.f32 v8, v2  }
.LBB2_11:
0x15e: {  	p1 =	sne.s32 s2, $0x3F  }
0x15f: {  	v4 =	vmul.f32 v4, v2;
	v3 =	vmul.f32 v3, v2;
	[tilespmem:s20+$0x30] =	vst v9;
	s9 =	sadd.s32 $0x80, s9;
	s28 =	smov.u32 s2;
	s2 =	sadd.s32 $0x1, s2  }
0x160: {  	[tilespmem:s20+$0xFFFFFFC0] =	vst v7;
	v7 =	vmul.f32 v1, v2;
	v2 =	vmul.f32 v5, v2  }
0x161: {  	[tilespmem:s20+$0x10] =	vst v8  }
0x162: {  	v5 =	vmov s28;
	[tilespmem:s20+$0xFFFFFFE0] =	vst v6  }
0x163: {  	v1 =	vld [tilespmem:s9+$0xFFFFFFF0];
	[tilespmem:s20+$0xFFFFFFF0] =	vst v7  }
0x164: {  	v6 =	vld [tilespmem:s9+$0x30];
	[tilespmem:s20+$0x0] =	vst v2  }
0x165: {  	v8 =	vld [tilespmem:s9+$0x10];
	[tilespmem:s20+$0x20] =	vst v3  }
0x166: {  	v7 =	vld [tilespmem:s9+$0xFFFFFFC0];
	[tilespmem:s20+$0xFFFFFFD0] =	vst v4;
	s20 =	smov.u32 s9  }
0x167: {  	v2 =	vld.idx.msk [tilespmem:v5+s24+$0x0], $0xffff  }
0x168: {  	v10 =	vld [tilespmem:s9+$0xFFFFFFE0]  }
0x169: {  	v3 =	vld [tilespmem:s9+$0x20]  }
.Ltmp6:
0x16a: {  	v4 =	vld [tilespmem:s9+$0xFFFFFFD0];
	(pc) =	sbr.rel @p1 .LBB2_11-.Ltmp6, $3  }
0x16b: {  	v5 =	vld [tilespmem:s9+$0x0];
	_ =	sdelay $0x1  }
0x16c: {  	v7 =	vmul.f32 v7, v2;
	v9 =	vmul.f32 v6, v2  }
0x16d: {  	v8 =	vmul.f32 v8, v2;
	v6 =	vmul.f32 v10, v2  }
0x16e: {  	[tilespmem:s20+$0x30] =	vst v9  }
0x16f: {  	[tilespmem:s20+$0xFFFFFFC0] =	vst v7  }
0x170: {  	v1 =	vmul.f32 v1, v2;
	[tilespmem:s20+$0x10] =	vst v8  }
.Ltmp7:
0x171: {  	v3 =	vmul.f32 v3, v2;
	[tilespmem:s20+$0xFFFFFFE0] =	vst v6;
	(pc) =	sbr.rel @p0 .LBB2_14-.Ltmp7, $4  }
0x172: {  	v5 =	vmul.f32 v5, v2;
	[tilespmem:s20+$0xFFFFFFF0] =	vst v1  }
0x173: {  	v1 =	vmul.f32 v4, v2;
	[tilespmem:s20+$0x20] =	vst v3  }
0x174: {  	[tilespmem:s20+$0x0] =	vst v5  }
0x175: {  	[tilespmem:s20+$0xFFFFFFD0] =	vst v1  }
0x176: {  	_ =	swait.ge [sflag:s14], $0x80  }
0x177: {  	[sflag:s14] =	ssyncset.done $0x0  }
0x178: {  	[sflag:s14] =	ssyncadd.s32 $0xFFFFFF80  }
0x179: {  	_ =	swait.ge [sflag:s14], $0x80  }
0x17a: {  	[sflag:s14] =	ssyncset.done $0x0  }
0x17b: {  	[sflag:s14] =	ssyncadd.s32 $0xFFFFFF80  }
0x17c: {  	_ =	swait.ge [sflag:s14], $0x80  }
.Ltmp8:
0x17d: {  	[sflag:s14] =	ssyncset.done $0x0;
	(pc) =	sbr.rel .LBB2_4-.Ltmp8, $4  }
0x17e: {  	s2 =	simm.s32 $0x1C080;
	[sflag:s14] =	ssyncadd.s32 $0xFFFFFF80  }
0x17f: {  	[tilespmem:s15], [sflag:$0x2] =	stream.indirect.gather [hbm4b:s0+s13], $0x80, s2, s13, $0xb8;
	[tilespmem:$0x1C600] =	vst v63  }
0x180: {  	s18 =	sadd.s32 $0x1, s18  }
0x181: {  	[spmem:s3] =	stream.indirect.scatter.add.f32 [tilespmem:s26], [sflag:$0x8], $0x80, s23, s13, $0xb8;
	[tilespmem:$0x1C600] =	vst v63  }
.LBB2_15:
0x182: {  	_ =	sfence.sel $0x180000  }
0x183: {  	[bflag:$0x0] =	sbarrier.arrive $0xFFFF  }
0x184: {  	_ =	strace $0x90000047  }
0x185: {  	s0 =	stileid.u32;
	[bflag:$0x2] =	sbarrier.arrive $0xFFFF  }
0x186: {  	p0 =	sne.s32 s0, $0x0;
	s0 =	rddreg [dreg:$0x3]  }
0x187: {  	s0 =	sadd.s32 @!p0 $0x100000, s0  }
0x188: {  	[sflag:s0] =	ssyncadd.tile.s32 @!p0 $0x1;
	_ =	shalt  }
.Lfunc_end2:
_tile_overlayer_lowered:
.L_overlay_start_2:
0x189: {  	(tag) =	ssettag $0x2  }
0x18a: {  	s0 =	rddreg [dreg:$0x0];
	s2 =	stileid.u32  }
0x18b: {  	s1 =	rddreg [dreg:$0x1];
	p0 =	sne.s32 s2, $0x0  }
0x18c: {  	s3 =	rddreg [dreg:$0x2];
	[bflag:$0x3] =	sbarrier.arrive $0xFFFF;
	s2 =	simm.s32 @!p0 $0x1C0D  }
0x18d: {  	[timem:s3], [sflag:s2] =	dma.local @!p0 [hbm:s0], s1  }
0x18e: {  	s0 =	simm.s32 @!p0 $0xD  }
0x18f: {  	_ =	swait.ge @!p0 [sflag:s0], s1  }
0x190: {  	s1 =	ssub.s32 @!p0 $0x0, s1;
	[sflag:s0] =	ssyncset.done @!p0 $0x0  }
0x191: {  	[sflag:s0] =	ssyncadd.s32 @!p0 s1  }
0x192: {  	[bflag:$0x3] =	sbarrier.arrive $0xFFFF  }
0x193: {  	_ =	shalt  }

</sc_bundles>
